<compile_context>
chip_gen: v7x
topology: tpu7x:2x2x1
jax: 0.10.2.dev20260603
libtpu: 0.0.44.dev20260713+nightly
codegen_flags: <defaults>
</compile_context>

<pallas_src>
import jax
import jax.numpy as jnp
from jax import lax
from jax.experimental import pallas as pl
from jax.experimental.pallas import tpu as pltpu
from jax.experimental.pallas import tpu_sc as plsc

N_NODES = 10000
N_NODES_PAD = 10240
N_EDGES = 5000
N_EDGES_PAD = 5120
N_MEM = 320000
N_MEM_PAD = 327680
NSUB = 16
FEAT = 64
NROW_T = N_NODES_PAD // NSUB
EROW_T = N_EDGES_PAD // NSUB
SUBROW = 320

CW = 16
CCH = 100
NCH = (N_MEM // NSUB) // CCH

SCCH = 128
SNCH = (N_MEM_PAD // NSUB) // SCCH
K = 4
NGRP = SNCH // K

R_BLK = 1024
NRB = N_NODES_PAD // R_BLK



def _counts_body(NI, EI, zn, ze, ones_h, outn, oute,
                 nbuf, ebuf, ones_v, accn, acce):
    c = lax.axis_index("c")
    s = lax.axis_index("s")
    pltpu.sync_copy(zn.at[pl.ds(s * NROW_T, NROW_T)],
                    accn.at[pl.ds(s * NROW_T, NROW_T)])
    pltpu.sync_copy(ze.at[pl.ds(s * EROW_T, EROW_T)],
                    acce.at[pl.ds(s * EROW_T, EROW_T)])
    pltpu.sync_copy(NI.at[c, pl.ds(s * NCH, NCH)], nbuf)
    pltpu.sync_copy(EI.at[c, pl.ds(s * NCH, NCH)], ebuf)
    pltpu.sync_copy(ones_h, ones_v)
    plsc.subcore_barrier()

    def body(j, carry):
        pltpu.sync_copy(ones_v, accn.at[nbuf.at[j]], add=True)
        pltpu.sync_copy(ones_v, acce.at[ebuf.at[j]], add=True)
        return carry

    lax.fori_loop(0, NCH, body, 0)
    plsc.subcore_barrier()
    pltpu.sync_copy(accn.at[pl.ds(s * NROW_T, NROW_T)],
                    outn.at[c, pl.ds(s * NROW_T, NROW_T)])
    pltpu.sync_copy(acce.at[pl.ds(s * EROW_T, EROW_T)],
                    oute.at[c, pl.ds(s * EROW_T, EROW_T)])


def _sc_counts(nidx0, eidx0, nidx1, eidx1):
    NI = jnp.stack([nidx0.reshape(-1, CCH), nidx1.reshape(-1, CCH)])
    EI = jnp.stack([eidx0.reshape(-1, CCH), eidx1.reshape(-1, CCH)])
    zn = jnp.zeros((N_NODES_PAD, CW), jnp.float32)
    ze = jnp.zeros((N_EDGES_PAD, CW), jnp.float32)
    ones_h = jnp.ones((CCH, CW), jnp.float32)
    mesh = plsc.VectorSubcoreMesh(core_axis_name="c", subcore_axis_name="s")
    fn = pl.kernel(
        _counts_body,
        mesh=mesh,
        compiler_params=pltpu.CompilerParams(use_tc_tiling_on_sc=False),
        out_type=[
            jax.ShapeDtypeStruct((2, N_NODES_PAD, CW), jnp.float32),
            jax.ShapeDtypeStruct((2, N_EDGES_PAD, CW), jnp.float32),
        ],
        scratch_types=[
            pltpu.VMEM((NCH, CCH), jnp.int32),
            pltpu.VMEM((NCH, CCH), jnp.int32),
            pltpu.VMEM((CCH, CW), jnp.float32),
            pltpu.VMEM_SHARED((N_NODES_PAD, CW), jnp.float32),
            pltpu.VMEM_SHARED((N_EDGES_PAD, CW), jnp.float32),
        ],
    )
    return fn(NI, EI, zn, ze, ones_h)



def _smooth_body(T, NI, EI, dvp, dip, zE, zS, O,
                 rows, di_v, dv_v, buf, TS_sh, E_sh):
    c = lax.axis_index("c")
    s = lax.axis_index("s")
    pltpu.sync_copy(dip.at[c, pl.ds(s * EROW_T, EROW_T)], di_v)
    pltpu.sync_copy(dvp.at[c, pl.ds(s * NROW_T, NROW_T)], dv_v)
    pltpu.sync_copy(zE.at[pl.ds(s * EROW_T, EROW_T)],
                    E_sh.at[pl.ds(s * EROW_T, EROW_T)])

    for half in range(2):
        base = s * NROW_T + half * SUBROW
        pltpu.sync_copy(T.at[c, pl.ds(base, SUBROW)], buf)

        def abody(r, carry):
            idx = jnp.zeros((16,), jnp.int32) + (half * SUBROW + r)
            d = plsc.load_gather(dv_v, [idx])
            for q in range(4):
                a = buf[r, pl.ds(q * 16, 16)]
                buf[r, pl.ds(q * 16, 16)] = a * d
            return carry

        lax.fori_loop(0, SUBROW, abody, 0)
        pltpu.sync_copy(buf, TS_sh.at[pl.ds(base, SUBROW)])
    plsc.subcore_barrier()

    def pairs_pass(IDXG, IDXS, src, dst):
        def scoped(gbuf, sbuf, semg, sems):
            def body(g, carry):
                base = s * SNCH + g * K
                pltpu.sync_copy(IDXG.at[c, pl.ds(base, K)], gbuf)
                pltpu.sync_copy(IDXS.at[c, pl.ds(base, K)], sbuf)
                hs = [pltpu.async_copy(src.at[gbuf.at[b]],
                                       rows.at[pl.ds(b * SCCH, SCCH)], semg)
                      for b in range(K)]
                ss = []
                for b in range(K):
                    hs[b].wait()
                    ss.append(pltpu.async_copy(rows.at[pl.ds(b * SCCH, SCCH)],
                                               dst.at[sbuf.at[b]], sems,
                                               add=True))
                for h in ss:
                    h.wait()
                return carry

            lax.fori_loop(0, NGRP, body, 0)

        pl.run_scoped(scoped,
                      pltpu.VMEM((K, SCCH), jnp.int32),
                      pltpu.VMEM((K, SCCH), jnp.int32),
                      pltpu.SemaphoreType.DMA,
                      pltpu.SemaphoreType.DMA)

    pairs_pass(NI, EI, TS_sh, E_sh)
    plsc.subcore_barrier()

    pltpu.sync_copy(E_sh.at[pl.ds(s * EROW_T, EROW_T)],
                    buf.at[pl.ds(0, EROW_T)])

    def cbody(r, carry):
        idx = jnp.zeros((16,), jnp.int32) + r
        d = plsc.load_gather(di_v, [idx])
        for q in range(4):
            a = buf[r, pl.ds(q * 16, 16)]
            buf[r, pl.ds(q * 16, 16)] = a * d
        return carry

    lax.fori_loop(0, EROW_T, cbody, 0)
    pltpu.sync_copy(buf.at[pl.ds(0, EROW_T)],
                    E_sh.at[pl.ds(s * EROW_T, EROW_T)])

    for half in range(2):
        base = s * NROW_T + half * SUBROW
        pltpu.sync_copy(zS.at[pl.ds(base, SUBROW)],
                        TS_sh.at[pl.ds(base, SUBROW)])
    plsc.subcore_barrier()

    pairs_pass(EI, NI, E_sh, TS_sh)
    plsc.subcore_barrier()

    for half in range(2):
        base = s * NROW_T + half * SUBROW
        pltpu.sync_copy(TS_sh.at[pl.ds(base, SUBROW)], buf)

        def fbody(r, carry):
            idx = jnp.zeros((16,), jnp.int32) + (half * SUBROW + r)
            d = plsc.load_gather(dv_v, [idx])
            for q in range(4):
                a = buf[r, pl.ds(q * 16, 16)]
                buf[r, pl.ds(q * 16, 16)] = jnp.maximum(a * d, 0.0)
            return carry

        lax.fori_loop(0, SUBROW, fbody, 0)
        pltpu.sync_copy(buf, O.at[c, pl.ds(base, SUBROW)])


def _sc_smooth(T, NI, EI, dvp, dip):
    zE = jnp.zeros((N_EDGES_PAD, FEAT), jnp.float32)
    zS = jnp.zeros((N_NODES_PAD, FEAT), jnp.float32)
    mesh = plsc.VectorSubcoreMesh(core_axis_name="c", subcore_axis_name="s")
    fn = pl.kernel(
        _smooth_body,
        mesh=mesh,
        compiler_params=pltpu.CompilerParams(needs_layout_passes=False,
                                             use_tc_tiling_on_sc=False),
        out_type=jax.ShapeDtypeStruct((2, N_NODES_PAD, FEAT), jnp.float32),
        scratch_types=[
            pltpu.VMEM((K * SCCH, FEAT), jnp.float32),
            pltpu.VMEM((EROW_T,), jnp.float32),
            pltpu.VMEM((NROW_T,), jnp.float32),
            pltpu.VMEM((SUBROW, FEAT), jnp.float32),
            pltpu.VMEM_SHARED((N_NODES_PAD, FEAT), jnp.float32),
            pltpu.VMEM_SHARED((N_EDGES_PAD, FEAT), jnp.float32),
        ],
    )
    return fn(T, NI, EI, dvp, dip, zE, zS)



def _prep_body(x_ref, w_ref, b_ref, o_ref):
    x = x_ref[...]
    w = w_ref[0]
    bias = b_ref[0, 0]
    o_ref[0] = jnp.dot(x, w, preferred_element_type=jnp.float32) + bias[None, :]


def _tc_prep(Xp, Wstk, bstk):
    return pl.pallas_call(
        _prep_body,
        grid=(2, NRB),
        in_specs=[
            pl.BlockSpec((R_BLK, 128), lambda b, r: (r, 0)),
            pl.BlockSpec((1, 128, FEAT), lambda b, r: (b, 0, 0)),
            pl.BlockSpec((1, 1, FEAT), lambda b, r: (b, 0, 0)),
        ],
        out_specs=pl.BlockSpec((1, R_BLK, FEAT), lambda b, r: (b, r, 0)),
        out_shape=jax.ShapeDtypeStruct((2, N_NODES_PAD, FEAT), jnp.float32),
    )(Xp, Wstk, bstk)


def _mid_body(o_ref, w_ref, b_ref, t_ref):
    o = o_ref[0]
    w = w_ref[0]
    bias = b_ref[0, 0]
    t_ref[0] = (jnp.dot(o, w, preferred_element_type=jnp.float32)
                + bias[None, :])


def _tc_mid(O_in, Wstk, bstk):
    return pl.pallas_call(
        _mid_body,
        grid=(2, NRB),
        in_specs=[
            pl.BlockSpec((1, R_BLK, FEAT), lambda b, r: (b, r, 0)),
            pl.BlockSpec((1, FEAT, FEAT), lambda b, r: (b, 0, 0)),
            pl.BlockSpec((1, 1, FEAT), lambda b, r: (b, 0, 0)),
        ],
        out_specs=pl.BlockSpec((1, R_BLK, FEAT), lambda b, r: (b, r, 0)),
        out_shape=jax.ShapeDtypeStruct((2, N_NODES_PAD, FEAT), jnp.float32),
    )(O_in, Wstk, bstk)


def _final_body(o_ref, fc1_w_ref, fc1_b_ref, ln_g_ref, ln_b_ref,
                fc2_w_ref, fc2_b_ref, out_ref):
    scale = 1.0 / N_NODES
    parts = [
        jnp.sum(o_ref[0], axis=0) * scale,
        jnp.sum(o_ref[1], axis=0) * scale,
    ]
    z = jnp.concatenate(parts, axis=-1)
    z = z @ fc1_w_ref[...] + fc1_b_ref[...]
    mu = jnp.mean(z)
    var = jnp.mean((z - mu) ** 2)
    z = (z - mu) / jnp.sqrt(var + 1e-5) * ln_g_ref[...] + ln_b_ref[...]
    z = z * jax.nn.sigmoid(z)
    z = z @ fc2_w_ref[...] + fc2_b_ref[...]
    nrm = jnp.maximum(jnp.sqrt(jnp.sum(z * z)), 1e-12)
    out_ref[0, :] = z / nrm


def _tc_final(O_l2, fc1_w, fc1_b, ln_g, ln_b, fc2_w, fc2_b):
    return pl.pallas_call(
        _final_body,
        out_shape=jax.ShapeDtypeStruct((1, 128), jnp.float32),
    )(O_l2, fc1_w, fc1_b, ln_g, ln_b, fc2_w, fc2_b)



def _pad_idx(idx, fill):
    return jnp.pad(idx, (0, N_MEM_PAD - N_MEM),
                   constant_values=fill).reshape(-1, SCCH)


def kernel(X, nidx0, eidx0, nidx1, eidx1, W00, b00, W01, b01, W10, b10, W11, b11, fc1_w, fc1_b, ln_g, ln_b, fc2_w, fc2_b):
    nidx0 = nidx0.astype(jnp.int32)
    eidx0 = eidx0.astype(jnp.int32)
    nidx1 = nidx1.astype(jnp.int32)
    eidx1 = eidx1.astype(jnp.int32)
    outn, oute = _sc_counts(nidx0, eidx0, nidx1, eidx1)
    dv = outn[:, :N_NODES, 0]
    de = oute[:, :N_EDGES, 0]
    dvis = jnp.where(dv > 0, lax.rsqrt(dv), 0.0)
    deinv = jnp.where(de > 0, 1.0 / de, 0.0)
    dvp = jnp.pad(dvis, ((0, 0), (0, N_NODES_PAD - N_NODES)))
    dip = jnp.pad(deinv, ((0, 0), (0, N_EDGES_PAD - N_EDGES)))

    NI = jnp.stack([_pad_idx(nidx0, N_NODES), _pad_idx(nidx1, N_NODES)])
    EI = jnp.stack([_pad_idx(eidx0, N_EDGES), _pad_idx(eidx1, N_EDGES)])

    Xp = jnp.pad(X, ((0, N_NODES_PAD - N_NODES), (0, 0)))
    Wstk = jnp.stack([W00, W10])
    bstk = jnp.stack([b00, b10]).reshape(2, 1, FEAT)
    T1 = _tc_prep(Xp, Wstk, bstk)

    h1 = _sc_smooth(T1, NI, EI, dvp, dip)
    W2stk = jnp.stack([W01, W11])
    b2stk = jnp.stack([b01, b11]).reshape(2, 1, FEAT)
    T2 = _tc_mid(h1, W2stk, b2stk)
    h2 = _sc_smooth(T2, NI, EI, dvp, dip)

    out = _tc_final(h2, fc1_w, fc1_b, ln_g, ln_b, fc2_w, fc2_b)
    return out[0]

# --- scband reference (transcript-rebuilt; emitter-appended) ---
"""Pipeline reference for scband-hypergraph-state-encoder-2963527434612 (READ-ONLY COPY).

The authoritative reference and input builder live on the scoring server;
editing this copy changes nothing except your own understanding.
"""

import jax, jax.numpy as jnp
import numpy as np

N_NODES = 10000
N_EDGES = 5000
N_MEM = 320000
OBS = 128
HID = 64
OUT = 128


def setup_inputs(seed: int = 0) -> dict:
    key = jax.random.key(seed)
    ks = jax.random.split(key, 20)
    X = jax.random.normal(ks[0], (N_NODES, OBS), dtype=jnp.float32)
    nidx0 = jax.random.randint(ks[1], (N_MEM,), 0, N_NODES)
    eidx0 = jax.random.randint(ks[2], (N_MEM,), 0, N_EDGES)
    nidx1 = jax.random.randint(ks[3], (N_MEM,), 0, N_NODES)
    eidx1 = jax.random.randint(ks[4], (N_MEM,), 0, N_EDGES)
    # HGNNConv theta weights, stored (in, out) for x @ W
    W00 = 0.1 * jax.random.normal(ks[5], (OBS, HID), dtype=jnp.float32)
    b00 = jnp.zeros((HID,), jnp.float32)
    W01 = 0.1 * jax.random.normal(ks[6], (HID, HID), dtype=jnp.float32)
    b01 = jnp.zeros((HID,), jnp.float32)
    W10 = 0.1 * jax.random.normal(ks[7], (OBS, HID), dtype=jnp.float32)
    b10 = jnp.zeros((HID,), jnp.float32)
    W11 = 0.1 * jax.random.normal(ks[8], (HID, HID), dtype=jnp.float32)
    b11 = jnp.zeros((HID,), jnp.float32)
    fc1_w = 0.1 * jax.random.normal(ks[9], (2 * HID, HID), dtype=jnp.float32)
    fc1_b = jnp.zeros((HID,), jnp.float32)
    ln_g = jnp.ones((HID,), jnp.float32)
    ln_b = jnp.zeros((HID,), jnp.float32)
    fc2_w = 0.1 * jax.random.normal(ks[10], (HID, OUT), dtype=jnp.float32)
    fc2_b = jnp.zeros((OUT,), jnp.float32)
    return {
        "X": X, "nidx0": nidx0, "eidx0": eidx0, "nidx1": nidx1, "eidx1": eidx1,
        "W00": W00, "b00": b00, "W01": W01, "b01": b01,
        "W10": W10, "b10": b10, "W11": W11, "b11": b11,
        "fc1_w": fc1_w, "fc1_b": fc1_b, "ln_g": ln_g, "ln_b": ln_b,
        "fc2_w": fc2_w, "fc2_b": fc2_b,
    }


def _hgnn_smooth(X, nidx, eidx):
    # D_v^{-1/2} H W_e D_e^{-1} H^T D_v^{-1/2} X  (W_e = I)
    dv = jnp.bincount(nidx, length=N_NODES).astype(X.dtype)
    de = jnp.bincount(eidx, length=N_EDGES).astype(X.dtype)
    dv_inv_sqrt = jnp.where(dv > 0, dv ** -0.5, 0.0)
    de_inv = jnp.where(de > 0, 1.0 / de, 0.0)
    Xs = X * dv_inv_sqrt[:, None]
    # H^T D_v^{-1/2} X : gather node rows, scatter-add into hyperedges
    Ef = jax.ops.segment_sum(Xs[nidx], eidx, num_segments=N_EDGES)
    Ef = Ef * de_inv[:, None]
    # H (D_e^{-1} ...) : gather hyperedge rows, scatter-add into nodes
    Y = jax.ops.segment_sum(Ef[eidx], nidx, num_segments=N_NODES)
    return Y * dv_inv_sqrt[:, None]


def _hgnn_conv(X, nidx, eidx, W, b):
    # dhg HGNNConv: theta -> smoothing_with_HGNN -> ReLU (drop_rate=0)
    h = X @ W + b
    h = _hgnn_smooth(h, nidx, eidx)
    return jax.nn.relu(h)


def _layer_norm(z, g, b, eps=1e-5):
    mu = jnp.mean(z, axis=-1, keepdims=True)
    var = jnp.mean((z - mu) ** 2, axis=-1, keepdims=True)
    return (z - mu) / jnp.sqrt(var + eps) * g + b


def reference(X, nidx0, eidx0, nidx1, eidx1, W00, b00, W01, b01, W10, b10, W11, b11, fc1_w, fc1_b, ln_g, ln_b, fc2_w, fc2_b):
    pooled = []
    h = _hgnn_conv(X, nidx0, eidx0, W00, b00)
    h = _hgnn_conv(h, nidx0, eidx0, W01, b01)
    pooled.append(h.mean(axis=0))
    h = _hgnn_conv(X, nidx1, eidx1, W10, b10)
    h = _hgnn_conv(h, nidx1, eidx1, W11, b11)
    pooled.append(h.mean(axis=0))
    z = jnp.concatenate(pooled, axis=-1)
    z = _layer_norm(z @ fc1_w + fc1_b, ln_g, ln_b)
    z = z * jax.nn.sigmoid(z)  # SiLU
    z = z @ fc2_w + fc2_b
    # F.normalize(z, dim=-1)
    nrm = jnp.maximum(jnp.linalg.norm(z, axis=-1, keepdims=True), 1e-12)
    return z / nrm

if __name__ == "__main__":
    import jax
    _d = setup_inputs()
    print(jax.jit(kernel)(*tuple(_d.values())))

</pallas_src>

<mosaic_0001>
#map = affine_map<(d0, d1) -> (0, 0, 0)>
#map1 = affine_map<(d0, d1) -> (0, 0)>
module attributes {stable_mosaic.version = 14 : i64} {
  func.func @_smooth_body(%arg0: i32, %arg1: i32, %arg2: memref<2x10240x64xf32, #tpu.memory_space<hbm>>, %arg3: memref<2x2560x128xi32, #tpu.memory_space<hbm>>, %arg4: memref<2x2560x128xi32, #tpu.memory_space<hbm>>, %arg5: memref<2x10240xf32, #tpu.memory_space<hbm>>, %arg6: memref<2x5120xf32, #tpu.memory_space<hbm>>, %arg7: memref<5120x64xf32, #tpu.memory_space<hbm>>, %arg8: memref<10240x64xf32, #tpu.memory_space<hbm>>, %arg9: memref<2x10240x64xf32, #tpu.memory_space<hbm>>, %arg10: memref<512x64xf32, #tpu.memory_space<vmem>>, %arg11: memref<320xf32, #tpu.memory_space<vmem>>, %arg12: memref<640xf32, #tpu.memory_space<vmem>>, %arg13: memref<320x64xf32, #tpu.memory_space<vmem>>, %arg14: memref<10240x64xf32, #tpu.memory_space<vmem_shared>>, %arg15: memref<5120x64xf32, #tpu.memory_space<vmem_shared>>) attributes {dimension_semantics = [#tpu.dimension_semantics<core_parallel>, #tpu.dimension_semantics<subcore_parallel>], iteration_bounds = array<i64: 2, 16>, scalar_prefetch = 0 : i64, scratch_operands = 6 : i64, tpu.core_type = #tpu.core_type<sc_vector_subcore>, window_params = [{transform_indices = #map}, {transform_indices = #map}, {transform_indices = #map}, {transform_indices = #map1}, {transform_indices = #map1}, {transform_indices = #map1}, {transform_indices = #map1}, {transform_indices = #map}]} {
    %mul3A = arith.constant 320 : i32
    %mul3A_0 = arith.muli %arg1, %mul3A : i32
    "tpu.region"() ({
      %run_scoped3A = tpu.sem_alloc : memref<!tpu.dma_semaphore, #tpu.memory_space<semaphore_mem>>
      %dma_start3A = tpu.memref_slice %arg6[%arg0, %mul3A_0] : memref<2x5120xf32, #tpu.memory_space<hbm>> -> memref<1x320xf32, #tpu.memory_space<hbm>>
      %dma_start3A_66 = tpu.memref_squeeze %dma_start3A : memref<1x320xf32, #tpu.memory_space<hbm>> -> memref<320xf32, #tpu.memory_space<hbm>>
      %dma_start3A_67 = tpu.memref_slice %arg6[%arg0, %mul3A_0] : memref<2x5120xf32, #tpu.memory_space<hbm>> -> memref<1x320xf32, #tpu.memory_space<hbm>>
      %dma_start3A_68 = tpu.memref_squeeze %dma_start3A_67 : memref<1x320xf32, #tpu.memory_space<hbm>> -> memref<320xf32, #tpu.memory_space<hbm>>
      tpu.enqueue_dma source(%dma_start3A_68 : memref<320xf32, #tpu.memory_space<hbm>>) target(%arg11 : memref<320xf32, #tpu.memory_space<vmem>>) target_semaphore(%run_scoped3A : memref<!tpu.dma_semaphore, #tpu.memory_space<semaphore_mem>>)
      %dma_wait3A = tpu.memref_slice %arg6[%arg0, %mul3A_0] : memref<2x5120xf32, #tpu.memory_space<hbm>> -> memref<1x320xf32, #tpu.memory_space<hbm>>
      %dma_wait3A_69 = tpu.memref_squeeze %dma_wait3A : memref<1x320xf32, #tpu.memory_space<hbm>> -> memref<320xf32, #tpu.memory_space<hbm>>
      %dma_wait3A_70 = tpu.memref_slice %arg6[%arg0, %mul3A_0] : memref<2x5120xf32, #tpu.memory_space<hbm>> -> memref<1x320xf32, #tpu.memory_space<hbm>>
      %dma_wait3A_71 = tpu.memref_squeeze %dma_wait3A_70 : memref<1x320xf32, #tpu.memory_space<hbm>> -> memref<320xf32, #tpu.memory_space<hbm>>
      tpu.wait_dma2 semaphore(%run_scoped3A : memref<!tpu.dma_semaphore, #tpu.memory_space<semaphore_mem>>) src(%dma_wait3A_71 : memref<320xf32, #tpu.memory_space<hbm>>) dst(%arg11 : memref<320xf32, #tpu.memory_space<vmem>>)
      tpu.yield
    }) : () -> ()
    %mul3A_1 = arith.constant 640 : i32
    %mul3A_2 = arith.muli %arg1, %mul3A_1 : i32
    "tpu.region"() ({
      %run_scoped3A = tpu.sem_alloc : memref<!tpu.dma_semaphore, #tpu.memory_space<semaphore_mem>>
      %dma_start3A = tpu.memref_slice %arg5[%arg0, %mul3A_2] : memref<2x10240xf32, #tpu.memory_space<hbm>> -> memref<1x640xf32, #tpu.memory_space<hbm>>
      %dma_start3A_66 = tpu.memref_squeeze %dma_start3A : memref<1x640xf32, #tpu.memory_space<hbm>> -> memref<640xf32, #tpu.memory_space<hbm>>
      %dma_start3A_67 = tpu.memref_slice %arg5[%arg0, %mul3A_2] : memref<2x10240xf32, #tpu.memory_space<hbm>> -> memref<1x640xf32, #tpu.memory_space<hbm>>
      %dma_start3A_68 = tpu.memref_squeeze %dma_start3A_67 : memref<1x640xf32, #tpu.memory_space<hbm>> -> memref<640xf32, #tpu.memory_space<hbm>>
      tpu.enqueue_dma source(%dma_start3A_68 : memref<640xf32, #tpu.memory_space<hbm>>) target(%arg12 : memref<640xf32, #tpu.memory_space<vmem>>) target_semaphore(%run_scoped3A : memref<!tpu.dma_semaphore, #tpu.memory_space<semaphore_mem>>)
      %dma_wait3A = tpu.memref_slice %arg5[%arg0, %mul3A_2] : memref<2x10240xf32, #tpu.memory_space<hbm>> -> memref<1x640xf32, #tpu.memory_space<hbm>>
      %dma_wait3A_69 = tpu.memref_squeeze %dma_wait3A : memref<1x640xf32, #tpu.memory_space<hbm>> -> memref<640xf32, #tpu.memory_space<hbm>>
      %dma_wait3A_70 = tpu.memref_slice %arg5[%arg0, %mul3A_2] : memref<2x10240xf32, #tpu.memory_space<hbm>> -> memref<1x640xf32, #tpu.memory_space<hbm>>
      %dma_wait3A_71 = tpu.memref_squeeze %dma_wait3A_70 : memref<1x640xf32, #tpu.memory_space<hbm>> -> memref<640xf32, #tpu.memory_space<hbm>>
      tpu.wait_dma2 semaphore(%run_scoped3A : memref<!tpu.dma_semaphore, #tpu.memory_space<semaphore_mem>>) src(%dma_wait3A_71 : memref<640xf32, #tpu.memory_space<hbm>>) dst(%arg12 : memref<640xf32, #tpu.memory_space<vmem>>)
      tpu.yield
    }) : () -> ()
    %mul3A_3 = arith.constant 320 : i32
    %mul3A_4 = arith.muli %arg1, %mul3A_3 : i32
    %mul3A_5 = arith.constant 320 : i32
    %mul3A_6 = arith.muli %arg1, %mul3A_5 : i32
    "tpu.region"() ({
      %run_scoped3A = tpu.sem_alloc : memref<!tpu.dma_semaphore, #tpu.memory_space<semaphore_mem>>
      %dma_start3A = arith.constant 0 : i32
      %dma_start3A_66 = tpu.memref_slice %arg15[%mul3A_6, %dma_start3A] : memref<5120x64xf32, #tpu.memory_space<vmem_shared>> -> memref<320x64xf32, #tpu.memory_space<vmem_shared>>
      %dma_start3A_67 = arith.constant 0 : i32
      %dma_start3A_68 = tpu.memref_slice %arg7[%mul3A_4, %dma_start3A_67] : memref<5120x64xf32, #tpu.memory_space<hbm>> -> memref<320x64xf32, #tpu.memory_space<hbm>>
      tpu.enqueue_dma source(%dma_start3A_68 : memref<320x64xf32, #tpu.memory_space<hbm>>) target(%dma_start3A_66 : memref<320x64xf32, #tpu.memory_space<vmem_shared>>) target_semaphore(%run_scoped3A : memref<!tpu.dma_semaphore, #tpu.memory_space<semaphore_mem>>)
      %dma_wait3A = arith.constant 0 : i32
      %dma_wait3A_69 = tpu.memref_slice %arg15[%mul3A_6, %dma_wait3A] : memref<5120x64xf32, #tpu.memory_space<vmem_shared>> -> memref<320x64xf32, #tpu.memory_space<vmem_shared>>
      %dma_wait3A_70 = arith.constant 0 : i32
      %dma_wait3A_71 = tpu.memref_slice %arg7[%mul3A_4, %dma_wait3A_70] : memref<5120x64xf32, #tpu.memory_space<hbm>> -> memref<320x64xf32, #tpu.memory_space<hbm>>
      tpu.wait_dma2 semaphore(%run_scoped3A : memref<!tpu.dma_semaphore, #tpu.memory_space<semaphore_mem>>) src(%dma_wait3A_71 : memref<320x64xf32, #tpu.memory_space<hbm>>) dst(%dma_wait3A_69 : memref<320x64xf32, #tpu.memory_space<vmem_shared>>)
      tpu.yield
    }) : () -> ()
    %mul3A_7 = arith.constant 640 : i32
    %mul3A_8 = arith.muli %arg1, %mul3A_7 : i32
    %add3A = arith.constant 0 : i32
    %add3A_9 = arith.addi %mul3A_8, %add3A : i32
    "tpu.region"() ({
      %run_scoped3A = tpu.sem_alloc : memref<!tpu.dma_semaphore, #tpu.memory_space<semaphore_mem>>
      %dma_start3A = arith.constant 0 : i32
      %dma_start3A_66 = tpu.memref_slice %arg2[%arg0, %add3A_9, %dma_start3A] : memref<2x10240x64xf32, #tpu.memory_space<hbm>> -> memref<1x320x64xf32, #tpu.memory_space<hbm>>
      %dma_start3A_67 = tpu.memref_squeeze %dma_start3A_66 : memref<1x320x64xf32, #tpu.memory_space<hbm>> -> memref<320x64xf32, #tpu.memory_space<hbm>>
      %dma_start3A_68 = arith.constant 0 : i32
      %dma_start3A_69 = tpu.memref_slice %arg2[%arg0, %add3A_9, %dma_start3A_68] : memref<2x10240x64xf32, #tpu.memory_space<hbm>> -> memref<1x320x64xf32, #tpu.memory_space<hbm>>
      %dma_start3A_70 = tpu.memref_squeeze %dma_start3A_69 : memref<1x320x64xf32, #tpu.memory_space<hbm>> -> memref<320x64xf32, #tpu.memory_space<hbm>>
      tpu.enqueue_dma source(%dma_start3A_70 : memref<320x64xf32, #tpu.memory_space<hbm>>) target(%arg13 : memref<320x64xf32, #tpu.memory_space<vmem>>) target_semaphore(%run_scoped3A : memref<!tpu.dma_semaphore, #tpu.memory_space<semaphore_mem>>)
      %dma_wait3A = arith.constant 0 : i32
      %dma_wait3A_71 = tpu.memref_slice %arg2[%arg0, %add3A_9, %dma_wait3A] : memref<2x10240x64xf32, #tpu.memory_space<hbm>> -> memref<1x320x64xf32, #tpu.memory_space<hbm>>
      %dma_wait3A_72 = tpu.memref_squeeze %dma_wait3A_71 : memref<1x320x64xf32, #tpu.memory_space<hbm>> -> memref<320x64xf32, #tpu.memory_space<hbm>>
      %dma_wait3A_73 = arith.constant 0 : i32
      %dma_wait3A_74 = tpu.memref_slice %arg2[%arg0, %add3A_9, %dma_wait3A_73] : memref<2x10240x64xf32, #tpu.memory_space<hbm>> -> memref<1x320x64xf32, #tpu.memory_space<hbm>>
      %dma_wait3A_75 = tpu.memref_squeeze %dma_wait3A_74 : memref<1x320x64xf32, #tpu.memory_space<hbm>> -> memref<320x64xf32, #tpu.memory_space<hbm>>
      tpu.wait_dma2 semaphore(%run_scoped3A : memref<!tpu.dma_semaphore, #tpu.memory_space<semaphore_mem>>) src(%dma_wait3A_75 : memref<320x64xf32, #tpu.memory_space<hbm>>) dst(%arg13 : memref<320x64xf32, #tpu.memory_space<vmem>>)
      tpu.yield
    }) : () -> ()
    %scan3A = arith.constant 0 : i32
    %scan3A_10 = arith.constant 0 : i32
    %scan3A_11 = arith.constant 320 : i32
    %scan3A_12 = arith.addi %scan3A_10, %scan3A_11 : i32
    %scan3A_13 = arith.constant 1 : i32
    scf.for %scan3A_66 = %scan3A_10 to %scan3A_12 step %scan3A_13  : i32 {
      %broadcast_in_dim3A = arith.constant 0 : i32
      %broadcast_in_dim3A_67 = vector.broadcast %broadcast_in_dim3A : i32 to vector<16xi32>
      %add3A_68 = arith.constant 0 : i32
      %add3A_69 = arith.addi %add3A_68, %scan3A_66 : i32
      %add3A_70 = vector.broadcast %add3A_69 : i32 to vector<16xi32>
      %add3A_71 = arith.addi %broadcast_in_dim3A_67, %add3A_70 : vector<16xi32>
      %gather3A = tpu.vector_load_idx %arg12[%add3A_71] : memref<640xf32, #tpu.memory_space<vmem>>[vector<16xi32>], vector<16xf32>,
      %get3A = arith.index_cast %scan3A_66 : i32 to index
      %get3A_72 = arith.constant 0 : index
      %get3A_73 = tpu.vector_load %arg13[%get3A, %get3A_72] {strides = array<i32>} : memref<320x64xf32, #tpu.memory_space<vmem>>, vector<16xf32>,
      %mul3A_74 = arith.mulf %get3A_73, %gather3A : vector<16xf32>
      %swap3A = arith.index_cast %scan3A_66 : i32 to index
      %swap3A_75 = arith.constant 0 : index
      %swap3A_76 = tpu.vector_load %arg13[%swap3A, %swap3A_75] {strides = array<i32>} : memref<320x64xf32, #tpu.memory_space<vmem>>, vector<16xf32>,
      tpu.vector_store %arg13[%swap3A, %swap3A_75], %mul3A_74 {strides = array<i32>} : memref<320x64xf32, #tpu.memory_space<vmem>>, vector<16xf32>,
      %get3A_77 = arith.index_cast %scan3A_66 : i32 to index
      %get3A_78 = arith.constant 16 : index
      %get3A_79 = tpu.vector_load %arg13[%get3A_77, %get3A_78] {strides = array<i32>} : memref<320x64xf32, #tpu.memory_space<vmem>>, vector<16xf32>,
      %mul3A_80 = arith.mulf %get3A_79, %gather3A : vector<16xf32>
      %swap3A_81 = arith.index_cast %scan3A_66 : i32 to index
      %swap3A_82 = arith.constant 16 : index
      %swap3A_83 = tpu.vector_load %arg13[%swap3A_81, %swap3A_82] {strides = array<i32>} : memref<320x64xf32, #tpu.memory_space<vmem>>, vector<16xf32>,
      tpu.vector_store %arg13[%swap3A_81, %swap3A_82], %mul3A_80 {strides = array<i32>} : memref<320x64xf32, #tpu.memory_space<vmem>>, vector<16xf32>,
      %get3A_84 = arith.index_cast %scan3A_66 : i32 to index
      %get3A_85 = arith.constant 32 : index
      %get3A_86 = tpu.vector_load %arg13[%get3A_84, %get3A_85] {strides = array<i32>} : memref<320x64xf32, #tpu.memory_space<vmem>>, vector<16xf32>,
      %mul3A_87 = arith.mulf %get3A_86, %gather3A : vector<16xf32>
      %swap3A_88 = arith.index_cast %scan3A_66 : i32 to index
      %swap3A_89 = arith.constant 32 : index
      %swap3A_90 = tpu.vector_load %arg13[%swap3A_88, %swap3A_89] {strides = array<i32>} : memref<320x64xf32, #tpu.memory_space<vmem>>, vector<16xf32>,
      tpu.vector_store %arg13[%swap3A_88, %swap3A_89], %mul3A_87 {strides = array<i32>} : memref<320x64xf32, #tpu.memory_space<vmem>>, vector<16xf32>,
      %get3A_91 = arith.index_cast %scan3A_66 : i32 to index
      %get3A_92 = arith.constant 48 : index
      %get3A_93 = tpu.vector_load %arg13[%get3A_91, %get3A_92] {strides = array<i32>} : memref<320x64xf32, #tpu.memory_space<vmem>>, vector<16xf32>,
      %mul3A_94 = arith.mulf %get3A_93, %gather3A : vector<16xf32>
      %swap3A_95 = arith.index_cast %scan3A_66 : i32 to index
      %swap3A_96 = arith.constant 48 : index
      %swap3A_97 = tpu.vector_load %arg13[%swap3A_95, %swap3A_96] {strides = array<i32>} : memref<320x64xf32, #tpu.memory_space<vmem>>, vector<16xf32>,
      tpu.vector_store %arg13[%swap3A_95, %swap3A_96], %mul3A_94 {strides = array<i32>} : memref<320x64xf32, #tpu.memory_space<vmem>>, vector<16xf32>,
    }
    %scan3A_14 = arith.constant 320 : i32
    "tpu.region"() ({
      %run_scoped3A = tpu.sem_alloc : memref<!tpu.dma_semaphore, #tpu.memory_space<semaphore_mem>>
      %dma_start3A = arith.constant 0 : i32
      %dma_start3A_66 = tpu.memref_slice %arg14[%add3A_9, %dma_start3A] : memref<10240x64xf32, #tpu.memory_space<vmem_shared>> -> memref<320x64xf32, #tpu.memory_space<vmem_shared>>
      %dma_start3A_67 = arith.constant 0 : i32
      %dma_start3A_68 = tpu.memref_slice %arg14[%add3A_9, %dma_start3A_67] : memref<10240x64xf32, #tpu.memory_space<vmem_shared>> -> memref<320x64xf32, #tpu.memory_space<vmem_shared>>
      tpu.enqueue_dma source(%arg13 : memref<320x64xf32, #tpu.memory_space<vmem>>) target(%dma_start3A_68 : memref<320x64xf32, #tpu.memory_space<vmem_shared>>) target_semaphore(%run_scoped3A : memref<!tpu.dma_semaphore, #tpu.memory_space<semaphore_mem>>)
      %dma_wait3A = arith.constant 0 : i32
      %dma_wait3A_69 = tpu.memref_slice %arg14[%add3A_9, %dma_wait3A] : memref<10240x64xf32, #tpu.memory_space<vmem_shared>> -> memref<320x64xf32, #tpu.memory_space<vmem_shared>>
      %dma_wait3A_70 = arith.constant 0 : i32
      %dma_wait3A_71 = tpu.memref_slice %arg14[%add3A_9, %dma_wait3A_70] : memref<10240x64xf32, #tpu.memory_space<vmem_shared>> -> memref<320x64xf32, #tpu.memory_space<vmem_shared>>
      tpu.wait_dma2 semaphore(%run_scoped3A : memref<!tpu.dma_semaphore, #tpu.memory_space<semaphore_mem>>) src(%arg13 : memref<320x64xf32, #tpu.memory_space<vmem>>) dst(%dma_wait3A_71 : memref<320x64xf32, #tpu.memory_space<vmem_shared>>)
      tpu.yield
    }) : () -> ()
    %mul3A_15 = arith.constant 640 : i32
    %mul3A_16 = arith.muli %arg1, %mul3A_15 : i32
    %add3A_17 = arith.constant 320 : i32
    %add3A_18 = arith.addi %mul3A_16, %add3A_17 : i32
    "tpu.region"() ({
      %run_scoped3A = tpu.sem_alloc : memref<!tpu.dma_semaphore, #tpu.memory_space<semaphore_mem>>
      %dma_start3A = arith.constant 0 : i32
      %dma_start3A_66 = tpu.memref_slice %arg2[%arg0, %add3A_18, %dma_start3A] : memref<2x10240x64xf32, #tpu.memory_space<hbm>> -> memref<1x320x64xf32, #tpu.memory_space<hbm>>
      %dma_start3A_67 = tpu.memref_squeeze %dma_start3A_66 : memref<1x320x64xf32, #tpu.memory_space<hbm>> -> memref<320x64xf32, #tpu.memory_space<hbm>>
      %dma_start3A_68 = arith.constant 0 : i32
      %dma_start3A_69 = tpu.memref_slice %arg2[%arg0, %add3A_18, %dma_start3A_68] : memref<2x10240x64xf32, #tpu.memory_space<hbm>> -> memref<1x320x64xf32, #tpu.memory_space<hbm>>
      %dma_start3A_70 = tpu.memref_squeeze %dma_start3A_69 : memref<1x320x64xf32, #tpu.memory_space<hbm>> -> memref<320x64xf32, #tpu.memory_space<hbm>>
      tpu.enqueue_dma source(%dma_start3A_70 : memref<320x64xf32, #tpu.memory_space<hbm>>) target(%arg13 : memref<320x64xf32, #tpu.memory_space<vmem>>) target_semaphore(%run_scoped3A : memref<!tpu.dma_semaphore, #tpu.memory_space<semaphore_mem>>)
      %dma_wait3A = arith.constant 0 : i32
      %dma_wait3A_71 = tpu.memref_slice %arg2[%arg0, %add3A_18, %dma_wait3A] : memref<2x10240x64xf32, #tpu.memory_space<hbm>> -> memref<1x320x64xf32, #tpu.memory_space<hbm>>
      %dma_wait3A_72 = tpu.memref_squeeze %dma_wait3A_71 : memref<1x320x64xf32, #tpu.memory_space<hbm>> -> memref<320x64xf32, #tpu.memory_space<hbm>>
      %dma_wait3A_73 = arith.constant 0 : i32
      %dma_wait3A_74 = tpu.memref_slice %arg2[%arg0, %add3A_18, %dma_wait3A_73] : memref<2x10240x64xf32, #tpu.memory_space<hbm>> -> memref<1x320x64xf32, #tpu.memory_space<hbm>>
      %dma_wait3A_75 = tpu.memref_squeeze %dma_wait3A_74 : memref<1x320x64xf32, #tpu.memory_space<hbm>> -> memref<320x64xf32, #tpu.memory_space<hbm>>
      tpu.wait_dma2 semaphore(%run_scoped3A : memref<!tpu.dma_semaphore, #tpu.memory_space<semaphore_mem>>) src(%dma_wait3A_75 : memref<320x64xf32, #tpu.memory_space<hbm>>) dst(%arg13 : memref<320x64xf32, #tpu.memory_space<vmem>>)
      tpu.yield
    }) : () -> ()
    %scan3A_19 = arith.constant 0 : i32
    %scan3A_20 = arith.constant 0 : i32
    %scan3A_21 = arith.constant 320 : i32
    %scan3A_22 = arith.addi %scan3A_20, %scan3A_21 : i32
    %scan3A_23 = arith.constant 1 : i32
    scf.for %scan3A_66 = %scan3A_20 to %scan3A_22 step %scan3A_23  : i32 {
      %broadcast_in_dim3A = arith.constant 0 : i32
      %broadcast_in_dim3A_67 = vector.broadcast %broadcast_in_dim3A : i32 to vector<16xi32>
      %add3A_68 = arith.constant 320 : i32
      %add3A_69 = arith.addi %add3A_68, %scan3A_66 : i32
      %add3A_70 = vector.broadcast %add3A_69 : i32 to vector<16xi32>
      %add3A_71 = arith.addi %broadcast_in_dim3A_67, %add3A_70 : vector<16xi32>
      %gather3A = tpu.vector_load_idx %arg12[%add3A_71] : memref<640xf32, #tpu.memory_space<vmem>>[vector<16xi32>], vector<16xf32>,
      %get3A = arith.index_cast %scan3A_66 : i32 to index
      %get3A_72 = arith.constant 0 : index
      %get3A_73 = tpu.vector_load %arg13[%get3A, %get3A_72] {strides = array<i32>} : memref<320x64xf32, #tpu.memory_space<vmem>>, vector<16xf32>,
      %mul3A_74 = arith.mulf %get3A_73, %gather3A : vector<16xf32>
      %swap3A = arith.index_cast %scan3A_66 : i32 to index
      %swap3A_75 = arith.constant 0 : index
      %swap3A_76 = tpu.vector_load %arg13[%swap3A, %swap3A_75] {strides = array<i32>} : memref<320x64xf32, #tpu.memory_space<vmem>>, vector<16xf32>,
      tpu.vector_store %arg13[%swap3A, %swap3A_75], %mul3A_74 {strides = array<i32>} : memref<320x64xf32, #tpu.memory_space<vmem>>, vector<16xf32>,
      %get3A_77 = arith.index_cast %scan3A_66 : i32 to index
      %get3A_78 = arith.constant 16 : index
      %get3A_79 = tpu.vector_load %arg13[%get3A_77, %get3A_78] {strides = array<i32>} : memref<320x64xf32, #tpu.memory_space<vmem>>, vector<16xf32>,
      %mul3A_80 = arith.mulf %get3A_79, %gather3A : vector<16xf32>
      %swap3A_81 = arith.index_cast %scan3A_66 : i32 to index
      %swap3A_82 = arith.constant 16 : index
      %swap3A_83 = tpu.vector_load %arg13[%swap3A_81, %swap3A_82] {strides = array<i32>} : memref<320x64xf32, #tpu.memory_space<vmem>>, vector<16xf32>,
      tpu.vector_store %arg13[%swap3A_81, %swap3A_82], %mul3A_80 {strides = array<i32>} : memref<320x64xf32, #tpu.memory_space<vmem>>, vector<16xf32>,
      %get3A_84 = arith.index_cast %scan3A_66 : i32 to index
      %get3A_85 = arith.constant 32 : index
      %get3A_86 = tpu.vector_load %arg13[%get3A_84, %get3A_85] {strides = array<i32>} : memref<320x64xf32, #tpu.memory_space<vmem>>, vector<16xf32>,
      %mul3A_87 = arith.mulf %get3A_86, %gather3A : vector<16xf32>
      %swap3A_88 = arith.index_cast %scan3A_66 : i32 to index
      %swap3A_89 = arith.constant 32 : index
      %swap3A_90 = tpu.vector_load %arg13[%swap3A_88, %swap3A_89] {strides = array<i32>} : memref<320x64xf32, #tpu.memory_space<vmem>>, vector<16xf32>,
      tpu.vector_store %arg13[%swap3A_88, %swap3A_89], %mul3A_87 {strides = array<i32>} : memref<320x64xf32, #tpu.memory_space<vmem>>, vector<16xf32>,
      %get3A_91 = arith.index_cast %scan3A_66 : i32 to index
      %get3A_92 = arith.constant 48 : index
      %get3A_93 = tpu.vector_load %arg13[%get3A_91, %get3A_92] {strides = array<i32>} : memref<320x64xf32, #tpu.memory_space<vmem>>, vector<16xf32>,
      %mul3A_94 = arith.mulf %get3A_93, %gather3A : vector<16xf32>
      %swap3A_95 = arith.index_cast %scan3A_66 : i32 to index
      %swap3A_96 = arith.constant 48 : index
      %swap3A_97 = tpu.vector_load %arg13[%swap3A_95, %swap3A_96] {strides = array<i32>} : memref<320x64xf32, #tpu.memory_space<vmem>>, vector<16xf32>,
      tpu.vector_store %arg13[%swap3A_95, %swap3A_96], %mul3A_94 {strides = array<i32>} : memref<320x64xf32, #tpu.memory_space<vmem>>, vector<16xf32>,
    }
    %scan3A_24 = arith.constant 320 : i32
    "tpu.region"() ({
      %run_scoped3A = tpu.sem_alloc : memref<!tpu.dma_semaphore, #tpu.memory_space<semaphore_mem>>
      %dma_start3A = arith.constant 0 : i32
      %dma_start3A_66 = tpu.memref_slice %arg14[%add3A_18, %dma_start3A] : memref<10240x64xf32, #tpu.memory_space<vmem_shared>> -> memref<320x64xf32, #tpu.memory_space<vmem_shared>>
      %dma_start3A_67 = arith.constant 0 : i32
      %dma_start3A_68 = tpu.memref_slice %arg14[%add3A_18, %dma_start3A_67] : memref<10240x64xf32, #tpu.memory_space<vmem_shared>> -> memref<320x64xf32, #tpu.memory_space<vmem_shared>>
      tpu.enqueue_dma source(%arg13 : memref<320x64xf32, #tpu.memory_space<vmem>>) target(%dma_start3A_68 : memref<320x64xf32, #tpu.memory_space<vmem_shared>>) target_semaphore(%run_scoped3A : memref<!tpu.dma_semaphore, #tpu.memory_space<semaphore_mem>>)
      %dma_wait3A = arith.constant 0 : i32
      %dma_wait3A_69 = tpu.memref_slice %arg14[%add3A_18, %dma_wait3A] : memref<10240x64xf32, #tpu.memory_space<vmem_shared>> -> memref<320x64xf32, #tpu.memory_space<vmem_shared>>
      %dma_wait3A_70 = arith.constant 0 : i32
      %dma_wait3A_71 = tpu.memref_slice %arg14[%add3A_18, %dma_wait3A_70] : memref<10240x64xf32, #tpu.memory_space<vmem_shared>> -> memref<320x64xf32, #tpu.memory_space<vmem_shared>>
      tpu.wait_dma2 semaphore(%run_scoped3A : memref<!tpu.dma_semaphore, #tpu.memory_space<semaphore_mem>>) src(%arg13 : memref<320x64xf32, #tpu.memory_space<vmem>>) dst(%dma_wait3A_71 : memref<320x64xf32, #tpu.memory_space<vmem_shared>>)
      tpu.yield
    }) : () -> ()
    %barrier3A = arith.constant 0 : index
    tpu.barrier barrier_id(%barrier3A)
    "tpu.region"() ({
      %run_scoped3A = memref.alloca() : memref<4x128xi32, #tpu.memory_space<vmem>>
      %run_scoped3A_66 = memref.alloca() : memref<4x128xi32, #tpu.memory_space<vmem>>
      %run_scoped3A_67 = tpu.sem_alloc : memref<!tpu.dma_semaphore, #tpu.memory_space<semaphore_mem>>
      %run_scoped3A_68 = tpu.sem_alloc : memref<!tpu.dma_semaphore, #tpu.memory_space<semaphore_mem>>
      %scan3A_69 = arith.constant 0 : i32
      %scan3A_70 = arith.constant 0 : i32
      %scan3A_71 = arith.constant 40 : i32
      %scan3A_72 = arith.addi %scan3A_70, %scan3A_71 : i32
      %scan3A_73 = arith.constant 1 : i32
      scf.for %scan3A_75 = %scan3A_70 to %scan3A_72 step %scan3A_73  : i32 {
        %mul3A_76 = arith.constant 160 : i32
        %mul3A_77 = arith.muli %arg1, %mul3A_76 : i32
        %mul3A_78 = arith.constant 4 : i32
        %mul3A_79 = arith.muli %scan3A_75, %mul3A_78 : i32
        %add3A_80 = arith.addi %mul3A_77, %mul3A_79 : i32
        "tpu.region"() ({
          %run_scoped3A_239 = tpu.sem_alloc : memref<!tpu.dma_semaphore, #tpu.memory_space<semaphore_mem>>
          %dma_start3A_240 = arith.constant 0 : i32
          %dma_start3A_241 = tpu.memref_slice %arg3[%arg0, %add3A_80, %dma_start3A_240] : memref<2x2560x128xi32, #tpu.memory_space<hbm>> -> memref<1x4x128xi32, #tpu.memory_space<hbm>>
          %dma_start3A_242 = tpu.memref_squeeze %dma_start3A_241 : memref<1x4x128xi32, #tpu.memory_space<hbm>> -> memref<4x128xi32, #tpu.memory_space<hbm>>
          %dma_start3A_243 = arith.constant 0 : i32
          %dma_start3A_244 = tpu.memref_slice %arg3[%arg0, %add3A_80, %dma_start3A_243] : memref<2x2560x128xi32, #tpu.memory_space<hbm>> -> memref<1x4x128xi32, #tpu.memory_space<hbm>>
          %dma_start3A_245 = tpu.memref_squeeze %dma_start3A_244 : memref<1x4x128xi32, #tpu.memory_space<hbm>> -> memref<4x128xi32, #tpu.memory_space<hbm>>
          tpu.enqueue_dma source(%dma_start3A_245 : memref<4x128xi32, #tpu.memory_space<hbm>>) target(%run_scoped3A : memref<4x128xi32, #tpu.memory_space<vmem>>) target_semaphore(%run_scoped3A_239 : memref<!tpu.dma_semaphore, #tpu.memory_space<semaphore_mem>>)
          %dma_wait3A_246 = arith.constant 0 : i32
          %dma_wait3A_247 = tpu.memref_slice %arg3[%arg0, %add3A_80, %dma_wait3A_246] : memref<2x2560x128xi32, #tpu.memory_space<hbm>> -> memref<1x4x128xi32, #tpu.memory_space<hbm>>
          %dma_wait3A_248 = tpu.memref_squeeze %dma_wait3A_247 : memref<1x4x128xi32, #tpu.memory_space<hbm>> -> memref<4x128xi32, #tpu.memory_space<hbm>>
          %dma_wait3A_249 = arith.constant 0 : i32
          %dma_wait3A_250 = tpu.memref_slice %arg3[%arg0, %add3A_80, %dma_wait3A_249] : memref<2x2560x128xi32, #tpu.memory_space<hbm>> -> memref<1x4x128xi32, #tpu.memory_space<hbm>>
          %dma_wait3A_251 = tpu.memref_squeeze %dma_wait3A_250 : memref<1x4x128xi32, #tpu.memory_space<hbm>> -> memref<4x128xi32, #tpu.memory_space<hbm>>
          tpu.wait_dma2 semaphore(%run_scoped3A_239 : memref<!tpu.dma_semaphore, #tpu.memory_space<semaphore_mem>>) src(%dma_wait3A_251 : memref<4x128xi32, #tpu.memory_space<hbm>>) dst(%run_scoped3A : memref<4x128xi32, #tpu.memory_space<vmem>>)
          tpu.yield
        }) : () -> ()
        "tpu.region"() ({
          %run_scoped3A_239 = tpu.sem_alloc : memref<!tpu.dma_semaphore, #tpu.memory_space<semaphore_mem>>
          %dma_start3A_240 = arith.constant 0 : i32
          %dma_start3A_241 = tpu.memref_slice %arg4[%arg0, %add3A_80, %dma_start3A_240] : memref<2x2560x128xi32, #tpu.memory_space<hbm>> -> memref<1x4x128xi32, #tpu.memory_space<hbm>>
          %dma_start3A_242 = tpu.memref_squeeze %dma_start3A_241 : memref<1x4x128xi32, #tpu.memory_space<hbm>> -> memref<4x128xi32, #tpu.memory_space<hbm>>
          %dma_start3A_243 = arith.constant 0 : i32
          %dma_start3A_244 = tpu.memref_slice %arg4[%arg0, %add3A_80, %dma_start3A_243] : memref<2x2560x128xi32, #tpu.memory_space<hbm>> -> memref<1x4x128xi32, #tpu.memory_space<hbm>>
          %dma_start3A_245 = tpu.memref_squeeze %dma_start3A_244 : memref<1x4x128xi32, #tpu.memory_space<hbm>> -> memref<4x128xi32, #tpu.memory_space<hbm>>
          tpu.enqueue_dma source(%dma_start3A_245 : memref<4x128xi32, #tpu.memory_space<hbm>>) target(%run_scoped3A_66 : memref<4x128xi32, #tpu.memory_space<vmem>>) target_semaphore(%run_scoped3A_239 : memref<!tpu.dma_semaphore, #tpu.memory_space<semaphore_mem>>)
          %dma_wait3A_246 = arith.constant 0 : i32
          %dma_wait3A_247 = tpu.memref_slice %arg4[%arg0, %add3A_80, %dma_wait3A_246] : memref<2x2560x128xi32, #tpu.memory_space<hbm>> -> memref<1x4x128xi32, #tpu.memory_space<hbm>>
          %dma_wait3A_248 = tpu.memref_squeeze %dma_wait3A_247 : memref<1x4x128xi32, #tpu.memory_space<hbm>> -> memref<4x128xi32, #tpu.memory_space<hbm>>
          %dma_wait3A_249 = arith.constant 0 : i32
          %dma_wait3A_250 = tpu.memref_slice %arg4[%arg0, %add3A_80, %dma_wait3A_249] : memref<2x2560x128xi32, #tpu.memory_space<hbm>> -> memref<1x4x128xi32, #tpu.memory_space<hbm>>
          %dma_wait3A_251 = tpu.memref_squeeze %dma_wait3A_250 : memref<1x4x128xi32, #tpu.memory_space<hbm>> -> memref<4x128xi32, #tpu.memory_space<hbm>>
          tpu.wait_dma2 semaphore(%run_scoped3A_239 : memref<!tpu.dma_semaphore, #tpu.memory_space<semaphore_mem>>) src(%dma_wait3A_251 : memref<4x128xi32, #tpu.memory_space<hbm>>) dst(%run_scoped3A_66 : memref<4x128xi32, #tpu.memory_space<vmem>>)
          tpu.yield
        }) : () -> ()
        %dma_start3A = arith.constant 0 : i32
        %dma_start3A_81 = arith.constant 0 : i32
        %dma_start3A_82 = arith.constant 0 : i32
        %dma_start3A_83 = tpu.memref_slice %arg10[%dma_start3A_81, %dma_start3A_82] : memref<512x64xf32, #tpu.memory_space<vmem>> -> memref<128x64xf32, #tpu.memory_space<vmem>>
        %dma_start3A_84 = arith.constant 0 : i32
        %dma_start3A_85 = tpu.memref_slice %run_scoped3A[%dma_start3A, %dma_start3A_84] : memref<4x128xi32, #tpu.memory_space<vmem>> -> memref<1x128xi32, #tpu.memory_space<vmem>>
        %dma_start3A_86 = tpu.memref_squeeze %dma_start3A_85 : memref<1x128xi32, #tpu.memory_space<vmem>> -> memref<128xi32, #tpu.memory_space<vmem>>
        %dma_start3A_87 = arith.constant 0 : i32
        %dma_start3A_88 = arith.constant 0 : i32
        %dma_start3A_89 = tpu.memref_slice %arg14[%dma_start3A_87, %dma_start3A_88] : memref<10240x64xf32, #tpu.memory_space<vmem_shared>> -> memref<10240x64xf32, #tpu.memory_space<vmem_shared>>
        tpu.enqueue_indirect_dma source(%dma_start3A_89 : memref<10240x64xf32, #tpu.memory_space<vmem_shared>>) target(%dma_start3A_83 : memref<128x64xf32, #tpu.memory_space<vmem>>) offsets(%dma_start3A_86 : memref<128xi32, #tpu.memory_space<vmem>>) semaphore(%run_scoped3A_67 : memref<!tpu.dma_semaphore, #tpu.memory_space<semaphore_mem>>)
        %dma_start3A_90 = arith.constant 1 : i32
        %dma_start3A_91 = arith.constant 128 : i32
        %dma_start3A_92 = arith.constant 0 : i32
        %dma_start3A_93 = tpu.memref_slice %arg10[%dma_start3A_91, %dma_start3A_92] : memref<512x64xf32, #tpu.memory_space<vmem>> -> memref<128x64xf32, #tpu.memory_space<vmem>>
        %dma_start3A_94 = arith.constant 0 : i32
        %dma_start3A_95 = tpu.memref_slice %run_scoped3A[%dma_start3A_90, %dma_start3A_94] : memref<4x128xi32, #tpu.memory_space<vmem>> -> memref<1x128xi32, #tpu.memory_space<vmem>>
        %dma_start3A_96 = tpu.memref_squeeze %dma_start3A_95 : memref<1x128xi32, #tpu.memory_space<vmem>> -> memref<128xi32, #tpu.memory_space<vmem>>
        %dma_start3A_97 = arith.constant 0 : i32
        %dma_start3A_98 = arith.constant 0 : i32
        %dma_start3A_99 = tpu.memref_slice %arg14[%dma_start3A_97, %dma_start3A_98] : memref<10240x64xf32, #tpu.memory_space<vmem_shared>> -> memref<10240x64xf32, #tpu.memory_space<vmem_shared>>
        tpu.enqueue_indirect_dma source(%dma_start3A_99 : memref<10240x64xf32, #tpu.memory_space<vmem_shared>>) target(%dma_start3A_93 : memref<128x64xf32, #tpu.memory_space<vmem>>) offsets(%dma_start3A_96 : memref<128xi32, #tpu.memory_space<vmem>>) semaphore(%run_scoped3A_67 : memref<!tpu.dma_semaphore, #tpu.memory_space<semaphore_mem>>)
        %dma_start3A_100 = arith.constant 2 : i32
        %dma_start3A_101 = arith.constant 256 : i32
        %dma_start3A_102 = arith.constant 0 : i32
        %dma_start3A_103 = tpu.memref_slice %arg10[%dma_start3A_101, %dma_start3A_102] : memref<512x64xf32, #tpu.memory_space<vmem>> -> memref<128x64xf32, #tpu.memory_space<vmem>>
        %dma_start3A_104 = arith.constant 0 : i32
        %dma_start3A_105 = tpu.memref_slice %run_scoped3A[%dma_start3A_100, %dma_start3A_104] : memref<4x128xi32, #tpu.memory_space<vmem>> -> memref<1x128xi32, #tpu.memory_space<vmem>>
        %dma_start3A_106 = tpu.memref_squeeze %dma_start3A_105 : memref<1x128xi32, #tpu.memory_space<vmem>> -> memref<128xi32, #tpu.memory_space<vmem>>
        %dma_start3A_107 = arith.constant 0 : i32
        %dma_start3A_108 = arith.constant 0 : i32
        %dma_start3A_109 = tpu.memref_slice %arg14[%dma_start3A_107, %dma_start3A_108] : memref<10240x64xf32, #tpu.memory_space<vmem_shared>> -> memref<10240x64xf32, #tpu.memory_space<vmem_shared>>
        tpu.enqueue_indirect_dma source(%dma_start3A_109 : memref<10240x64xf32, #tpu.memory_space<vmem_shared>>) target(%dma_start3A_103 : memref<128x64xf32, #tpu.memory_space<vmem>>) offsets(%dma_start3A_106 : memref<128xi32, #tpu.memory_space<vmem>>) semaphore(%run_scoped3A_67 : memref<!tpu.dma_semaphore, #tpu.memory_space<semaphore_mem>>)
        %dma_start3A_110 = arith.constant 3 : i32
        %dma_start3A_111 = arith.constant 384 : i32
        %dma_start3A_112 = arith.constant 0 : i32
        %dma_start3A_113 = tpu.memref_slice %arg10[%dma_start3A_111, %dma_start3A_112] : memref<512x64xf32, #tpu.memory_space<vmem>> -> memref<128x64xf32, #tpu.memory_space<vmem>>
        %dma_start3A_114 = arith.constant 0 : i32
        %dma_start3A_115 = tpu.memref_slice %run_scoped3A[%dma_start3A_110, %dma_start3A_114] : memref<4x128xi32, #tpu.memory_space<vmem>> -> memref<1x128xi32, #tpu.memory_space<vmem>>
        %dma_start3A_116 = tpu.memref_squeeze %dma_start3A_115 : memref<1x128xi32, #tpu.memory_space<vmem>> -> memref<128xi32, #tpu.memory_space<vmem>>
        %dma_start3A_117 = arith.constant 0 : i32
        %dma_start3A_118 = arith.constant 0 : i32
        %dma_start3A_119 = tpu.memref_slice %arg14[%dma_start3A_117, %dma_start3A_118] : memref<10240x64xf32, #tpu.memory_space<vmem_shared>> -> memref<10240x64xf32, #tpu.memory_space<vmem_shared>>
        tpu.enqueue_indirect_dma source(%dma_start3A_119 : memref<10240x64xf32, #tpu.memory_space<vmem_shared>>) target(%dma_start3A_113 : memref<128x64xf32, #tpu.memory_space<vmem>>) offsets(%dma_start3A_116 : memref<128xi32, #tpu.memory_space<vmem>>) semaphore(%run_scoped3A_67 : memref<!tpu.dma_semaphore, #tpu.memory_space<semaphore_mem>>)
        %dma_wait3A = arith.constant 0 : i32
        %dma_wait3A_120 = arith.constant 0 : i32
        %dma_wait3A_121 = arith.constant 0 : i32
        %dma_wait3A_122 = tpu.memref_slice %arg10[%dma_wait3A_120, %dma_wait3A_121] : memref<512x64xf32, #tpu.memory_space<vmem>> -> memref<128x64xf32, #tpu.memory_space<vmem>>
        %dma_wait3A_123 = arith.constant 0 : i32
        %dma_wait3A_124 = tpu.memref_slice %run_scoped3A[%dma_wait3A, %dma_wait3A_123] : memref<4x128xi32, #tpu.memory_space<vmem>> -> memref<1x128xi32, #tpu.memory_space<vmem>>
        %dma_wait3A_125 = tpu.memref_squeeze %dma_wait3A_124 : memref<1x128xi32, #tpu.memory_space<vmem>> -> memref<128xi32, #tpu.memory_space<vmem>>
        %dma_wait3A_126 = arith.constant 0 : i32
        %dma_wait3A_127 = arith.constant 0 : i32
        %dma_wait3A_128 = tpu.memref_slice %arg14[%dma_wait3A_126, %dma_wait3A_127] : memref<10240x64xf32, #tpu.memory_space<vmem_shared>> -> memref<10240x64xf32, #tpu.memory_space<vmem_shared>>
        tpu.wait_indirect_dma semaphore(%run_scoped3A_67 : memref<!tpu.dma_semaphore, #tpu.memory_space<semaphore_mem>>) src(%dma_wait3A_128 : memref<10240x64xf32, #tpu.memory_space<vmem_shared>>) dst(%dma_wait3A_122 : memref<128x64xf32, #tpu.memory_space<vmem>>)
        %dma_start3A_129 = arith.constant 0 : i32
        %dma_start3A_130 = arith.constant 0 : i32
        %dma_start3A_131 = arith.constant 0 : i32
        %dma_start3A_132 = tpu.memref_slice %arg10[%dma_start3A_130, %dma_start3A_131] : memref<512x64xf32, #tpu.memory_space<vmem>> -> memref<128x64xf32, #tpu.memory_space<vmem>>
        %dma_start3A_133 = arith.constant 0 : i32
        %dma_start3A_134 = tpu.memref_slice %run_scoped3A_66[%dma_start3A_129, %dma_start3A_133] : memref<4x128xi32, #tpu.memory_space<vmem>> -> memref<1x128xi32, #tpu.memory_space<vmem>>
        %dma_start3A_135 = tpu.memref_squeeze %dma_start3A_134 : memref<1x128xi32, #tpu.memory_space<vmem>> -> memref<128xi32, #tpu.memory_space<vmem>>
        %dma_start3A_136 = arith.constant 0 : i32
        %dma_start3A_137 = arith.constant 0 : i32
        %dma_start3A_138 = tpu.memref_slice %arg15[%dma_start3A_136, %dma_start3A_137] : memref<5120x64xf32, #tpu.memory_space<vmem_shared>> -> memref<5120x64xf32, #tpu.memory_space<vmem_shared>>
        tpu.enqueue_indirect_dma source(%dma_start3A_132 : memref<128x64xf32, #tpu.memory_space<vmem>>) target(%dma_start3A_138 : memref<5120x64xf32, #tpu.memory_space<vmem_shared>>) offsets(%dma_start3A_135 : memref<128xi32, #tpu.memory_space<vmem>>) semaphore(%run_scoped3A_68 : memref<!tpu.dma_semaphore, #tpu.memory_space<semaphore_mem>>) {add = true}
        %dma_wait3A_139 = arith.constant 1 : i32
        %dma_wait3A_140 = arith.constant 128 : i32
        %dma_wait3A_141 = arith.constant 0 : i32
        %dma_wait3A_142 = tpu.memref_slice %arg10[%dma_wait3A_140, %dma_wait3A_141] : memref<512x64xf32, #tpu.memory_space<vmem>> -> memref<128x64xf32, #tpu.memory_space<vmem>>
        %dma_wait3A_143 = arith.constant 0 : i32
        %dma_wait3A_144 = tpu.memref_slice %run_scoped3A[%dma_wait3A_139, %dma_wait3A_143] : memref<4x128xi32, #tpu.memory_space<vmem>> -> memref<1x128xi32, #tpu.memory_space<vmem>>
        %dma_wait3A_145 = tpu.memref_squeeze %dma_wait3A_144 : memref<1x128xi32, #tpu.memory_space<vmem>> -> memref<128xi32, #tpu.memory_space<vmem>>
        %dma_wait3A_146 = arith.constant 0 : i32
        %dma_wait3A_147 = arith.constant 0 : i32
        %dma_wait3A_148 = tpu.memref_slice %arg14[%dma_wait3A_146, %dma_wait3A_147] : memref<10240x64xf32, #tpu.memory_space<vmem_shared>> -> memref<10240x64xf32, #tpu.memory_space<vmem_shared>>
        tpu.wait_indirect_dma semaphore(%run_scoped3A_67 : memref<!tpu.dma_semaphore, #tpu.memory_space<semaphore_mem>>) src(%dma_wait3A_148 : memref<10240x64xf32, #tpu.memory_space<vmem_shared>>) dst(%dma_wait3A_142 : memref<128x64xf32, #tpu.memory_space<vmem>>)
        %dma_start3A_149 = arith.constant 1 : i32
        %dma_start3A_150 = arith.constant 128 : i32
        %dma_start3A_151 = arith.constant 0 : i32
        %dma_start3A_152 = tpu.memref_slice %arg10[%dma_start3A_150, %dma_start3A_151] : memref<512x64xf32, #tpu.memory_space<vmem>> -> memref<128x64xf32, #tpu.memory_space<vmem>>
        %dma_start3A_153 = arith.constant 0 : i32
        %dma_start3A_154 = tpu.memref_slice %run_scoped3A_66[%dma_start3A_149, %dma_start3A_153] : memref<4x128xi32, #tpu.memory_space<vmem>> -> memref<1x128xi32, #tpu.memory_space<vmem>>
        %dma_start3A_155 = tpu.memref_squeeze %dma_start3A_154 : memref<1x128xi32, #tpu.memory_space<vmem>> -> memref<128xi32, #tpu.memory_space<vmem>>
        %dma_start3A_156 = arith.constant 0 : i32
        %dma_start3A_157 = arith.constant 0 : i32
        %dma_start3A_158 = tpu.memref_slice %arg15[%dma_start3A_156, %dma_start3A_157] : memref<5120x64xf32, #tpu.memory_space<vmem_shared>> -> memref<5120x64xf32, #tpu.memory_space<vmem_shared>>
        tpu.enqueue_indirect_dma source(%dma_start3A_152 : memref<128x64xf32, #tpu.memory_space<vmem>>) target(%dma_start3A_158 : memref<5120x64xf32, #tpu.memory_space<vmem_shared>>) offsets(%dma_start3A_155 : memref<128xi32, #tpu.memory_space<vmem>>) semaphore(%run_scoped3A_68 : memref<!tpu.dma_semaphore, #tpu.memory_space<semaphore_mem>>) {add = true}
        %dma_wait3A_159 = arith.constant 2 : i32
        %dma_wait3A_160 = arith.constant 256 : i32
        %dma_wait3A_161 = arith.constant 0 : i32
        %dma_wait3A_162 = tpu.memref_slice %arg10[%dma_wait3A_160, %dma_wait3A_161] : memref<512x64xf32, #tpu.memory_space<vmem>> -> memref<128x64xf32, #tpu.memory_space<vmem>>
        %dma_wait3A_163 = arith.constant 0 : i32
        %dma_wait3A_164 = tpu.memref_slice %run_scoped3A[%dma_wait3A_159, %dma_wait3A_163] : memref<4x128xi32, #tpu.memory_space<vmem>> -> memref<1x128xi32, #tpu.memory_space<vmem>>
        %dma_wait3A_165 = tpu.memref_squeeze %dma_wait3A_164 : memref<1x128xi32, #tpu.memory_space<vmem>> -> memref<128xi32, #tpu.memory_space<vmem>>
        %dma_wait3A_166 = arith.constant 0 : i32
        %dma_wait3A_167 = arith.constant 0 : i32
        %dma_wait3A_168 = tpu.memref_slice %arg14[%dma_wait3A_166, %dma_wait3A_167] : memref<10240x64xf32, #tpu.memory_space<vmem_shared>> -> memref<10240x64xf32, #tpu.memory_space<vmem_shared>>
        tpu.wait_indirect_dma semaphore(%run_scoped3A_67 : memref<!tpu.dma_semaphore, #tpu.memory_space<semaphore_mem>>) src(%dma_wait3A_168 : memref<10240x64xf32, #tpu.memory_space<vmem_shared>>) dst(%dma_wait3A_162 : memref<128x64xf32, #tpu.memory_space<vmem>>)
        %dma_start3A_169 = arith.constant 2 : i32
        %dma_start3A_170 = arith.constant 256 : i32
        %dma_start3A_171 = arith.constant 0 : i32
        %dma_start3A_172 = tpu.memref_slice %arg10[%dma_start3A_170, %dma_start3A_171] : memref<512x64xf32, #tpu.memory_space<vmem>> -> memref<128x64xf32, #tpu.memory_space<vmem>>
        %dma_start3A_173 = arith.constant 0 : i32
        %dma_start3A_174 = tpu.memref_slice %run_scoped3A_66[%dma_start3A_169, %dma_start3A_173] : memref<4x128xi32, #tpu.memory_space<vmem>> -> memref<1x128xi32, #tpu.memory_space<vmem>>
        %dma_start3A_175 = tpu.memref_squeeze %dma_start3A_174 : memref<1x128xi32, #tpu.memory_space<vmem>> -> memref<128xi32, #tpu.memory_space<vmem>>
        %dma_start3A_176 = arith.constant 0 : i32
        %dma_start3A_177 = arith.constant 0 : i32
        %dma_start3A_178 = tpu.memref_slice %arg15[%dma_start3A_176, %dma_start3A_177] : memref<5120x64xf32, #tpu.memory_space<vmem_shared>> -> memref<5120x64xf32, #tpu.memory_space<vmem_shared>>
        tpu.enqueue_indirect_dma source(%dma_start3A_172 : memref<128x64xf32, #tpu.memory_space<vmem>>) target(%dma_start3A_178 : memref<5120x64xf32, #tpu.memory_space<vmem_shared>>) offsets(%dma_start3A_175 : memref<128xi32, #tpu.memory_space<vmem>>) semaphore(%run_scoped3A_68 : memref<!tpu.dma_semaphore, #tpu.memory_space<semaphore_mem>>) {add = true}
        %dma_wait3A_179 = arith.constant 3 : i32
        %dma_wait3A_180 = arith.constant 384 : i32
        %dma_wait3A_181 = arith.constant 0 : i32
        %dma_wait3A_182 = tpu.memref_slice %arg10[%dma_wait3A_180, %dma_wait3A_181] : memref<512x64xf32, #tpu.memory_space<vmem>> -> memref<128x64xf32, #tpu.memory_space<vmem>>
        %dma_wait3A_183 = arith.constant 0 : i32
        %dma_wait3A_184 = tpu.memref_slice %run_scoped3A[%dma_wait3A_179, %dma_wait3A_183] : memref<4x128xi32, #tpu.memory_space<vmem>> -> memref<1x128xi32, #tpu.memory_space<vmem>>
        %dma_wait3A_185 = tpu.memref_squeeze %dma_wait3A_184 : memref<1x128xi32, #tpu.memory_space<vmem>> -> memref<128xi32, #tpu.memory_space<vmem>>
        %dma_wait3A_186 = arith.constant 0 : i32
        %dma_wait3A_187 = arith.constant 0 : i32
        %dma_wait3A_188 = tpu.memref_slice %arg14[%dma_wait3A_186, %dma_wait3A_187] : memref<10240x64xf32, #tpu.memory_space<vmem_shared>> -> memref<10240x64xf32, #tpu.memory_space<vmem_shared>>
        tpu.wait_indirect_dma semaphore(%run_scoped3A_67 : memref<!tpu.dma_semaphore, #tpu.memory_space<semaphore_mem>>) src(%dma_wait3A_188 : memref<10240x64xf32, #tpu.memory_space<vmem_shared>>) dst(%dma_wait3A_182 : memref<128x64xf32, #tpu.memory_space<vmem>>)
        %dma_start3A_189 = arith.constant 3 : i32
        %dma_start3A_190 = arith.constant 384 : i32
        %dma_start3A_191 = arith.constant 0 : i32
        %dma_start3A_192 = tpu.memref_slice %arg10[%dma_start3A_190, %dma_start3A_191] : memref<512x64xf32, #tpu.memory_space<vmem>> -> memref<128x64xf32, #tpu.memory_space<vmem>>
        %dma_start3A_193 = arith.constant 0 : i32
        %dma_start3A_194 = tpu.memref_slice %run_scoped3A_66[%dma_start3A_189, %dma_start3A_193] : memref<4x128xi32, #tpu.memory_space<vmem>> -> memref<1x128xi32, #tpu.memory_space<vmem>>
        %dma_start3A_195 = tpu.memref_squeeze %dma_start3A_194 : memref<1x128xi32, #tpu.memory_space<vmem>> -> memref<128xi32, #tpu.memory_space<vmem>>
        %dma_start3A_196 = arith.constant 0 : i32
        %dma_start3A_197 = arith.constant 0 : i32
        %dma_start3A_198 = tpu.memref_slice %arg15[%dma_start3A_196, %dma_start3A_197] : memref<5120x64xf32, #tpu.memory_space<vmem_shared>> -> memref<5120x64xf32, #tpu.memory_space<vmem_shared>>
        tpu.enqueue_indirect_dma source(%dma_start3A_192 : memref<128x64xf32, #tpu.memory_space<vmem>>) target(%dma_start3A_198 : memref<5120x64xf32, #tpu.memory_space<vmem_shared>>) offsets(%dma_start3A_195 : memref<128xi32, #tpu.memory_space<vmem>>) semaphore(%run_scoped3A_68 : memref<!tpu.dma_semaphore, #tpu.memory_space<semaphore_mem>>) {add = true}
        %dma_wait3A_199 = arith.constant 0 : i32
        %dma_wait3A_200 = arith.constant 0 : i32
        %dma_wait3A_201 = arith.constant 0 : i32
        %dma_wait3A_202 = tpu.memref_slice %arg10[%dma_wait3A_200, %dma_wait3A_201] : memref<512x64xf32, #tpu.memory_space<vmem>> -> memref<128x64xf32, #tpu.memory_space<vmem>>
        %dma_wait3A_203 = arith.constant 0 : i32
        %dma_wait3A_204 = tpu.memref_slice %run_scoped3A_66[%dma_wait3A_199, %dma_wait3A_203] : memref<4x128xi32, #tpu.memory_space<vmem>> -> memref<1x128xi32, #tpu.memory_space<vmem>>
        %dma_wait3A_205 = tpu.memref_squeeze %dma_wait3A_204 : memref<1x128xi32, #tpu.memory_space<vmem>> -> memref<128xi32, #tpu.memory_space<vmem>>
        %dma_wait3A_206 = arith.constant 0 : i32
        %dma_wait3A_207 = arith.constant 0 : i32
        %dma_wait3A_208 = tpu.memref_slice %arg15[%dma_wait3A_206, %dma_wait3A_207] : memref<5120x64xf32, #tpu.memory_space<vmem_shared>> -> memref<5120x64xf32, #tpu.memory_space<vmem_shared>>
        tpu.wait_indirect_dma semaphore(%run_scoped3A_68 : memref<!tpu.dma_semaphore, #tpu.memory_space<semaphore_mem>>) src(%dma_wait3A_202 : memref<128x64xf32, #tpu.memory_space<vmem>>) dst(%dma_wait3A_208 : memref<5120x64xf32, #tpu.memory_space<vmem_shared>>)
        %dma_wait3A_209 = arith.constant 1 : i32
        %dma_wait3A_210 = arith.constant 128 : i32
        %dma_wait3A_211 = arith.constant 0 : i32
        %dma_wait3A_212 = tpu.memref_slice %arg10[%dma_wait3A_210, %dma_wait3A_211] : memref<512x64xf32, #tpu.memory_space<vmem>> -> memref<128x64xf32, #tpu.memory_space<vmem>>
        %dma_wait3A_213 = arith.constant 0 : i32
        %dma_wait3A_214 = tpu.memref_slice %run_scoped3A_66[%dma_wait3A_209, %dma_wait3A_213] : memref<4x128xi32, #tpu.memory_space<vmem>> -> memref<1x128xi32, #tpu.memory_space<vmem>>
        %dma_wait3A_215 = tpu.memref_squeeze %dma_wait3A_214 : memref<1x128xi32, #tpu.memory_space<vmem>> -> memref<128xi32, #tpu.memory_space<vmem>>
        %dma_wait3A_216 = arith.constant 0 : i32
        %dma_wait3A_217 = arith.constant 0 : i32
        %dma_wait3A_218 = tpu.memref_slice %arg15[%dma_wait3A_216, %dma_wait3A_217] : memref<5120x64xf32, #tpu.memory_space<vmem_shared>> -> memref<5120x64xf32, #tpu.memory_space<vmem_shared>>
        tpu.wait_indirect_dma semaphore(%run_scoped3A_68 : memref<!tpu.dma_semaphore, #tpu.memory_space<semaphore_mem>>) src(%dma_wait3A_212 : memref<128x64xf32, #tpu.memory_space<vmem>>) dst(%dma_wait3A_218 : memref<5120x64xf32, #tpu.memory_space<vmem_shared>>)
        %dma_wait3A_219 = arith.constant 2 : i32
        %dma_wait3A_220 = arith.constant 256 : i32
        %dma_wait3A_221 = arith.constant 0 : i32
        %dma_wait3A_222 = tpu.memref_slice %arg10[%dma_wait3A_220, %dma_wait3A_221] : memref<512x64xf32, #tpu.memory_space<vmem>> -> memref<128x64xf32, #tpu.memory_space<vmem>>
        %dma_wait3A_223 = arith.constant 0 : i32
        %dma_wait3A_224 = tpu.memref_slice %run_scoped3A_66[%dma_wait3A_219, %dma_wait3A_223] : memref<4x128xi32, #tpu.memory_space<vmem>> -> memref<1x128xi32, #tpu.memory_space<vmem>>
        %dma_wait3A_225 = tpu.memref_squeeze %dma_wait3A_224 : memref<1x128xi32, #tpu.memory_space<vmem>> -> memref<128xi32, #tpu.memory_space<vmem>>
        %dma_wait3A_226 = arith.constant 0 : i32
        %dma_wait3A_227 = arith.constant 0 : i32
        %dma_wait3A_228 = tpu.memref_slice %arg15[%dma_wait3A_226, %dma_wait3A_227] : memref<5120x64xf32, #tpu.memory_space<vmem_shared>> -> memref<5120x64xf32, #tpu.memory_space<vmem_shared>>
        tpu.wait_indirect_dma semaphore(%run_scoped3A_68 : memref<!tpu.dma_semaphore, #tpu.memory_space<semaphore_mem>>) src(%dma_wait3A_222 : memref<128x64xf32, #tpu.memory_space<vmem>>) dst(%dma_wait3A_228 : memref<5120x64xf32, #tpu.memory_space<vmem_shared>>)
        %dma_wait3A_229 = arith.constant 3 : i32
        %dma_wait3A_230 = arith.constant 384 : i32
        %dma_wait3A_231 = arith.constant 0 : i32
        %dma_wait3A_232 = tpu.memref_slice %arg10[%dma_wait3A_230, %dma_wait3A_231] : memref<512x64xf32, #tpu.memory_space<vmem>> -> memref<128x64xf32, #tpu.memory_space<vmem>>
        %dma_wait3A_233 = arith.constant 0 : i32
        %dma_wait3A_234 = tpu.memref_slice %run_scoped3A_66[%dma_wait3A_229, %dma_wait3A_233] : memref<4x128xi32, #tpu.memory_space<vmem>> -> memref<1x128xi32, #tpu.memory_space<vmem>>
        %dma_wait3A_235 = tpu.memref_squeeze %dma_wait3A_234 : memref<1x128xi32, #tpu.memory_space<vmem>> -> memref<128xi32, #tpu.memory_space<vmem>>
        %dma_wait3A_236 = arith.constant 0 : i32
        %dma_wait3A_237 = arith.constant 0 : i32
        %dma_wait3A_238 = tpu.memref_slice %arg15[%dma_wait3A_236, %dma_wait3A_237] : memref<5120x64xf32, #tpu.memory_space<vmem_shared>> -> memref<5120x64xf32, #tpu.memory_space<vmem_shared>>
        tpu.wait_indirect_dma semaphore(%run_scoped3A_68 : memref<!tpu.dma_semaphore, #tpu.memory_space<semaphore_mem>>) src(%dma_wait3A_232 : memref<128x64xf32, #tpu.memory_space<vmem>>) dst(%dma_wait3A_238 : memref<5120x64xf32, #tpu.memory_space<vmem_shared>>)
      }
      %scan3A_74 = arith.constant 40 : i32
      tpu.yield
    }) : () -> ()
    %barrier3A_25 = arith.constant 0 : index
    tpu.barrier barrier_id(%barrier3A_25)
    %mul3A_26 = arith.constant 320 : i32
    %mul3A_27 = arith.muli %arg1, %mul3A_26 : i32
    "tpu.region"() ({
      %run_scoped3A = tpu.sem_alloc : memref<!tpu.dma_semaphore, #tpu.memory_space<semaphore_mem>>
      %dma_start3A = arith.constant 0 : i32
      %dma_start3A_66 = arith.constant 0 : i32
      %dma_start3A_67 = tpu.memref_slice %arg13[%dma_start3A, %dma_start3A_66] : memref<320x64xf32, #tpu.memory_space<vmem>> -> memref<320x64xf32, #tpu.memory_space<vmem>>
      %dma_start3A_68 = arith.constant 0 : i32
      %dma_start3A_69 = tpu.memref_slice %arg15[%mul3A_27, %dma_start3A_68] : memref<5120x64xf32, #tpu.memory_space<vmem_shared>> -> memref<320x64xf32, #tpu.memory_space<vmem_shared>>
      %dma_start3A_70 = arith.constant 0 : i32
      %dma_start3A_71 = arith.constant 0 : i32
      %dma_start3A_72 = tpu.memref_slice %arg13[%dma_start3A_70, %dma_start3A_71] : memref<320x64xf32, #tpu.memory_space<vmem>> -> memref<320x64xf32, #tpu.memory_space<vmem>>
      %dma_start3A_73 = arith.constant 0 : i32
      %dma_start3A_74 = tpu.memref_slice %arg15[%mul3A_27, %dma_start3A_73] : memref<5120x64xf32, #tpu.memory_space<vmem_shared>> -> memref<320x64xf32, #tpu.memory_space<vmem_shared>>
      tpu.enqueue_dma source(%dma_start3A_74 : memref<320x64xf32, #tpu.memory_space<vmem_shared>>) target(%dma_start3A_72 : memref<320x64xf32, #tpu.memory_space<vmem>>) target_semaphore(%run_scoped3A : memref<!tpu.dma_semaphore, #tpu.memory_space<semaphore_mem>>)
      %dma_wait3A = arith.constant 0 : i32
      %dma_wait3A_75 = arith.constant 0 : i32
      %dma_wait3A_76 = tpu.memref_slice %arg13[%dma_wait3A, %dma_wait3A_75] : memref<320x64xf32, #tpu.memory_space<vmem>> -> memref<320x64xf32, #tpu.memory_space<vmem>>
      %dma_wait3A_77 = arith.constant 0 : i32
      %dma_wait3A_78 = tpu.memref_slice %arg15[%mul3A_27, %dma_wait3A_77] : memref<5120x64xf32, #tpu.memory_space<vmem_shared>> -> memref<320x64xf32, #tpu.memory_space<vmem_shared>>
      %dma_wait3A_79 = arith.constant 0 : i32
      %dma_wait3A_80 = arith.constant 0 : i32
      %dma_wait3A_81 = tpu.memref_slice %arg13[%dma_wait3A_79, %dma_wait3A_80] : memref<320x64xf32, #tpu.memory_space<vmem>> -> memref<320x64xf32, #tpu.memory_space<vmem>>
      %dma_wait3A_82 = arith.constant 0 : i32
      %dma_wait3A_83 = tpu.memref_slice %arg15[%mul3A_27, %dma_wait3A_82] : memref<5120x64xf32, #tpu.memory_space<vmem_shared>> -> memref<320x64xf32, #tpu.memory_space<vmem_shared>>
      tpu.wait_dma2 semaphore(%run_scoped3A : memref<!tpu.dma_semaphore, #tpu.memory_space<semaphore_mem>>) src(%dma_wait3A_83 : memref<320x64xf32, #tpu.memory_space<vmem_shared>>) dst(%dma_wait3A_81 : memref<320x64xf32, #tpu.memory_space<vmem>>)
      tpu.yield
    }) : () -> ()
    %scan3A_28 = arith.constant 0 : i32
    %scan3A_29 = arith.constant 0 : i32
    %scan3A_30 = arith.constant 320 : i32
    %scan3A_31 = arith.addi %scan3A_29, %scan3A_30 : i32
    %scan3A_32 = arith.constant 1 : i32
    scf.for %scan3A_66 = %scan3A_29 to %scan3A_31 step %scan3A_32  : i32 {
      %broadcast_in_dim3A = arith.constant 0 : i32
      %broadcast_in_dim3A_67 = vector.broadcast %broadcast_in_dim3A : i32 to vector<16xi32>
      %add3A_68 = vector.broadcast %scan3A_66 : i32 to vector<16xi32>
      %add3A_69 = arith.addi %broadcast_in_dim3A_67, %add3A_68 : vector<16xi32>
      %gather3A = tpu.vector_load_idx %arg11[%add3A_69] : memref<320xf32, #tpu.memory_space<vmem>>[vector<16xi32>], vector<16xf32>,
      %get3A = arith.index_cast %scan3A_66 : i32 to index
      %get3A_70 = arith.constant 0 : index
      %get3A_71 = tpu.vector_load %arg13[%get3A, %get3A_70] {strides = array<i32>} : memref<320x64xf32, #tpu.memory_space<vmem>>, vector<16xf32>,
      %mul3A_72 = arith.mulf %get3A_71, %gather3A : vector<16xf32>
      %swap3A = arith.index_cast %scan3A_66 : i32 to index
      %swap3A_73 = arith.constant 0 : index
      %swap3A_74 = tpu.vector_load %arg13[%swap3A, %swap3A_73] {strides = array<i32>} : memref<320x64xf32, #tpu.memory_space<vmem>>, vector<16xf32>,
      tpu.vector_store %arg13[%swap3A, %swap3A_73], %mul3A_72 {strides = array<i32>} : memref<320x64xf32, #tpu.memory_space<vmem>>, vector<16xf32>,
      %get3A_75 = arith.index_cast %scan3A_66 : i32 to index
      %get3A_76 = arith.constant 16 : index
      %get3A_77 = tpu.vector_load %arg13[%get3A_75, %get3A_76] {strides = array<i32>} : memref<320x64xf32, #tpu.memory_space<vmem>>, vector<16xf32>,
      %mul3A_78 = arith.mulf %get3A_77, %gather3A : vector<16xf32>
      %swap3A_79 = arith.index_cast %scan3A_66 : i32 to index
      %swap3A_80 = arith.constant 16 : index
      %swap3A_81 = tpu.vector_load %arg13[%swap3A_79, %swap3A_80] {strides = array<i32>} : memref<320x64xf32, #tpu.memory_space<vmem>>, vector<16xf32>,
      tpu.vector_store %arg13[%swap3A_79, %swap3A_80], %mul3A_78 {strides = array<i32>} : memref<320x64xf32, #tpu.memory_space<vmem>>, vector<16xf32>,
      %get3A_82 = arith.index_cast %scan3A_66 : i32 to index
      %get3A_83 = arith.constant 32 : index
      %get3A_84 = tpu.vector_load %arg13[%get3A_82, %get3A_83] {strides = array<i32>} : memref<320x64xf32, #tpu.memory_space<vmem>>, vector<16xf32>,
      %mul3A_85 = arith.mulf %get3A_84, %gather3A : vector<16xf32>
      %swap3A_86 = arith.index_cast %scan3A_66 : i32 to index
      %swap3A_87 = arith.constant 32 : index
      %swap3A_88 = tpu.vector_load %arg13[%swap3A_86, %swap3A_87] {strides = array<i32>} : memref<320x64xf32, #tpu.memory_space<vmem>>, vector<16xf32>,
      tpu.vector_store %arg13[%swap3A_86, %swap3A_87], %mul3A_85 {strides = array<i32>} : memref<320x64xf32, #tpu.memory_space<vmem>>, vector<16xf32>,
      %get3A_89 = arith.index_cast %scan3A_66 : i32 to index
      %get3A_90 = arith.constant 48 : index
      %get3A_91 = tpu.vector_load %arg13[%get3A_89, %get3A_90] {strides = array<i32>} : memref<320x64xf32, #tpu.memory_space<vmem>>, vector<16xf32>,
      %mul3A_92 = arith.mulf %get3A_91, %gather3A : vector<16xf32>
      %swap3A_93 = arith.index_cast %scan3A_66 : i32 to index
      %swap3A_94 = arith.constant 48 : index
      %swap3A_95 = tpu.vector_load %arg13[%swap3A_93, %swap3A_94] {strides = array<i32>} : memref<320x64xf32, #tpu.memory_space<vmem>>, vector<16xf32>,
      tpu.vector_store %arg13[%swap3A_93, %swap3A_94], %mul3A_92 {strides = array<i32>} : memref<320x64xf32, #tpu.memory_space<vmem>>, vector<16xf32>,
    }
    %scan3A_33 = arith.constant 320 : i32
    %mul3A_34 = arith.constant 320 : i32
    %mul3A_35 = arith.muli %arg1, %mul3A_34 : i32
    "tpu.region"() ({
      %run_scoped3A = tpu.sem_alloc : memref<!tpu.dma_semaphore, #tpu.memory_space<semaphore_mem>>
      %dma_start3A = arith.constant 0 : i32
      %dma_start3A_66 = arith.constant 0 : i32
      %dma_start3A_67 = tpu.memref_slice %arg13[%dma_start3A, %dma_start3A_66] : memref<320x64xf32, #tpu.memory_space<vmem>> -> memref<320x64xf32, #tpu.memory_space<vmem>>
      %dma_start3A_68 = arith.constant 0 : i32
      %dma_start3A_69 = tpu.memref_slice %arg15[%mul3A_35, %dma_start3A_68] : memref<5120x64xf32, #tpu.memory_space<vmem_shared>> -> memref<320x64xf32, #tpu.memory_space<vmem_shared>>
      %dma_start3A_70 = arith.constant 0 : i32
      %dma_start3A_71 = tpu.memref_slice %arg15[%mul3A_35, %dma_start3A_70] : memref<5120x64xf32, #tpu.memory_space<vmem_shared>> -> memref<320x64xf32, #tpu.memory_space<vmem_shared>>
      %dma_start3A_72 = arith.constant 0 : i32
      %dma_start3A_73 = arith.constant 0 : i32
      %dma_start3A_74 = tpu.memref_slice %arg13[%dma_start3A_72, %dma_start3A_73] : memref<320x64xf32, #tpu.memory_space<vmem>> -> memref<320x64xf32, #tpu.memory_space<vmem>>
      tpu.enqueue_dma source(%dma_start3A_74 : memref<320x64xf32, #tpu.memory_space<vmem>>) target(%dma_start3A_71 : memref<320x64xf32, #tpu.memory_space<vmem_shared>>) target_semaphore(%run_scoped3A : memref<!tpu.dma_semaphore, #tpu.memory_space<semaphore_mem>>)
      %dma_wait3A = arith.constant 0 : i32
      %dma_wait3A_75 = arith.constant 0 : i32
      %dma_wait3A_76 = tpu.memref_slice %arg13[%dma_wait3A, %dma_wait3A_75] : memref<320x64xf32, #tpu.memory_space<vmem>> -> memref<320x64xf32, #tpu.memory_space<vmem>>
      %dma_wait3A_77 = arith.constant 0 : i32
      %dma_wait3A_78 = tpu.memref_slice %arg15[%mul3A_35, %dma_wait3A_77] : memref<5120x64xf32, #tpu.memory_space<vmem_shared>> -> memref<320x64xf32, #tpu.memory_space<vmem_shared>>
      %dma_wait3A_79 = arith.constant 0 : i32
      %dma_wait3A_80 = tpu.memref_slice %arg15[%mul3A_35, %dma_wait3A_79] : memref<5120x64xf32, #tpu.memory_space<vmem_shared>> -> memref<320x64xf32, #tpu.memory_space<vmem_shared>>
      %dma_wait3A_81 = arith.constant 0 : i32
      %dma_wait3A_82 = arith.constant 0 : i32
      %dma_wait3A_83 = tpu.memref_slice %arg13[%dma_wait3A_81, %dma_wait3A_82] : memref<320x64xf32, #tpu.memory_space<vmem>> -> memref<320x64xf32, #tpu.memory_space<vmem>>
      tpu.wait_dma2 semaphore(%run_scoped3A : memref<!tpu.dma_semaphore, #tpu.memory_space<semaphore_mem>>) src(%dma_wait3A_83 : memref<320x64xf32, #tpu.memory_space<vmem>>) dst(%dma_wait3A_80 : memref<320x64xf32, #tpu.memory_space<vmem_shared>>)
      tpu.yield
    }) : () -> ()
    %mul3A_36 = arith.constant 640 : i32
    %mul3A_37 = arith.muli %arg1, %mul3A_36 : i32
    %add3A_38 = arith.constant 0 : i32
    %add3A_39 = arith.addi %mul3A_37, %add3A_38 : i32
    "tpu.region"() ({
      %run_scoped3A = tpu.sem_alloc : memref<!tpu.dma_semaphore, #tpu.memory_space<semaphore_mem>>
      %dma_start3A = arith.constant 0 : i32
      %dma_start3A_66 = tpu.memref_slice %arg14[%add3A_39, %dma_start3A] : memref<10240x64xf32, #tpu.memory_space<vmem_shared>> -> memref<320x64xf32, #tpu.memory_space<vmem_shared>>
      %dma_start3A_67 = arith.constant 0 : i32
      %dma_start3A_68 = tpu.memref_slice %arg8[%add3A_39, %dma_start3A_67] : memref<10240x64xf32, #tpu.memory_space<hbm>> -> memref<320x64xf32, #tpu.memory_space<hbm>>
      tpu.enqueue_dma source(%dma_start3A_68 : memref<320x64xf32, #tpu.memory_space<hbm>>) target(%dma_start3A_66 : memref<320x64xf32, #tpu.memory_space<vmem_shared>>) target_semaphore(%run_scoped3A : memref<!tpu.dma_semaphore, #tpu.memory_space<semaphore_mem>>)
      %dma_wait3A = arith.constant 0 : i32
      %dma_wait3A_69 = tpu.memref_slice %arg14[%add3A_39, %dma_wait3A] : memref<10240x64xf32, #tpu.memory_space<vmem_shared>> -> memref<320x64xf32, #tpu.memory_space<vmem_shared>>
      %dma_wait3A_70 = arith.constant 0 : i32
      %dma_wait3A_71 = tpu.memref_slice %arg8[%add3A_39, %dma_wait3A_70] : memref<10240x64xf32, #tpu.memory_space<hbm>> -> memref<320x64xf32, #tpu.memory_space<hbm>>
      tpu.wait_dma2 semaphore(%run_scoped3A : memref<!tpu.dma_semaphore, #tpu.memory_space<semaphore_mem>>) src(%dma_wait3A_71 : memref<320x64xf32, #tpu.memory_space<hbm>>) dst(%dma_wait3A_69 : memref<320x64xf32, #tpu.memory_space<vmem_shared>>)
      tpu.yield
    }) : () -> ()
    %mul3A_40 = arith.constant 640 : i32
    %mul3A_41 = arith.muli %arg1, %mul3A_40 : i32
    %add3A_42 = arith.constant 320 : i32
    %add3A_43 = arith.addi %mul3A_41, %add3A_42 : i32
    "tpu.region"() ({
      %run_scoped3A = tpu.sem_alloc : memref<!tpu.dma_semaphore, #tpu.memory_space<semaphore_mem>>
      %dma_start3A = arith.constant 0 : i32
      %dma_start3A_66 = tpu.memref_slice %arg14[%add3A_43, %dma_start3A] : memref<10240x64xf32, #tpu.memory_space<vmem_shared>> -> memref<320x64xf32, #tpu.memory_space<vmem_shared>>
      %dma_start3A_67 = arith.constant 0 : i32
      %dma_start3A_68 = tpu.memref_slice %arg8[%add3A_43, %dma_start3A_67] : memref<10240x64xf32, #tpu.memory_space<hbm>> -> memref<320x64xf32, #tpu.memory_space<hbm>>
      tpu.enqueue_dma source(%dma_start3A_68 : memref<320x64xf32, #tpu.memory_space<hbm>>) target(%dma_start3A_66 : memref<320x64xf32, #tpu.memory_space<vmem_shared>>) target_semaphore(%run_scoped3A : memref<!tpu.dma_semaphore, #tpu.memory_space<semaphore_mem>>)
      %dma_wait3A = arith.constant 0 : i32
      %dma_wait3A_69 = tpu.memref_slice %arg14[%add3A_43, %dma_wait3A] : memref<10240x64xf32, #tpu.memory_space<vmem_shared>> -> memref<320x64xf32, #tpu.memory_space<vmem_shared>>
      %dma_wait3A_70 = arith.constant 0 : i32
      %dma_wait3A_71 = tpu.memref_slice %arg8[%add3A_43, %dma_wait3A_70] : memref<10240x64xf32, #tpu.memory_space<hbm>> -> memref<320x64xf32, #tpu.memory_space<hbm>>
      tpu.wait_dma2 semaphore(%run_scoped3A : memref<!tpu.dma_semaphore, #tpu.memory_space<semaphore_mem>>) src(%dma_wait3A_71 : memref<320x64xf32, #tpu.memory_space<hbm>>) dst(%dma_wait3A_69 : memref<320x64xf32, #tpu.memory_space<vmem_shared>>)
      tpu.yield
    }) : () -> ()
    %barrier3A_44 = arith.constant 0 : index
    tpu.barrier barrier_id(%barrier3A_44)
    "tpu.region"() ({
      %run_scoped3A = memref.alloca() : memref<4x128xi32, #tpu.memory_space<vmem>>
      %run_scoped3A_66 = memref.alloca() : memref<4x128xi32, #tpu.memory_space<vmem>>
      %run_scoped3A_67 = tpu.sem_alloc : memref<!tpu.dma_semaphore, #tpu.memory_space<semaphore_mem>>
      %run_scoped3A_68 = tpu.sem_alloc : memref<!tpu.dma_semaphore, #tpu.memory_space<semaphore_mem>>
      %scan3A_69 = arith.constant 0 : i32
      %scan3A_70 = arith.constant 0 : i32
      %scan3A_71 = arith.constant 40 : i32
      %scan3A_72 = arith.addi %scan3A_70, %scan3A_71 : i32
      %scan3A_73 = arith.constant 1 : i32
      scf.for %scan3A_75 = %scan3A_70 to %scan3A_72 step %scan3A_73  : i32 {
        %mul3A_76 = arith.constant 160 : i32
        %mul3A_77 = arith.muli %arg1, %mul3A_76 : i32
        %mul3A_78 = arith.constant 4 : i32
        %mul3A_79 = arith.muli %scan3A_75, %mul3A_78 : i32
        %add3A_80 = arith.addi %mul3A_77, %mul3A_79 : i32
        "tpu.region"() ({
          %run_scoped3A_239 = tpu.sem_alloc : memref<!tpu.dma_semaphore, #tpu.memory_space<semaphore_mem>>
          %dma_start3A_240 = arith.constant 0 : i32
          %dma_start3A_241 = tpu.memref_slice %arg4[%arg0, %add3A_80, %dma_start3A_240] : memref<2x2560x128xi32, #tpu.memory_space<hbm>> -> memref<1x4x128xi32, #tpu.memory_space<hbm>>
          %dma_start3A_242 = tpu.memref_squeeze %dma_start3A_241 : memref<1x4x128xi32, #tpu.memory_space<hbm>> -> memref<4x128xi32, #tpu.memory_space<hbm>>
          %dma_start3A_243 = arith.constant 0 : i32
          %dma_start3A_244 = tpu.memref_slice %arg4[%arg0, %add3A_80, %dma_start3A_243] : memref<2x2560x128xi32, #tpu.memory_space<hbm>> -> memref<1x4x128xi32, #tpu.memory_space<hbm>>
          %dma_start3A_245 = tpu.memref_squeeze %dma_start3A_244 : memref<1x4x128xi32, #tpu.memory_space<hbm>> -> memref<4x128xi32, #tpu.memory_space<hbm>>
          tpu.enqueue_dma source(%dma_start3A_245 : memref<4x128xi32, #tpu.memory_space<hbm>>) target(%run_scoped3A : memref<4x128xi32, #tpu.memory_space<vmem>>) target_semaphore(%run_scoped3A_239 : memref<!tpu.dma_semaphore, #tpu.memory_space<semaphore_mem>>)
          %dma_wait3A_246 = arith.constant 0 : i32
          %dma_wait3A_247 = tpu.memref_slice %arg4[%arg0, %add3A_80, %dma_wait3A_246] : memref<2x2560x128xi32, #tpu.memory_space<hbm>> -> memref<1x4x128xi32, #tpu.memory_space<hbm>>
          %dma_wait3A_248 = tpu.memref_squeeze %dma_wait3A_247 : memref<1x4x128xi32, #tpu.memory_space<hbm>> -> memref<4x128xi32, #tpu.memory_space<hbm>>
          %dma_wait3A_249 = arith.constant 0 : i32
          %dma_wait3A_250 = tpu.memref_slice %arg4[%arg0, %add3A_80, %dma_wait3A_249] : memref<2x2560x128xi32, #tpu.memory_space<hbm>> -> memref<1x4x128xi32, #tpu.memory_space<hbm>>
          %dma_wait3A_251 = tpu.memref_squeeze %dma_wait3A_250 : memref<1x4x128xi32, #tpu.memory_space<hbm>> -> memref<4x128xi32, #tpu.memory_space<hbm>>
          tpu.wait_dma2 semaphore(%run_scoped3A_239 : memref<!tpu.dma_semaphore, #tpu.memory_space<semaphore_mem>>) src(%dma_wait3A_251 : memref<4x128xi32, #tpu.memory_space<hbm>>) dst(%run_scoped3A : memref<4x128xi32, #tpu.memory_space<vmem>>)
          tpu.yield
        }) : () -> ()
        "tpu.region"() ({
          %run_scoped3A_239 = tpu.sem_alloc : memref<!tpu.dma_semaphore, #tpu.memory_space<semaphore_mem>>
          %dma_start3A_240 = arith.constant 0 : i32
          %dma_start3A_241 = tpu.memref_slice %arg3[%arg0, %add3A_80, %dma_start3A_240] : memref<2x2560x128xi32, #tpu.memory_space<hbm>> -> memref<1x4x128xi32, #tpu.memory_space<hbm>>
          %dma_start3A_242 = tpu.memref_squeeze %dma_start3A_241 : memref<1x4x128xi32, #tpu.memory_space<hbm>> -> memref<4x128xi32, #tpu.memory_space<hbm>>
          %dma_start3A_243 = arith.constant 0 : i32
          %dma_start3A_244 = tpu.memref_slice %arg3[%arg0, %add3A_80, %dma_start3A_243] : memref<2x2560x128xi32, #tpu.memory_space<hbm>> -> memref<1x4x128xi32, #tpu.memory_space<hbm>>
          %dma_start3A_245 = tpu.memref_squeeze %dma_start3A_244 : memref<1x4x128xi32, #tpu.memory_space<hbm>> -> memref<4x128xi32, #tpu.memory_space<hbm>>
          tpu.enqueue_dma source(%dma_start3A_245 : memref<4x128xi32, #tpu.memory_space<hbm>>) target(%run_scoped3A_66 : memref<4x128xi32, #tpu.memory_space<vmem>>) target_semaphore(%run_scoped3A_239 : memref<!tpu.dma_semaphore, #tpu.memory_space<semaphore_mem>>)
          %dma_wait3A_246 = arith.constant 0 : i32
          %dma_wait3A_247 = tpu.memref_slice %arg3[%arg0, %add3A_80, %dma_wait3A_246] : memref<2x2560x128xi32, #tpu.memory_space<hbm>> -> memref<1x4x128xi32, #tpu.memory_space<hbm>>
          %dma_wait3A_248 = tpu.memref_squeeze %dma_wait3A_247 : memref<1x4x128xi32, #tpu.memory_space<hbm>> -> memref<4x128xi32, #tpu.memory_space<hbm>>
          %dma_wait3A_249 = arith.constant 0 : i32
          %dma_wait3A_250 = tpu.memref_slice %arg3[%arg0, %add3A_80, %dma_wait3A_249] : memref<2x2560x128xi32, #tpu.memory_space<hbm>> -> memref<1x4x128xi32, #tpu.memory_space<hbm>>
          %dma_wait3A_251 = tpu.memref_squeeze %dma_wait3A_250 : memref<1x4x128xi32, #tpu.memory_space<hbm>> -> memref<4x128xi32, #tpu.memory_space<hbm>>
          tpu.wait_dma2 semaphore(%run_scoped3A_239 : memref<!tpu.dma_semaphore, #tpu.memory_space<semaphore_mem>>) src(%dma_wait3A_251 : memref<4x128xi32, #tpu.memory_space<hbm>>) dst(%run_scoped3A_66 : memref<4x128xi32, #tpu.memory_space<vmem>>)
          tpu.yield
        }) : () -> ()
        %dma_start3A = arith.constant 0 : i32
        %dma_start3A_81 = arith.constant 0 : i32
        %dma_start3A_82 = arith.constant 0 : i32
        %dma_start3A_83 = tpu.memref_slice %arg10[%dma_start3A_81, %dma_start3A_82] : memref<512x64xf32, #tpu.memory_space<vmem>> -> memref<128x64xf32, #tpu.memory_space<vmem>>
        %dma_start3A_84 = arith.constant 0 : i32
        %dma_start3A_85 = tpu.memref_slice %run_scoped3A[%dma_start3A, %dma_start3A_84] : memref<4x128xi32, #tpu.memory_space<vmem>> -> memref<1x128xi32, #tpu.memory_space<vmem>>
        %dma_start3A_86 = tpu.memref_squeeze %dma_start3A_85 : memref<1x128xi32, #tpu.memory_space<vmem>> -> memref<128xi32, #tpu.memory_space<vmem>>
        %dma_start3A_87 = arith.constant 0 : i32
        %dma_start3A_88 = arith.constant 0 : i32
        %dma_start3A_89 = tpu.memref_slice %arg15[%dma_start3A_87, %dma_start3A_88] : memref<5120x64xf32, #tpu.memory_space<vmem_shared>> -> memref<5120x64xf32, #tpu.memory_space<vmem_shared>>
        tpu.enqueue_indirect_dma source(%dma_start3A_89 : memref<5120x64xf32, #tpu.memory_space<vmem_shared>>) target(%dma_start3A_83 : memref<128x64xf32, #tpu.memory_space<vmem>>) offsets(%dma_start3A_86 : memref<128xi32, #tpu.memory_space<vmem>>) semaphore(%run_scoped3A_67 : memref<!tpu.dma_semaphore, #tpu.memory_space<semaphore_mem>>)
        %dma_start3A_90 = arith.constant 1 : i32
        %dma_start3A_91 = arith.constant 128 : i32
        %dma_start3A_92 = arith.constant 0 : i32
        %dma_start3A_93 = tpu.memref_slice %arg10[%dma_start3A_91, %dma_start3A_92] : memref<512x64xf32, #tpu.memory_space<vmem>> -> memref<128x64xf32, #tpu.memory_space<vmem>>
        %dma_start3A_94 = arith.constant 0 : i32
        %dma_start3A_95 = tpu.memref_slice %run_scoped3A[%dma_start3A_90, %dma_start3A_94] : memref<4x128xi32, #tpu.memory_space<vmem>> -> memref<1x128xi32, #tpu.memory_space<vmem>>
        %dma_start3A_96 = tpu.memref_squeeze %dma_start3A_95 : memref<1x128xi32, #tpu.memory_space<vmem>> -> memref<128xi32, #tpu.memory_space<vmem>>
        %dma_start3A_97 = arith.constant 0 : i32
        %dma_start3A_98 = arith.constant 0 : i32
        %dma_start3A_99 = tpu.memref_slice %arg15[%dma_start3A_97, %dma_start3A_98] : memref<5120x64xf32, #tpu.memory_space<vmem_shared>> -> memref<5120x64xf32, #tpu.memory_space<vmem_shared>>
        tpu.enqueue_indirect_dma source(%dma_start3A_99 : memref<5120x64xf32, #tpu.memory_space<vmem_shared>>) target(%dma_start3A_93 : memref<128x64xf32, #tpu.memory_space<vmem>>) offsets(%dma_start3A_96 : memref<128xi32, #tpu.memory_space<vmem>>) semaphore(%run_scoped3A_67 : memref<!tpu.dma_semaphore, #tpu.memory_space<semaphore_mem>>)
        %dma_start3A_100 = arith.constant 2 : i32
        %dma_start3A_101 = arith.constant 256 : i32
        %dma_start3A_102 = arith.constant 0 : i32
        %dma_start3A_103 = tpu.memref_slice %arg10[%dma_start3A_101, %dma_start3A_102] : memref<512x64xf32, #tpu.memory_space<vmem>> -> memref<128x64xf32, #tpu.memory_space<vmem>>
        %dma_start3A_104 = arith.constant 0 : i32
        %dma_start3A_105 = tpu.memref_slice %run_scoped3A[%dma_start3A_100, %dma_start3A_104] : memref<4x128xi32, #tpu.memory_space<vmem>> -> memref<1x128xi32, #tpu.memory_space<vmem>>
        %dma_start3A_106 = tpu.memref_squeeze %dma_start3A_105 : memref<1x128xi32, #tpu.memory_space<vmem>> -> memref<128xi32, #tpu.memory_space<vmem>>
        %dma_start3A_107 = arith.constant 0 : i32
        %dma_start3A_108 = arith.constant 0 : i32
        %dma_start3A_109 = tpu.memref_slice %arg15[%dma_start3A_107, %dma_start3A_108] : memref<5120x64xf32, #tpu.memory_space<vmem_shared>> -> memref<5120x64xf32, #tpu.memory_space<vmem_shared>>
        tpu.enqueue_indirect_dma source(%dma_start3A_109 : memref<5120x64xf32, #tpu.memory_space<vmem_shared>>) target(%dma_start3A_103 : memref<128x64xf32, #tpu.memory_space<vmem>>) offsets(%dma_start3A_106 : memref<128xi32, #tpu.memory_space<vmem>>) semaphore(%run_scoped3A_67 : memref<!tpu.dma_semaphore, #tpu.memory_space<semaphore_mem>>)
        %dma_start3A_110 = arith.constant 3 : i32
        %dma_start3A_111 = arith.constant 384 : i32
        %dma_start3A_112 = arith.constant 0 : i32
        %dma_start3A_113 = tpu.memref_slice %arg10[%dma_start3A_111, %dma_start3A_112] : memref<512x64xf32, #tpu.memory_space<vmem>> -> memref<128x64xf32, #tpu.memory_space<vmem>>
        %dma_start3A_114 = arith.constant 0 : i32
        %dma_start3A_115 = tpu.memref_slice %run_scoped3A[%dma_start3A_110, %dma_start3A_114] : memref<4x128xi32, #tpu.memory_space<vmem>> -> memref<1x128xi32, #tpu.memory_space<vmem>>
        %dma_start3A_116 = tpu.memref_squeeze %dma_start3A_115 : memref<1x128xi32, #tpu.memory_space<vmem>> -> memref<128xi32, #tpu.memory_space<vmem>>
        %dma_start3A_117 = arith.constant 0 : i32
        %dma_start3A_118 = arith.constant 0 : i32
        %dma_start3A_119 = tpu.memref_slice %arg15[%dma_start3A_117, %dma_start3A_118] : memref<5120x64xf32, #tpu.memory_space<vmem_shared>> -> memref<5120x64xf32, #tpu.memory_space<vmem_shared>>
        tpu.enqueue_indirect_dma source(%dma_start3A_119 : memref<5120x64xf32, #tpu.memory_space<vmem_shared>>) target(%dma_start3A_113 : memref<128x64xf32, #tpu.memory_space<vmem>>) offsets(%dma_start3A_116 : memref<128xi32, #tpu.memory_space<vmem>>) semaphore(%run_scoped3A_67 : memref<!tpu.dma_semaphore, #tpu.memory_space<semaphore_mem>>)
        %dma_wait3A = arith.constant 0 : i32
        %dma_wait3A_120 = arith.constant 0 : i32
        %dma_wait3A_121 = arith.constant 0 : i32
        %dma_wait3A_122 = tpu.memref_slice %arg10[%dma_wait3A_120, %dma_wait3A_121] : memref<512x64xf32, #tpu.memory_space<vmem>> -> memref<128x64xf32, #tpu.memory_space<vmem>>
        %dma_wait3A_123 = arith.constant 0 : i32
        %dma_wait3A_124 = tpu.memref_slice %run_scoped3A[%dma_wait3A, %dma_wait3A_123] : memref<4x128xi32, #tpu.memory_space<vmem>> -> memref<1x128xi32, #tpu.memory_space<vmem>>
        %dma_wait3A_125 = tpu.memref_squeeze %dma_wait3A_124 : memref<1x128xi32, #tpu.memory_space<vmem>> -> memref<128xi32, #tpu.memory_space<vmem>>
        %dma_wait3A_126 = arith.constant 0 : i32
        %dma_wait3A_127 = arith.constant 0 : i32
        %dma_wait3A_128 = tpu.memref_slice %arg15[%dma_wait3A_126, %dma_wait3A_127] : memref<5120x64xf32, #tpu.memory_space<vmem_shared>> -> memref<5120x64xf32, #tpu.memory_space<vmem_shared>>
        tpu.wait_indirect_dma semaphore(%run_scoped3A_67 : memref<!tpu.dma_semaphore, #tpu.memory_space<semaphore_mem>>) src(%dma_wait3A_128 : memref<5120x64xf32, #tpu.memory_space<vmem_shared>>) dst(%dma_wait3A_122 : memref<128x64xf32, #tpu.memory_space<vmem>>)
        %dma_start3A_129 = arith.constant 0 : i32
        %dma_start3A_130 = arith.constant 0 : i32
        %dma_start3A_131 = arith.constant 0 : i32
        %dma_start3A_132 = tpu.memref_slice %arg10[%dma_start3A_130, %dma_start3A_131] : memref<512x64xf32, #tpu.memory_space<vmem>> -> memref<128x64xf32, #tpu.memory_space<vmem>>
        %dma_start3A_133 = arith.constant 0 : i32
        %dma_start3A_134 = tpu.memref_slice %run_scoped3A_66[%dma_start3A_129, %dma_start3A_133] : memref<4x128xi32, #tpu.memory_space<vmem>> -> memref<1x128xi32, #tpu.memory_space<vmem>>
        %dma_start3A_135 = tpu.memref_squeeze %dma_start3A_134 : memref<1x128xi32, #tpu.memory_space<vmem>> -> memref<128xi32, #tpu.memory_space<vmem>>
        %dma_start3A_136 = arith.constant 0 : i32
        %dma_start3A_137 = arith.constant 0 : i32
        %dma_start3A_138 = tpu.memref_slice %arg14[%dma_start3A_136, %dma_start3A_137] : memref<10240x64xf32, #tpu.memory_space<vmem_shared>> -> memref<10240x64xf32, #tpu.memory_space<vmem_shared>>
        tpu.enqueue_indirect_dma source(%dma_start3A_132 : memref<128x64xf32, #tpu.memory_space<vmem>>) target(%dma_start3A_138 : memref<10240x64xf32, #tpu.memory_space<vmem_shared>>) offsets(%dma_start3A_135 : memref<128xi32, #tpu.memory_space<vmem>>) semaphore(%run_scoped3A_68 : memref<!tpu.dma_semaphore, #tpu.memory_space<semaphore_mem>>) {add = true}
        %dma_wait3A_139 = arith.constant 1 : i32
        %dma_wait3A_140 = arith.constant 128 : i32
        %dma_wait3A_141 = arith.constant 0 : i32
        %dma_wait3A_142 = tpu.memref_slice %arg10[%dma_wait3A_140, %dma_wait3A_141] : memref<512x64xf32, #tpu.memory_space<vmem>> -> memref<128x64xf32, #tpu.memory_space<vmem>>
        %dma_wait3A_143 = arith.constant 0 : i32
        %dma_wait3A_144 = tpu.memref_slice %run_scoped3A[%dma_wait3A_139, %dma_wait3A_143] : memref<4x128xi32, #tpu.memory_space<vmem>> -> memref<1x128xi32, #tpu.memory_space<vmem>>
        %dma_wait3A_145 = tpu.memref_squeeze %dma_wait3A_144 : memref<1x128xi32, #tpu.memory_space<vmem>> -> memref<128xi32, #tpu.memory_space<vmem>>
        %dma_wait3A_146 = arith.constant 0 : i32
        %dma_wait3A_147 = arith.constant 0 : i32
        %dma_wait3A_148 = tpu.memref_slice %arg15[%dma_wait3A_146, %dma_wait3A_147] : memref<5120x64xf32, #tpu.memory_space<vmem_shared>> -> memref<5120x64xf32, #tpu.memory_space<vmem_shared>>
        tpu.wait_indirect_dma semaphore(%run_scoped3A_67 : memref<!tpu.dma_semaphore, #tpu.memory_space<semaphore_mem>>) src(%dma_wait3A_148 : memref<5120x64xf32, #tpu.memory_space<vmem_shared>>) dst(%dma_wait3A_142 : memref<128x64xf32, #tpu.memory_space<vmem>>)
        %dma_start3A_149 = arith.constant 1 : i32
        %dma_start3A_150 = arith.constant 128 : i32
        %dma_start3A_151 = arith.constant 0 : i32
        %dma_start3A_152 = tpu.memref_slice %arg10[%dma_start3A_150, %dma_start3A_151] : memref<512x64xf32, #tpu.memory_space<vmem>> -> memref<128x64xf32, #tpu.memory_space<vmem>>
        %dma_start3A_153 = arith.constant 0 : i32
        %dma_start3A_154 = tpu.memref_slice %run_scoped3A_66[%dma_start3A_149, %dma_start3A_153] : memref<4x128xi32, #tpu.memory_space<vmem>> -> memref<1x128xi32, #tpu.memory_space<vmem>>
        %dma_start3A_155 = tpu.memref_squeeze %dma_start3A_154 : memref<1x128xi32, #tpu.memory_space<vmem>> -> memref<128xi32, #tpu.memory_space<vmem>>
        %dma_start3A_156 = arith.constant 0 : i32
        %dma_start3A_157 = arith.constant 0 : i32
        %dma_start3A_158 = tpu.memref_slice %arg14[%dma_start3A_156, %dma_start3A_157] : memref<10240x64xf32, #tpu.memory_space<vmem_shared>> -> memref<10240x64xf32, #tpu.memory_space<vmem_shared>>
        tpu.enqueue_indirect_dma source(%dma_start3A_152 : memref<128x64xf32, #tpu.memory_space<vmem>>) target(%dma_start3A_158 : memref<10240x64xf32, #tpu.memory_space<vmem_shared>>) offsets(%dma_start3A_155 : memref<128xi32, #tpu.memory_space<vmem>>) semaphore(%run_scoped3A_68 : memref<!tpu.dma_semaphore, #tpu.memory_space<semaphore_mem>>) {add = true}
        %dma_wait3A_159 = arith.constant 2 : i32
        %dma_wait3A_160 = arith.constant 256 : i32
        %dma_wait3A_161 = arith.constant 0 : i32
        %dma_wait3A_162 = tpu.memref_slice %arg10[%dma_wait3A_160, %dma_wait3A_161] : memref<512x64xf32, #tpu.memory_space<vmem>> -> memref<128x64xf32, #tpu.memory_space<vmem>>
        %dma_wait3A_163 = arith.constant 0 : i32
        %dma_wait3A_164 = tpu.memref_slice %run_scoped3A[%dma_wait3A_159, %dma_wait3A_163] : memref<4x128xi32, #tpu.memory_space<vmem>> -> memref<1x128xi32, #tpu.memory_space<vmem>>
        %dma_wait3A_165 = tpu.memref_squeeze %dma_wait3A_164 : memref<1x128xi32, #tpu.memory_space<vmem>> -> memref<128xi32, #tpu.memory_space<vmem>>
        %dma_wait3A_166 = arith.constant 0 : i32
        %dma_wait3A_167 = arith.constant 0 : i32
        %dma_wait3A_168 = tpu.memref_slice %arg15[%dma_wait3A_166, %dma_wait3A_167] : memref<5120x64xf32, #tpu.memory_space<vmem_shared>> -> memref<5120x64xf32, #tpu.memory_space<vmem_shared>>
        tpu.wait_indirect_dma semaphore(%run_scoped3A_67 : memref<!tpu.dma_semaphore, #tpu.memory_space<semaphore_mem>>) src(%dma_wait3A_168 : memref<5120x64xf32, #tpu.memory_space<vmem_shared>>) dst(%dma_wait3A_162 : memref<128x64xf32, #tpu.memory_space<vmem>>)
        %dma_start3A_169 = arith.constant 2 : i32
        %dma_start3A_170 = arith.constant 256 : i32
        %dma_start3A_171 = arith.constant 0 : i32
        %dma_start3A_172 = tpu.memref_slice %arg10[%dma_start3A_170, %dma_start3A_171] : memref<512x64xf32, #tpu.memory_space<vmem>> -> memref<128x64xf32, #tpu.memory_space<vmem>>
        %dma_start3A_173 = arith.constant 0 : i32
        %dma_start3A_174 = tpu.memref_slice %run_scoped3A_66[%dma_start3A_169, %dma_start3A_173] : memref<4x128xi32, #tpu.memory_space<vmem>> -> memref<1x128xi32, #tpu.memory_space<vmem>>
        %dma_start3A_175 = tpu.memref_squeeze %dma_start3A_174 : memref<1x128xi32, #tpu.memory_space<vmem>> -> memref<128xi32, #tpu.memory_space<vmem>>
        %dma_start3A_176 = arith.constant 0 : i32
        %dma_start3A_177 = arith.constant 0 : i32
        %dma_start3A_178 = tpu.memref_slice %arg14[%dma_start3A_176, %dma_start3A_177] : memref<10240x64xf32, #tpu.memory_space<vmem_shared>> -> memref<10240x64xf32, #tpu.memory_space<vmem_shared>>
        tpu.enqueue_indirect_dma source(%dma_start3A_172 : memref<128x64xf32, #tpu.memory_space<vmem>>) target(%dma_start3A_178 : memref<10240x64xf32, #tpu.memory_space<vmem_shared>>) offsets(%dma_start3A_175 : memref<128xi32, #tpu.memory_space<vmem>>) semaphore(%run_scoped3A_68 : memref<!tpu.dma_semaphore, #tpu.memory_space<semaphore_mem>>) {add = true}
        %dma_wait3A_179 = arith.constant 3 : i32
        %dma_wait3A_180 = arith.constant 384 : i32
        %dma_wait3A_181 = arith.constant 0 : i32
        %dma_wait3A_182 = tpu.memref_slice %arg10[%dma_wait3A_180, %dma_wait3A_181] : memref<512x64xf32, #tpu.memory_space<vmem>> -> memref<128x64xf32, #tpu.memory_space<vmem>>
        %dma_wait3A_183 = arith.constant 0 : i32
        %dma_wait3A_184 = tpu.memref_slice %run_scoped3A[%dma_wait3A_179, %dma_wait3A_183] : memref<4x128xi32, #tpu.memory_space<vmem>> -> memref<1x128xi32, #tpu.memory_space<vmem>>
        %dma_wait3A_185 = tpu.memref_squeeze %dma_wait3A_184 : memref<1x128xi32, #tpu.memory_space<vmem>> -> memref<128xi32, #tpu.memory_space<vmem>>
        %dma_wait3A_186 = arith.constant 0 : i32
        %dma_wait3A_187 = arith.constant 0 : i32
        %dma_wait3A_188 = tpu.memref_slice %arg15[%dma_wait3A_186, %dma_wait3A_187] : memref<5120x64xf32, #tpu.memory_space<vmem_shared>> -> memref<5120x64xf32, #tpu.memory_space<vmem_shared>>
        tpu.wait_indirect_dma semaphore(%run_scoped3A_67 : memref<!tpu.dma_semaphore, #tpu.memory_space<semaphore_mem>>) src(%dma_wait3A_188 : memref<5120x64xf32, #tpu.memory_space<vmem_shared>>) dst(%dma_wait3A_182 : memref<128x64xf32, #tpu.memory_space<vmem>>)
        %dma_start3A_189 = arith.constant 3 : i32
        %dma_start3A_190 = arith.constant 384 : i32
        %dma_start3A_191 = arith.constant 0 : i32
        %dma_start3A_192 = tpu.memref_slice %arg10[%dma_start3A_190, %dma_start3A_191] : memref<512x64xf32, #tpu.memory_space<vmem>> -> memref<128x64xf32, #tpu.memory_space<vmem>>
        %dma_start3A_193 = arith.constant 0 : i32
        %dma_start3A_194 = tpu.memref_slice %run_scoped3A_66[%dma_start3A_189, %dma_start3A_193] : memref<4x128xi32, #tpu.memory_space<vmem>> -> memref<1x128xi32, #tpu.memory_space<vmem>>
        %dma_start3A_195 = tpu.memref_squeeze %dma_start3A_194 : memref<1x128xi32, #tpu.memory_space<vmem>> -> memref<128xi32, #tpu.memory_space<vmem>>
        %dma_start3A_196 = arith.constant 0 : i32
        %dma_start3A_197 = arith.constant 0 : i32
        %dma_start3A_198 = tpu.memref_slice %arg14[%dma_start3A_196, %dma_start3A_197] : memref<10240x64xf32, #tpu.memory_space<vmem_shared>> -> memref<10240x64xf32, #tpu.memory_space<vmem_shared>>
        tpu.enqueue_indirect_dma source(%dma_start3A_192 : memref<128x64xf32, #tpu.memory_space<vmem>>) target(%dma_start3A_198 : memref<10240x64xf32, #tpu.memory_space<vmem_shared>>) offsets(%dma_start3A_195 : memref<128xi32, #tpu.memory_space<vmem>>) semaphore(%run_scoped3A_68 : memref<!tpu.dma_semaphore, #tpu.memory_space<semaphore_mem>>) {add = true}
        %dma_wait3A_199 = arith.constant 0 : i32
        %dma_wait3A_200 = arith.constant 0 : i32
        %dma_wait3A_201 = arith.constant 0 : i32
        %dma_wait3A_202 = tpu.memref_slice %arg10[%dma_wait3A_200, %dma_wait3A_201] : memref<512x64xf32, #tpu.memory_space<vmem>> -> memref<128x64xf32, #tpu.memory_space<vmem>>
        %dma_wait3A_203 = arith.constant 0 : i32
        %dma_wait3A_204 = tpu.memref_slice %run_scoped3A_66[%dma_wait3A_199, %dma_wait3A_203] : memref<4x128xi32, #tpu.memory_space<vmem>> -> memref<1x128xi32, #tpu.memory_space<vmem>>
        %dma_wait3A_205 = tpu.memref_squeeze %dma_wait3A_204 : memref<1x128xi32, #tpu.memory_space<vmem>> -> memref<128xi32, #tpu.memory_space<vmem>>
        %dma_wait3A_206 = arith.constant 0 : i32
        %dma_wait3A_207 = arith.constant 0 : i32
        %dma_wait3A_208 = tpu.memref_slice %arg14[%dma_wait3A_206, %dma_wait3A_207] : memref<10240x64xf32, #tpu.memory_space<vmem_shared>> -> memref<10240x64xf32, #tpu.memory_space<vmem_shared>>
        tpu.wait_indirect_dma semaphore(%run_scoped3A_68 : memref<!tpu.dma_semaphore, #tpu.memory_space<semaphore_mem>>) src(%dma_wait3A_202 : memref<128x64xf32, #tpu.memory_space<vmem>>) dst(%dma_wait3A_208 : memref<10240x64xf32, #tpu.memory_space<vmem_shared>>)
        %dma_wait3A_209 = arith.constant 1 : i32
        %dma_wait3A_210 = arith.constant 128 : i32
        %dma_wait3A_211 = arith.constant 0 : i32
        %dma_wait3A_212 = tpu.memref_slice %arg10[%dma_wait3A_210, %dma_wait3A_211] : memref<512x64xf32, #tpu.memory_space<vmem>> -> memref<128x64xf32, #tpu.memory_space<vmem>>
        %dma_wait3A_213 = arith.constant 0 : i32
        %dma_wait3A_214 = tpu.memref_slice %run_scoped3A_66[%dma_wait3A_209, %dma_wait3A_213] : memref<4x128xi32, #tpu.memory_space<vmem>> -> memref<1x128xi32, #tpu.memory_space<vmem>>
        %dma_wait3A_215 = tpu.memref_squeeze %dma_wait3A_214 : memref<1x128xi32, #tpu.memory_space<vmem>> -> memref<128xi32, #tpu.memory_space<vmem>>
        %dma_wait3A_216 = arith.constant 0 : i32
        %dma_wait3A_217 = arith.constant 0 : i32
        %dma_wait3A_218 = tpu.memref_slice %arg14[%dma_wait3A_216, %dma_wait3A_217] : memref<10240x64xf32, #tpu.memory_space<vmem_shared>> -> memref<10240x64xf32, #tpu.memory_space<vmem_shared>>
        tpu.wait_indirect_dma semaphore(%run_scoped3A_68 : memref<!tpu.dma_semaphore, #tpu.memory_space<semaphore_mem>>) src(%dma_wait3A_212 : memref<128x64xf32, #tpu.memory_space<vmem>>) dst(%dma_wait3A_218 : memref<10240x64xf32, #tpu.memory_space<vmem_shared>>)
        %dma_wait3A_219 = arith.constant 2 : i32
        %dma_wait3A_220 = arith.constant 256 : i32
        %dma_wait3A_221 = arith.constant 0 : i32
        %dma_wait3A_222 = tpu.memref_slice %arg10[%dma_wait3A_220, %dma_wait3A_221] : memref<512x64xf32, #tpu.memory_space<vmem>> -> memref<128x64xf32, #tpu.memory_space<vmem>>
        %dma_wait3A_223 = arith.constant 0 : i32
        %dma_wait3A_224 = tpu.memref_slice %run_scoped3A_66[%dma_wait3A_219, %dma_wait3A_223] : memref<4x128xi32, #tpu.memory_space<vmem>> -> memref<1x128xi32, #tpu.memory_space<vmem>>
        %dma_wait3A_225 = tpu.memref_squeeze %dma_wait3A_224 : memref<1x128xi32, #tpu.memory_space<vmem>> -> memref<128xi32, #tpu.memory_space<vmem>>
        %dma_wait3A_226 = arith.constant 0 : i32
        %dma_wait3A_227 = arith.constant 0 : i32
        %dma_wait3A_228 = tpu.memref_slice %arg14[%dma_wait3A_226, %dma_wait3A_227] : memref<10240x64xf32, #tpu.memory_space<vmem_shared>> -> memref<10240x64xf32, #tpu.memory_space<vmem_shared>>
        tpu.wait_indirect_dma semaphore(%run_scoped3A_68 : memref<!tpu.dma_semaphore, #tpu.memory_space<semaphore_mem>>) src(%dma_wait3A_222 : memref<128x64xf32, #tpu.memory_space<vmem>>) dst(%dma_wait3A_228 : memref<10240x64xf32, #tpu.memory_space<vmem_shared>>)
        %dma_wait3A_229 = arith.constant 3 : i32
        %dma_wait3A_230 = arith.constant 384 : i32
        %dma_wait3A_231 = arith.constant 0 : i32
        %dma_wait3A_232 = tpu.memref_slice %arg10[%dma_wait3A_230, %dma_wait3A_231] : memref<512x64xf32, #tpu.memory_space<vmem>> -> memref<128x64xf32, #tpu.memory_space<vmem>>
        %dma_wait3A_233 = arith.constant 0 : i32
        %dma_wait3A_234 = tpu.memref_slice %run_scoped3A_66[%dma_wait3A_229, %dma_wait3A_233] : memref<4x128xi32, #tpu.memory_space<vmem>> -> memref<1x128xi32, #tpu.memory_space<vmem>>
        %dma_wait3A_235 = tpu.memref_squeeze %dma_wait3A_234 : memref<1x128xi32, #tpu.memory_space<vmem>> -> memref<128xi32, #tpu.memory_space<vmem>>
        %dma_wait3A_236 = arith.constant 0 : i32
        %dma_wait3A_237 = arith.constant 0 : i32
        %dma_wait3A_238 = tpu.memref_slice %arg14[%dma_wait3A_236, %dma_wait3A_237] : memref<10240x64xf32, #tpu.memory_space<vmem_shared>> -> memref<10240x64xf32, #tpu.memory_space<vmem_shared>>
        tpu.wait_indirect_dma semaphore(%run_scoped3A_68 : memref<!tpu.dma_semaphore, #tpu.memory_space<semaphore_mem>>) src(%dma_wait3A_232 : memref<128x64xf32, #tpu.memory_space<vmem>>) dst(%dma_wait3A_238 : memref<10240x64xf32, #tpu.memory_space<vmem_shared>>)
      }
      %scan3A_74 = arith.constant 40 : i32
      tpu.yield
    }) : () -> ()
    %barrier3A_45 = arith.constant 0 : index
    tpu.barrier barrier_id(%barrier3A_45)
    %mul3A_46 = arith.constant 640 : i32
    %mul3A_47 = arith.muli %arg1, %mul3A_46 : i32
    %add3A_48 = arith.constant 0 : i32
    %add3A_49 = arith.addi %mul3A_47, %add3A_48 : i32
    "tpu.region"() ({
      %run_scoped3A = tpu.sem_alloc : memref<!tpu.dma_semaphore, #tpu.memory_space<semaphore_mem>>
      %dma_start3A = arith.constant 0 : i32
      %dma_start3A_66 = tpu.memref_slice %arg14[%add3A_49, %dma_start3A] : memref<10240x64xf32, #tpu.memory_space<vmem_shared>> -> memref<320x64xf32, #tpu.memory_space<vmem_shared>>
      %dma_start3A_67 = arith.constant 0 : i32
      %dma_start3A_68 = tpu.memref_slice %arg14[%add3A_49, %dma_start3A_67] : memref<10240x64xf32, #tpu.memory_space<vmem_shared>> -> memref<320x64xf32, #tpu.memory_space<vmem_shared>>
      tpu.enqueue_dma source(%dma_start3A_68 : memref<320x64xf32, #tpu.memory_space<vmem_shared>>) target(%arg13 : memref<320x64xf32, #tpu.memory_space<vmem>>) target_semaphore(%run_scoped3A : memref<!tpu.dma_semaphore, #tpu.memory_space<semaphore_mem>>)
      %dma_wait3A = arith.constant 0 : i32
      %dma_wait3A_69 = tpu.memref_slice %arg14[%add3A_49, %dma_wait3A] : memref<10240x64xf32, #tpu.memory_space<vmem_shared>> -> memref<320x64xf32, #tpu.memory_space<vmem_shared>>
      %dma_wait3A_70 = arith.constant 0 : i32
      %dma_wait3A_71 = tpu.memref_slice %arg14[%add3A_49, %dma_wait3A_70] : memref<10240x64xf32, #tpu.memory_space<vmem_shared>> -> memref<320x64xf32, #tpu.memory_space<vmem_shared>>
      tpu.wait_dma2 semaphore(%run_scoped3A : memref<!tpu.dma_semaphore, #tpu.memory_space<semaphore_mem>>) src(%dma_wait3A_71 : memref<320x64xf32, #tpu.memory_space<vmem_shared>>) dst(%arg13 : memref<320x64xf32, #tpu.memory_space<vmem>>)
      tpu.yield
    }) : () -> ()
    %scan3A_50 = arith.constant 0 : i32
    %scan3A_51 = arith.constant 0 : i32
    %scan3A_52 = arith.constant 320 : i32
    %scan3A_53 = arith.addi %scan3A_51, %scan3A_52 : i32
    %scan3A_54 = arith.constant 1 : i32
    scf.for %scan3A_66 = %scan3A_51 to %scan3A_53 step %scan3A_54  : i32 {
      %broadcast_in_dim3A = arith.constant 0 : i32
      %broadcast_in_dim3A_67 = vector.broadcast %broadcast_in_dim3A : i32 to vector<16xi32>
      %add3A_68 = arith.constant 0 : i32
      %add3A_69 = arith.addi %add3A_68, %scan3A_66 : i32
      %add3A_70 = vector.broadcast %add3A_69 : i32 to vector<16xi32>
      %add3A_71 = arith.addi %broadcast_in_dim3A_67, %add3A_70 : vector<16xi32>
      %gather3A = tpu.vector_load_idx %arg12[%add3A_71] : memref<640xf32, #tpu.memory_space<vmem>>[vector<16xi32>], vector<16xf32>,
      %get3A = arith.index_cast %scan3A_66 : i32 to index
      %get3A_72 = arith.constant 0 : index
      %get3A_73 = tpu.vector_load %arg13[%get3A, %get3A_72] {strides = array<i32>} : memref<320x64xf32, #tpu.memory_space<vmem>>, vector<16xf32>,
      %mul3A_74 = arith.mulf %get3A_73, %gather3A : vector<16xf32>
      %max3A = arith.constant 0.000000e+00 : f32
      %max3A_75 = vector.broadcast %max3A : f32 to vector<16xf32>
      %max3A_76 = arith.maximumf %mul3A_74, %max3A_75 : vector<16xf32>
      %swap3A = arith.index_cast %scan3A_66 : i32 to index
      %swap3A_77 = arith.constant 0 : index
      %swap3A_78 = tpu.vector_load %arg13[%swap3A, %swap3A_77] {strides = array<i32>} : memref<320x64xf32, #tpu.memory_space<vmem>>, vector<16xf32>,
      tpu.vector_store %arg13[%swap3A, %swap3A_77], %max3A_76 {strides = array<i32>} : memref<320x64xf32, #tpu.memory_space<vmem>>, vector<16xf32>,
      %get3A_79 = arith.index_cast %scan3A_66 : i32 to index
      %get3A_80 = arith.constant 16 : index
      %get3A_81 = tpu.vector_load %arg13[%get3A_79, %get3A_80] {strides = array<i32>} : memref<320x64xf32, #tpu.memory_space<vmem>>, vector<16xf32>,
      %mul3A_82 = arith.mulf %get3A_81, %gather3A : vector<16xf32>
      %max3A_83 = arith.constant 0.000000e+00 : f32
      %max3A_84 = vector.broadcast %max3A_83 : f32 to vector<16xf32>
      %max3A_85 = arith.maximumf %mul3A_82, %max3A_84 : vector<16xf32>
      %swap3A_86 = arith.index_cast %scan3A_66 : i32 to index
      %swap3A_87 = arith.constant 16 : index
      %swap3A_88 = tpu.vector_load %arg13[%swap3A_86, %swap3A_87] {strides = array<i32>} : memref<320x64xf32, #tpu.memory_space<vmem>>, vector<16xf32>,
      tpu.vector_store %arg13[%swap3A_86, %swap3A_87], %max3A_85 {strides = array<i32>} : memref<320x64xf32, #tpu.memory_space<vmem>>, vector<16xf32>,
      %get3A_89 = arith.index_cast %scan3A_66 : i32 to index
      %get3A_90 = arith.constant 32 : index
      %get3A_91 = tpu.vector_load %arg13[%get3A_89, %get3A_90] {strides = array<i32>} : memref<320x64xf32, #tpu.memory_space<vmem>>, vector<16xf32>,
      %mul3A_92 = arith.mulf %get3A_91, %gather3A : vector<16xf32>
      %max3A_93 = arith.constant 0.000000e+00 : f32
      %max3A_94 = vector.broadcast %max3A_93 : f32 to vector<16xf32>
      %max3A_95 = arith.maximumf %mul3A_92, %max3A_94 : vector<16xf32>
      %swap3A_96 = arith.index_cast %scan3A_66 : i32 to index
      %swap3A_97 = arith.constant 32 : index
      %swap3A_98 = tpu.vector_load %arg13[%swap3A_96, %swap3A_97] {strides = array<i32>} : memref<320x64xf32, #tpu.memory_space<vmem>>, vector<16xf32>,
      tpu.vector_store %arg13[%swap3A_96, %swap3A_97], %max3A_95 {strides = array<i32>} : memref<320x64xf32, #tpu.memory_space<vmem>>, vector<16xf32>,
      %get3A_99 = arith.index_cast %scan3A_66 : i32 to index
      %get3A_100 = arith.constant 48 : index
      %get3A_101 = tpu.vector_load %arg13[%get3A_99, %get3A_100] {strides = array<i32>} : memref<320x64xf32, #tpu.memory_space<vmem>>, vector<16xf32>,
      %mul3A_102 = arith.mulf %get3A_101, %gather3A : vector<16xf32>
      %max3A_103 = arith.constant 0.000000e+00 : f32
      %max3A_104 = vector.broadcast %max3A_103 : f32 to vector<16xf32>
      %max3A_105 = arith.maximumf %mul3A_102, %max3A_104 : vector<16xf32>
      %swap3A_106 = arith.index_cast %scan3A_66 : i32 to index
      %swap3A_107 = arith.constant 48 : index
      %swap3A_108 = tpu.vector_load %arg13[%swap3A_106, %swap3A_107] {strides = array<i32>} : memref<320x64xf32, #tpu.memory_space<vmem>>, vector<16xf32>,
      tpu.vector_store %arg13[%swap3A_106, %swap3A_107], %max3A_105 {strides = array<i32>} : memref<320x64xf32, #tpu.memory_space<vmem>>, vector<16xf32>,
    }
    %scan3A_55 = arith.constant 320 : i32
    "tpu.region"() ({
      %run_scoped3A = tpu.sem_alloc : memref<!tpu.dma_semaphore, #tpu.memory_space<semaphore_mem>>
      %dma_start3A = arith.constant 0 : i32
      %dma_start3A_66 = tpu.memref_slice %arg9[%arg0, %add3A_49, %dma_start3A] : memref<2x10240x64xf32, #tpu.memory_space<hbm>> -> memref<1x320x64xf32, #tpu.memory_space<hbm>>
      %dma_start3A_67 = tpu.memref_squeeze %dma_start3A_66 : memref<1x320x64xf32, #tpu.memory_space<hbm>> -> memref<320x64xf32, #tpu.memory_space<hbm>>
      %dma_start3A_68 = arith.constant 0 : i32
      %dma_start3A_69 = tpu.memref_slice %arg9[%arg0, %add3A_49, %dma_start3A_68] : memref<2x10240x64xf32, #tpu.memory_space<hbm>> -> memref<1x320x64xf32, #tpu.memory_space<hbm>>
      %dma_start3A_70 = tpu.memref_squeeze %dma_start3A_69 : memref<1x320x64xf32, #tpu.memory_space<hbm>> -> memref<320x64xf32, #tpu.memory_space<hbm>>
      tpu.enqueue_dma source(%arg13 : memref<320x64xf32, #tpu.memory_space<vmem>>) target(%dma_start3A_70 : memref<320x64xf32, #tpu.memory_space<hbm>>) target_semaphore(%run_scoped3A : memref<!tpu.dma_semaphore, #tpu.memory_space<semaphore_mem>>)
      %dma_wait3A = arith.constant 0 : i32
      %dma_wait3A_71 = tpu.memref_slice %arg9[%arg0, %add3A_49, %dma_wait3A] : memref<2x10240x64xf32, #tpu.memory_space<hbm>> -> memref<1x320x64xf32, #tpu.memory_space<hbm>>
      %dma_wait3A_72 = tpu.memref_squeeze %dma_wait3A_71 : memref<1x320x64xf32, #tpu.memory_space<hbm>> -> memref<320x64xf32, #tpu.memory_space<hbm>>
      %dma_wait3A_73 = arith.constant 0 : i32
      %dma_wait3A_74 = tpu.memref_slice %arg9[%arg0, %add3A_49, %dma_wait3A_73] : memref<2x10240x64xf32, #tpu.memory_space<hbm>> -> memref<1x320x64xf32, #tpu.memory_space<hbm>>
      %dma_wait3A_75 = tpu.memref_squeeze %dma_wait3A_74 : memref<1x320x64xf32, #tpu.memory_space<hbm>> -> memref<320x64xf32, #tpu.memory_space<hbm>>
      tpu.wait_dma2 semaphore(%run_scoped3A : memref<!tpu.dma_semaphore, #tpu.memory_space<semaphore_mem>>) src(%arg13 : memref<320x64xf32, #tpu.memory_space<vmem>>) dst(%dma_wait3A_75 : memref<320x64xf32, #tpu.memory_space<hbm>>)
      tpu.yield
    }) : () -> ()
    %mul3A_56 = arith.constant 640 : i32
    %mul3A_57 = arith.muli %arg1, %mul3A_56 : i32
    %add3A_58 = arith.constant 320 : i32
    %add3A_59 = arith.addi %mul3A_57, %add3A_58 : i32
    "tpu.region"() ({
      %run_scoped3A = tpu.sem_alloc : memref<!tpu.dma_semaphore, #tpu.memory_space<semaphore_mem>>
      %dma_start3A = arith.constant 0 : i32
      %dma_start3A_66 = tpu.memref_slice %arg14[%add3A_59, %dma_start3A] : memref<10240x64xf32, #tpu.memory_space<vmem_shared>> -> memref<320x64xf32, #tpu.memory_space<vmem_shared>>
      %dma_start3A_67 = arith.constant 0 : i32
      %dma_start3A_68 = tpu.memref_slice %arg14[%add3A_59, %dma_start3A_67] : memref<10240x64xf32, #tpu.memory_space<vmem_shared>> -> memref<320x64xf32, #tpu.memory_space<vmem_shared>>
      tpu.enqueue_dma source(%dma_start3A_68 : memref<320x64xf32, #tpu.memory_space<vmem_shared>>) target(%arg13 : memref<320x64xf32, #tpu.memory_space<vmem>>) target_semaphore(%run_scoped3A : memref<!tpu.dma_semaphore, #tpu.memory_space<semaphore_mem>>)
      %dma_wait3A = arith.constant 0 : i32
      %dma_wait3A_69 = tpu.memref_slice %arg14[%add3A_59, %dma_wait3A] : memref<10240x64xf32, #tpu.memory_space<vmem_shared>> -> memref<320x64xf32, #tpu.memory_space<vmem_shared>>
      %dma_wait3A_70 = arith.constant 0 : i32
      %dma_wait3A_71 = tpu.memref_slice %arg14[%add3A_59, %dma_wait3A_70] : memref<10240x64xf32, #tpu.memory_space<vmem_shared>> -> memref<320x64xf32, #tpu.memory_space<vmem_shared>>
      tpu.wait_dma2 semaphore(%run_scoped3A : memref<!tpu.dma_semaphore, #tpu.memory_space<semaphore_mem>>) src(%dma_wait3A_71 : memref<320x64xf32, #tpu.memory_space<vmem_shared>>) dst(%arg13 : memref<320x64xf32, #tpu.memory_space<vmem>>)
      tpu.yield
    }) : () -> ()
    %scan3A_60 = arith.constant 0 : i32
    %scan3A_61 = arith.constant 0 : i32
    %scan3A_62 = arith.constant 320 : i32
    %scan3A_63 = arith.addi %scan3A_61, %scan3A_62 : i32
    %scan3A_64 = arith.constant 1 : i32
    scf.for %scan3A_66 = %scan3A_61 to %scan3A_63 step %scan3A_64  : i32 {
      %broadcast_in_dim3A = arith.constant 0 : i32
      %broadcast_in_dim3A_67 = vector.broadcast %broadcast_in_dim3A : i32 to vector<16xi32>
      %add3A_68 = arith.constant 320 : i32
      %add3A_69 = arith.addi %add3A_68, %scan3A_66 : i32
      %add3A_70 = vector.broadcast %add3A_69 : i32 to vector<16xi32>
      %add3A_71 = arith.addi %broadcast_in_dim3A_67, %add3A_70 : vector<16xi32>
      %gather3A = tpu.vector_load_idx %arg12[%add3A_71] : memref<640xf32, #tpu.memory_space<vmem>>[vector<16xi32>], vector<16xf32>,
      %get3A = arith.index_cast %scan3A_66 : i32 to index
      %get3A_72 = arith.constant 0 : index
      %get3A_73 = tpu.vector_load %arg13[%get3A, %get3A_72] {strides = array<i32>} : memref<320x64xf32, #tpu.memory_space<vmem>>, vector<16xf32>,
      %mul3A_74 = arith.mulf %get3A_73, %gather3A : vector<16xf32>
      %max3A = arith.constant 0.000000e+00 : f32
      %max3A_75 = vector.broadcast %max3A : f32 to vector<16xf32>
      %max3A_76 = arith.maximumf %mul3A_74, %max3A_75 : vector<16xf32>
      %swap3A = arith.index_cast %scan3A_66 : i32 to index
      %swap3A_77 = arith.constant 0 : index
      %swap3A_78 = tpu.vector_load %arg13[%swap3A, %swap3A_77] {strides = array<i32>} : memref<320x64xf32, #tpu.memory_space<vmem>>, vector<16xf32>,
      tpu.vector_store %arg13[%swap3A, %swap3A_77], %max3A_76 {strides = array<i32>} : memref<320x64xf32, #tpu.memory_space<vmem>>, vector<16xf32>,
      %get3A_79 = arith.index_cast %scan3A_66 : i32 to index
      %get3A_80 = arith.constant 16 : index
      %get3A_81 = tpu.vector_load %arg13[%get3A_79, %get3A_80] {strides = array<i32>} : memref<320x64xf32, #tpu.memory_space<vmem>>, vector<16xf32>,
      %mul3A_82 = arith.mulf %get3A_81, %gather3A : vector<16xf32>
      %max3A_83 = arith.constant 0.000000e+00 : f32
      %max3A_84 = vector.broadcast %max3A_83 : f32 to vector<16xf32>
      %max3A_85 = arith.maximumf %mul3A_82, %max3A_84 : vector<16xf32>
      %swap3A_86 = arith.index_cast %scan3A_66 : i32 to index
      %swap3A_87 = arith.constant 16 : index
      %swap3A_88 = tpu.vector_load %arg13[%swap3A_86, %swap3A_87] {strides = array<i32>} : memref<320x64xf32, #tpu.memory_space<vmem>>, vector<16xf32>,
      tpu.vector_store %arg13[%swap3A_86, %swap3A_87], %max3A_85 {strides = array<i32>} : memref<320x64xf32, #tpu.memory_space<vmem>>, vector<16xf32>,
      %get3A_89 = arith.index_cast %scan3A_66 : i32 to index
      %get3A_90 = arith.constant 32 : index
      %get3A_91 = tpu.vector_load %arg13[%get3A_89, %get3A_90] {strides = array<i32>} : memref<320x64xf32, #tpu.memory_space<vmem>>, vector<16xf32>,
      %mul3A_92 = arith.mulf %get3A_91, %gather3A : vector<16xf32>
      %max3A_93 = arith.constant 0.000000e+00 : f32
      %max3A_94 = vector.broadcast %max3A_93 : f32 to vector<16xf32>
      %max3A_95 = arith.maximumf %mul3A_92, %max3A_94 : vector<16xf32>
      %swap3A_96 = arith.index_cast %scan3A_66 : i32 to index
      %swap3A_97 = arith.constant 32 : index
      %swap3A_98 = tpu.vector_load %arg13[%swap3A_96, %swap3A_97] {strides = array<i32>} : memref<320x64xf32, #tpu.memory_space<vmem>>, vector<16xf32>,
      tpu.vector_store %arg13[%swap3A_96, %swap3A_97], %max3A_95 {strides = array<i32>} : memref<320x64xf32, #tpu.memory_space<vmem>>, vector<16xf32>,
      %get3A_99 = arith.index_cast %scan3A_66 : i32 to index
      %get3A_100 = arith.constant 48 : index
      %get3A_101 = tpu.vector_load %arg13[%get3A_99, %get3A_100] {strides = array<i32>} : memref<320x64xf32, #tpu.memory_space<vmem>>, vector<16xf32>,
      %mul3A_102 = arith.mulf %get3A_101, %gather3A : vector<16xf32>
      %max3A_103 = arith.constant 0.000000e+00 : f32
      %max3A_104 = vector.broadcast %max3A_103 : f32 to vector<16xf32>
      %max3A_105 = arith.maximumf %mul3A_102, %max3A_104 : vector<16xf32>
      %swap3A_106 = arith.index_cast %scan3A_66 : i32 to index
      %swap3A_107 = arith.constant 48 : index
      %swap3A_108 = tpu.vector_load %arg13[%swap3A_106, %swap3A_107] {strides = array<i32>} : memref<320x64xf32, #tpu.memory_space<vmem>>, vector<16xf32>,
      tpu.vector_store %arg13[%swap3A_106, %swap3A_107], %max3A_105 {strides = array<i32>} : memref<320x64xf32, #tpu.memory_space<vmem>>, vector<16xf32>,
    }
    %scan3A_65 = arith.constant 320 : i32
    "tpu.region"() ({
      %run_scoped3A = tpu.sem_alloc : memref<!tpu.dma_semaphore, #tpu.memory_space<semaphore_mem>>
      %dma_start3A = arith.constant 0 : i32
      %dma_start3A_66 = tpu.memref_slice %arg9[%arg0, %add3A_59, %dma_start3A] : memref<2x10240x64xf32, #tpu.memory_space<hbm>> -> memref<1x320x64xf32, #tpu.memory_space<hbm>>
      %dma_start3A_67 = tpu.memref_squeeze %dma_start3A_66 : memref<1x320x64xf32, #tpu.memory_space<hbm>> -> memref<320x64xf32, #tpu.memory_space<hbm>>
      %dma_start3A_68 = arith.constant 0 : i32
      %dma_start3A_69 = tpu.memref_slice %arg9[%arg0, %add3A_59, %dma_start3A_68] : memref<2x10240x64xf32, #tpu.memory_space<hbm>> -> memref<1x320x64xf32, #tpu.memory_space<hbm>>
      %dma_start3A_70 = tpu.memref_squeeze %dma_start3A_69 : memref<1x320x64xf32, #tpu.memory_space<hbm>> -> memref<320x64xf32, #tpu.memory_space<hbm>>
      tpu.enqueue_dma source(%arg13 : memref<320x64xf32, #tpu.memory_space<vmem>>) target(%dma_start3A_70 : memref<320x64xf32, #tpu.memory_space<hbm>>) target_semaphore(%run_scoped3A : memref<!tpu.dma_semaphore, #tpu.memory_space<semaphore_mem>>)
      %dma_wait3A = arith.constant 0 : i32
      %dma_wait3A_71 = tpu.memref_slice %arg9[%arg0, %add3A_59, %dma_wait3A] : memref<2x10240x64xf32, #tpu.memory_space<hbm>> -> memref<1x320x64xf32, #tpu.memory_space<hbm>>
      %dma_wait3A_72 = tpu.memref_squeeze %dma_wait3A_71 : memref<1x320x64xf32, #tpu.memory_space<hbm>> -> memref<320x64xf32, #tpu.memory_space<hbm>>
      %dma_wait3A_73 = arith.constant 0 : i32
      %dma_wait3A_74 = tpu.memref_slice %arg9[%arg0, %add3A_59, %dma_wait3A_73] : memref<2x10240x64xf32, #tpu.memory_space<hbm>> -> memref<1x320x64xf32, #tpu.memory_space<hbm>>
      %dma_wait3A_75 = tpu.memref_squeeze %dma_wait3A_74 : memref<1x320x64xf32, #tpu.memory_space<hbm>> -> memref<320x64xf32, #tpu.memory_space<hbm>>
      tpu.wait_dma2 semaphore(%run_scoped3A : memref<!tpu.dma_semaphore, #tpu.memory_space<semaphore_mem>>) src(%arg13 : memref<320x64xf32, #tpu.memory_space<vmem>>) dst(%dma_wait3A_75 : memref<320x64xf32, #tpu.memory_space<hbm>>)
      tpu.yield
    }) : () -> ()
    return
  }
}

#map = affine_map<(d0, d1) -> (0, 0, 0)>
#map1 = affine_map<(d0, d1) -> (0, 0)>
module attributes {stable_mosaic.version = 14 : i64} {
  func.func @_smooth_body(%arg0: i32, %arg1: i32, %arg2: memref<2x10240x64xf32, #tpu.memory_space<hbm>>, %arg3: memref<2x2560x128xi32, #tpu.memory_space<hbm>>, %arg4: memref<2x2560x128xi32, #tpu.memory_space<hbm>>, %arg5: memref<2x10240xf32, #tpu.memory_space<hbm>>, %arg6: memref<2x5120xf32, #tpu.memory_space<hbm>>, %arg7: memref<5120x64xf32, #tpu.memory_space<hbm>>, %arg8: memref<10240x64xf32, #tpu.memory_space<hbm>>, %arg9: memref<2x10240x64xf32, #tpu.memory_space<hbm>>, %arg10: memref<512x64xf32, #tpu.memory_space<vmem>>, %arg11: memref<320xf32, #tpu.memory_space<vmem>>, %arg12: memref<640xf32, #tpu.memory_space<vmem>>, %arg13: memref<320x64xf32, #tpu.memory_space<vmem>>, %arg14: memref<10240x64xf32, #tpu.memory_space<vmem_shared>>, %arg15: memref<5120x64xf32, #tpu.memory_space<vmem_shared>>) attributes {dimension_semantics = [#tpu.dimension_semantics<core_parallel>, #tpu.dimension_semantics<subcore_parallel>], iteration_bounds = array<i64: 2, 16>, scalar_prefetch = 0 : i64, scratch_operands = 6 : i64, tpu.core_type = #tpu.core_type<sc_vector_subcore>, window_params = [{transform_indices = #map}, {transform_indices = #map}, {transform_indices = #map}, {transform_indices = #map1}, {transform_indices = #map1}, {transform_indices = #map1}, {transform_indices = #map1}, {transform_indices = #map}]} {
    %mul3A = arith.constant 320 : i32
    %mul3A_0 = arith.muli %arg1, %mul3A : i32
    "tpu.region"() ({
      %run_scoped3A = tpu.sem_alloc : memref<!tpu.dma_semaphore, #tpu.memory_space<semaphore_mem>>
      %dma_start3A = tpu.memref_slice %arg6[%arg0, %mul3A_0] : memref<2x5120xf32, #tpu.memory_space<hbm>> -> memref<1x320xf32, #tpu.memory_space<hbm>>
      %dma_start3A_66 = tpu.memref_squeeze %dma_start3A : memref<1x320xf32, #tpu.memory_space<hbm>> -> memref<320xf32, #tpu.memory_space<hbm>>
      %dma_start3A_67 = tpu.memref_slice %arg6[%arg0, %mul3A_0] : memref<2x5120xf32, #tpu.memory_space<hbm>> -> memref<1x320xf32, #tpu.memory_space<hbm>>
      %dma_start3A_68 = tpu.memref_squeeze %dma_start3A_67 : memref<1x320xf32, #tpu.memory_space<hbm>> -> memref<320xf32, #tpu.memory_space<hbm>>
      tpu.enqueue_dma source(%dma_start3A_68 : memref<320xf32, #tpu.memory_space<hbm>>) target(%arg11 : memref<320xf32, #tpu.memory_space<vmem>>) target_semaphore(%run_scoped3A : memref<!tpu.dma_semaphore, #tpu.memory_space<semaphore_mem>>)
      %dma_wait3A = tpu.memref_slice %arg6[%arg0, %mul3A_0] : memref<2x5120xf32, #tpu.memory_space<hbm>> -> memref<1x320xf32, #tpu.memory_space<hbm>>
      %dma_wait3A_69 = tpu.memref_squeeze %dma_wait3A : memref<1x320xf32, #tpu.memory_space<hbm>> -> memref<320xf32, #tpu.memory_space<hbm>>
      %dma_wait3A_70 = tpu.memref_slice %arg6[%arg0, %mul3A_0] : memref<2x5120xf32, #tpu.memory_space<hbm>> -> memref<1x320xf32, #tpu.memory_space<hbm>>
      %dma_wait3A_71 = tpu.memref_squeeze %dma_wait3A_70 : memref<1x320xf32, #tpu.memory_space<hbm>> -> memref<320xf32, #tpu.memory_space<hbm>>
      tpu.wait_dma2 semaphore(%run_scoped3A : memref<!tpu.dma_semaphore, #tpu.memory_space<semaphore_mem>>) src(%dma_wait3A_71 : memref<320xf32, #tpu.memory_space<hbm>>) dst(%arg11 : memref<320xf32, #tpu.memory_space<vmem>>)
      tpu.yield
    }) : () -> ()
    %mul3A_1 = arith.constant 640 : i32
    %mul3A_2 = arith.muli %arg1, %mul3A_1 : i32
    "tpu.region"() ({
      %run_scoped3A = tpu.sem_alloc : memref<!tpu.dma_semaphore, #tpu.memory_space<semaphore_mem>>
      %dma_start3A = tpu.memref_slice %arg5[%arg0, %mul3A_2] : memref<2x10240xf32, #tpu.memory_space<hbm>> -> memref<1x640xf32, #tpu.memory_space<hbm>>
      %dma_start3A_66 = tpu.memref_squeeze %dma_start3A : memref<1x640xf32, #tpu.memory_space<hbm>> -> memref<640xf32, #tpu.memory_space<hbm>>
      %dma_start3A_67 = tpu.memref_slice %arg5[%arg0, %mul3A_2] : memref<2x10240xf32, #tpu.memory_space<hbm>> -> memref<1x640xf32, #tpu.memory_space<hbm>>
      %dma_start3A_68 = tpu.memref_squeeze %dma_start3A_67 : memref<1x640xf32, #tpu.memory_space<hbm>> -> memref<640xf32, #tpu.memory_space<hbm>>
      tpu.enqueue_dma source(%dma_start3A_68 : memref<640xf32, #tpu.memory_space<hbm>>) target(%arg12 : memref<640xf32, #tpu.memory_space<vmem>>) target_semaphore(%run_scoped3A : memref<!tpu.dma_semaphore, #tpu.memory_space<semaphore_mem>>)
      %dma_wait3A = tpu.memref_slice %arg5[%arg0, %mul3A_2] : memref<2x10240xf32, #tpu.memory_space<hbm>> -> memref<1x640xf32, #tpu.memory_space<hbm>>
      %dma_wait3A_69 = tpu.memref_squeeze %dma_wait3A : memref<1x640xf32, #tpu.memory_space<hbm>> -> memref<640xf32, #tpu.memory_space<hbm>>
      %dma_wait3A_70 = tpu.memref_slice %arg5[%arg0, %mul3A_2] : memref<2x10240xf32, #tpu.memory_space<hbm>> -> memref<1x640xf32, #tpu.memory_space<hbm>>
      %dma_wait3A_71 = tpu.memref_squeeze %dma_wait3A_70 : memref<1x640xf32, #tpu.memory_space<hbm>> -> memref<640xf32, #tpu.memory_space<hbm>>
      tpu.wait_dma2 semaphore(%run_scoped3A : memref<!tpu.dma_semaphore, #tpu.memory_space<semaphore_mem>>) src(%dma_wait3A_71 : memref<640xf32, #tpu.memory_space<hbm>>) dst(%arg12 : memref<640xf32, #tpu.memory_space<vmem>>)
      tpu.yield
    }) : () -> ()
    %mul3A_3 = arith.constant 320 : i32
    %mul3A_4 = arith.muli %arg1, %mul3A_3 : i32
    %mul3A_5 = arith.constant 320 : i32
    %mul3A_6 = arith.muli %arg1, %mul3A_5 : i32
    "tpu.region"() ({
      %run_scoped3A = tpu.sem_alloc : memref<!tpu.dma_semaphore, #tpu.memory_space<semaphore_mem>>
      %dma_start3A = arith.constant 0 : i32
      %dma_start3A_66 = tpu.memref_slice %arg15[%mul3A_6, %dma_start3A] : memref<5120x64xf32, #tpu.memory_space<vmem_shared>> -> memref<320x64xf32, #tpu.memory_space<vmem_shared>>
      %dma_start3A_67 = arith.constant 0 : i32
      %dma_start3A_68 = tpu.memref_slice %arg7[%mul3A_4, %dma_start3A_67] : memref<5120x64xf32, #tpu.memory_space<hbm>> -> memref<320x64xf32, #tpu.memory_space<hbm>>
      tpu.enqueue_dma source(%dma_start3A_68 : memref<320x64xf32, #tpu.memory_space<hbm>>) target(%dma_start3A_66 : memref<320x64xf32, #tpu.memory_space<vmem_shared>>) target_semaphore(%run_scoped3A : memref<!tpu.dma_semaphore, #tpu.memory_space<semaphore_mem>>)
      %dma_wait3A = arith.constant 0 : i32
      %dma_wait3A_69 = tpu.memref_slice %arg15[%mul3A_6, %dma_wait3A] : memref<5120x64xf32, #tpu.memory_space<vmem_shared>> -> memref<320x64xf32, #tpu.memory_space<vmem_shared>>
      %dma_wait3A_70 = arith.constant 0 : i32
      %dma_wait3A_71 = tpu.memref_slice %arg7[%mul3A_4, %dma_wait3A_70] : memref<5120x64xf32, #tpu.memory_space<hbm>> -> memref<320x64xf32, #tpu.memory_space<hbm>>
      tpu.wait_dma2 semaphore(%run_scoped3A : memref<!tpu.dma_semaphore, #tpu.memory_space<semaphore_mem>>) src(%dma_wait3A_71 : memref<320x64xf32, #tpu.memory_space<hbm>>) dst(%dma_wait3A_69 : memref<320x64xf32, #tpu.memory_space<vmem_shared>>)
      tpu.yield
    }) : () -> ()
    %mul3A_7 = arith.constant 640 : i32
    %mul3A_8 = arith.muli %arg1, %mul3A_7 : i32
    %add3A = arith.constant 0 : i32
    %add3A_9 = arith.addi %mul3A_8, %add3A : i32
    "tpu.region"() ({
      %run_scoped3A = tpu.sem_alloc : memref<!tpu.dma_semaphore, #tpu.memory_space<semaphore_mem>>
      %dma_start3A = arith.constant 0 : i32
      %dma_start3A_66 = tpu.memref_slice %arg2[%arg0, %add3A_9, %dma_start3A] : memref<2x10240x64xf32, #tpu.memory_space<hbm>> -> memref<1x320x64xf32, #tpu.memory_space<hbm>>
      %dma_start3A_67 = tpu.memref_squeeze %dma_start3A_66 : memref<1x320x64xf32, #tpu.memory_space<hbm>> -> memref<320x64xf32, #tpu.memory_space<hbm>>
      %dma_start3A_68 = arith.constant 0 : i32
      %dma_start3A_69 = tpu.memref_slice %arg2[%arg0, %add3A_9, %dma_start3A_68] : memref<2x10240x64xf32, #tpu.memory_space<hbm>> -> memref<1x320x64xf32, #tpu.memory_space<hbm>>
      %dma_start3A_70 = tpu.memref_squeeze %dma_start3A_69 : memref<1x320x64xf32, #tpu.memory_space<hbm>> -> memref<320x64xf32, #tpu.memory_space<hbm>>
      tpu.enqueue_dma source(%dma_start3A_70 : memref<320x64xf32, #tpu.memory_space<hbm>>) target(%arg13 : memref<320x64xf32, #tpu.memory_space<vmem>>) target_semaphore(%run_scoped3A : memref<!tpu.dma_semaphore, #tpu.memory_space<semaphore_mem>>)
      %dma_wait3A = arith.constant 0 : i32
      %dma_wait3A_71 = tpu.memref_slice %arg2[%arg0, %add3A_9, %dma_wait3A] : memref<2x10240x64xf32, #tpu.memory_space<hbm>> -> memref<1x320x64xf32, #tpu.memory_space<hbm>>
      %dma_wait3A_72 = tpu.memref_squeeze %dma_wait3A_71 : memref<1x320x64xf32, #tpu.memory_space<hbm>> -> memref<320x64xf32, #tpu.memory_space<hbm>>
      %dma_wait3A_73 = arith.constant 0 : i32
      %dma_wait3A_74 = tpu.memref_slice %arg2[%arg0, %add3A_9, %dma_wait3A_73] : memref<2x10240x64xf32, #tpu.memory_space<hbm>> -> memref<1x320x64xf32, #tpu.memory_space<hbm>>
      %dma_wait3A_75 = tpu.memref_squeeze %dma_wait3A_74 : memref<1x320x64xf32, #tpu.memory_space<hbm>> -> memref<320x64xf32, #tpu.memory_space<hbm>>
      tpu.wait_dma2 semaphore(%run_scoped3A : memref<!tpu.dma_semaphore, #tpu.memory_space<semaphore_mem>>) src(%dma_wait3A_75 : memref<320x64xf32, #tpu.memory_space<hbm>>) dst(%arg13 : memref<320x64xf32, #tpu.memory_space<vmem>>)
      tpu.yield
    }) : () -> ()
    %scan3A = arith.constant 0 : i32
    %scan3A_10 = arith.constant 0 : i32
    %scan3A_11 = arith.constant 320 : i32
    %scan3A_12 = arith.addi %scan3A_10, %scan3A_11 : i32
    %scan3A_13 = arith.constant 1 : i32
    scf.for %scan3A_66 = %scan3A_10 to %scan3A_12 step %scan3A_13  : i32 {
      %broadcast_in_dim3A = arith.constant 0 : i32
      %broadcast_in_dim3A_67 = vector.broadcast %broadcast_in_dim3A : i32 to vector<16xi32>
      %add3A_68 = arith.constant 0 : i32
      %add3A_69 = arith.addi %add3A_68, %scan3A_66 : i32
      %add3A_70 = vector.broadcast %add3A_69 : i32 to vector<16xi32>
      %add3A_71 = arith.addi %broadcast_in_dim3A_67, %add3A_70 : vector<16xi32>
      %gather3A = tpu.vector_load_idx %arg12[%add3A_71] : memref<640xf32, #tpu.memory_space<vmem>>[vector<16xi32>], vector<16xf32>,
      %get3A = arith.index_cast %scan3A_66 : i32 to index
      %get3A_72 = arith.constant 0 : index
      %get3A_73 = tpu.vector_load %arg13[%get3A, %get3A_72] {strides = array<i32>} : memref<320x64xf32, #tpu.memory_space<vmem>>, vector<16xf32>,
      %mul3A_74 = arith.mulf %get3A_73, %gather3A : vector<16xf32>
      %swap3A = arith.index_cast %scan3A_66 : i32 to index
      %swap3A_75 = arith.constant 0 : index
      %swap3A_76 = tpu.vector_load %arg13[%swap3A, %swap3A_75] {strides = array<i32>} : memref<320x64xf32, #tpu.memory_space<vmem>>, vector<16xf32>,
      tpu.vector_store %arg13[%swap3A, %swap3A_75], %mul3A_74 {strides = array<i32>} : memref<320x64xf32, #tpu.memory_space<vmem>>, vector<16xf32>,
      %get3A_77 = arith.index_cast %scan3A_66 : i32 to index
      %get3A_78 = arith.constant 16 : index
      %get3A_79 = tpu.vector_load %arg13[%get3A_77, %get3A_78] {strides = array<i32>} : memref<320x64xf32, #tpu.memory_space<vmem>>, vector<16xf32>,
      %mul3A_80 = arith.mulf %get3A_79, %gather3A : vector<16xf32>
      %swap3A_81 = arith.index_cast %scan3A_66 : i32 to index
      %swap3A_82 = arith.constant 16 : index
      %swap3A_83 = tpu.vector_load %arg13[%swap3A_81, %swap3A_82] {strides = array<i32>} : memref<320x64xf32, #tpu.memory_space<vmem>>, vector<16xf32>,
      tpu.vector_store %arg13[%swap3A_81, %swap3A_82], %mul3A_80 {strides = array<i32>} : memref<320x64xf32, #tpu.memory_space<vmem>>, vector<16xf32>,
      %get3A_84 = arith.index_cast %scan3A_66 : i32 to index
      %get3A_85 = arith.constant 32 : index
      %get3A_86 = tpu.vector_load %arg13[%get3A_84, %get3A_85] {strides = array<i32>} : memref<320x64xf32, #tpu.memory_space<vmem>>, vector<16xf32>,
      %mul3A_87 = arith.mulf %get3A_86, %gather3A : vector<16xf32>
      %swap3A_88 = arith.index_cast %scan3A_66 : i32 to index
      %swap3A_89 = arith.constant 32 : index
      %swap3A_90 = tpu.vector_load %arg13[%swap3A_88, %swap3A_89] {strides = array<i32>} : memref<320x64xf32, #tpu.memory_space<vmem>>, vector<16xf32>,
      tpu.vector_store %arg13[%swap3A_88, %swap3A_89], %mul3A_87 {strides = array<i32>} : memref<320x64xf32, #tpu.memory_space<vmem>>, vector<16xf32>,
      %get3A_91 = arith.index_cast %scan3A_66 : i32 to index
      %get3A_92 = arith.constant 48 : index
      %get3A_93 = tpu.vector_load %arg13[%get3A_91, %get3A_92] {strides = array<i32>} : memref<320x64xf32, #tpu.memory_space<vmem>>, vector<16xf32>,
      %mul3A_94 = arith.mulf %get3A_93, %gather3A : vector<16xf32>
      %swap3A_95 = arith.index_cast %scan3A_66 : i32 to index
      %swap3A_96 = arith.constant 48 : index
      %swap3A_97 = tpu.vector_load %arg13[%swap3A_95, %swap3A_96] {strides = array<i32>} : memref<320x64xf32, #tpu.memory_space<vmem>>, vector<16xf32>,
      tpu.vector_store %arg13[%swap3A_95, %swap3A_96], %mul3A_94 {strides = array<i32>} : memref<320x64xf32, #tpu.memory_space<vmem>>, vector<16xf32>,
    }
    %scan3A_14 = arith.constant 320 : i32
    "tpu.region"() ({
      %run_scoped3A = tpu.sem_alloc : memref<!tpu.dma_semaphore, #tpu.memory_space<semaphore_mem>>
      %dma_start3A = arith.constant 0 : i32
      %dma_start3A_66 = tpu.memref_slice %arg14[%add3A_9, %dma_start3A] : memref<10240x64xf32, #tpu.memory_space<vmem_shared>> -> memref<320x64xf32, #tpu.memory_space<vmem_shared>>
      %dma_start3A_67 = arith.constant 0 : i32
      %dma_start3A_68 = tpu.memref_slice %arg14[%add3A_9, %dma_start3A_67] : memref<10240x64xf32, #tpu.memory_space<vmem_shared>> -> memref<320x64xf32, #tpu.memory_space<vmem_shared>>
      tpu.enqueue_dma source(%arg13 : memref<320x64xf32, #tpu.memory_space<vmem>>) target(%dma_start3A_68 : memref<320x64xf32, #tpu.memory_space<vmem_shared>>) target_semaphore(%run_scoped3A : memref<!tpu.dma_semaphore, #tpu.memory_space<semaphore_mem>>)
      %dma_wait3A = arith.constant 0 : i32
      %dma_wait3A_69 = tpu.memref_slice %arg14[%add3A_9, %dma_wait3A] : memref<10240x64xf32, #tpu.memory_space<vmem_shared>> -> memref<320x64xf32, #tpu.memory_space<vmem_shared>>
      %dma_wait3A_70 = arith.constant 0 : i32
      %dma_wait3A_71 = tpu.memref_slice %arg14[%add3A_9, %dma_wait3A_70] : memref<10240x64xf32, #tpu.memory_space<vmem_shared>> -> memref<320x64xf32, #tpu.memory_space<vmem_shared>>
      tpu.wait_dma2 semaphore(%run_scoped3A : memref<!tpu.dma_semaphore, #tpu.memory_space<semaphore_mem>>) src(%arg13 : memref<320x64xf32, #tpu.memory_space<vmem>>) dst(%dma_wait3A_71 : memref<320x64xf32, #tpu.memory_space<vmem_shared>>)
      tpu.yield
    }) : () -> ()
    %mul3A_15 = arith.constant 640 : i32
    %mul3A_16 = arith.muli %arg1, %mul3A_15 : i32
    %add3A_17 = arith.constant 320 : i32
    %add3A_18 = arith.addi %mul3A_16, %add3A_17 : i32
    "tpu.region"() ({
      %run_scoped3A = tpu.sem_alloc : memref<!tpu.dma_semaphore, #tpu.memory_space<semaphore_mem>>
      %dma_start3A = arith.constant 0 : i32
      %dma_start3A_66 = tpu.memref_slice %arg2[%arg0, %add3A_18, %dma_start3A] : memref<2x10240x64xf32, #tpu.memory_space<hbm>> -> memref<1x320x64xf32, #tpu.memory_space<hbm>>
      %dma_start3A_67 = tpu.memref_squeeze %dma_start3A_66 : memref<1x320x64xf32, #tpu.memory_space<hbm>> -> memref<320x64xf32, #tpu.memory_space<hbm>>
      %dma_start3A_68 = arith.constant 0 : i32
      %dma_start3A_69 = tpu.memref_slice %arg2[%arg0, %add3A_18, %dma_start3A_68] : memref<2x10240x64xf32, #tpu.memory_space<hbm>> -> memref<1x320x64xf32, #tpu.memory_space<hbm>>
      %dma_start3A_70 = tpu.memref_squeeze %dma_start3A_69 : memref<1x320x64xf32, #tpu.memory_space<hbm>> -> memref<320x64xf32, #tpu.memory_space<hbm>>
      tpu.enqueue_dma source(%dma_start3A_70 : memref<320x64xf32, #tpu.memory_space<hbm>>) target(%arg13 : memref<320x64xf32, #tpu.memory_space<vmem>>) target_semaphore(%run_scoped3A : memref<!tpu.dma_semaphore, #tpu.memory_space<semaphore_mem>>)
      %dma_wait3A = arith.constant 0 : i32
      %dma_wait3A_71 = tpu.memref_slice %arg2[%arg0, %add3A_18, %dma_wait3A] : memref<2x10240x64xf32, #tpu.memory_space<hbm>> -> memref<1x320x64xf32, #tpu.memory_space<hbm>>
      %dma_wait3A_72 = tpu.memref_squeeze %dma_wait3A_71 : memref<1x320x64xf32, #tpu.memory_space<hbm>> -> memref<320x64xf32, #tpu.memory_space<hbm>>
      %dma_wait3A_73 = arith.constant 0 : i32
      %dma_wait3A_74 = tpu.memref_slice %arg2[%arg0, %add3A_18, %dma_wait3A_73] : memref<2x10240x64xf32, #tpu.memory_space<hbm>> -> memref<1x320x64xf32, #tpu.memory_space<hbm>>
      %dma_wait3A_75 = tpu.memref_squeeze %dma_wait3A_74 : memref<1x320x64xf32, #tpu.memory_space<hbm>> -> memref<320x64xf32, #tpu.memory_space<hbm>>
      tpu.wait_dma2 semaphore(%run_scoped3A : memref<!tpu.dma_semaphore, #tpu.memory_space<semaphore_mem>>) src(%dma_wait3A_75 : memref<320x64xf32, #tpu.memory_space<hbm>>) dst(%arg13 : memref<320x64xf32, #tpu.memory_space<vmem>>)
      tpu.yield
    }) : () -> ()
    %scan3A_19 = arith.constant 0 : i32
    %scan3A_20 = arith.constant 0 : i32
    %scan3A_21 = arith.constant 320 : i32
    %scan3A_22 = arith.addi %scan3A_20, %scan3A_21 : i32
    %scan3A_23 = arith.constant 1 : i32
    scf.for %scan3A_66 = %scan3A_20 to %scan3A_22 step %scan3A_23  : i32 {
      %broadcast_in_dim3A = arith.constant 0 : i32
      %broadcast_in_dim3A_67 = vector.broadcast %broadcast_in_dim3A : i32 to vector<16xi32>
      %add3A_68 = arith.constant 320 : i32
      %add3A_69 = arith.addi %add3A_68, %scan3A_66 : i32
      %add3A_70 = vector.broadcast %add3A_69 : i32 to vector<16xi32>
      %add3A_71 = arith.addi %broadcast_in_dim3A_67, %add3A_70 : vector<16xi32>
      %gather3A = tpu.vector_load_idx %arg12[%add3A_71] : memref<640xf32, #tpu.memory_space<vmem>>[vector<16xi32>], vector<16xf32>,
      %get3A = arith.index_cast %scan3A_66 : i32 to index
      %get3A_72 = arith.constant 0 : index
      %get3A_73 = tpu.vector_load %arg13[%get3A, %get3A_72] {strides = array<i32>} : memref<320x64xf32, #tpu.memory_space<vmem>>, vector<16xf32>,
      %mul3A_74 = arith.mulf %get3A_73, %gather3A : vector<16xf32>
      %swap3A = arith.index_cast %scan3A_66 : i32 to index
      %swap3A_75 = arith.constant 0 : index
      %swap3A_76 = tpu.vector_load %arg13[%swap3A, %swap3A_75] {strides = array<i32>} : memref<320x64xf32, #tpu.memory_space<vmem>>, vector<16xf32>,
      tpu.vector_store %arg13[%swap3A, %swap3A_75], %mul3A_74 {strides = array<i32>} : memref<320x64xf32, #tpu.memory_space<vmem>>, vector<16xf32>,
      %get3A_77 = arith.index_cast %scan3A_66 : i32 to index
      %get3A_78 = arith.constant 16 : index
      %get3A_79 = tpu.vector_load %arg13[%get3A_77, %get3A_78] {strides = array<i32>} : memref<320x64xf32, #tpu.memory_space<vmem>>, vector<16xf32>,
      %mul3A_80 = arith.mulf %get3A_79, %gather3A : vector<16xf32>
      %swap3A_81 = arith.index_cast %scan3A_66 : i32 to index
      %swap3A_82 = arith.constant 16 : index
      %swap3A_83 = tpu.vector_load %arg13[%swap3A_81, %swap3A_82] {strides = array<i32>} : memref<320x64xf32, #tpu.memory_space<vmem>>, vector<16xf32>,
      tpu.vector_store %arg13[%swap3A_81, %swap3A_82], %mul3A_80 {strides = array<i32>} : memref<320x64xf32, #tpu.memory_space<vmem>>, vector<16xf32>,
      %get3A_84 = arith.index_cast %scan3A_66 : i32 to index
      %get3A_85 = arith.constant 32 : index
      %get3A_86 = tpu.vector_load %arg13[%get3A_84, %get3A_85] {strides = array<i32>} : memref<320x64xf32, #tpu.memory_space<vmem>>, vector<16xf32>,
      %mul3A_87 = arith.mulf %get3A_86, %gather3A : vector<16xf32>
      %swap3A_88 = arith.index_cast %scan3A_66 : i32 to index
      %swap3A_89 = arith.constant 32 : index
      %swap3A_90 = tpu.vector_load %arg13[%swap3A_88, %swap3A_89] {strides = array<i32>} : memref<320x64xf32, #tpu.memory_space<vmem>>, vector<16xf32>,
      tpu.vector_store %arg13[%swap3A_88, %swap3A_89], %mul3A_87 {strides = array<i32>} : memref<320x64xf32, #tpu.memory_space<vmem>>, vector<16xf32>,
      %get3A_91 = arith.index_cast %scan3A_66 : i32 to index
      %get3A_92 = arith.constant 48 : index
      %get3A_93 = tpu.vector_load %arg13[%get3A_91, %get3A_92] {strides = array<i32>} : memref<320x64xf32, #tpu.memory_space<vmem>>, vector<16xf32>,
      %mul3A_94 = arith.mulf %get3A_93, %gather3A : vector<16xf32>
      %swap3A_95 = arith.index_cast %scan3A_66 : i32 to index
      %swap3A_96 = arith.constant 48 : index
      %swap3A_97 = tpu.vector_load %arg13[%swap3A_95, %swap3A_96] {strides = array<i32>} : memref<320x64xf32, #tpu.memory_space<vmem>>, vector<16xf32>,
      tpu.vector_store %arg13[%swap3A_95, %swap3A_96], %mul3A_94 {strides = array<i32>} : memref<320x64xf32, #tpu.memory_space<vmem>>, vector<16xf32>,
    }
    %scan3A_24 = arith.constant 320 : i32
    "tpu.region"() ({
      %run_scoped3A = tpu.sem_alloc : memref<!tpu.dma_semaphore, #tpu.memory_space<semaphore_mem>>
      %dma_start3A = arith.constant 0 : i32
      %dma_start3A_66 = tpu.memref_slice %arg14[%add3A_18, %dma_start3A] : memref<10240x64xf32, #tpu.memory_space<vmem_shared>> -> memref<320x64xf32, #tpu.memory_space<vmem_shared>>
      %dma_start3A_67 = arith.constant 0 : i32
      %dma_start3A_68 = tpu.memref_slice %arg14[%add3A_18, %dma_start3A_67] : memref<10240x64xf32, #tpu.memory_space<vmem_shared>> -> memref<320x64xf32, #tpu.memory_space<vmem_shared>>
      tpu.enqueue_dma source(%arg13 : memref<320x64xf32, #tpu.memory_space<vmem>>) target(%dma_start3A_68 : memref<320x64xf32, #tpu.memory_space<vmem_shared>>) target_semaphore(%run_scoped3A : memref<!tpu.dma_semaphore, #tpu.memory_space<semaphore_mem>>)
      %dma_wait3A = arith.constant 0 : i32
      %dma_wait3A_69 = tpu.memref_slice %arg14[%add3A_18, %dma_wait3A] : memref<10240x64xf32, #tpu.memory_space<vmem_shared>> -> memref<320x64xf32, #tpu.memory_space<vmem_shared>>
      %dma_wait3A_70 = arith.constant 0 : i32
      %dma_wait3A_71 = tpu.memref_slice %arg14[%add3A_18, %dma_wait3A_70] : memref<10240x64xf32, #tpu.memory_space<vmem_shared>> -> memref<320x64xf32, #tpu.memory_space<vmem_shared>>
      tpu.wait_dma2 semaphore(%run_scoped3A : memref<!tpu.dma_semaphore, #tpu.memory_space<semaphore_mem>>) src(%arg13 : memref<320x64xf32, #tpu.memory_space<vmem>>) dst(%dma_wait3A_71 : memref<320x64xf32, #tpu.memory_space<vmem_shared>>)
      tpu.yield
    }) : () -> ()
    %barrier3A = arith.constant 0 : index
    tpu.barrier barrier_id(%barrier3A)
    "tpu.region"() ({
      %run_scoped3A = memref.alloca() : memref<4x128xi32, #tpu.memory_space<vmem>>
      %run_scoped3A_66 = memref.alloca() : memref<4x128xi32, #tpu.memory_space<vmem>>
      %run_scoped3A_67 = tpu.sem_alloc : memref<!tpu.dma_semaphore, #tpu.memory_space<semaphore_mem>>
      %run_scoped3A_68 = tpu.sem_alloc : memref<!tpu.dma_semaphore, #tpu.memory_space<semaphore_mem>>
      %scan3A_69 = arith.constant 0 : i32
      %scan3A_70 = arith.constant 0 : i32
      %scan3A_71 = arith.constant 40 : i32
      %scan3A_72 = arith.addi %scan3A_70, %scan3A_71 : i32
      %scan3A_73 = arith.constant 1 : i32
      scf.for %scan3A_75 = %scan3A_70 to %scan3A_72 step %scan3A_73  : i32 {
        %mul3A_76 = arith.constant 160 : i32
        %mul3A_77 = arith.muli %arg1, %mul3A_76 : i32
        %mul3A_78 = arith.constant 4 : i32
        %mul3A_79 = arith.muli %scan3A_75, %mul3A_78 : i32
        %add3A_80 = arith.addi %mul3A_77, %mul3A_79 : i32
        "tpu.region"() ({
          %run_scoped3A_239 = tpu.sem_alloc : memref<!tpu.dma_semaphore, #tpu.memory_space<semaphore_mem>>
          %dma_start3A_240 = arith.constant 0 : i32
          %dma_start3A_241 = tpu.memref_slice %arg3[%arg0, %add3A_80, %dma_start3A_240] : memref<2x2560x128xi32, #tpu.memory_space<hbm>> -> memref<1x4x128xi32, #tpu.memory_space<hbm>>
          %dma_start3A_242 = tpu.memref_squeeze %dma_start3A_241 : memref<1x4x128xi32, #tpu.memory_space<hbm>> -> memref<4x128xi32, #tpu.memory_space<hbm>>
          %dma_start3A_243 = arith.constant 0 : i32
          %dma_start3A_244 = tpu.memref_slice %arg3[%arg0, %add3A_80, %dma_start3A_243] : memref<2x2560x128xi32, #tpu.memory_space<hbm>> -> memref<1x4x128xi32, #tpu.memory_space<hbm>>
          %dma_start3A_245 = tpu.memref_squeeze %dma_start3A_244 : memref<1x4x128xi32, #tpu.memory_space<hbm>> -> memref<4x128xi32, #tpu.memory_space<hbm>>
          tpu.enqueue_dma source(%dma_start3A_245 : memref<4x128xi32, #tpu.memory_space<hbm>>) target(%run_scoped3A : memref<4x128xi32, #tpu.memory_space<vmem>>) target_semaphore(%run_scoped3A_239 : memref<!tpu.dma_semaphore, #tpu.memory_space<semaphore_mem>>)
          %dma_wait3A_246 = arith.constant 0 : i32
          %dma_wait3A_247 = tpu.memref_slice %arg3[%arg0, %add3A_80, %dma_wait3A_246] : memref<2x2560x128xi32, #tpu.memory_space<hbm>> -> memref<1x4x128xi32, #tpu.memory_space<hbm>>
          %dma_wait3A_248 = tpu.memref_squeeze %dma_wait3A_247 : memref<1x4x128xi32, #tpu.memory_space<hbm>> -> memref<4x128xi32, #tpu.memory_space<hbm>>
          %dma_wait3A_249 = arith.constant 0 : i32
          %dma_wait3A_250 = tpu.memref_slice %arg3[%arg0, %add3A_80, %dma_wait3A_249] : memref<2x2560x128xi32, #tpu.memory_space<hbm>> -> memref<1x4x128xi32, #tpu.memory_space<hbm>>
          %dma_wait3A_251 = tpu.memref_squeeze %dma_wait3A_250 : memref<1x4x128xi32, #tpu.memory_space<hbm>> -> memref<4x128xi32, #tpu.memory_space<hbm>>
          tpu.wait_dma2 semaphore(%run_scoped3A_239 : memref<!tpu.dma_semaphore, #tpu.memory_space<semaphore_mem>>) src(%dma_wait3A_251 : memref<4x128xi32, #tpu.memory_space<hbm>>) dst(%run_scoped3A : memref<4x128xi32, #tpu.memory_space<vmem>>)
          tpu.yield
        }) : () -> ()
        "tpu.region"() ({
          %run_scoped3A_239 = tpu.sem_alloc : memref<!tpu.dma_semaphore, #tpu.memory_space<semaphore_mem>>
          %dma_start3A_240 = arith.constant 0 : i32
          %dma_start3A_241 = tpu.memref_slice %arg4[%arg0, %add3A_80, %dma_start3A_240] : memref<2x2560x128xi32, #tpu.memory_space<hbm>> -> memref<1x4x128xi32, #tpu.memory_space<hbm>>
          %dma_start3A_242 = tpu.memref_squeeze %dma_start3A_241 : memref<1x4x128xi32, #tpu.memory_space<hbm>> -> memref<4x128xi32, #tpu.memory_space<hbm>>
          %dma_start3A_243 = arith.constant 0 : i32
          %dma_start3A_244 = tpu.memref_slice %arg4[%arg0, %add3A_80, %dma_start3A_243] : memref<2x2560x128xi32, #tpu.memory_space<hbm>> -> memref<1x4x128xi32, #tpu.memory_space<hbm>>
          %dma_start3A_245 = tpu.memref_squeeze %dma_start3A_244 : memref<1x4x128xi32, #tpu.memory_space<hbm>> -> memref<4x128xi32, #tpu.memory_space<hbm>>
          tpu.enqueue_dma source(%dma_start3A_245 : memref<4x128xi32, #tpu.memory_space<hbm>>) target(%run_scoped3A_66 : memref<4x128xi32, #tpu.memory_space<vmem>>) target_semaphore(%run_scoped3A_239 : memref<!tpu.dma_semaphore, #tpu.memory_space<semaphore_mem>>)
          %dma_wait3A_246 = arith.constant 0 : i32
          %dma_wait3A_247 = tpu.memref_slice %arg4[%arg0, %add3A_80, %dma_wait3A_246] : memref<2x2560x128xi32, #tpu.memory_space<hbm>> -> memref<1x4x128xi32, #tpu.memory_space<hbm>>
          %dma_wait3A_248 = tpu.memref_squeeze %dma_wait3A_247 : memref<1x4x128xi32, #tpu.memory_space<hbm>> -> memref<4x128xi32, #tpu.memory_space<hbm>>
          %dma_wait3A_249 = arith.constant 0 : i32
          %dma_wait3A_250 = tpu.memref_slice %arg4[%arg0, %add3A_80, %dma_wait3A_249] : memref<2x2560x128xi32, #tpu.memory_space<hbm>> -> memref<1x4x128xi32, #tpu.memory_space<hbm>>
          %dma_wait3A_251 = tpu.memref_squeeze %dma_wait3A_250 : memref<1x4x128xi32, #tpu.memory_space<hbm>> -> memref<4x128xi32, #tpu.memory_space<hbm>>
          tpu.wait_dma2 semaphore(%run_scoped3A_239 : memref<!tpu.dma_semaphore, #tpu.memory_space<semaphore_mem>>) src(%dma_wait3A_251 : memref<4x128xi32, #tpu.memory_space<hbm>>) dst(%run_scoped3A_66 : memref<4x128xi32, #tpu.memory_space<vmem>>)
          tpu.yield
        }) : () -> ()
        %dma_start3A = arith.constant 0 : i32
        %dma_start3A_81 = arith.constant 0 : i32
        %dma_start3A_82 = arith.constant 0 : i32
        %dma_start3A_83 = tpu.memref_slice %arg10[%dma_start3A_81, %dma_start3A_82] : memref<512x64xf32, #tpu.memory_space<vmem>> -> memref<128x64xf32, #tpu.memory_space<vmem>>
        %dma_start3A_84 = arith.constant 0 : i32
        %dma_start3A_85 = tpu.memref_slice %run_scoped3A[%dma_start3A, %dma_start3A_84] : memref<4x128xi32, #tpu.memory_space<vmem>> -> memref<1x128xi32, #tpu.memory_space<vmem>>
        %dma_start3A_86 = tpu.memref_squeeze %dma_start3A_85 : memref<1x128xi32, #tpu.memory_space<vmem>> -> memref<128xi32, #tpu.memory_space<vmem>>
        %dma_start3A_87 = arith.constant 0 : i32
        %dma_start3A_88 = arith.constant 0 : i32
        %dma_start3A_89 = tpu.memref_slice %arg14[%dma_start3A_87, %dma_start3A_88] : memref<10240x64xf32, #tpu.memory_space<vmem_shared>> -> memref<10240x64xf32, #tpu.memory_space<vmem_shared>>
        tpu.enqueue_indirect_dma source(%dma_start3A_89 : memref<10240x64xf32, #tpu.memory_space<vmem_shared>>) target(%dma_start3A_83 : memref<128x64xf32, #tpu.memory_space<vmem>>) offsets(%dma_start3A_86 : memref<128xi32, #tpu.memory_space<vmem>>) semaphore(%run_scoped3A_67 : memref<!tpu.dma_semaphore, #tpu.memory_space<semaphore_mem>>)
        %dma_start3A_90 = arith.constant 1 : i32
        %dma_start3A_91 = arith.constant 128 : i32
        %dma_start3A_92 = arith.constant 0 : i32
        %dma_start3A_93 = tpu.memref_slice %arg10[%dma_start3A_91, %dma_start3A_92] : memref<512x64xf32, #tpu.memory_space<vmem>> -> memref<128x64xf32, #tpu.memory_space<vmem>>
        %dma_start3A_94 = arith.constant 0 : i32
        %dma_start3A_95 = tpu.memref_slice %run_scoped3A[%dma_start3A_90, %dma_start3A_94] : memref<4x128xi32, #tpu.memory_space<vmem>> -> memref<1x128xi32, #tpu.memory_space<vmem>>
        %dma_start3A_96 = tpu.memref_squeeze %dma_start3A_95 : memref<1x128xi32, #tpu.memory_space<vmem>> -> memref<128xi32, #tpu.memory_space<vmem>>
        %dma_start3A_97 = arith.constant 0 : i32
        %dma_start3A_98 = arith.constant 0 : i32
        %dma_start3A_99 = tpu.memref_slice %arg14[%dma_start3A_97, %dma_start3A_98] : memref<10240x64xf32, #tpu.memory_space<vmem_shared>> -> memref<10240x64xf32, #tpu.memory_space<vmem_shared>>
        tpu.enqueue_indirect_dma source(%dma_start3A_99 : memref<10240x64xf32, #tpu.memory_space<vmem_shared>>) target(%dma_start3A_93 : memref<128x64xf32, #tpu.memory_space<vmem>>) offsets(%dma_start3A_96 : memref<128xi32, #tpu.memory_space<vmem>>) semaphore(%run_scoped3A_67 : memref<!tpu.dma_semaphore, #tpu.memory_space<semaphore_mem>>)
        %dma_start3A_100 = arith.constant 2 : i32
        %dma_start3A_101 = arith.constant 256 : i32
        %dma_start3A_102 = arith.constant 0 : i32
        %dma_start3A_103 = tpu.memref_slice %arg10[%dma_start3A_101, %dma_start3A_102] : memref<512x64xf32, #tpu.memory_space<vmem>> -> memref<128x64xf32, #tpu.memory_space<vmem>>
        %dma_start3A_104 = arith.constant 0 : i32
        %dma_start3A_105 = tpu.memref_slice %run_scoped3A[%dma_start3A_100, %dma_start3A_104] : memref<4x128xi32, #tpu.memory_space<vmem>> -> memref<1x128xi32, #tpu.memory_space<vmem>>
        %dma_start3A_106 = tpu.memref_squeeze %dma_start3A_105 : memref<1x128xi32, #tpu.memory_space<vmem>> -> memref<128xi32, #tpu.memory_space<vmem>>
        %dma_start3A_107 = arith.constant 0 : i32
        %dma_start3A_108 = arith.constant 0 : i32
        %dma_start3A_109 = tpu.memref_slice %arg14[%dma_start3A_107, %dma_start3A_108] : memref<10240x64xf32, #tpu.memory_space<vmem_shared>> -> memref<10240x64xf32, #tpu.memory_space<vmem_shared>>
        tpu.enqueue_indirect_dma source(%dma_start3A_109 : memref<10240x64xf32, #tpu.memory_space<vmem_shared>>) target(%dma_start3A_103 : memref<128x64xf32, #tpu.memory_space<vmem>>) offsets(%dma_start3A_106 : memref<128xi32, #tpu.memory_space<vmem>>) semaphore(%run_scoped3A_67 : memref<!tpu.dma_semaphore, #tpu.memory_space<semaphore_mem>>)
        %dma_start3A_110 = arith.constant 3 : i32
        %dma_start3A_111 = arith.constant 384 : i32
        %dma_start3A_112 = arith.constant 0 : i32
        %dma_start3A_113 = tpu.memref_slice %arg10[%dma_start3A_111, %dma_start3A_112] : memref<512x64xf32, #tpu.memory_space<vmem>> -> memref<128x64xf32, #tpu.memory_space<vmem>>
        %dma_start3A_114 = arith.constant 0 : i32
        %dma_start3A_115 = tpu.memref_slice %run_scoped3A[%dma_start3A_110, %dma_start3A_114] : memref<4x128xi32, #tpu.memory_space<vmem>> -> memref<1x128xi32, #tpu.memory_space<vmem>>
        %dma_start3A_116 = tpu.memref_squeeze %dma_start3A_115 : memref<1x128xi32, #tpu.memory_space<vmem>> -> memref<128xi32, #tpu.memory_space<vmem>>
        %dma_start3A_117 = arith.constant 0 : i32
        %dma_start3A_118 = arith.constant 0 : i32
        %dma_start3A_119 = tpu.memref_slice %arg14[%dma_start3A_117, %dma_start3A_118] : memref<10240x64xf32, #tpu.memory_space<vmem_shared>> -> memref<10240x64xf32, #tpu.memory_space<vmem_shared>>
        tpu.enqueue_indirect_dma source(%dma_start3A_119 : memref<10240x64xf32, #tpu.memory_space<vmem_shared>>) target(%dma_start3A_113 : memref<128x64xf32, #tpu.memory_space<vmem>>) offsets(%dma_start3A_116 : memref<128xi32, #tpu.memory_space<vmem>>) semaphore(%run_scoped3A_67 : memref<!tpu.dma_semaphore, #tpu.memory_space<semaphore_mem>>)
        %dma_wait3A = arith.constant 0 : i32
        %dma_wait3A_120 = arith.constant 0 : i32
        %dma_wait3A_121 = arith.constant 0 : i32
        %dma_wait3A_122 = tpu.memref_slice %arg10[%dma_wait3A_120, %dma_wait3A_121] : memref<512x64xf32, #tpu.memory_space<vmem>> -> memref<128x64xf32, #tpu.memory_space<vmem>>
        %dma_wait3A_123 = arith.constant 0 : i32
        %dma_wait3A_124 = tpu.memref_slice %run_scoped3A[%dma_wait3A, %dma_wait3A_123] : memref<4x128xi32, #tpu.memory_space<vmem>> -> memref<1x128xi32, #tpu.memory_space<vmem>>
        %dma_wait3A_125 = tpu.memref_squeeze %dma_wait3A_124 : memref<1x128xi32, #tpu.memory_space<vmem>> -> memref<128xi32, #tpu.memory_space<vmem>>
        %dma_wait3A_126 = arith.constant 0 : i32
        %dma_wait3A_127 = arith.constant 0 : i32
        %dma_wait3A_128 = tpu.memref_slice %arg14[%dma_wait3A_126, %dma_wait3A_127] : memref<10240x64xf32, #tpu.memory_space<vmem_shared>> -> memref<10240x64xf32, #tpu.memory_space<vmem_shared>>
        tpu.wait_indirect_dma semaphore(%run_scoped3A_67 : memref<!tpu.dma_semaphore, #tpu.memory_space<semaphore_mem>>) src(%dma_wait3A_128 : memref<10240x64xf32, #tpu.memory_space<vmem_shared>>) dst(%dma_wait3A_122 : memref<128x64xf32, #tpu.memory_space<vmem>>)
        %dma_start3A_129 = arith.constant 0 : i32
        %dma_start3A_130 = arith.constant 0 : i32
        %dma_start3A_131 = arith.constant 0 : i32
        %dma_start3A_132 = tpu.memref_slice %arg10[%dma_start3A_130, %dma_start3A_131] : memref<512x64xf32, #tpu.memory_space<vmem>> -> memref<128x64xf32, #tpu.memory_space<vmem>>
        %dma_start3A_133 = arith.constant 0 : i32
        %dma_start3A_134 = tpu.memref_slice %run_scoped3A_66[%dma_start3A_129, %dma_start3A_133] : memref<4x128xi32, #tpu.memory_space<vmem>> -> memref<1x128xi32, #tpu.memory_space<vmem>>
        %dma_start3A_135 = tpu.memref_squeeze %dma_start3A_134 : memref<1x128xi32, #tpu.memory_space<vmem>> -> memref<128xi32, #tpu.memory_space<vmem>>
        %dma_start3A_136 = arith.constant 0 : i32
        %dma_start3A_137 = arith.constant 0 : i32
        %dma_start3A_138 = tpu.memref_slice %arg15[%dma_start3A_136, %dma_start3A_137] : memref<5120x64xf32, #tpu.memory_space<vmem_shared>> -> memref<5120x64xf32, #tpu.memory_space<vmem_shared>>
        tpu.enqueue_indirect_dma source(%dma_start3A_132 : memref<128x64xf32, #tpu.memory_space<vmem>>) target(%dma_start3A_138 : memref<5120x64xf32, #tpu.memory_space<vmem_shared>>) offsets(%dma_start3A_135 : memref<128xi32, #tpu.memory_space<vmem>>) semaphore(%run_scoped3A_68 : memref<!tpu.dma_semaphore, #tpu.memory_space<semaphore_mem>>) {add = true}
        %dma_wait3A_139 = arith.constant 1 : i32
        %dma_wait3A_140 = arith.constant 128 : i32
        %dma_wait3A_141 = arith.constant 0 : i32
        %dma_wait3A_142 = tpu.memref_slice %arg10[%dma_wait3A_140, %dma_wait3A_141] : memref<512x64xf32, #tpu.memory_space<vmem>> -> memref<128x64xf32, #tpu.memory_space<vmem>>
        %dma_wait3A_143 = arith.constant 0 : i32
        %dma_wait3A_144 = tpu.memref_slice %run_scoped3A[%dma_wait3A_139, %dma_wait3A_143] : memref<4x128xi32, #tpu.memory_space<vmem>> -> memref<1x128xi32, #tpu.memory_space<vmem>>
        %dma_wait3A_145 = tpu.memref_squeeze %dma_wait3A_144 : memref<1x128xi32, #tpu.memory_space<vmem>> -> memref<128xi32, #tpu.memory_space<vmem>>
        %dma_wait3A_146 = arith.constant 0 : i32
        %dma_wait3A_147 = arith.constant 0 : i32
        %dma_wait3A_148 = tpu.memref_slice %arg14[%dma_wait3A_146, %dma_wait3A_147] : memref<10240x64xf32, #tpu.memory_space<vmem_shared>> -> memref<10240x64xf32, #tpu.memory_space<vmem_shared>>
        tpu.wait_indirect_dma semaphore(%run_scoped3A_67 : memref<!tpu.dma_semaphore, #tpu.memory_space<semaphore_mem>>) src(%dma_wait3A_148 : memref<10240x64xf32, #tpu.memory_space<vmem_shared>>) dst(%dma_wait3A_142 : memref<128x64xf32, #tpu.memory_space<vmem>>)
        %dma_start3A_149 = arith.constant 1 : i32
        %dma_start3A_150 = arith.constant 128 : i32
        %dma_start3A_151 = arith.constant 0 : i32
        %dma_start3A_152 = tpu.memref_slice %arg10[%dma_start3A_150, %dma_start3A_151] : memref<512x64xf32, #tpu.memory_space<vmem>> -> memref<128x64xf32, #tpu.memory_space<vmem>>
        %dma_start3A_153 = arith.constant 0 : i32
        %dma_start3A_154 = tpu.memref_slice %run_scoped3A_66[%dma_start3A_149, %dma_start3A_153] : memref<4x128xi32, #tpu.memory_space<vmem>> -> memref<1x128xi32, #tpu.memory_space<vmem>>
        %dma_start3A_155 = tpu.memref_squeeze %dma_start3A_154 : memref<1x128xi32, #tpu.memory_space<vmem>> -> memref<128xi32, #tpu.memory_space<vmem>>
        %dma_start3A_156 = arith.constant 0 : i32
        %dma_start3A_157 = arith.constant 0 : i32
        %dma_start3A_158 = tpu.memref_slice %arg15[%dma_start3A_156, %dma_start3A_157] : memref<5120x64xf32, #tpu.memory_space<vmem_shared>> -> memref<5120x64xf32, #tpu.memory_space<vmem_shared>>
        tpu.enqueue_indirect_dma source(%dma_start3A_152 : memref<128x64xf32, #tpu.memory_space<vmem>>) target(%dma_start3A_158 : memref<5120x64xf32, #tpu.memory_space<vmem_shared>>) offsets(%dma_start3A_155 : memref<128xi32, #tpu.memory_space<vmem>>) semaphore(%run_scoped3A_68 : memref<!tpu.dma_semaphore, #tpu.memory_space<semaphore_mem>>) {add = true}
        %dma_wait3A_159 = arith.constant 2 : i32
        %dma_wait3A_160 = arith.constant 256 : i32
        %dma_wait3A_161 = arith.constant 0 : i32
        %dma_wait3A_162 = tpu.memref_slice %arg10[%dma_wait3A_160, %dma_wait3A_161] : memref<512x64xf32, #tpu.memory_space<vmem>> -> memref<128x64xf32, #tpu.memory_space<vmem>>
        %dma_wait3A_163 = arith.constant 0 : i32
        %dma_wait3A_164 = tpu.memref_slice %run_scoped3A[%dma_wait3A_159, %dma_wait3A_163] : memref<4x128xi32, #tpu.memory_space<vmem>> -> memref<1x128xi32, #tpu.memory_space<vmem>>
        %dma_wait3A_165 = tpu.memref_squeeze %dma_wait3A_164 : memref<1x128xi32, #tpu.memory_space<vmem>> -> memref<128xi32, #tpu.memory_space<vmem>>
        %dma_wait3A_166 = arith.constant 0 : i32
        %dma_wait3A_167 = arith.constant 0 : i32
        %dma_wait3A_168 = tpu.memref_slice %arg14[%dma_wait3A_166, %dma_wait3A_167] : memref<10240x64xf32, #tpu.memory_space<vmem_shared>> -> memref<10240x64xf32, #tpu.memory_space<vmem_shared>>
        tpu.wait_indirect_dma semaphore(%run_scoped3A_67 : memref<!tpu.dma_semaphore, #tpu.memory_space<semaphore_mem>>) src(%dma_wait3A_168 : memref<10240x64xf32, #tpu.memory_space<vmem_shared>>) dst(%dma_wait3A_162 : memref<128x64xf32, #tpu.memory_space<vmem>>)
        %dma_start3A_169 = arith.constant 2 : i32
        %dma_start3A_170 = arith.constant 256 : i32
        %dma_start3A_171 = arith.constant 0 : i32
        %dma_start3A_172 = tpu.memref_slice %arg10[%dma_start3A_170, %dma_start3A_171] : memref<512x64xf32, #tpu.memory_space<vmem>> -> memref<128x64xf32, #tpu.memory_space<vmem>>
        %dma_start3A_173 = arith.constant 0 : i32
        %dma_start3A_174 = tpu.memref_slice %run_scoped3A_66[%dma_start3A_169, %dma_start3A_173] : memref<4x128xi32, #tpu.memory_space<vmem>> -> memref<1x128xi32, #tpu.memory_space<vmem>>
        %dma_start3A_175 = tpu.memref_squeeze %dma_start3A_174 : memref<1x128xi32, #tpu.memory_space<vmem>> -> memref<128xi32, #tpu.memory_space<vmem>>
        %dma_start3A_176 = arith.constant 0 : i32
        %dma_start3A_177 = arith.constant 0 : i32
        %dma_start3A_178 = tpu.memref_slice %arg15[%dma_start3A_176, %dma_start3A_177] : memref<5120x64xf32, #tpu.memory_space<vmem_shared>> -> memref<5120x64xf32, #tpu.memory_space<vmem_shared>>
        tpu.enqueue_indirect_dma source(%dma_start3A_172 : memref<128x64xf32, #tpu.memory_space<vmem>>) target(%dma_start3A_178 : memref<5120x64xf32, #tpu.memory_space<vmem_shared>>) offsets(%dma_start3A_175 : memref<128xi32, #tpu.memory_space<vmem>>) semaphore(%run_scoped3A_68 : memref<!tpu.dma_semaphore, #tpu.memory_space<semaphore_mem>>) {add = true}
        %dma_wait3A_179 = arith.constant 3 : i32
        %dma_wait3A_180 = arith.constant 384 : i32
        %dma_wait3A_181 = arith.constant 0 : i32
        %dma_wait3A_182 = tpu.memref_slice %arg10[%dma_wait3A_180, %dma_wait3A_181] : memref<512x64xf32, #tpu.memory_space<vmem>> -> memref<128x64xf32, #tpu.memory_space<vmem>>
        %dma_wait3A_183 = arith.constant 0 : i32
        %dma_wait3A_184 = tpu.memref_slice %run_scoped3A[%dma_wait3A_179, %dma_wait3A_183] : memref<4x128xi32, #tpu.memory_space<vmem>> -> memref<1x128xi32, #tpu.memory_space<vmem>>
        %dma_wait3A_185 = tpu.memref_squeeze %dma_wait3A_184 : memref<1x128xi32, #tpu.memory_space<vmem>> -> memref<128xi32, #tpu.memory_space<vmem>>
        %dma_wait3A_186 = arith.constant 0 : i32
        %dma_wait3A_187 = arith.constant 0 : i32
        %dma_wait3A_188 = tpu.memref_slice %arg14[%dma_wait3A_186, %dma_wait3A_187] : memref<10240x64xf32, #tpu.memory_space<vmem_shared>> -> memref<10240x64xf32, #tpu.memory_space<vmem_shared>>
        tpu.wait_indirect_dma semaphore(%run_scoped3A_67 : memref<!tpu.dma_semaphore, #tpu.memory_space<semaphore_mem>>) src(%dma_wait3A_188 : memref<10240x64xf32, #tpu.memory_space<vmem_shared>>) dst(%dma_wait3A_182 : memref<128x64xf32, #tpu.memory_space<vmem>>)
        %dma_start3A_189 = arith.constant 3 : i32
        %dma_start3A_190 = arith.constant 384 : i32
        %dma_start3A_191 = arith.constant 0 : i32
        %dma_start3A_192 = tpu.memref_slice %arg10[%dma_start3A_190, %dma_start3A_191] : memref<512x64xf32, #tpu.memory_space<vmem>> -> memref<128x64xf32, #tpu.memory_space<vmem>>
        %dma_start3A_193 = arith.constant 0 : i32
        %dma_start3A_194 = tpu.memref_slice %run_scoped3A_66[%dma_start3A_189, %dma_start3A_193] : memref<4x128xi32, #tpu.memory_space<vmem>> -> memref<1x128xi32, #tpu.memory_space<vmem>>
        %dma_start3A_195 = tpu.memref_squeeze %dma_start3A_194 : memref<1x128xi32, #tpu.memory_space<vmem>> -> memref<128xi32, #tpu.memory_space<vmem>>
        %dma_start3A_196 = arith.constant 0 : i32
        %dma_start3A_197 = arith.constant 0 : i32
        %dma_start3A_198 = tpu.memref_slice %arg15[%dma_start3A_196, %dma_start3A_197] : memref<5120x64xf32, #tpu.memory_space<vmem_shared>> -> memref<5120x64xf32, #tpu.memory_space<vmem_shared>>
        tpu.enqueue_indirect_dma source(%dma_start3A_192 : memref<128x64xf32, #tpu.memory_space<vmem>>) target(%dma_start3A_198 : memref<5120x64xf32, #tpu.memory_space<vmem_shared>>) offsets(%dma_start3A_195 : memref<128xi32, #tpu.memory_space<vmem>>) semaphore(%run_scoped3A_68 : memref<!tpu.dma_semaphore, #tpu.memory_space<semaphore_mem>>) {add = true}
        %dma_wait3A_199 = arith.constant 0 : i32
        %dma_wait3A_200 = arith.constant 0 : i32
        %dma_wait3A_201 = arith.constant 0 : i32
        %dma_wait3A_202 = tpu.memref_slice %arg10[%dma_wait3A_200, %dma_wait3A_201] : memref<512x64xf32, #tpu.memory_space<vmem>> -> memref<128x64xf32, #tpu.memory_space<vmem>>
        %dma_wait3A_203 = arith.constant 0 : i32
        %dma_wait3A_204 = tpu.memref_slice %run_scoped3A_66[%dma_wait3A_199, %dma_wait3A_203] : memref<4x128xi32, #tpu.memory_space<vmem>> -> memref<1x128xi32, #tpu.memory_space<vmem>>
        %dma_wait3A_205 = tpu.memref_squeeze %dma_wait3A_204 : memref<1x128xi32, #tpu.memory_space<vmem>> -> memref<128xi32, #tpu.memory_space<vmem>>
        %dma_wait3A_206 = arith.constant 0 : i32
        %dma_wait3A_207 = arith.constant 0 : i32
        %dma_wait3A_208 = tpu.memref_slice %arg15[%dma_wait3A_206, %dma_wait3A_207] : memref<5120x64xf32, #tpu.memory_space<vmem_shared>> -> memref<5120x64xf32, #tpu.memory_space<vmem_shared>>
        tpu.wait_indirect_dma semaphore(%run_scoped3A_68 : memref<!tpu.dma_semaphore, #tpu.memory_space<semaphore_mem>>) src(%dma_wait3A_202 : memref<128x64xf32, #tpu.memory_space<vmem>>) dst(%dma_wait3A_208 : memref<5120x64xf32, #tpu.memory_space<vmem_shared>>)
        %dma_wait3A_209 = arith.constant 1 : i32
        %dma_wait3A_210 = arith.constant 128 : i32
        %dma_wait3A_211 = arith.constant 0 : i32
        %dma_wait3A_212 = tpu.memref_slice %arg10[%dma_wait3A_210, %dma_wait3A_211] : memref<512x64xf32, #tpu.memory_space<vmem>> -> memref<128x64xf32, #tpu.memory_space<vmem>>
        %dma_wait3A_213 = arith.constant 0 : i32
        %dma_wait3A_214 = tpu.memref_slice %run_scoped3A_66[%dma_wait3A_209, %dma_wait3A_213] : memref<4x128xi32, #tpu.memory_space<vmem>> -> memref<1x128xi32, #tpu.memory_space<vmem>>
        %dma_wait3A_215 = tpu.memref_squeeze %dma_wait3A_214 : memref<1x128xi32, #tpu.memory_space<vmem>> -> memref<128xi32, #tpu.memory_space<vmem>>
        %dma_wait3A_216 = arith.constant 0 : i32
        %dma_wait3A_217 = arith.constant 0 : i32
        %dma_wait3A_218 = tpu.memref_slice %arg15[%dma_wait3A_216, %dma_wait3A_217] : memref<5120x64xf32, #tpu.memory_space<vmem_shared>> -> memref<5120x64xf32, #tpu.memory_space<vmem_shared>>
        tpu.wait_indirect_dma semaphore(%run_scoped3A_68 : memref<!tpu.dma_semaphore, #tpu.memory_space<semaphore_mem>>) src(%dma_wait3A_212 : memref<128x64xf32, #tpu.memory_space<vmem>>) dst(%dma_wait3A_218 : memref<5120x64xf32, #tpu.memory_space<vmem_shared>>)
        %dma_wait3A_219 = arith.constant 2 : i32
        %dma_wait3A_220 = arith.constant 256 : i32
        %dma_wait3A_221 = arith.constant 0 : i32
        %dma_wait3A_222 = tpu.memref_slice %arg10[%dma_wait3A_220, %dma_wait3A_221] : memref<512x64xf32, #tpu.memory_space<vmem>> -> memref<128x64xf32, #tpu.memory_space<vmem>>
        %dma_wait3A_223 = arith.constant 0 : i32
        %dma_wait3A_224 = tpu.memref_slice %run_scoped3A_66[%dma_wait3A_219, %dma_wait3A_223] : memref<4x128xi32, #tpu.memory_space<vmem>> -> memref<1x128xi32, #tpu.memory_space<vmem>>
        %dma_wait3A_225 = tpu.memref_squeeze %dma_wait3A_224 : memref<1x128xi32, #tpu.memory_space<vmem>> -> memref<128xi32, #tpu.memory_space<vmem>>
        %dma_wait3A_226 = arith.constant 0 : i32
        %dma_wait3A_227 = arith.constant 0 : i32
        %dma_wait3A_228 = tpu.memref_slice %arg15[%dma_wait3A_226, %dma_wait3A_227] : memref<5120x64xf32, #tpu.memory_space<vmem_shared>> -> memref<5120x64xf32, #tpu.memory_space<vmem_shared>>
        tpu.wait_indirect_dma semaphore(%run_scoped3A_68 : memref<!tpu.dma_semaphore, #tpu.memory_space<semaphore_mem>>) src(%dma_wait3A_222 : memref<128x64xf32, #tpu.memory_space<vmem>>) dst(%dma_wait3A_228 : memref<5120x64xf32, #tpu.memory_space<vmem_shared>>)
        %dma_wait3A_229 = arith.constant 3 : i32
        %dma_wait3A_230 = arith.constant 384 : i32
        %dma_wait3A_231 = arith.constant 0 : i32
        %dma_wait3A_232 = tpu.memref_slice %arg10[%dma_wait3A_230, %dma_wait3A_231] : memref<512x64xf32, #tpu.memory_space<vmem>> -> memref<128x64xf32, #tpu.memory_space<vmem>>
        %dma_wait3A_233 = arith.constant 0 : i32
        %dma_wait3A_234 = tpu.memref_slice %run_scoped3A_66[%dma_wait3A_229, %dma_wait3A_233] : memref<4x128xi32, #tpu.memory_space<vmem>> -> memref<1x128xi32, #tpu.memory_space<vmem>>
        %dma_wait3A_235 = tpu.memref_squeeze %dma_wait3A_234 : memref<1x128xi32, #tpu.memory_space<vmem>> -> memref<128xi32, #tpu.memory_space<vmem>>
        %dma_wait3A_236 = arith.constant 0 : i32
        %dma_wait3A_237 = arith.constant 0 : i32
        %dma_wait3A_238 = tpu.memref_slice %arg15[%dma_wait3A_236, %dma_wait3A_237] : memref<5120x64xf32, #tpu.memory_space<vmem_shared>> -> memref<5120x64xf32, #tpu.memory_space<vmem_shared>>
        tpu.wait_indirect_dma semaphore(%run_scoped3A_68 : memref<!tpu.dma_semaphore, #tpu.memory_space<semaphore_mem>>) src(%dma_wait3A_232 : memref<128x64xf32, #tpu.memory_space<vmem>>) dst(%dma_wait3A_238 : memref<5120x64xf32, #tpu.memory_space<vmem_shared>>)
      }
      %scan3A_74 = arith.constant 40 : i32
      tpu.yield
    }) : () -> ()
    %barrier3A_25 = arith.constant 0 : index
    tpu.barrier barrier_id(%barrier3A_25)
    %mul3A_26 = arith.constant 320 : i32
    %mul3A_27 = arith.muli %arg1, %mul3A_26 : i32
    "tpu.region"() ({
      %run_scoped3A = tpu.sem_alloc : memref<!tpu.dma_semaphore, #tpu.memory_space<semaphore_mem>>
      %dma_start3A = arith.constant 0 : i32
      %dma_start3A_66 = arith.constant 0 : i32
      %dma_start3A_67 = tpu.memref_slice %arg13[%dma_start3A, %dma_start3A_66] : memref<320x64xf32, #tpu.memory_space<vmem>> -> memref<320x64xf32, #tpu.memory_space<vmem>>
      %dma_start3A_68 = arith.constant 0 : i32
      %dma_start3A_69 = tpu.memref_slice %arg15[%mul3A_27, %dma_start3A_68] : memref<5120x64xf32, #tpu.memory_space<vmem_shared>> -> memref<320x64xf32, #tpu.memory_space<vmem_shared>>
      %dma_start3A_70 = arith.constant 0 : i32
      %dma_start3A_71 = arith.constant 0 : i32
      %dma_start3A_72 = tpu.memref_slice %arg13[%dma_start3A_70, %dma_start3A_71] : memref<320x64xf32, #tpu.memory_space<vmem>> -> memref<320x64xf32, #tpu.memory_space<vmem>>
      %dma_start3A_73 = arith.constant 0 : i32
      %dma_start3A_74 = tpu.memref_slice %arg15[%mul3A_27, %dma_start3A_73] : memref<5120x64xf32, #tpu.memory_space<vmem_shared>> -> memref<320x64xf32, #tpu.memory_space<vmem_shared>>
      tpu.enqueue_dma source(%dma_start3A_74 : memref<320x64xf32, #tpu.memory_space<vmem_shared>>) target(%dma_start3A_72 : memref<320x64xf32, #tpu.memory_space<vmem>>) target_semaphore(%run_scoped3A : memref<!tpu.dma_semaphore, #tpu.memory_space<semaphore_mem>>)
      %dma_wait3A = arith.constant 0 : i32
      %dma_wait3A_75 = arith.constant 0 : i32
      %dma_wait3A_76 = tpu.memref_slice %arg13[%dma_wait3A, %dma_wait3A_75] : memref<320x64xf32, #tpu.memory_space<vmem>> -> memref<320x64xf32, #tpu.memory_space<vmem>>
      %dma_wait3A_77 = arith.constant 0 : i32
      %dma_wait3A_78 = tpu.memref_slice %arg15[%mul3A_27, %dma_wait3A_77] : memref<5120x64xf32, #tpu.memory_space<vmem_shared>> -> memref<320x64xf32, #tpu.memory_space<vmem_shared>>
      %dma_wait3A_79 = arith.constant 0 : i32
      %dma_wait3A_80 = arith.constant 0 : i32
      %dma_wait3A_81 = tpu.memref_slice %arg13[%dma_wait3A_79, %dma_wait3A_80] : memref<320x64xf32, #tpu.memory_space<vmem>> -> memref<320x64xf32, #tpu.memory_space<vmem>>
      %dma_wait3A_82 = arith.constant 0 : i32
      %dma_wait3A_83 = tpu.memref_slice %arg15[%mul3A_27, %dma_wait3A_82] : memref<5120x64xf32, #tpu.memory_space<vmem_shared>> -> memref<320x64xf32, #tpu.memory_space<vmem_shared>>
      tpu.wait_dma2 semaphore(%run_scoped3A : memref<!tpu.dma_semaphore, #tpu.memory_space<semaphore_mem>>) src(%dma_wait3A_83 : memref<320x64xf32, #tpu.memory_space<vmem_shared>>) dst(%dma_wait3A_81 : memref<320x64xf32, #tpu.memory_space<vmem>>)
      tpu.yield
    }) : () -> ()
    %scan3A_28 = arith.constant 0 : i32
    %scan3A_29 = arith.constant 0 : i32
    %scan3A_30 = arith.constant 320 : i32
    %scan3A_31 = arith.addi %scan3A_29, %scan3A_30 : i32
    %scan3A_32 = arith.constant 1 : i32
    scf.for %scan3A_66 = %scan3A_29 to %scan3A_31 step %scan3A_32  : i32 {
      %broadcast_in_dim3A = arith.constant 0 : i32
      %broadcast_in_dim3A_67 = vector.broadcast %broadcast_in_dim3A : i32 to vector<16xi32>
      %add3A_68 = vector.broadcast %scan3A_66 : i32 to vector<16xi32>
      %add3A_69 = arith.addi %broadcast_in_dim3A_67, %add3A_68 : vector<16xi32>
      %gather3A = tpu.vector_load_idx %arg11[%add3A_69] : memref<320xf32, #tpu.memory_space<vmem>>[vector<16xi32>], vector<16xf32>,
      %get3A = arith.index_cast %scan3A_66 : i32 to index
      %get3A_70 = arith.constant 0 : index
      %get3A_71 = tpu.vector_load %arg13[%get3A, %get3A_70] {strides = array<i32>} : memref<320x64xf32, #tpu.memory_space<vmem>>, vector<16xf32>,
      %mul3A_72 = arith.mulf %get3A_71, %gather3A : vector<16xf32>
      %swap3A = arith.index_cast %scan3A_66 : i32 to index
      %swap3A_73 = arith.constant 0 : index
      %swap3A_74 = tpu.vector_load %arg13[%swap3A, %swap3A_73] {strides = array<i32>} : memref<320x64xf32, #tpu.memory_space<vmem>>, vector<16xf32>,
      tpu.vector_store %arg13[%swap3A, %swap3A_73], %mul3A_72 {strides = array<i32>} : memref<320x64xf32, #tpu.memory_space<vmem>>, vector<16xf32>,
      %get3A_75 = arith.index_cast %scan3A_66 : i32 to index
      %get3A_76 = arith.constant 16 : index
      %get3A_77 = tpu.vector_load %arg13[%get3A_75, %get3A_76] {strides = array<i32>} : memref<320x64xf32, #tpu.memory_space<vmem>>, vector<16xf32>,
      %mul3A_78 = arith.mulf %get3A_77, %gather3A : vector<16xf32>
      %swap3A_79 = arith.index_cast %scan3A_66 : i32 to index
      %swap3A_80 = arith.constant 16 : index
      %swap3A_81 = tpu.vector_load %arg13[%swap3A_79, %swap3A_80] {strides = array<i32>} : memref<320x64xf32, #tpu.memory_space<vmem>>, vector<16xf32>,
      tpu.vector_store %arg13[%swap3A_79, %swap3A_80], %mul3A_78 {strides = array<i32>} : memref<320x64xf32, #tpu.memory_space<vmem>>, vector<16xf32>,
      %get3A_82 = arith.index_cast %scan3A_66 : i32 to index
      %get3A_83 = arith.constant 32 : index
      %get3A_84 = tpu.vector_load %arg13[%get3A_82, %get3A_83] {strides = array<i32>} : memref<320x64xf32, #tpu.memory_space<vmem>>, vector<16xf32>,
      %mul3A_85 = arith.mulf %get3A_84, %gather3A : vector<16xf32>
      %swap3A_86 = arith.index_cast %scan3A_66 : i32 to index
      %swap3A_87 = arith.constant 32 : index
      %swap3A_88 = tpu.vector_load %arg13[%swap3A_86, %swap3A_87] {strides = array<i32>} : memref<320x64xf32, #tpu.memory_space<vmem>>, vector<16xf32>,
      tpu.vector_store %arg13[%swap3A_86, %swap3A_87], %mul3A_85 {strides = array<i32>} : memref<320x64xf32, #tpu.memory_space<vmem>>, vector<16xf32>,
      %get3A_89 = arith.index_cast %scan3A_66 : i32 to index
      %get3A_90 = arith.constant 48 : index
      %get3A_91 = tpu.vector_load %arg13[%get3A_89, %get3A_90] {strides = array<i32>} : memref<320x64xf32, #tpu.memory_space<vmem>>, vector<16xf32>,
      %mul3A_92 = arith.mulf %get3A_91, %gather3A : vector<16xf32>
      %swap3A_93 = arith.index_cast %scan3A_66 : i32 to index
      %swap3A_94 = arith.constant 48 : index
      %swap3A_95 = tpu.vector_load %arg13[%swap3A_93, %swap3A_94] {strides = array<i32>} : memref<320x64xf32, #tpu.memory_space<vmem>>, vector<16xf32>,
      tpu.vector_store %arg13[%swap3A_93, %swap3A_94], %mul3A_92 {strides = array<i32>} : memref<320x64xf32, #tpu.memory_space<vmem>>, vector<16xf32>,
    }
    %scan3A_33 = arith.constant 320 : i32
    %mul3A_34 = arith.constant 320 : i32
    %mul3A_35 = arith.muli %arg1, %mul3A_34 : i32
    "tpu.region"() ({
      %run_scoped3A = tpu.sem_alloc : memref<!tpu.dma_semaphore, #tpu.memory_space<semaphore_mem>>
      %dma_start3A = arith.constant 0 : i32
      %dma_start3A_66 = arith.constant 0 : i32
      %dma_start3A_67 = tpu.memref_slice %arg13[%dma_start3A, %dma_start3A_66] : memref<320x64xf32, #tpu.memory_space<vmem>> -> memref<320x64xf32, #tpu.memory_space<vmem>>
      %dma_start3A_68 = arith.constant 0 : i32
      %dma_start3A_69 = tpu.memref_slice %arg15[%mul3A_35, %dma_start3A_68] : memref<5120x64xf32, #tpu.memory_space<vmem_shared>> -> memref<320x64xf32, #tpu.memory_space<vmem_shared>>
      %dma_start3A_70 = arith.constant 0 : i32
      %dma_start3A_71 = tpu.memref_slice %arg15[%mul3A_35, %dma_start3A_70] : memref<5120x64xf32, #tpu.memory_space<vmem_shared>> -> memref<320x64xf32, #tpu.memory_space<vmem_shared>>
      %dma_start3A_72 = arith.constant 0 : i32
      %dma_start3A_73 = arith.constant 0 : i32
      %dma_start3A_74 = tpu.memref_slice %arg13[%dma_start3A_72, %dma_start3A_73] : memref<320x64xf32, #tpu.memory_space<vmem>> -> memref<320x64xf32, #tpu.memory_space<vmem>>
      tpu.enqueue_dma source(%dma_start3A_74 : memref<320x64xf32, #tpu.memory_space<vmem>>) target(%dma_start3A_71 : memref<320x64xf32, #tpu.memory_space<vmem_shared>>) target_semaphore(%run_scoped3A : memref<!tpu.dma_semaphore, #tpu.memory_space<semaphore_mem>>)
      %dma_wait3A = arith.constant 0 : i32
      %dma_wait3A_75 = arith.constant 0 : i32
      %dma_wait3A_76 = tpu.memref_slice %arg13[%dma_wait3A, %dma_wait3A_75] : memref<320x64xf32, #tpu.memory_space<vmem>> -> memref<320x64xf32, #tpu.memory_space<vmem>>
      %dma_wait3A_77 = arith.constant 0 : i32
      %dma_wait3A_78 = tpu.memref_slice %arg15[%mul3A_35, %dma_wait3A_77] : memref<5120x64xf32, #tpu.memory_space<vmem_shared>> -> memref<320x64xf32, #tpu.memory_space<vmem_shared>>
      %dma_wait3A_79 = arith.constant 0 : i32
      %dma_wait3A_80 = tpu.memref_slice %arg15[%mul3A_35, %dma_wait3A_79] : memref<5120x64xf32, #tpu.memory_space<vmem_shared>> -> memref<320x64xf32, #tpu.memory_space<vmem_shared>>
      %dma_wait3A_81 = arith.constant 0 : i32
      %dma_wait3A_82 = arith.constant 0 : i32
      %dma_wait3A_83 = tpu.memref_slice %arg13[%dma_wait3A_81, %dma_wait3A_82] : memref<320x64xf32, #tpu.memory_space<vmem>> -> memref<320x64xf32, #tpu.memory_space<vmem>>
      tpu.wait_dma2 semaphore(%run_scoped3A : memref<!tpu.dma_semaphore, #tpu.memory_space<semaphore_mem>>) src(%dma_wait3A_83 : memref<320x64xf32, #tpu.memory_space<vmem>>) dst(%dma_wait3A_80 : memref<320x64xf32, #tpu.memory_space<vmem_shared>>)
      tpu.yield
    }) : () -> ()
    %mul3A_36 = arith.constant 640 : i32
    %mul3A_37 = arith.muli %arg1, %mul3A_36 : i32
    %add3A_38 = arith.constant 0 : i32
    %add3A_39 = arith.addi %mul3A_37, %add3A_38 : i32
    "tpu.region"() ({
      %run_scoped3A = tpu.sem_alloc : memref<!tpu.dma_semaphore, #tpu.memory_space<semaphore_mem>>
      %dma_start3A = arith.constant 0 : i32
      %dma_start3A_66 = tpu.memref_slice %arg14[%add3A_39, %dma_start3A] : memref<10240x64xf32, #tpu.memory_space<vmem_shared>> -> memref<320x64xf32, #tpu.memory_space<vmem_shared>>
      %dma_start3A_67 = arith.constant 0 : i32
      %dma_start3A_68 = tpu.memref_slice %arg8[%add3A_39, %dma_start3A_67] : memref<10240x64xf32, #tpu.memory_space<hbm>> -> memref<320x64xf32, #tpu.memory_space<hbm>>
      tpu.enqueue_dma source(%dma_start3A_68 : memref<320x64xf32, #tpu.memory_space<hbm>>) target(%dma_start3A_66 : memref<320x64xf32, #tpu.memory_space<vmem_shared>>) target_semaphore(%run_scoped3A : memref<!tpu.dma_semaphore, #tpu.memory_space<semaphore_mem>>)
      %dma_wait3A = arith.constant 0 : i32
      %dma_wait3A_69 = tpu.memref_slice %arg14[%add3A_39, %dma_wait3A] : memref<10240x64xf32, #tpu.memory_space<vmem_shared>> -> memref<320x64xf32, #tpu.memory_space<vmem_shared>>
      %dma_wait3A_70 = arith.constant 0 : i32
      %dma_wait3A_71 = tpu.memref_slice %arg8[%add3A_39, %dma_wait3A_70] : memref<10240x64xf32, #tpu.memory_space<hbm>> -> memref<320x64xf32, #tpu.memory_space<hbm>>
      tpu.wait_dma2 semaphore(%run_scoped3A : memref<!tpu.dma_semaphore, #tpu.memory_space<semaphore_mem>>) src(%dma_wait3A_71 : memref<320x64xf32, #tpu.memory_space<hbm>>) dst(%dma_wait3A_69 : memref<320x64xf32, #tpu.memory_space<vmem_shared>>)
      tpu.yield
    }) : () -> ()
    %mul3A_40 = arith.constant 640 : i32
    %mul3A_41 = arith.muli %arg1, %mul3A_40 : i32
    %add3A_42 = arith.constant 320 : i32
    %add3A_43 = arith.addi %mul3A_41, %add3A_42 : i32
    "tpu.region"() ({
      %run_scoped3A = tpu.sem_alloc : memref<!tpu.dma_semaphore, #tpu.memory_space<semaphore_mem>>
      %dma_start3A = arith.constant 0 : i32
      %dma_start3A_66 = tpu.memref_slice %arg14[%add3A_43, %dma_start3A] : memref<10240x64xf32, #tpu.memory_space<vmem_shared>> -> memref<320x64xf32, #tpu.memory_space<vmem_shared>>
      %dma_start3A_67 = arith.constant 0 : i32
      %dma_start3A_68 = tpu.memref_slice %arg8[%add3A_43, %dma_start3A_67] : memref<10240x64xf32, #tpu.memory_space<hbm>> -> memref<320x64xf32, #tpu.memory_space<hbm>>
      tpu.enqueue_dma source(%dma_start3A_68 : memref<320x64xf32, #tpu.memory_space<hbm>>) target(%dma_start3A_66 : memref<320x64xf32, #tpu.memory_space<vmem_shared>>) target_semaphore(%run_scoped3A : memref<!tpu.dma_semaphore, #tpu.memory_space<semaphore_mem>>)
      %dma_wait3A = arith.constant 0 : i32
      %dma_wait3A_69 = tpu.memref_slice %arg14[%add3A_43, %dma_wait3A] : memref<10240x64xf32, #tpu.memory_space<vmem_shared>> -> memref<320x64xf32, #tpu.memory_space<vmem_shared>>
      %dma_wait3A_70 = arith.constant 0 : i32
      %dma_wait3A_71 = tpu.memref_slice %arg8[%add3A_43, %dma_wait3A_70] : memref<10240x64xf32, #tpu.memory_space<hbm>> -> memref<320x64xf32, #tpu.memory_space<hbm>>
      tpu.wait_dma2 semaphore(%run_scoped3A : memref<!tpu.dma_semaphore, #tpu.memory_space<semaphore_mem>>) src(%dma_wait3A_71 : memref<320x64xf32, #tpu.memory_space<hbm>>) dst(%dma_wait3A_69 : memref<320x64xf32, #tpu.memory_space<vmem_shared>>)
      tpu.yield
    }) : () -> ()
    %barrier3A_44 = arith.constant 0 : index
    tpu.barrier barrier_id(%barrier3A_44)
    "tpu.region"() ({
      %run_scoped3A = memref.alloca() : memref<4x128xi32, #tpu.memory_space<vmem>>
      %run_scoped3A_66 = memref.alloca() : memref<4x128xi32, #tpu.memory_space<vmem>>
      %run_scoped3A_67 = tpu.sem_alloc : memref<!tpu.dma_semaphore, #tpu.memory_space<semaphore_mem>>
      %run_scoped3A_68 = tpu.sem_alloc : memref<!tpu.dma_semaphore, #tpu.memory_space<semaphore_mem>>
      %scan3A_69 = arith.constant 0 : i32
      %scan3A_70 = arith.constant 0 : i32
      %scan3A_71 = arith.constant 40 : i32
      %scan3A_72 = arith.addi %scan3A_70, %scan3A_71 : i32
      %scan3A_73 = arith.constant 1 : i32
      scf.for %scan3A_75 = %scan3A_70 to %scan3A_72 step %scan3A_73  : i32 {
        %mul3A_76 = arith.constant 160 : i32
        %mul3A_77 = arith.muli %arg1, %mul3A_76 : i32
        %mul3A_78 = arith.constant 4 : i32
        %mul3A_79 = arith.muli %scan3A_75, %mul3A_78 : i32
        %add3A_80 = arith.addi %mul3A_77, %mul3A_79 : i32
        "tpu.region"() ({
          %run_scoped3A_239 = tpu.sem_alloc : memref<!tpu.dma_semaphore, #tpu.memory_space<semaphore_mem>>
          %dma_start3A_240 = arith.constant 0 : i32
          %dma_start3A_241 = tpu.memref_slice %arg4[%arg0, %add3A_80, %dma_start3A_240] : memref<2x2560x128xi32, #tpu.memory_space<hbm>> -> memref<1x4x128xi32, #tpu.memory_space<hbm>>
          %dma_start3A_242 = tpu.memref_squeeze %dma_start3A_241 : memref<1x4x128xi32, #tpu.memory_space<hbm>> -> memref<4x128xi32, #tpu.memory_space<hbm>>
          %dma_start3A_243 = arith.constant 0 : i32
          %dma_start3A_244 = tpu.memref_slice %arg4[%arg0, %add3A_80, %dma_start3A_243] : memref<2x2560x128xi32, #tpu.memory_space<hbm>> -> memref<1x4x128xi32, #tpu.memory_space<hbm>>
          %dma_start3A_245 = tpu.memref_squeeze %dma_start3A_244 : memref<1x4x128xi32, #tpu.memory_space<hbm>> -> memref<4x128xi32, #tpu.memory_space<hbm>>
          tpu.enqueue_dma source(%dma_start3A_245 : memref<4x128xi32, #tpu.memory_space<hbm>>) target(%run_scoped3A : memref<4x128xi32, #tpu.memory_space<vmem>>) target_semaphore(%run_scoped3A_239 : memref<!tpu.dma_semaphore, #tpu.memory_space<semaphore_mem>>)
          %dma_wait3A_246 = arith.constant 0 : i32
          %dma_wait3A_247 = tpu.memref_slice %arg4[%arg0, %add3A_80, %dma_wait3A_246] : memref<2x2560x128xi32, #tpu.memory_space<hbm>> -> memref<1x4x128xi32, #tpu.memory_space<hbm>>
          %dma_wait3A_248 = tpu.memref_squeeze %dma_wait3A_247 : memref<1x4x128xi32, #tpu.memory_space<hbm>> -> memref<4x128xi32, #tpu.memory_space<hbm>>
          %dma_wait3A_249 = arith.constant 0 : i32
          %dma_wait3A_250 = tpu.memref_slice %arg4[%arg0, %add3A_80, %dma_wait3A_249] : memref<2x2560x128xi32, #tpu.memory_space<hbm>> -> memref<1x4x128xi32, #tpu.memory_space<hbm>>
          %dma_wait3A_251 = tpu.memref_squeeze %dma_wait3A_250 : memref<1x4x128xi32, #tpu.memory_space<hbm>> -> memref<4x128xi32, #tpu.memory_space<hbm>>
          tpu.wait_dma2 semaphore(%run_scoped3A_239 : memref<!tpu.dma_semaphore, #tpu.memory_space<semaphore_mem>>) src(%dma_wait3A_251 : memref<4x128xi32, #tpu.memory_space<hbm>>) dst(%run_scoped3A : memref<4x128xi32, #tpu.memory_space<vmem>>)
          tpu.yield
        }) : () -> ()
        "tpu.region"() ({
          %run_scoped3A_239 = tpu.sem_alloc : memref<!tpu.dma_semaphore, #tpu.memory_space<semaphore_mem>>
          %dma_start3A_240 = arith.constant 0 : i32
          %dma_start3A_241 = tpu.memref_slice %arg3[%arg0, %add3A_80, %dma_start3A_240] : memref<2x2560x128xi32, #tpu.memory_space<hbm>> -> memref<1x4x128xi32, #tpu.memory_space<hbm>>
          %dma_start3A_242 = tpu.memref_squeeze %dma_start3A_241 : memref<1x4x128xi32, #tpu.memory_space<hbm>> -> memref<4x128xi32, #tpu.memory_space<hbm>>
          %dma_start3A_243 = arith.constant 0 : i32
          %dma_start3A_244 = tpu.memref_slice %arg3[%arg0, %add3A_80, %dma_start3A_243] : memref<2x2560x128xi32, #tpu.memory_space<hbm>> -> memref<1x4x128xi32, #tpu.memory_space<hbm>>
          %dma_start3A_245 = tpu.memref_squeeze %dma_start3A_244 : memref<1x4x128xi32, #tpu.memory_space<hbm>> -> memref<4x128xi32, #tpu.memory_space<hbm>>
          tpu.enqueue_dma source(%dma_start3A_245 : memref<4x128xi32, #tpu.memory_space<hbm>>) target(%run_scoped3A_66 : memref<4x128xi32, #tpu.memory_space<vmem>>) target_semaphore(%run_scoped3A_239 : memref<!tpu.dma_semaphore, #tpu.memory_space<semaphore_mem>>)
          %dma_wait3A_246 = arith.constant 0 : i32
          %dma_wait3A_247 = tpu.memref_slice %arg3[%arg0, %add3A_80, %dma_wait3A_246] : memref<2x2560x128xi32, #tpu.memory_space<hbm>> -> memref<1x4x128xi32, #tpu.memory_space<hbm>>
          %dma_wait3A_248 = tpu.memref_squeeze %dma_wait3A_247 : memref<1x4x128xi32, #tpu.memory_space<hbm>> -> memref<4x128xi32, #tpu.memory_space<hbm>>
          %dma_wait3A_249 = arith.constant 0 : i32
          %dma_wait3A_250 = tpu.memref_slice %arg3[%arg0, %add3A_80, %dma_wait3A_249] : memref<2x2560x128xi32, #tpu.memory_space<hbm>> -> memref<1x4x128xi32, #tpu.memory_space<hbm>>
          %dma_wait3A_251 = tpu.memref_squeeze %dma_wait3A_250 : memref<1x4x128xi32, #tpu.memory_space<hbm>> -> memref<4x128xi32, #tpu.memory_space<hbm>>
          tpu.wait_dma2 semaphore(%run_scoped3A_239 : memref<!tpu.dma_semaphore, #tpu.memory_space<semaphore_mem>>) src(%dma_wait3A_251 : memref<4x128xi32, #tpu.memory_space<hbm>>) dst(%run_scoped3A_66 : memref<4x128xi32, #tpu.memory_space<vmem>>)
          tpu.yield
        }) : () -> ()
        %dma_start3A = arith.constant 0 : i32
        %dma_start3A_81 = arith.constant 0 : i32
        %dma_start3A_82 = arith.constant 0 : i32
        %dma_start3A_83 = tpu.memref_slice %arg10[%dma_start3A_81, %dma_start3A_82] : memref<512x64xf32, #tpu.memory_space<vmem>> -> memref<128x64xf32, #tpu.memory_space<vmem>>
        %dma_start3A_84 = arith.constant 0 : i32
        %dma_start3A_85 = tpu.memref_slice %run_scoped3A[%dma_start3A, %dma_start3A_84] : memref<4x128xi32, #tpu.memory_space<vmem>> -> memref<1x128xi32, #tpu.memory_space<vmem>>
        %dma_start3A_86 = tpu.memref_squeeze %dma_start3A_85 : memref<1x128xi32, #tpu.memory_space<vmem>> -> memref<128xi32, #tpu.memory_space<vmem>>
        %dma_start3A_87 = arith.constant 0 : i32
        %dma_start3A_88 = arith.constant 0 : i32
        %dma_start3A_89 = tpu.memref_slice %arg15[%dma_start3A_87, %dma_start3A_88] : memref<5120x64xf32, #tpu.memory_space<vmem_shared>> -> memref<5120x64xf32, #tpu.memory_space<vmem_shared>>
        tpu.enqueue_indirect_dma source(%dma_start3A_89 : memref<5120x64xf32, #tpu.memory_space<vmem_shared>>) target(%dma_start3A_83 : memref<128x64xf32, #tpu.memory_space<vmem>>) offsets(%dma_start3A_86 : memref<128xi32, #tpu.memory_space<vmem>>) semaphore(%run_scoped3A_67 : memref<!tpu.dma_semaphore, #tpu.memory_space<semaphore_mem>>)
        %dma_start3A_90 = arith.constant 1 : i32
        %dma_start3A_91 = arith.constant 128 : i32
        %dma_start3A_92 = arith.constant 0 : i32
        %dma_start3A_93 = tpu.memref_slice %arg10[%dma_start3A_91, %dma_start3A_92] : memref<512x64xf32, #tpu.memory_space<vmem>> -> memref<128x64xf32, #tpu.memory_space<vmem>>
        %dma_start3A_94 = arith.constant 0 : i32
        %dma_start3A_95 = tpu.memref_slice %run_scoped3A[%dma_start3A_90, %dma_start3A_94] : memref<4x128xi32, #tpu.memory_space<vmem>> -> memref<1x128xi32, #tpu.memory_space<vmem>>
        %dma_start3A_96 = tpu.memref_squeeze %dma_start3A_95 : memref<1x128xi32, #tpu.memory_space<vmem>> -> memref<128xi32, #tpu.memory_space<vmem>>
        %dma_start3A_97 = arith.constant 0 : i32
        %dma_start3A_98 = arith.constant 0 : i32
        %dma_start3A_99 = tpu.memref_slice %arg15[%dma_start3A_97, %dma_start3A_98] : memref<5120x64xf32, #tpu.memory_space<vmem_shared>> -> memref<5120x64xf32, #tpu.memory_space<vmem_shared>>
        tpu.enqueue_indirect_dma source(%dma_start3A_99 : memref<5120x64xf32, #tpu.memory_space<vmem_shared>>) target(%dma_start3A_93 : memref<128x64xf32, #tpu.memory_space<vmem>>) offsets(%dma_start3A_96 : memref<128xi32, #tpu.memory_space<vmem>>) semaphore(%run_scoped3A_67 : memref<!tpu.dma_semaphore, #tpu.memory_space<semaphore_mem>>)
        %dma_start3A_100 = arith.constant 2 : i32
        %dma_start3A_101 = arith.constant 256 : i32
        %dma_start3A_102 = arith.constant 0 : i32
        %dma_start3A_103 = tpu.memref_slice %arg10[%dma_start3A_101, %dma_start3A_102] : memref<512x64xf32, #tpu.memory_space<vmem>> -> memref<128x64xf32, #tpu.memory_space<vmem>>
        %dma_start3A_104 = arith.constant 0 : i32
        %dma_start3A_105 = tpu.memref_slice %run_scoped3A[%dma_start3A_100, %dma_start3A_104] : memref<4x128xi32, #tpu.memory_space<vmem>> -> memref<1x128xi32, #tpu.memory_space<vmem>>
        %dma_start3A_106 = tpu.memref_squeeze %dma_start3A_105 : memref<1x128xi32, #tpu.memory_space<vmem>> -> memref<128xi32, #tpu.memory_space<vmem>>
        %dma_start3A_107 = arith.constant 0 : i32
        %dma_start3A_108 = arith.constant 0 : i32
        %dma_start3A_109 = tpu.memref_slice %arg15[%dma_start3A_107, %dma_start3A_108] : memref<5120x64xf32, #tpu.memory_space<vmem_shared>> -> memref<5120x64xf32, #tpu.memory_space<vmem_shared>>
        tpu.enqueue_indirect_dma source(%dma_start3A_109 : memref<5120x64xf32, #tpu.memory_space<vmem_shared>>) target(%dma_start3A_103 : memref<128x64xf32, #tpu.memory_space<vmem>>) offsets(%dma_start3A_106 : memref<128xi32, #tpu.memory_space<vmem>>) semaphore(%run_scoped3A_67 : memref<!tpu.dma_semaphore, #tpu.memory_space<semaphore_mem>>)
        %dma_start3A_110 = arith.constant 3 : i32
        %dma_start3A_111 = arith.constant 384 : i32
        %dma_start3A_112 = arith.constant 0 : i32
        %dma_start3A_113 = tpu.memref_slice %arg10[%dma_start3A_111, %dma_start3A_112] : memref<512x64xf32, #tpu.memory_space<vmem>> -> memref<128x64xf32, #tpu.memory_space<vmem>>
        %dma_start3A_114 = arith.constant 0 : i32
        %dma_start3A_115 = tpu.memref_slice %run_scoped3A[%dma_start3A_110, %dma_start3A_114] : memref<4x128xi32, #tpu.memory_space<vmem>> -> memref<1x128xi32, #tpu.memory_space<vmem>>
        %dma_start3A_116 = tpu.memref_squeeze %dma_start3A_115 : memref<1x128xi32, #tpu.memory_space<vmem>> -> memref<128xi32, #tpu.memory_space<vmem>>
        %dma_start3A_117 = arith.constant 0 : i32
        %dma_start3A_118 = arith.constant 0 : i32
        %dma_start3A_119 = tpu.memref_slice %arg15[%dma_start3A_117, %dma_start3A_118] : memref<5120x64xf32, #tpu.memory_space<vmem_shared>> -> memref<5120x64xf32, #tpu.memory_space<vmem_shared>>
        tpu.enqueue_indirect_dma source(%dma_start3A_119 : memref<5120x64xf32, #tpu.memory_space<vmem_shared>>) target(%dma_start3A_113 : memref<128x64xf32, #tpu.memory_space<vmem>>) offsets(%dma_start3A_116 : memref<128xi32, #tpu.memory_space<vmem>>) semaphore(%run_scoped3A_67 : memref<!tpu.dma_semaphore, #tpu.memory_space<semaphore_mem>>)
        %dma_wait3A = arith.constant 0 : i32
        %dma_wait3A_120 = arith.constant 0 : i32
        %dma_wait3A_121 = arith.constant 0 : i32
        %dma_wait3A_122 = tpu.memref_slice %arg10[%dma_wait3A_120, %dma_wait3A_121] : memref<512x64xf32, #tpu.memory_space<vmem>> -> memref<128x64xf32, #tpu.memory_space<vmem>>
        %dma_wait3A_123 = arith.constant 0 : i32
        %dma_wait3A_124 = tpu.memref_slice %run_scoped3A[%dma_wait3A, %dma_wait3A_123] : memref<4x128xi32, #tpu.memory_space<vmem>> -> memref<1x128xi32, #tpu.memory_space<vmem>>
        %dma_wait3A_125 = tpu.memref_squeeze %dma_wait3A_124 : memref<1x128xi32, #tpu.memory_space<vmem>> -> memref<128xi32, #tpu.memory_space<vmem>>
        %dma_wait3A_126 = arith.constant 0 : i32
        %dma_wait3A_127 = arith.constant 0 : i32
        %dma_wait3A_128 = tpu.memref_slice %arg15[%dma_wait3A_126, %dma_wait3A_127] : memref<5120x64xf32, #tpu.memory_space<vmem_shared>> -> memref<5120x64xf32, #tpu.memory_space<vmem_shared>>
        tpu.wait_indirect_dma semaphore(%run_scoped3A_67 : memref<!tpu.dma_semaphore, #tpu.memory_space<semaphore_mem>>) src(%dma_wait3A_128 : memref<5120x64xf32, #tpu.memory_space<vmem_shared>>) dst(%dma_wait3A_122 : memref<128x64xf32, #tpu.memory_space<vmem>>)
        %dma_start3A_129 = arith.constant 0 : i32
        %dma_start3A_130 = arith.constant 0 : i32
        %dma_start3A_131 = arith.constant 0 : i32
        %dma_start3A_132 = tpu.memref_slice %arg10[%dma_start3A_130, %dma_start3A_131] : memref<512x64xf32, #tpu.memory_space<vmem>> -> memref<128x64xf32, #tpu.memory_space<vmem>>
        %dma_start3A_133 = arith.constant 0 : i32
        %dma_start3A_134 = tpu.memref_slice %run_scoped3A_66[%dma_start3A_129, %dma_start3A_133] : memref<4x128xi32, #tpu.memory_space<vmem>> -> memref<1x128xi32, #tpu.memory_space<vmem>>
        %dma_start3A_135 = tpu.memref_squeeze %dma_start3A_134 : memref<1x128xi32, #tpu.memory_space<vmem>> -> memref<128xi32, #tpu.memory_space<vmem>>
        %dma_start3A_136 = arith.constant 0 : i32
        %dma_start3A_137 = arith.constant 0 : i32
        %dma_start3A_138 = tpu.memref_slice %arg14[%dma_start3A_136, %dma_start3A_137] : memref<10240x64xf32, #tpu.memory_space<vmem_shared>> -> memref<10240x64xf32, #tpu.memory_space<vmem_shared>>
        tpu.enqueue_indirect_dma source(%dma_start3A_132 : memref<128x64xf32, #tpu.memory_space<vmem>>) target(%dma_start3A_138 : memref<10240x64xf32, #tpu.memory_space<vmem_shared>>) offsets(%dma_start3A_135 : memref<128xi32, #tpu.memory_space<vmem>>) semaphore(%run_scoped3A_68 : memref<!tpu.dma_semaphore, #tpu.memory_space<semaphore_mem>>) {add = true}
        %dma_wait3A_139 = arith.constant 1 : i32
        %dma_wait3A_140 = arith.constant 128 : i32
        %dma_wait3A_141 = arith.constant 0 : i32
        %dma_wait3A_142 = tpu.memref_slice %arg10[%dma_wait3A_140, %dma_wait3A_141] : memref<512x64xf32, #tpu.memory_space<vmem>> -> memref<128x64xf32, #tpu.memory_space<vmem>>
        %dma_wait3A_143 = arith.constant 0 : i32
        %dma_wait3A_144 = tpu.memref_slice %run_scoped3A[%dma_wait3A_139, %dma_wait3A_143] : memref<4x128xi32, #tpu.memory_space<vmem>> -> memref<1x128xi32, #tpu.memory_space<vmem>>
        %dma_wait3A_145 = tpu.memref_squeeze %dma_wait3A_144 : memref<1x128xi32, #tpu.memory_space<vmem>> -> memref<128xi32, #tpu.memory_space<vmem>>
        %dma_wait3A_146 = arith.constant 0 : i32
        %dma_wait3A_147 = arith.constant 0 : i32
        %dma_wait3A_148 = tpu.memref_slice %arg15[%dma_wait3A_146, %dma_wait3A_147] : memref<5120x64xf32, #tpu.memory_space<vmem_shared>> -> memref<5120x64xf32, #tpu.memory_space<vmem_shared>>
        tpu.wait_indirect_dma semaphore(%run_scoped3A_67 : memref<!tpu.dma_semaphore, #tpu.memory_space<semaphore_mem>>) src(%dma_wait3A_148 : memref<5120x64xf32, #tpu.memory_space<vmem_shared>>) dst(%dma_wait3A_142 : memref<128x64xf32, #tpu.memory_space<vmem>>)
        %dma_start3A_149 = arith.constant 1 : i32
        %dma_start3A_150 = arith.constant 128 : i32
        %dma_start3A_151 = arith.constant 0 : i32
        %dma_start3A_152 = tpu.memref_slice %arg10[%dma_start3A_150, %dma_start3A_151] : memref<512x64xf32, #tpu.memory_space<vmem>> -> memref<128x64xf32, #tpu.memory_space<vmem>>
        %dma_start3A_153 = arith.constant 0 : i32
        %dma_start3A_154 = tpu.memref_slice %run_scoped3A_66[%dma_start3A_149, %dma_start3A_153] : memref<4x128xi32, #tpu.memory_space<vmem>> -> memref<1x128xi32, #tpu.memory_space<vmem>>
        %dma_start3A_155 = tpu.memref_squeeze %dma_start3A_154 : memref<1x128xi32, #tpu.memory_space<vmem>> -> memref<128xi32, #tpu.memory_space<vmem>>
        %dma_start3A_156 = arith.constant 0 : i32
        %dma_start3A_157 = arith.constant 0 : i32
        %dma_start3A_158 = tpu.memref_slice %arg14[%dma_start3A_156, %dma_start3A_157] : memref<10240x64xf32, #tpu.memory_space<vmem_shared>> -> memref<10240x64xf32, #tpu.memory_space<vmem_shared>>
        tpu.enqueue_indirect_dma source(%dma_start3A_152 : memref<128x64xf32, #tpu.memory_space<vmem>>) target(%dma_start3A_158 : memref<10240x64xf32, #tpu.memory_space<vmem_shared>>) offsets(%dma_start3A_155 : memref<128xi32, #tpu.memory_space<vmem>>) semaphore(%run_scoped3A_68 : memref<!tpu.dma_semaphore, #tpu.memory_space<semaphore_mem>>) {add = true}
        %dma_wait3A_159 = arith.constant 2 : i32
        %dma_wait3A_160 = arith.constant 256 : i32
        %dma_wait3A_161 = arith.constant 0 : i32
        %dma_wait3A_162 = tpu.memref_slice %arg10[%dma_wait3A_160, %dma_wait3A_161] : memref<512x64xf32, #tpu.memory_space<vmem>> -> memref<128x64xf32, #tpu.memory_space<vmem>>
        %dma_wait3A_163 = arith.constant 0 : i32
        %dma_wait3A_164 = tpu.memref_slice %run_scoped3A[%dma_wait3A_159, %dma_wait3A_163] : memref<4x128xi32, #tpu.memory_space<vmem>> -> memref<1x128xi32, #tpu.memory_space<vmem>>
        %dma_wait3A_165 = tpu.memref_squeeze %dma_wait3A_164 : memref<1x128xi32, #tpu.memory_space<vmem>> -> memref<128xi32, #tpu.memory_space<vmem>>
        %dma_wait3A_166 = arith.constant 0 : i32
        %dma_wait3A_167 = arith.constant 0 : i32
        %dma_wait3A_168 = tpu.memref_slice %arg15[%dma_wait3A_166, %dma_wait3A_167] : memref<5120x64xf32, #tpu.memory_space<vmem_shared>> -> memref<5120x64xf32, #tpu.memory_space<vmem_shared>>
        tpu.wait_indirect_dma semaphore(%run_scoped3A_67 : memref<!tpu.dma_semaphore, #tpu.memory_space<semaphore_mem>>) src(%dma_wait3A_168 : memref<5120x64xf32, #tpu.memory_space<vmem_shared>>) dst(%dma_wait3A_162 : memref<128x64xf32, #tpu.memory_space<vmem>>)
        %dma_start3A_169 = arith.constant 2 : i32
        %dma_start3A_170 = arith.constant 256 : i32
        %dma_start3A_171 = arith.constant 0 : i32
        %dma_start3A_172 = tpu.memref_slice %arg10[%dma_start3A_170, %dma_start3A_171] : memref<512x64xf32, #tpu.memory_space<vmem>> -> memref<128x64xf32, #tpu.memory_space<vmem>>
        %dma_start3A_173 = arith.constant 0 : i32
        %dma_start3A_174 = tpu.memref_slice %run_scoped3A_66[%dma_start3A_169, %dma_start3A_173] : memref<4x128xi32, #tpu.memory_space<vmem>> -> memref<1x128xi32, #tpu.memory_space<vmem>>
        %dma_start3A_175 = tpu.memref_squeeze %dma_start3A_174 : memref<1x128xi32, #tpu.memory_space<vmem>> -> memref<128xi32, #tpu.memory_space<vmem>>
        %dma_start3A_176 = arith.constant 0 : i32
        %dma_start3A_177 = arith.constant 0 : i32
        %dma_start3A_178 = tpu.memref_slice %arg14[%dma_start3A_176, %dma_start3A_177] : memref<10240x64xf32, #tpu.memory_space<vmem_shared>> -> memref<10240x64xf32, #tpu.memory_space<vmem_shared>>
        tpu.enqueue_indirect_dma source(%dma_start3A_172 : memref<128x64xf32, #tpu.memory_space<vmem>>) target(%dma_start3A_178 : memref<10240x64xf32, #tpu.memory_space<vmem_shared>>) offsets(%dma_start3A_175 : memref<128xi32, #tpu.memory_space<vmem>>) semaphore(%run_scoped3A_68 : memref<!tpu.dma_semaphore, #tpu.memory_space<semaphore_mem>>) {add = true}
        %dma_wait3A_179 = arith.constant 3 : i32
        %dma_wait3A_180 = arith.constant 384 : i32
        %dma_wait3A_181 = arith.constant 0 : i32
        %dma_wait3A_182 = tpu.memref_slice %arg10[%dma_wait3A_180, %dma_wait3A_181] : memref<512x64xf32, #tpu.memory_space<vmem>> -> memref<128x64xf32, #tpu.memory_space<vmem>>
        %dma_wait3A_183 = arith.constant 0 : i32
        %dma_wait3A_184 = tpu.memref_slice %run_scoped3A[%dma_wait3A_179, %dma_wait3A_183] : memref<4x128xi32, #tpu.memory_space<vmem>> -> memref<1x128xi32, #tpu.memory_space<vmem>>
        %dma_wait3A_185 = tpu.memref_squeeze %dma_wait3A_184 : memref<1x128xi32, #tpu.memory_space<vmem>> -> memref<128xi32, #tpu.memory_space<vmem>>
        %dma_wait3A_186 = arith.constant 0 : i32
        %dma_wait3A_187 = arith.constant 0 : i32
        %dma_wait3A_188 = tpu.memref_slice %arg15[%dma_wait3A_186, %dma_wait3A_187] : memref<5120x64xf32, #tpu.memory_space<vmem_shared>> -> memref<5120x64xf32, #tpu.memory_space<vmem_shared>>
        tpu.wait_indirect_dma semaphore(%run_scoped3A_67 : memref<!tpu.dma_semaphore, #tpu.memory_space<semaphore_mem>>) src(%dma_wait3A_188 : memref<5120x64xf32, #tpu.memory_space<vmem_shared>>) dst(%dma_wait3A_182 : memref<128x64xf32, #tpu.memory_space<vmem>>)
        %dma_start3A_189 = arith.constant 3 : i32
        %dma_start3A_190 = arith.constant 384 : i32
        %dma_start3A_191 = arith.constant 0 : i32
        %dma_start3A_192 = tpu.memref_slice %arg10[%dma_start3A_190, %dma_start3A_191] : memref<512x64xf32, #tpu.memory_space<vmem>> -> memref<128x64xf32, #tpu.memory_space<vmem>>
        %dma_start3A_193 = arith.constant 0 : i32
        %dma_start3A_194 = tpu.memref_slice %run_scoped3A_66[%dma_start3A_189, %dma_start3A_193] : memref<4x128xi32, #tpu.memory_space<vmem>> -> memref<1x128xi32, #tpu.memory_space<vmem>>
        %dma_start3A_195 = tpu.memref_squeeze %dma_start3A_194 : memref<1x128xi32, #tpu.memory_space<vmem>> -> memref<128xi32, #tpu.memory_space<vmem>>
        %dma_start3A_196 = arith.constant 0 : i32
        %dma_start3A_197 = arith.constant 0 : i32
        %dma_start3A_198 = tpu.memref_slice %arg14[%dma_start3A_196, %dma_start3A_197] : memref<10240x64xf32, #tpu.memory_space<vmem_shared>> -> memref<10240x64xf32, #tpu.memory_space<vmem_shared>>
        tpu.enqueue_indirect_dma source(%dma_start3A_192 : memref<128x64xf32, #tpu.memory_space<vmem>>) target(%dma_start3A_198 : memref<10240x64xf32, #tpu.memory_space<vmem_shared>>) offsets(%dma_start3A_195 : memref<128xi32, #tpu.memory_space<vmem>>) semaphore(%run_scoped3A_68 : memref<!tpu.dma_semaphore, #tpu.memory_space<semaphore_mem>>) {add = true}
        %dma_wait3A_199 = arith.constant 0 : i32
        %dma_wait3A_200 = arith.constant 0 : i32
        %dma_wait3A_201 = arith.constant 0 : i32
        %dma_wait3A_202 = tpu.memref_slice %arg10[%dma_wait3A_200, %dma_wait3A_201] : memref<512x64xf32, #tpu.memory_space<vmem>> -> memref<128x64xf32, #tpu.memory_space<vmem>>
        %dma_wait3A_203 = arith.constant 0 : i32
        %dma_wait3A_204 = tpu.memref_slice %run_scoped3A_66[%dma_wait3A_199, %dma_wait3A_203] : memref<4x128xi32, #tpu.memory_space<vmem>> -> memref<1x128xi32, #tpu.memory_space<vmem>>
        %dma_wait3A_205 = tpu.memref_squeeze %dma_wait3A_204 : memref<1x128xi32, #tpu.memory_space<vmem>> -> memref<128xi32, #tpu.memory_space<vmem>>
        %dma_wait3A_206 = arith.constant 0 : i32
        %dma_wait3A_207 = arith.constant 0 : i32
        %dma_wait3A_208 = tpu.memref_slice %arg14[%dma_wait3A_206, %dma_wait3A_207] : memref<10240x64xf32, #tpu.memory_space<vmem_shared>> -> memref<10240x64xf32, #tpu.memory_space<vmem_shared>>
        tpu.wait_indirect_dma semaphore(%run_scoped3A_68 : memref<!tpu.dma_semaphore, #tpu.memory_space<semaphore_mem>>) src(%dma_wait3A_202 : memref<128x64xf32, #tpu.memory_space<vmem>>) dst(%dma_wait3A_208 : memref<10240x64xf32, #tpu.memory_space<vmem_shared>>)
        %dma_wait3A_209 = arith.constant 1 : i32
        %dma_wait3A_210 = arith.constant 128 : i32
        %dma_wait3A_211 = arith.constant 0 : i32
        %dma_wait3A_212 = tpu.memref_slice %arg10[%dma_wait3A_210, %dma_wait3A_211] : memref<512x64xf32, #tpu.memory_space<vmem>> -> memref<128x64xf32, #tpu.memory_space<vmem>>
        %dma_wait3A_213 = arith.constant 0 : i32
        %dma_wait3A_214 = tpu.memref_slice %run_scoped3A_66[%dma_wait3A_209, %dma_wait3A_213] : memref<4x128xi32, #tpu.memory_space<vmem>> -> memref<1x128xi32, #tpu.memory_space<vmem>>
        %dma_wait3A_215 = tpu.memref_squeeze %dma_wait3A_214 : memref<1x128xi32, #tpu.memory_space<vmem>> -> memref<128xi32, #tpu.memory_space<vmem>>
        %dma_wait3A_216 = arith.constant 0 : i32
        %dma_wait3A_217 = arith.constant 0 : i32
        %dma_wait3A_218 = tpu.memref_slice %arg14[%dma_wait3A_216, %dma_wait3A_217] : memref<10240x64xf32, #tpu.memory_space<vmem_shared>> -> memref<10240x64xf32, #tpu.memory_space<vmem_shared>>
        tpu.wait_indirect_dma semaphore(%run_scoped3A_68 : memref<!tpu.dma_semaphore, #tpu.memory_space<semaphore_mem>>) src(%dma_wait3A_212 : memref<128x64xf32, #tpu.memory_space<vmem>>) dst(%dma_wait3A_218 : memref<10240x64xf32, #tpu.memory_space<vmem_shared>>)
        %dma_wait3A_219 = arith.constant 2 : i32
        %dma_wait3A_220 = arith.constant 256 : i32
        %dma_wait3A_221 = arith.constant 0 : i32
        %dma_wait3A_222 = tpu.memref_slice %arg10[%dma_wait3A_220, %dma_wait3A_221] : memref<512x64xf32, #tpu.memory_space<vmem>> -> memref<128x64xf32, #tpu.memory_space<vmem>>
        %dma_wait3A_223 = arith.constant 0 : i32
        %dma_wait3A_224 = tpu.memref_slice %run_scoped3A_66[%dma_wait3A_219, %dma_wait3A_223] : memref<4x128xi32, #tpu.memory_space<vmem>> -> memref<1x128xi32, #tpu.memory_space<vmem>>
        %dma_wait3A_225 = tpu.memref_squeeze %dma_wait3A_224 : memref<1x128xi32, #tpu.memory_space<vmem>> -> memref<128xi32, #tpu.memory_space<vmem>>
        %dma_wait3A_226 = arith.constant 0 : i32
        %dma_wait3A_227 = arith.constant 0 : i32
        %dma_wait3A_228 = tpu.memref_slice %arg14[%dma_wait3A_226, %dma_wait3A_227] : memref<10240x64xf32, #tpu.memory_space<vmem_shared>> -> memref<10240x64xf32, #tpu.memory_space<vmem_shared>>
        tpu.wait_indirect_dma semaphore(%run_scoped3A_68 : memref<!tpu.dma_semaphore, #tpu.memory_space<semaphore_mem>>) src(%dma_wait3A_222 : memref<128x64xf32, #tpu.memory_space<vmem>>) dst(%dma_wait3A_228 : memref<10240x64xf32, #tpu.memory_space<vmem_shared>>)
        %dma_wait3A_229 = arith.constant 3 : i32
        %dma_wait3A_230 = arith.constant 384 : i32
        %dma_wait3A_231 = arith.constant 0 : i32
        %dma_wait3A_232 = tpu.memref_slice %arg10[%dma_wait3A_230, %dma_wait3A_231] : memref<512x64xf32, #tpu.memory_space<vmem>> -> memref<128x64xf32, #tpu.memory_space<vmem>>
        %dma_wait3A_233 = arith.constant 0 : i32
        %dma_wait3A_234 = tpu.memref_slice %run_scoped3A_66[%dma_wait3A_229, %dma_wait3A_233] : memref<4x128xi32, #tpu.memory_space<vmem>> -> memref<1x128xi32, #tpu.memory_space<vmem>>
        %dma_wait3A_235 = tpu.memref_squeeze %dma_wait3A_234 : memref<1x128xi32, #tpu.memory_space<vmem>> -> memref<128xi32, #tpu.memory_space<vmem>>
        %dma_wait3A_236 = arith.constant 0 : i32
        %dma_wait3A_237 = arith.constant 0 : i32
        %dma_wait3A_238 = tpu.memref_slice %arg14[%dma_wait3A_236, %dma_wait3A_237] : memref<10240x64xf32, #tpu.memory_space<vmem_shared>> -> memref<10240x64xf32, #tpu.memory_space<vmem_shared>>
        tpu.wait_indirect_dma semaphore(%run_scoped3A_68 : memref<!tpu.dma_semaphore, #tpu.memory_space<semaphore_mem>>) src(%dma_wait3A_232 : memref<128x64xf32, #tpu.memory_space<vmem>>) dst(%dma_wait3A_238 : memref<10240x64xf32, #tpu.memory_space<vmem_shared>>)
      }
      %scan3A_74 = arith.constant 40 : i32
      tpu.yield
    }) : () -> ()
    %barrier3A_45 = arith.constant 0 : index
    tpu.barrier barrier_id(%barrier3A_45)
    %mul3A_46 = arith.constant 640 : i32
    %mul3A_47 = arith.muli %arg1, %mul3A_46 : i32
    %add3A_48 = arith.constant 0 : i32
    %add3A_49 = arith.addi %mul3A_47, %add3A_48 : i32
    "tpu.region"() ({
      %run_scoped3A = tpu.sem_alloc : memref<!tpu.dma_semaphore, #tpu.memory_space<semaphore_mem>>
      %dma_start3A = arith.constant 0 : i32
      %dma_start3A_66 = tpu.memref_slice %arg14[%add3A_49, %dma_start3A] : memref<10240x64xf32, #tpu.memory_space<vmem_shared>> -> memref<320x64xf32, #tpu.memory_space<vmem_shared>>
      %dma_start3A_67 = arith.constant 0 : i32
      %dma_start3A_68 = tpu.memref_slice %arg14[%add3A_49, %dma_start3A_67] : memref<10240x64xf32, #tpu.memory_space<vmem_shared>> -> memref<320x64xf32, #tpu.memory_space<vmem_shared>>
      tpu.enqueue_dma source(%dma_start3A_68 : memref<320x64xf32, #tpu.memory_space<vmem_shared>>) target(%arg13 : memref<320x64xf32, #tpu.memory_space<vmem>>) target_semaphore(%run_scoped3A : memref<!tpu.dma_semaphore, #tpu.memory_space<semaphore_mem>>)
      %dma_wait3A = arith.constant 0 : i32
      %dma_wait3A_69 = tpu.memref_slice %arg14[%add3A_49, %dma_wait3A] : memref<10240x64xf32, #tpu.memory_space<vmem_shared>> -> memref<320x64xf32, #tpu.memory_space<vmem_shared>>
      %dma_wait3A_70 = arith.constant 0 : i32
      %dma_wait3A_71 = tpu.memref_slice %arg14[%add3A_49, %dma_wait3A_70] : memref<10240x64xf32, #tpu.memory_space<vmem_shared>> -> memref<320x64xf32, #tpu.memory_space<vmem_shared>>
      tpu.wait_dma2 semaphore(%run_scoped3A : memref<!tpu.dma_semaphore, #tpu.memory_space<semaphore_mem>>) src(%dma_wait3A_71 : memref<320x64xf32, #tpu.memory_space<vmem_shared>>) dst(%arg13 : memref<320x64xf32, #tpu.memory_space<vmem>>)
      tpu.yield
    }) : () -> ()
    %scan3A_50 = arith.constant 0 : i32
    %scan3A_51 = arith.constant 0 : i32
    %scan3A_52 = arith.constant 320 : i32
    %scan3A_53 = arith.addi %scan3A_51, %scan3A_52 : i32
    %scan3A_54 = arith.constant 1 : i32
    scf.for %scan3A_66 = %scan3A_51 to %scan3A_53 step %scan3A_54  : i32 {
      %broadcast_in_dim3A = arith.constant 0 : i32
      %broadcast_in_dim3A_67 = vector.broadcast %broadcast_in_dim3A : i32 to vector<16xi32>
      %add3A_68 = arith.constant 0 : i32
      %add3A_69 = arith.addi %add3A_68, %scan3A_66 : i32
      %add3A_70 = vector.broadcast %add3A_69 : i32 to vector<16xi32>
      %add3A_71 = arith.addi %broadcast_in_dim3A_67, %add3A_70 : vector<16xi32>
      %gather3A = tpu.vector_load_idx %arg12[%add3A_71] : memref<640xf32, #tpu.memory_space<vmem>>[vector<16xi32>], vector<16xf32>,
      %get3A = arith.index_cast %scan3A_66 : i32 to index
      %get3A_72 = arith.constant 0 : index
      %get3A_73 = tpu.vector_load %arg13[%get3A, %get3A_72] {strides = array<i32>} : memref<320x64xf32, #tpu.memory_space<vmem>>, vector<16xf32>,
      %mul3A_74 = arith.mulf %get3A_73, %gather3A : vector<16xf32>
      %max3A = arith.constant 0.000000e+00 : f32
      %max3A_75 = vector.broadcast %max3A : f32 to vector<16xf32>
      %max3A_76 = arith.maximumf %mul3A_74, %max3A_75 : vector<16xf32>
      %swap3A = arith.index_cast %scan3A_66 : i32 to index
      %swap3A_77 = arith.constant 0 : index
      %swap3A_78 = tpu.vector_load %arg13[%swap3A, %swap3A_77] {strides = array<i32>} : memref<320x64xf32, #tpu.memory_space<vmem>>, vector<16xf32>,
      tpu.vector_store %arg13[%swap3A, %swap3A_77], %max3A_76 {strides = array<i32>} : memref<320x64xf32, #tpu.memory_space<vmem>>, vector<16xf32>,
      %get3A_79 = arith.index_cast %scan3A_66 : i32 to index
      %get3A_80 = arith.constant 16 : index
      %get3A_81 = tpu.vector_load %arg13[%get3A_79, %get3A_80] {strides = array<i32>} : memref<320x64xf32, #tpu.memory_space<vmem>>, vector<16xf32>,
      %mul3A_82 = arith.mulf %get3A_81, %gather3A : vector<16xf32>
      %max3A_83 = arith.constant 0.000000e+00 : f32
      %max3A_84 = vector.broadcast %max3A_83 : f32 to vector<16xf32>
      %max3A_85 = arith.maximumf %mul3A_82, %max3A_84 : vector<16xf32>
      %swap3A_86 = arith.index_cast %scan3A_66 : i32 to index
      %swap3A_87 = arith.constant 16 : index
      %swap3A_88 = tpu.vector_load %arg13[%swap3A_86, %swap3A_87] {strides = array<i32>} : memref<320x64xf32, #tpu.memory_space<vmem>>, vector<16xf32>,
      tpu.vector_store %arg13[%swap3A_86, %swap3A_87], %max3A_85 {strides = array<i32>} : memref<320x64xf32, #tpu.memory_space<vmem>>, vector<16xf32>,
      %get3A_89 = arith.index_cast %scan3A_66 : i32 to index
      %get3A_90 = arith.constant 32 : index
      %get3A_91 = tpu.vector_load %arg13[%get3A_89, %get3A_90] {strides = array<i32>} : memref<320x64xf32, #tpu.memory_space<vmem>>, vector<16xf32>,
      %mul3A_92 = arith.mulf %get3A_91, %gather3A : vector<16xf32>
      %max3A_93 = arith.constant 0.000000e+00 : f32
      %max3A_94 = vector.broadcast %max3A_93 : f32 to vector<16xf32>
      %max3A_95 = arith.maximumf %mul3A_92, %max3A_94 : vector<16xf32>
      %swap3A_96 = arith.index_cast %scan3A_66 : i32 to index
      %swap3A_97 = arith.constant 32 : index
      %swap3A_98 = tpu.vector_load %arg13[%swap3A_96, %swap3A_97] {strides = array<i32>} : memref<320x64xf32, #tpu.memory_space<vmem>>, vector<16xf32>,
      tpu.vector_store %arg13[%swap3A_96, %swap3A_97], %max3A_95 {strides = array<i32>} : memref<320x64xf32, #tpu.memory_space<vmem>>, vector<16xf32>,
      %get3A_99 = arith.index_cast %scan3A_66 : i32 to index
      %get3A_100 = arith.constant 48 : index
      %get3A_101 = tpu.vector_load %arg13[%get3A_99, %get3A_100] {strides = array<i32>} : memref<320x64xf32, #tpu.memory_space<vmem>>, vector<16xf32>,
      %mul3A_102 = arith.mulf %get3A_101, %gather3A : vector<16xf32>
      %max3A_103 = arith.constant 0.000000e+00 : f32
      %max3A_104 = vector.broadcast %max3A_103 : f32 to vector<16xf32>
      %max3A_105 = arith.maximumf %mul3A_102, %max3A_104 : vector<16xf32>
      %swap3A_106 = arith.index_cast %scan3A_66 : i32 to index
      %swap3A_107 = arith.constant 48 : index
      %swap3A_108 = tpu.vector_load %arg13[%swap3A_106, %swap3A_107] {strides = array<i32>} : memref<320x64xf32, #tpu.memory_space<vmem>>, vector<16xf32>,
      tpu.vector_store %arg13[%swap3A_106, %swap3A_107], %max3A_105 {strides = array<i32>} : memref<320x64xf32, #tpu.memory_space<vmem>>, vector<16xf32>,
    }
    %scan3A_55 = arith.constant 320 : i32
    "tpu.region"() ({
      %run_scoped3A = tpu.sem_alloc : memref<!tpu.dma_semaphore, #tpu.memory_space<semaphore_mem>>
      %dma_start3A = arith.constant 0 : i32
      %dma_start3A_66 = tpu.memref_slice %arg9[%arg0, %add3A_49, %dma_start3A] : memref<2x10240x64xf32, #tpu.memory_space<hbm>> -> memref<1x320x64xf32, #tpu.memory_space<hbm>>
      %dma_start3A_67 = tpu.memref_squeeze %dma_start3A_66 : memref<1x320x64xf32, #tpu.memory_space<hbm>> -> memref<320x64xf32, #tpu.memory_space<hbm>>
      %dma_start3A_68 = arith.constant 0 : i32
      %dma_start3A_69 = tpu.memref_slice %arg9[%arg0, %add3A_49, %dma_start3A_68] : memref<2x10240x64xf32, #tpu.memory_space<hbm>> -> memref<1x320x64xf32, #tpu.memory_space<hbm>>
      %dma_start3A_70 = tpu.memref_squeeze %dma_start3A_69 : memref<1x320x64xf32, #tpu.memory_space<hbm>> -> memref<320x64xf32, #tpu.memory_space<hbm>>
      tpu.enqueue_dma source(%arg13 : memref<320x64xf32, #tpu.memory_space<vmem>>) target(%dma_start3A_70 : memref<320x64xf32, #tpu.memory_space<hbm>>) target_semaphore(%run_scoped3A : memref<!tpu.dma_semaphore, #tpu.memory_space<semaphore_mem>>)
      %dma_wait3A = arith.constant 0 : i32
      %dma_wait3A_71 = tpu.memref_slice %arg9[%arg0, %add3A_49, %dma_wait3A] : memref<2x10240x64xf32, #tpu.memory_space<hbm>> -> memref<1x320x64xf32, #tpu.memory_space<hbm>>
      %dma_wait3A_72 = tpu.memref_squeeze %dma_wait3A_71 : memref<1x320x64xf32, #tpu.memory_space<hbm>> -> memref<320x64xf32, #tpu.memory_space<hbm>>
      %dma_wait3A_73 = arith.constant 0 : i32
      %dma_wait3A_74 = tpu.memref_slice %arg9[%arg0, %add3A_49, %dma_wait3A_73] : memref<2x10240x64xf32, #tpu.memory_space<hbm>> -> memref<1x320x64xf32, #tpu.memory_space<hbm>>
      %dma_wait3A_75 = tpu.memref_squeeze %dma_wait3A_74 : memref<1x320x64xf32, #tpu.memory_space<hbm>> -> memref<320x64xf32, #tpu.memory_space<hbm>>
      tpu.wait_dma2 semaphore(%run_scoped3A : memref<!tpu.dma_semaphore, #tpu.memory_space<semaphore_mem>>) src(%arg13 : memref<320x64xf32, #tpu.memory_space<vmem>>) dst(%dma_wait3A_75 : memref<320x64xf32, #tpu.memory_space<hbm>>)
      tpu.yield
    }) : () -> ()
    %mul3A_56 = arith.constant 640 : i32
    %mul3A_57 = arith.muli %arg1, %mul3A_56 : i32
    %add3A_58 = arith.constant 320 : i32
    %add3A_59 = arith.addi %mul3A_57, %add3A_58 : i32
    "tpu.region"() ({
      %run_scoped3A = tpu.sem_alloc : memref<!tpu.dma_semaphore, #tpu.memory_space<semaphore_mem>>
      %dma_start3A = arith.constant 0 : i32
      %dma_start3A_66 = tpu.memref_slice %arg14[%add3A_59, %dma_start3A] : memref<10240x64xf32, #tpu.memory_space<vmem_shared>> -> memref<320x64xf32, #tpu.memory_space<vmem_shared>>
      %dma_start3A_67 = arith.constant 0 : i32
      %dma_start3A_68 = tpu.memref_slice %arg14[%add3A_59, %dma_start3A_67] : memref<10240x64xf32, #tpu.memory_space<vmem_shared>> -> memref<320x64xf32, #tpu.memory_space<vmem_shared>>
      tpu.enqueue_dma source(%dma_start3A_68 : memref<320x64xf32, #tpu.memory_space<vmem_shared>>) target(%arg13 : memref<320x64xf32, #tpu.memory_space<vmem>>) target_semaphore(%run_scoped3A : memref<!tpu.dma_semaphore, #tpu.memory_space<semaphore_mem>>)
      %dma_wait3A = arith.constant 0 : i32
      %dma_wait3A_69 = tpu.memref_slice %arg14[%add3A_59, %dma_wait3A] : memref<10240x64xf32, #tpu.memory_space<vmem_shared>> -> memref<320x64xf32, #tpu.memory_space<vmem_shared>>
      %dma_wait3A_70 = arith.constant 0 : i32
      %dma_wait3A_71 = tpu.memref_slice %arg14[%add3A_59, %dma_wait3A_70] : memref<10240x64xf32, #tpu.memory_space<vmem_shared>> -> memref<320x64xf32, #tpu.memory_space<vmem_shared>>
      tpu.wait_dma2 semaphore(%run_scoped3A : memref<!tpu.dma_semaphore, #tpu.memory_space<semaphore_mem>>) src(%dma_wait3A_71 : memref<320x64xf32, #tpu.memory_space<vmem_shared>>) dst(%arg13 : memref<320x64xf32, #tpu.memory_space<vmem>>)
      tpu.yield
    }) : () -> ()
    %scan3A_60 = arith.constant 0 : i32
    %scan3A_61 = arith.constant 0 : i32
    %scan3A_62 = arith.constant 320 : i32
    %scan3A_63 = arith.addi %scan3A_61, %scan3A_62 : i32
    %scan3A_64 = arith.constant 1 : i32
    scf.for %scan3A_66 = %scan3A_61 to %scan3A_63 step %scan3A_64  : i32 {
      %broadcast_in_dim3A = arith.constant 0 : i32
      %broadcast_in_dim3A_67 = vector.broadcast %broadcast_in_dim3A : i32 to vector<16xi32>
      %add3A_68 = arith.constant 320 : i32
      %add3A_69 = arith.addi %add3A_68, %scan3A_66 : i32
      %add3A_70 = vector.broadcast %add3A_69 : i32 to vector<16xi32>
      %add3A_71 = arith.addi %broadcast_in_dim3A_67, %add3A_70 : vector<16xi32>
      %gather3A = tpu.vector_load_idx %arg12[%add3A_71] : memref<640xf32, #tpu.memory_space<vmem>>[vector<16xi32>], vector<16xf32>,
      %get3A = arith.index_cast %scan3A_66 : i32 to index
      %get3A_72 = arith.constant 0 : index
      %get3A_73 = tpu.vector_load %arg13[%get3A, %get3A_72] {strides = array<i32>} : memref<320x64xf32, #tpu.memory_space<vmem>>, vector<16xf32>,
      %mul3A_74 = arith.mulf %get3A_73, %gather3A : vector<16xf32>
      %max3A = arith.constant 0.000000e+00 : f32
      %max3A_75 = vector.broadcast %max3A : f32 to vector<16xf32>
      %max3A_76 = arith.maximumf %mul3A_74, %max3A_75 : vector<16xf32>
      %swap3A = arith.index_cast %scan3A_66 : i32 to index
      %swap3A_77 = arith.constant 0 : index
      %swap3A_78 = tpu.vector_load %arg13[%swap3A, %swap3A_77] {strides = array<i32>} : memref<320x64xf32, #tpu.memory_space<vmem>>, vector<16xf32>,
      tpu.vector_store %arg13[%swap3A, %swap3A_77], %max3A_76 {strides = array<i32>} : memref<320x64xf32, #tpu.memory_space<vmem>>, vector<16xf32>,
      %get3A_79 = arith.index_cast %scan3A_66 : i32 to index
      %get3A_80 = arith.constant 16 : index
      %get3A_81 = tpu.vector_load %arg13[%get3A_79, %get3A_80] {strides = array<i32>} : memref<320x64xf32, #tpu.memory_space<vmem>>, vector<16xf32>,
      %mul3A_82 = arith.mulf %get3A_81, %gather3A : vector<16xf32>
      %max3A_83 = arith.constant 0.000000e+00 : f32
      %max3A_84 = vector.broadcast %max3A_83 : f32 to vector<16xf32>
      %max3A_85 = arith.maximumf %mul3A_82, %max3A_84 : vector<16xf32>
      %swap3A_86 = arith.index_cast %scan3A_66 : i32 to index
      %swap3A_87 = arith.constant 16 : index
      %swap3A_88 = tpu.vector_load %arg13[%swap3A_86, %swap3A_87] {strides = array<i32>} : memref<320x64xf32, #tpu.memory_space<vmem>>, vector<16xf32>,
      tpu.vector_store %arg13[%swap3A_86, %swap3A_87], %max3A_85 {strides = array<i32>} : memref<320x64xf32, #tpu.memory_space<vmem>>, vector<16xf32>,
      %get3A_89 = arith.index_cast %scan3A_66 : i32 to index
      %get3A_90 = arith.constant 32 : index
      %get3A_91 = tpu.vector_load %arg13[%get3A_89, %get3A_90] {strides = array<i32>} : memref<320x64xf32, #tpu.memory_space<vmem>>, vector<16xf32>,
      %mul3A_92 = arith.mulf %get3A_91, %gather3A : vector<16xf32>
      %max3A_93 = arith.constant 0.000000e+00 : f32
      %max3A_94 = vector.broadcast %max3A_93 : f32 to vector<16xf32>
      %max3A_95 = arith.maximumf %mul3A_92, %max3A_94 : vector<16xf32>
      %swap3A_96 = arith.index_cast %scan3A_66 : i32 to index
      %swap3A_97 = arith.constant 32 : index
      %swap3A_98 = tpu.vector_load %arg13[%swap3A_96, %swap3A_97] {strides = array<i32>} : memref<320x64xf32, #tpu.memory_space<vmem>>, vector<16xf32>,
      tpu.vector_store %arg13[%swap3A_96, %swap3A_97], %max3A_95 {strides = array<i32>} : memref<320x64xf32, #tpu.memory_space<vmem>>, vector<16xf32>,
      %get3A_99 = arith.index_cast %scan3A_66 : i32 to index
      %get3A_100 = arith.constant 48 : index
      %get3A_101 = tpu.vector_load %arg13[%get3A_99, %get3A_100] {strides = array<i32>} : memref<320x64xf32, #tpu.memory_space<vmem>>, vector<16xf32>,
      %mul3A_102 = arith.mulf %get3A_101, %gather3A : vector<16xf32>
      %max3A_103 = arith.constant 0.000000e+00 : f32
      %max3A_104 = vector.broadcast %max3A_103 : f32 to vector<16xf32>
      %max3A_105 = arith.maximumf %mul3A_102, %max3A_104 : vector<16xf32>
      %swap3A_106 = arith.index_cast %scan3A_66 : i32 to index
      %swap3A_107 = arith.constant 48 : index
      %swap3A_108 = tpu.vector_load %arg13[%swap3A_106, %swap3A_107] {strides = array<i32>} : memref<320x64xf32, #tpu.memory_space<vmem>>, vector<16xf32>,
      tpu.vector_store %arg13[%swap3A_106, %swap3A_107], %max3A_105 {strides = array<i32>} : memref<320x64xf32, #tpu.memory_space<vmem>>, vector<16xf32>,
    }
    %scan3A_65 = arith.constant 320 : i32
    "tpu.region"() ({
      %run_scoped3A = tpu.sem_alloc : memref<!tpu.dma_semaphore, #tpu.memory_space<semaphore_mem>>
      %dma_start3A = arith.constant 0 : i32
      %dma_start3A_66 = tpu.memref_slice %arg9[%arg0, %add3A_59, %dma_start3A] : memref<2x10240x64xf32, #tpu.memory_space<hbm>> -> memref<1x320x64xf32, #tpu.memory_space<hbm>>
      %dma_start3A_67 = tpu.memref_squeeze %dma_start3A_66 : memref<1x320x64xf32, #tpu.memory_space<hbm>> -> memref<320x64xf32, #tpu.memory_space<hbm>>
      %dma_start3A_68 = arith.constant 0 : i32
      %dma_start3A_69 = tpu.memref_slice %arg9[%arg0, %add3A_59, %dma_start3A_68] : memref<2x10240x64xf32, #tpu.memory_space<hbm>> -> memref<1x320x64xf32, #tpu.memory_space<hbm>>
      %dma_start3A_70 = tpu.memref_squeeze %dma_start3A_69 : memref<1x320x64xf32, #tpu.memory_space<hbm>> -> memref<320x64xf32, #tpu.memory_space<hbm>>
      tpu.enqueue_dma source(%arg13 : memref<320x64xf32, #tpu.memory_space<vmem>>) target(%dma_start3A_70 : memref<320x64xf32, #tpu.memory_space<hbm>>) target_semaphore(%run_scoped3A : memref<!tpu.dma_semaphore, #tpu.memory_space<semaphore_mem>>)
      %dma_wait3A = arith.constant 0 : i32
      %dma_wait3A_71 = tpu.memref_slice %arg9[%arg0, %add3A_59, %dma_wait3A] : memref<2x10240x64xf32, #tpu.memory_space<hbm>> -> memref<1x320x64xf32, #tpu.memory_space<hbm>>
      %dma_wait3A_72 = tpu.memref_squeeze %dma_wait3A_71 : memref<1x320x64xf32, #tpu.memory_space<hbm>> -> memref<320x64xf32, #tpu.memory_space<hbm>>
      %dma_wait3A_73 = arith.constant 0 : i32
      %dma_wait3A_74 = tpu.memref_slice %arg9[%arg0, %add3A_59, %dma_wait3A_73] : memref<2x10240x64xf32, #tpu.memory_space<hbm>> -> memref<1x320x64xf32, #tpu.memory_space<hbm>>
      %dma_wait3A_75 = tpu.memref_squeeze %dma_wait3A_74 : memref<1x320x64xf32, #tpu.memory_space<hbm>> -> memref<320x64xf32, #tpu.memory_space<hbm>>
      tpu.wait_dma2 semaphore(%run_scoped3A : memref<!tpu.dma_semaphore, #tpu.memory_space<semaphore_mem>>) src(%arg13 : memref<320x64xf32, #tpu.memory_space<vmem>>) dst(%dma_wait3A_75 : memref<320x64xf32, #tpu.memory_space<hbm>>)
      tpu.yield
    }) : () -> ()
    return
  }
}

#map = affine_map<(d0, d1) -> (0, 0, 0)>
#map1 = affine_map<(d0, d1) -> (0, 0)>
module attributes {stable_mosaic.version = 14 : i64} {
  func.func @_counts_body(%arg0: i32, %arg1: i32, %arg2: memref<2x3200x100xi32, #tpu.memory_space<hbm>>, %arg3: memref<2x3200x100xi32, #tpu.memory_space<hbm>>, %arg4: memref<10240x16xf32, #tpu.memory_space<hbm>>, %arg5: memref<5120x16xf32, #tpu.memory_space<hbm>>, %arg6: memref<100x16xf32, #tpu.memory_space<hbm>>, %arg7: memref<2x10240x16xf32, #tpu.memory_space<hbm>>, %arg8: memref<2x5120x16xf32, #tpu.memory_space<hbm>>, %arg9: memref<200x100xi32, #tpu.memory_space<vmem>>, %arg10: memref<200x100xi32, #tpu.memory_space<vmem>>, %arg11: memref<100x16xf32, #tpu.memory_space<vmem>>, %arg12: memref<10240x16xf32, #tpu.memory_space<vmem_shared>>, %arg13: memref<5120x16xf32, #tpu.memory_space<vmem_shared>>) attributes {dimension_semantics = [#tpu.dimension_semantics<core_parallel>, #tpu.dimension_semantics<subcore_parallel>], iteration_bounds = array<i64: 2, 16>, scalar_prefetch = 0 : i64, scratch_operands = 5 : i64, tpu.core_type = #tpu.core_type<sc_vector_subcore>, window_params = [{transform_indices = #map}, {transform_indices = #map}, {transform_indices = #map1}, {transform_indices = #map1}, {transform_indices = #map1}, {transform_indices = #map}, {transform_indices = #map}]} {
    %mul3A = arith.constant 640 : i32
    %mul3A_0 = arith.muli %arg1, %mul3A : i32
    %mul3A_1 = arith.constant 640 : i32
    %mul3A_2 = arith.muli %arg1, %mul3A_1 : i32
    "tpu.region"() ({
      %run_scoped3A = tpu.sem_alloc : memref<!tpu.dma_semaphore, #tpu.memory_space<semaphore_mem>>
      %dma_start3A = arith.constant 0 : i32
      %dma_start3A_25 = tpu.memref_slice %arg12[%mul3A_2, %dma_start3A] : memref<10240x16xf32, #tpu.memory_space<vmem_shared>> -> memref<640x16xf32, #tpu.memory_space<vmem_shared>>
      %dma_start3A_26 = arith.constant 0 : i32
      %dma_start3A_27 = tpu.memref_slice %arg4[%mul3A_0, %dma_start3A_26] : memref<10240x16xf32, #tpu.memory_space<hbm>> -> memref<640x16xf32, #tpu.memory_space<hbm>>
      tpu.enqueue_dma source(%dma_start3A_27 : memref<640x16xf32, #tpu.memory_space<hbm>>) target(%dma_start3A_25 : memref<640x16xf32, #tpu.memory_space<vmem_shared>>) target_semaphore(%run_scoped3A : memref<!tpu.dma_semaphore, #tpu.memory_space<semaphore_mem>>)
      %dma_wait3A = arith.constant 0 : i32
      %dma_wait3A_28 = tpu.memref_slice %arg12[%mul3A_2, %dma_wait3A] : memref<10240x16xf32, #tpu.memory_space<vmem_shared>> -> memref<640x16xf32, #tpu.memory_space<vmem_shared>>
      %dma_wait3A_29 = arith.constant 0 : i32
      %dma_wait3A_30 = tpu.memref_slice %arg4[%mul3A_0, %dma_wait3A_29] : memref<10240x16xf32, #tpu.memory_space<hbm>> -> memref<640x16xf32, #tpu.memory_space<hbm>>
      tpu.wait_dma2 semaphore(%run_scoped3A : memref<!tpu.dma_semaphore, #tpu.memory_space<semaphore_mem>>) src(%dma_wait3A_30 : memref<640x16xf32, #tpu.memory_space<hbm>>) dst(%dma_wait3A_28 : memref<640x16xf32, #tpu.memory_space<vmem_shared>>)
      tpu.yield
    }) : () -> ()
    %mul3A_3 = arith.constant 320 : i32
    %mul3A_4 = arith.muli %arg1, %mul3A_3 : i32
    %mul3A_5 = arith.constant 320 : i32
    %mul3A_6 = arith.muli %arg1, %mul3A_5 : i32
    "tpu.region"() ({
      %run_scoped3A = tpu.sem_alloc : memref<!tpu.dma_semaphore, #tpu.memory_space<semaphore_mem>>
      %dma_start3A = arith.constant 0 : i32
      %dma_start3A_25 = tpu.memref_slice %arg13[%mul3A_6, %dma_start3A] : memref<5120x16xf32, #tpu.memory_space<vmem_shared>> -> memref<320x16xf32, #tpu.memory_space<vmem_shared>>
      %dma_start3A_26 = arith.constant 0 : i32
      %dma_start3A_27 = tpu.memref_slice %arg5[%mul3A_4, %dma_start3A_26] : memref<5120x16xf32, #tpu.memory_space<hbm>> -> memref<320x16xf32, #tpu.memory_space<hbm>>
      tpu.enqueue_dma source(%dma_start3A_27 : memref<320x16xf32, #tpu.memory_space<hbm>>) target(%dma_start3A_25 : memref<320x16xf32, #tpu.memory_space<vmem_shared>>) target_semaphore(%run_scoped3A : memref<!tpu.dma_semaphore, #tpu.memory_space<semaphore_mem>>)
      %dma_wait3A = arith.constant 0 : i32
      %dma_wait3A_28 = tpu.memref_slice %arg13[%mul3A_6, %dma_wait3A] : memref<5120x16xf32, #tpu.memory_space<vmem_shared>> -> memref<320x16xf32, #tpu.memory_space<vmem_shared>>
      %dma_wait3A_29 = arith.constant 0 : i32
      %dma_wait3A_30 = tpu.memref_slice %arg5[%mul3A_4, %dma_wait3A_29] : memref<5120x16xf32, #tpu.memory_space<hbm>> -> memref<320x16xf32, #tpu.memory_space<hbm>>
      tpu.wait_dma2 semaphore(%run_scoped3A : memref<!tpu.dma_semaphore, #tpu.memory_space<semaphore_mem>>) src(%dma_wait3A_30 : memref<320x16xf32, #tpu.memory_space<hbm>>) dst(%dma_wait3A_28 : memref<320x16xf32, #tpu.memory_space<vmem_shared>>)
      tpu.yield
    }) : () -> ()
    %mul3A_7 = arith.constant 200 : i32
    %mul3A_8 = arith.muli %arg1, %mul3A_7 : i32
    "tpu.region"() ({
      %run_scoped3A = tpu.sem_alloc : memref<!tpu.dma_semaphore, #tpu.memory_space<semaphore_mem>>
      %dma_start3A = arith.constant 0 : i32
      %dma_start3A_25 = tpu.memref_slice %arg2[%arg0, %mul3A_8, %dma_start3A] : memref<2x3200x100xi32, #tpu.memory_space<hbm>> -> memref<1x200x100xi32, #tpu.memory_space<hbm>>
      %dma_start3A_26 = tpu.memref_squeeze %dma_start3A_25 : memref<1x200x100xi32, #tpu.memory_space<hbm>> -> memref<200x100xi32, #tpu.memory_space<hbm>>
      %dma_start3A_27 = arith.constant 0 : i32
      %dma_start3A_28 = tpu.memref_slice %arg2[%arg0, %mul3A_8, %dma_start3A_27] : memref<2x3200x100xi32, #tpu.memory_space<hbm>> -> memref<1x200x100xi32, #tpu.memory_space<hbm>>
      %dma_start3A_29 = tpu.memref_squeeze %dma_start3A_28 : memref<1x200x100xi32, #tpu.memory_space<hbm>> -> memref<200x100xi32, #tpu.memory_space<hbm>>
      tpu.enqueue_dma source(%dma_start3A_29 : memref<200x100xi32, #tpu.memory_space<hbm>>) target(%arg9 : memref<200x100xi32, #tpu.memory_space<vmem>>) target_semaphore(%run_scoped3A : memref<!tpu.dma_semaphore, #tpu.memory_space<semaphore_mem>>)
      %dma_wait3A = arith.constant 0 : i32
      %dma_wait3A_30 = tpu.memref_slice %arg2[%arg0, %mul3A_8, %dma_wait3A] : memref<2x3200x100xi32, #tpu.memory_space<hbm>> -> memref<1x200x100xi32, #tpu.memory_space<hbm>>
      %dma_wait3A_31 = tpu.memref_squeeze %dma_wait3A_30 : memref<1x200x100xi32, #tpu.memory_space<hbm>> -> memref<200x100xi32, #tpu.memory_space<hbm>>
      %dma_wait3A_32 = arith.constant 0 : i32
      %dma_wait3A_33 = tpu.memref_slice %arg2[%arg0, %mul3A_8, %dma_wait3A_32] : memref<2x3200x100xi32, #tpu.memory_space<hbm>> -> memref<1x200x100xi32, #tpu.memory_space<hbm>>
      %dma_wait3A_34 = tpu.memref_squeeze %dma_wait3A_33 : memref<1x200x100xi32, #tpu.memory_space<hbm>> -> memref<200x100xi32, #tpu.memory_space<hbm>>
      tpu.wait_dma2 semaphore(%run_scoped3A : memref<!tpu.dma_semaphore, #tpu.memory_space<semaphore_mem>>) src(%dma_wait3A_34 : memref<200x100xi32, #tpu.memory_space<hbm>>) dst(%arg9 : memref<200x100xi32, #tpu.memory_space<vmem>>)
      tpu.yield
    }) : () -> ()
    %mul3A_9 = arith.constant 200 : i32
    %mul3A_10 = arith.muli %arg1, %mul3A_9 : i32
    "tpu.region"() ({
      %run_scoped3A = tpu.sem_alloc : memref<!tpu.dma_semaphore, #tpu.memory_space<semaphore_mem>>
      %dma_start3A = arith.constant 0 : i32
      %dma_start3A_25 = tpu.memref_slice %arg3[%arg0, %mul3A_10, %dma_start3A] : memref<2x3200x100xi32, #tpu.memory_space<hbm>> -> memref<1x200x100xi32, #tpu.memory_space<hbm>>
      %dma_start3A_26 = tpu.memref_squeeze %dma_start3A_25 : memref<1x200x100xi32, #tpu.memory_space<hbm>> -> memref<200x100xi32, #tpu.memory_space<hbm>>
      %dma_start3A_27 = arith.constant 0 : i32
      %dma_start3A_28 = tpu.memref_slice %arg3[%arg0, %mul3A_10, %dma_start3A_27] : memref<2x3200x100xi32, #tpu.memory_space<hbm>> -> memref<1x200x100xi32, #tpu.memory_space<hbm>>
      %dma_start3A_29 = tpu.memref_squeeze %dma_start3A_28 : memref<1x200x100xi32, #tpu.memory_space<hbm>> -> memref<200x100xi32, #tpu.memory_space<hbm>>
      tpu.enqueue_dma source(%dma_start3A_29 : memref<200x100xi32, #tpu.memory_space<hbm>>) target(%arg10 : memref<200x100xi32, #tpu.memory_space<vmem>>) target_semaphore(%run_scoped3A : memref<!tpu.dma_semaphore, #tpu.memory_space<semaphore_mem>>)
      %dma_wait3A = arith.constant 0 : i32
      %dma_wait3A_30 = tpu.memref_slice %arg3[%arg0, %mul3A_10, %dma_wait3A] : memref<2x3200x100xi32, #tpu.memory_space<hbm>> -> memref<1x200x100xi32, #tpu.memory_space<hbm>>
      %dma_wait3A_31 = tpu.memref_squeeze %dma_wait3A_30 : memref<1x200x100xi32, #tpu.memory_space<hbm>> -> memref<200x100xi32, #tpu.memory_space<hbm>>
      %dma_wait3A_32 = arith.constant 0 : i32
      %dma_wait3A_33 = tpu.memref_slice %arg3[%arg0, %mul3A_10, %dma_wait3A_32] : memref<2x3200x100xi32, #tpu.memory_space<hbm>> -> memref<1x200x100xi32, #tpu.memory_space<hbm>>
      %dma_wait3A_34 = tpu.memref_squeeze %dma_wait3A_33 : memref<1x200x100xi32, #tpu.memory_space<hbm>> -> memref<200x100xi32, #tpu.memory_space<hbm>>
      tpu.wait_dma2 semaphore(%run_scoped3A : memref<!tpu.dma_semaphore, #tpu.memory_space<semaphore_mem>>) src(%dma_wait3A_34 : memref<200x100xi32, #tpu.memory_space<hbm>>) dst(%arg10 : memref<200x100xi32, #tpu.memory_space<vmem>>)
      tpu.yield
    }) : () -> ()
    "tpu.region"() ({
      %run_scoped3A = tpu.sem_alloc : memref<!tpu.dma_semaphore, #tpu.memory_space<semaphore_mem>>
      tpu.enqueue_dma source(%arg6 : memref<100x16xf32, #tpu.memory_space<hbm>>) target(%arg11 : memref<100x16xf32, #tpu.memory_space<vmem>>) target_semaphore(%run_scoped3A : memref<!tpu.dma_semaphore, #tpu.memory_space<semaphore_mem>>)
      tpu.wait_dma2 semaphore(%run_scoped3A : memref<!tpu.dma_semaphore, #tpu.memory_space<semaphore_mem>>) src(%arg6 : memref<100x16xf32, #tpu.memory_space<hbm>>) dst(%arg11 : memref<100x16xf32, #tpu.memory_space<vmem>>)
      tpu.yield
    }) : () -> ()
    %barrier3A = arith.constant 0 : index
    tpu.barrier barrier_id(%barrier3A)
    %scan3A = arith.constant 0 : i32
    %scan3A_11 = arith.constant 0 : i32
    %scan3A_12 = arith.constant 200 : i32
    %scan3A_13 = arith.addi %scan3A_11, %scan3A_12 : i32
    %scan3A_14 = arith.constant 1 : i32
    scf.for %scan3A_25 = %scan3A_11 to %scan3A_13 step %scan3A_14  : i32 {
      "tpu.region"() ({
        %run_scoped3A = tpu.sem_alloc : memref<!tpu.dma_semaphore, #tpu.memory_space<semaphore_mem>>
        %dma_start3A = arith.constant 0 : i32
        %dma_start3A_26 = tpu.memref_slice %arg9[%scan3A_25, %dma_start3A] : memref<200x100xi32, #tpu.memory_space<vmem>> -> memref<1x100xi32, #tpu.memory_space<vmem>>
        %dma_start3A_27 = tpu.memref_squeeze %dma_start3A_26 : memref<1x100xi32, #tpu.memory_space<vmem>> -> memref<100xi32, #tpu.memory_space<vmem>>
        %dma_start3A_28 = arith.constant 0 : i32
        %dma_start3A_29 = arith.constant 0 : i32
        %dma_start3A_30 = tpu.memref_slice %arg12[%dma_start3A_28, %dma_start3A_29] : memref<10240x16xf32, #tpu.memory_space<vmem_shared>> -> memref<10240x16xf32, #tpu.memory_space<vmem_shared>>
        tpu.enqueue_indirect_dma source(%arg11 : memref<100x16xf32, #tpu.memory_space<vmem>>) target(%dma_start3A_30 : memref<10240x16xf32, #tpu.memory_space<vmem_shared>>) offsets(%dma_start3A_27 : memref<100xi32, #tpu.memory_space<vmem>>) semaphore(%run_scoped3A : memref<!tpu.dma_semaphore, #tpu.memory_space<semaphore_mem>>) {add = true}
        %dma_wait3A = arith.constant 0 : i32
        %dma_wait3A_31 = tpu.memref_slice %arg9[%scan3A_25, %dma_wait3A] : memref<200x100xi32, #tpu.memory_space<vmem>> -> memref<1x100xi32, #tpu.memory_space<vmem>>
        %dma_wait3A_32 = tpu.memref_squeeze %dma_wait3A_31 : memref<1x100xi32, #tpu.memory_space<vmem>> -> memref<100xi32, #tpu.memory_space<vmem>>
        %dma_wait3A_33 = arith.constant 0 : i32
        %dma_wait3A_34 = arith.constant 0 : i32
        %dma_wait3A_35 = tpu.memref_slice %arg12[%dma_wait3A_33, %dma_wait3A_34] : memref<10240x16xf32, #tpu.memory_space<vmem_shared>> -> memref<10240x16xf32, #tpu.memory_space<vmem_shared>>
        tpu.wait_indirect_dma semaphore(%run_scoped3A : memref<!tpu.dma_semaphore, #tpu.memory_space<semaphore_mem>>) src(%arg11 : memref<100x16xf32, #tpu.memory_space<vmem>>) dst(%dma_wait3A_35 : memref<10240x16xf32, #tpu.memory_space<vmem_shared>>)
        tpu.yield
      }) : () -> ()
      "tpu.region"() ({
        %run_scoped3A = tpu.sem_alloc : memref<!tpu.dma_semaphore, #tpu.memory_space<semaphore_mem>>
        %dma_start3A = arith.constant 0 : i32
        %dma_start3A_26 = tpu.memref_slice %arg10[%scan3A_25, %dma_start3A] : memref<200x100xi32, #tpu.memory_space<vmem>> -> memref<1x100xi32, #tpu.memory_space<vmem>>
        %dma_start3A_27 = tpu.memref_squeeze %dma_start3A_26 : memref<1x100xi32, #tpu.memory_space<vmem>> -> memref<100xi32, #tpu.memory_space<vmem>>
        %dma_start3A_28 = arith.constant 0 : i32
        %dma_start3A_29 = arith.constant 0 : i32
        %dma_start3A_30 = tpu.memref_slice %arg13[%dma_start3A_28, %dma_start3A_29] : memref<5120x16xf32, #tpu.memory_space<vmem_shared>> -> memref<5120x16xf32, #tpu.memory_space<vmem_shared>>
        tpu.enqueue_indirect_dma source(%arg11 : memref<100x16xf32, #tpu.memory_space<vmem>>) target(%dma_start3A_30 : memref<5120x16xf32, #tpu.memory_space<vmem_shared>>) offsets(%dma_start3A_27 : memref<100xi32, #tpu.memory_space<vmem>>) semaphore(%run_scoped3A : memref<!tpu.dma_semaphore, #tpu.memory_space<semaphore_mem>>) {add = true}
        %dma_wait3A = arith.constant 0 : i32
        %dma_wait3A_31 = tpu.memref_slice %arg10[%scan3A_25, %dma_wait3A] : memref<200x100xi32, #tpu.memory_space<vmem>> -> memref<1x100xi32, #tpu.memory_space<vmem>>
        %dma_wait3A_32 = tpu.memref_squeeze %dma_wait3A_31 : memref<1x100xi32, #tpu.memory_space<vmem>> -> memref<100xi32, #tpu.memory_space<vmem>>
        %dma_wait3A_33 = arith.constant 0 : i32
        %dma_wait3A_34 = arith.constant 0 : i32
        %dma_wait3A_35 = tpu.memref_slice %arg13[%dma_wait3A_33, %dma_wait3A_34] : memref<5120x16xf32, #tpu.memory_space<vmem_shared>> -> memref<5120x16xf32, #tpu.memory_space<vmem_shared>>
        tpu.wait_indirect_dma semaphore(%run_scoped3A : memref<!tpu.dma_semaphore, #tpu.memory_space<semaphore_mem>>) src(%arg11 : memref<100x16xf32, #tpu.memory_space<vmem>>) dst(%dma_wait3A_35 : memref<5120x16xf32, #tpu.memory_space<vmem_shared>>)
        tpu.yield
      }) : () -> ()
    }
    %scan3A_15 = arith.constant 200 : i32
    %barrier3A_16 = arith.constant 0 : index
    tpu.barrier barrier_id(%barrier3A_16)
    %mul3A_17 = arith.constant 640 : i32
    %mul3A_18 = arith.muli %arg1, %mul3A_17 : i32
    %mul3A_19 = arith.constant 640 : i32
    %mul3A_20 = arith.muli %arg1, %mul3A_19 : i32
    "tpu.region"() ({
      %run_scoped3A = tpu.sem_alloc : memref<!tpu.dma_semaphore, #tpu.memory_space<semaphore_mem>>
      %dma_start3A = arith.constant 0 : i32
      %dma_start3A_25 = tpu.memref_slice %arg7[%arg0, %mul3A_20, %dma_start3A] : memref<2x10240x16xf32, #tpu.memory_space<hbm>> -> memref<1x640x16xf32, #tpu.memory_space<hbm>>
      %dma_start3A_26 = tpu.memref_squeeze %dma_start3A_25 : memref<1x640x16xf32, #tpu.memory_space<hbm>> -> memref<640x16xf32, #tpu.memory_space<hbm>>
      %dma_start3A_27 = arith.constant 0 : i32
      %dma_start3A_28 = tpu.memref_slice %arg12[%mul3A_18, %dma_start3A_27] : memref<10240x16xf32, #tpu.memory_space<vmem_shared>> -> memref<640x16xf32, #tpu.memory_space<vmem_shared>>
      tpu.enqueue_dma source(%dma_start3A_28 : memref<640x16xf32, #tpu.memory_space<vmem_shared>>) target(%dma_start3A_26 : memref<640x16xf32, #tpu.memory_space<hbm>>) target_semaphore(%run_scoped3A : memref<!tpu.dma_semaphore, #tpu.memory_space<semaphore_mem>>)
      %dma_wait3A = arith.constant 0 : i32
      %dma_wait3A_29 = tpu.memref_slice %arg7[%arg0, %mul3A_20, %dma_wait3A] : memref<2x10240x16xf32, #tpu.memory_space<hbm>> -> memref<1x640x16xf32, #tpu.memory_space<hbm>>
      %dma_wait3A_30 = tpu.memref_squeeze %dma_wait3A_29 : memref<1x640x16xf32, #tpu.memory_space<hbm>> -> memref<640x16xf32, #tpu.memory_space<hbm>>
      %dma_wait3A_31 = arith.constant 0 : i32
      %dma_wait3A_32 = tpu.memref_slice %arg12[%mul3A_18, %dma_wait3A_31] : memref<10240x16xf32, #tpu.memory_space<vmem_shared>> -> memref<640x16xf32, #tpu.memory_space<vmem_shared>>
      tpu.wait_dma2 semaphore(%run_scoped3A : memref<!tpu.dma_semaphore, #tpu.memory_space<semaphore_mem>>) src(%dma_wait3A_32 : memref<640x16xf32, #tpu.memory_space<vmem_shared>>) dst(%dma_wait3A_30 : memref<640x16xf32, #tpu.memory_space<hbm>>)
      tpu.yield
    }) : () -> ()
    %mul3A_21 = arith.constant 320 : i32
    %mul3A_22 = arith.muli %arg1, %mul3A_21 : i32
    %mul3A_23 = arith.constant 320 : i32
    %mul3A_24 = arith.muli %arg1, %mul3A_23 : i32
    "tpu.region"() ({
      %run_scoped3A = tpu.sem_alloc : memref<!tpu.dma_semaphore, #tpu.memory_space<semaphore_mem>>
      %dma_start3A = arith.constant 0 : i32
      %dma_start3A_25 = tpu.memref_slice %arg8[%arg0, %mul3A_24, %dma_start3A] : memref<2x5120x16xf32, #tpu.memory_space<hbm>> -> memref<1x320x16xf32, #tpu.memory_space<hbm>>
      %dma_start3A_26 = tpu.memref_squeeze %dma_start3A_25 : memref<1x320x16xf32, #tpu.memory_space<hbm>> -> memref<320x16xf32, #tpu.memory_space<hbm>>
      %dma_start3A_27 = arith.constant 0 : i32
      %dma_start3A_28 = tpu.memref_slice %arg13[%mul3A_22, %dma_start3A_27] : memref<5120x16xf32, #tpu.memory_space<vmem_shared>> -> memref<320x16xf32, #tpu.memory_space<vmem_shared>>
      tpu.enqueue_dma source(%dma_start3A_28 : memref<320x16xf32, #tpu.memory_space<vmem_shared>>) target(%dma_start3A_26 : memref<320x16xf32, #tpu.memory_space<hbm>>) target_semaphore(%run_scoped3A : memref<!tpu.dma_semaphore, #tpu.memory_space<semaphore_mem>>)
      %dma_wait3A = arith.constant 0 : i32
      %dma_wait3A_29 = tpu.memref_slice %arg8[%arg0, %mul3A_24, %dma_wait3A] : memref<2x5120x16xf32, #tpu.memory_space<hbm>> -> memref<1x320x16xf32, #tpu.memory_space<hbm>>
      %dma_wait3A_30 = tpu.memref_squeeze %dma_wait3A_29 : memref<1x320x16xf32, #tpu.memory_space<hbm>> -> memref<320x16xf32, #tpu.memory_space<hbm>>
      %dma_wait3A_31 = arith.constant 0 : i32
      %dma_wait3A_32 = tpu.memref_slice %arg13[%mul3A_22, %dma_wait3A_31] : memref<5120x16xf32, #tpu.memory_space<vmem_shared>> -> memref<320x16xf32, #tpu.memory_space<vmem_shared>>
      tpu.wait_dma2 semaphore(%run_scoped3A : memref<!tpu.dma_semaphore, #tpu.memory_space<semaphore_mem>>) src(%dma_wait3A_32 : memref<320x16xf32, #tpu.memory_space<vmem_shared>>) dst(%dma_wait3A_30 : memref<320x16xf32, #tpu.memory_space<hbm>>)
      tpu.yield
    }) : () -> ()
    return
  }
}

module attributes {stable_mosaic.version = 14 : i64} {
  func.func @_prep_body(%arg0: i32, %arg1: i32, %arg2: memref<1024x128xf32, #tpu.memory_space<vmem>>, %arg3: memref<1x128x64xf32, #tpu.memory_space<vmem>>, %arg4: memref<1x1x64xf32, #tpu.memory_space<vmem>>, %arg5: memref<1x1024x64xf32, #tpu.memory_space<vmem>>) attributes {dimension_semantics = [#tpu.dimension_semantics<arbitrary>, #tpu.dimension_semantics<arbitrary>], iteration_bounds = array<i64: 2, 10>, scalar_prefetch = 0 : i64, scratch_operands = 0 : i64, tpu.core_type = #tpu.core_type<tc>, window_params = [{transform_indices = @transform_0, window_bounds = array<i64: 1024, 128>}, {transform_indices = @transform_1, window_bounds = array<i64: 1, 128, 64>}, {transform_indices = @transform_2, window_bounds = array<i64: 1, 1, 64>}, {transform_indices = @transform_3, window_bounds = array<i64: 1, 1024, 64>}]} {
    %get3A = arith.constant 0 : index
    %get3A_0 = arith.constant 0 : index
    %get3A_1 = vector.load %arg2[%get3A, %get3A_0] : memref<1024x128xf32, #tpu.memory_space<vmem>>, vector<1024x128xf32>
    %get3A_2 = arith.constant 0 : index
    %get3A_3 = arith.constant 0 : index
    %get3A_4 = arith.constant 0 : index
    %get3A_5 = vector.load %arg3[%get3A_2, %get3A_3, %get3A_4] : memref<1x128x64xf32, #tpu.memory_space<vmem>>, vector<1x128x64xf32>
    %get3A_6 = vector.shape_cast %get3A_5 : vector<1x128x64xf32> to vector<128x64xf32>
    %get3A_7 = arith.constant 0 : index
    %get3A_8 = arith.constant 0 : index
    %get3A_9 = arith.constant 0 : index
    %get3A_10 = vector.load %arg4[%get3A_7, %get3A_8, %get3A_9] : memref<1x1x64xf32, #tpu.memory_space<vmem>>, vector<1x1x64xf32>
    %get3A_11 = vector.shape_cast %get3A_10 : vector<1x1x64xf32> to vector<64xf32>
    %dot_general3A = arith.constant dense<0.000000e+00> : vector<1024x64xf32>
    %dot_general3A_12 = tpu.matmul %get3A_1, %get3A_6, %dot_general3A {dimension_numbers = #tpu.dot_dimension_numbers<[1], [0], [0], [1], [0, 0, 1, 1], [], []>, transpose_lhs_hint = false} : vector<1024x128xf32>, vector<128x64xf32>, vector<1024x64xf32> -> vector<1024x64xf32>
    %broadcast_in_dim3A = vector.shape_cast %get3A_11 : vector<64xf32> to vector<1x64xf32>
    %add3A = vector.broadcast %broadcast_in_dim3A : vector<1x64xf32> to vector<1024x64xf32>
    %add3A_13 = arith.addf %dot_general3A_12, %add3A : vector<1024x64xf32>
    %swap3A = arith.constant 0 : index
    %swap3A_14 = arith.constant 0 : index
    %swap3A_15 = arith.constant 0 : index
    %swap3A_16 = vector.load %arg5[%swap3A, %swap3A_14, %swap3A_15] : memref<1x1024x64xf32, #tpu.memory_space<vmem>>, vector<1x1024x64xf32>
    %swap3A_17 = vector.shape_cast %swap3A_16 : vector<1x1024x64xf32> to vector<1024x64xf32>
    %swap3A_18 = vector.shape_cast %add3A_13 : vector<1024x64xf32> to vector<1x1024x64xf32>
    tpu.vector_store %arg5[%swap3A, %swap3A_14, %swap3A_15], %swap3A_18 {strides = array<i32>} : memref<1x1024x64xf32, #tpu.memory_space<vmem>>, vector<1x1024x64xf32>,
    return
  }
  func.func @transform_0(%arg0: i32, %arg1: i32) -> (i32, i32) {
    %c0_i32 = arith.constant 0 : i32
    %c0_i32_0 = arith.constant 0 : i32
    return %arg1, %c0_i32 : i32, i32
  }
  func.func @transform_1(%arg0: i32, %arg1: i32) -> (i32, i32, i32) {
    %c0_i32 = arith.constant 0 : i32
    %c0_i32_0 = arith.constant 0 : i32
    %c0_i32_1 = arith.constant 0 : i32
    return %arg0, %c0_i32, %c0_i32_0 : i32, i32, i32
  }
  func.func @transform_2(%arg0: i32, %arg1: i32) -> (i32, i32, i32) {
    %c0_i32 = arith.constant 0 : i32
    %c0_i32_0 = arith.constant 0 : i32
    %c0_i32_1 = arith.constant 0 : i32
    return %arg0, %c0_i32, %c0_i32_0 : i32, i32, i32
  }
  func.func @transform_3(%arg0: i32, %arg1: i32) -> (i32, i32, i32) {
    %c0_i32 = arith.constant 0 : i32
    %c0_i32_0 = arith.constant 0 : i32
    return %arg0, %arg1, %c0_i32 : i32, i32, i32
  }
}

module attributes {stable_mosaic.version = 14 : i64} {
  func.func @_mid_body(%arg0: i32, %arg1: i32, %arg2: memref<1x1024x64xf32, #tpu.memory_space<vmem>>, %arg3: memref<1x64x64xf32, #tpu.memory_space<vmem>>, %arg4: memref<1x1x64xf32, #tpu.memory_space<vmem>>, %arg5: memref<1x1024x64xf32, #tpu.memory_space<vmem>>) attributes {dimension_semantics = [#tpu.dimension_semantics<arbitrary>, #tpu.dimension_semantics<arbitrary>], iteration_bounds = array<i64: 2, 10>, scalar_prefetch = 0 : i64, scratch_operands = 0 : i64, tpu.core_type = #tpu.core_type<tc>, window_params = [{transform_indices = @transform_0, window_bounds = array<i64: 1, 1024, 64>}, {transform_indices = @transform_1, window_bounds = array<i64: 1, 64, 64>}, {transform_indices = @transform_2, window_bounds = array<i64: 1, 1, 64>}, {transform_indices = @transform_3, window_bounds = array<i64: 1, 1024, 64>}]} {
    %get3A = arith.constant 0 : index
    %get3A_0 = arith.constant 0 : index
    %get3A_1 = arith.constant 0 : index
    %get3A_2 = vector.load %arg2[%get3A, %get3A_0, %get3A_1] : memref<1x1024x64xf32, #tpu.memory_space<vmem>>, vector<1x1024x64xf32>
    %get3A_3 = vector.shape_cast %get3A_2 : vector<1x1024x64xf32> to vector<1024x64xf32>
    %get3A_4 = arith.constant 0 : index
    %get3A_5 = arith.constant 0 : index
    %get3A_6 = arith.constant 0 : index
    %get3A_7 = vector.load %arg3[%get3A_4, %get3A_5, %get3A_6] : memref<1x64x64xf32, #tpu.memory_space<vmem>>, vector<1x64x64xf32>
    %get3A_8 = vector.shape_cast %get3A_7 : vector<1x64x64xf32> to vector<64x64xf32>
    %get3A_9 = arith.constant 0 : index
    %get3A_10 = arith.constant 0 : index
    %get3A_11 = arith.constant 0 : index
    %get3A_12 = vector.load %arg4[%get3A_9, %get3A_10, %get3A_11] : memref<1x1x64xf32, #tpu.memory_space<vmem>>, vector<1x1x64xf32>
    %get3A_13 = vector.shape_cast %get3A_12 : vector<1x1x64xf32> to vector<64xf32>
    %dot_general3A = arith.constant dense<0.000000e+00> : vector<1024x64xf32>
    %dot_general3A_14 = tpu.matmul %get3A_3, %get3A_8, %dot_general3A {dimension_numbers = #tpu.dot_dimension_numbers<[1], [0], [0], [1], [0, 0, 1, 1], [], []>, transpose_lhs_hint = false} : vector<1024x64xf32>, vector<64x64xf32>, vector<1024x64xf32> -> vector<1024x64xf32>
    %broadcast_in_dim3A = vector.shape_cast %get3A_13 : vector<64xf32> to vector<1x64xf32>
    %add3A = vector.broadcast %broadcast_in_dim3A : vector<1x64xf32> to vector<1024x64xf32>
    %add3A_15 = arith.addf %dot_general3A_14, %add3A : vector<1024x64xf32>
    %swap3A = arith.constant 0 : index
    %swap3A_16 = arith.constant 0 : index
    %swap3A_17 = arith.constant 0 : index
    %swap3A_18 = vector.load %arg5[%swap3A, %swap3A_16, %swap3A_17] : memref<1x1024x64xf32, #tpu.memory_space<vmem>>, vector<1x1024x64xf32>
    %swap3A_19 = vector.shape_cast %swap3A_18 : vector<1x1024x64xf32> to vector<1024x64xf32>
    %swap3A_20 = vector.shape_cast %add3A_15 : vector<1024x64xf32> to vector<1x1024x64xf32>
    tpu.vector_store %arg5[%swap3A, %swap3A_16, %swap3A_17], %swap3A_20 {strides = array<i32>} : memref<1x1024x64xf32, #tpu.memory_space<vmem>>, vector<1x1024x64xf32>,
    return
  }
  func.func @transform_0(%arg0: i32, %arg1: i32) -> (i32, i32, i32) {
    %c0_i32 = arith.constant 0 : i32
    %c0_i32_0 = arith.constant 0 : i32
    return %arg0, %arg1, %c0_i32 : i32, i32, i32
  }
  func.func @transform_1(%arg0: i32, %arg1: i32) -> (i32, i32, i32) {
    %c0_i32 = arith.constant 0 : i32
    %c0_i32_0 = arith.constant 0 : i32
    %c0_i32_1 = arith.constant 0 : i32
    return %arg0, %c0_i32, %c0_i32_0 : i32, i32, i32
  }
  func.func @transform_2(%arg0: i32, %arg1: i32) -> (i32, i32, i32) {
    %c0_i32 = arith.constant 0 : i32
    %c0_i32_0 = arith.constant 0 : i32
    %c0_i32_1 = arith.constant 0 : i32
    return %arg0, %c0_i32, %c0_i32_0 : i32, i32, i32
  }
  func.func @transform_3(%arg0: i32, %arg1: i32) -> (i32, i32, i32) {
    %c0_i32 = arith.constant 0 : i32
    %c0_i32_0 = arith.constant 0 : i32
    return %arg0, %arg1, %c0_i32 : i32, i32, i32
  }
}

module attributes {stable_mosaic.version = 14 : i64} {
  func.func @_final_body(%arg0: memref<2x10240x64xf32, #tpu.memory_space<vmem>>, %arg1: memref<128x64xf32, #tpu.memory_space<vmem>>, %arg2: memref<64xf32, #tpu.memory_space<vmem>>, %arg3: memref<64xf32, #tpu.memory_space<vmem>>, %arg4: memref<64xf32, #tpu.memory_space<vmem>>, %arg5: memref<64x128xf32, #tpu.memory_space<vmem>>, %arg6: memref<128xf32, #tpu.memory_space<vmem>>, %arg7: memref<1x128xf32, #tpu.memory_space<vmem>>) attributes {dimension_semantics = [], scalar_prefetch = 0 : i64, scratch_operands = 0 : i64, tpu.core_type = #tpu.core_type<tc>} {
    %get3A = arith.constant 0 : index
    %get3A_0 = arith.constant 0 : index
    %get3A_1 = arith.constant 0 : index
    %get3A_2 = vector.load %arg0[%get3A, %get3A_0, %get3A_1] : memref<2x10240x64xf32, #tpu.memory_space<vmem>>, vector<1x10240x64xf32>
    %get3A_3 = vector.shape_cast %get3A_2 : vector<1x10240x64xf32> to vector<10240x64xf32>
    %reduce_sum3A = arith.constant dense<0.000000e+00> : vector<64xf32>
    %reduce_sum3A_4 = vector.multi_reduction <add>, %get3A_3, %reduce_sum3A [0] : vector<10240x64xf32> to vector<64xf32>
    %mul3A = arith.constant 9.99999974E-5 : f32
    %mul3A_5 = vector.broadcast %mul3A : f32 to vector<64xf32>
    %mul3A_6 = arith.mulf %reduce_sum3A_4, %mul3A_5 : vector<64xf32>
    %get3A_7 = arith.constant 1 : index
    %get3A_8 = arith.constant 0 : index
    %get3A_9 = arith.constant 0 : index
    %get3A_10 = vector.load %arg0[%get3A_7, %get3A_8, %get3A_9] : memref<2x10240x64xf32, #tpu.memory_space<vmem>>, vector<1x10240x64xf32>
    %get3A_11 = vector.shape_cast %get3A_10 : vector<1x10240x64xf32> to vector<10240x64xf32>
    %reduce_sum3A_12 = arith.constant dense<0.000000e+00> : vector<64xf32>
    %reduce_sum3A_13 = vector.multi_reduction <add>, %get3A_11, %reduce_sum3A_12 [0] : vector<10240x64xf32> to vector<64xf32>
    %mul3A_14 = arith.constant 9.99999974E-5 : f32
    %mul3A_15 = vector.broadcast %mul3A_14 : f32 to vector<64xf32>
    %mul3A_16 = arith.mulf %reduce_sum3A_13, %mul3A_15 : vector<64xf32>
    %concatenate3A = tpu.concatenate %mul3A_6, %mul3A_16 in 0 : vector<64xf32>, vector<64xf32> -> vector<128xf32>
    %get3A_17 = arith.constant 0 : index
    %get3A_18 = arith.constant 0 : index
    %get3A_19 = vector.load %arg1[%get3A_17, %get3A_18] : memref<128x64xf32, #tpu.memory_space<vmem>>, vector<128x64xf32>
    %dot_general3A = arith.constant dense<0.000000e+00> : vector<64xf32>
    %dot_general3A_20 = tpu.matmul %concatenate3A, %get3A_19, %dot_general3A {dimension_numbers = #tpu.dot_dimension_numbers<[0], [0], [], [1], [1, 1], [], []>, transpose_lhs_hint = false} : vector<128xf32>, vector<128x64xf32>, vector<64xf32> -> vector<64xf32>
    %get3A_21 = arith.constant 0 : index
    %get3A_22 = vector.load %arg2[%get3A_21] : memref<64xf32, #tpu.memory_space<vmem>>, vector<64xf32>
    %add3A = arith.addf %dot_general3A_20, %get3A_22 : vector<64xf32>
    %reduce_sum3A_23 = vector.shape_cast %add3A : vector<64xf32> to vector<1x64xf32>
    %reduce_sum3A_24 = arith.constant dense<0.000000e+00> : vector<1xf32>
    %reduce_sum3A_25 = vector.multi_reduction <add>, %reduce_sum3A_23, %reduce_sum3A_24 [1] : vector<1x64xf32> to vector<1xf32>
    %reduce_sum3A_26 = vector.shape_cast %reduce_sum3A_25 : vector<1xf32> to vector<1x1xf32>
    %reduce_sum3A_27 = vector.extract %reduce_sum3A_26[0, 0] : f32 from vector<1x1xf32>
    %div3A = arith.constant 6.400000e+01 : f32
    %div3A_28 = arith.divf %reduce_sum3A_27, %div3A : f32
    %sub3A = vector.broadcast %div3A_28 : f32 to vector<64xf32>
    %sub3A_29 = arith.subf %add3A, %sub3A : vector<64xf32>
    %integer_pow3A = arith.mulf %sub3A_29, %sub3A_29 : vector<64xf32>
    %reduce_sum3A_30 = vector.shape_cast %integer_pow3A : vector<64xf32> to vector<1x64xf32>
    %reduce_sum3A_31 = arith.constant dense<0.000000e+00> : vector<1xf32>
    %reduce_sum3A_32 = vector.multi_reduction <add>, %reduce_sum3A_30, %reduce_sum3A_31 [1] : vector<1x64xf32> to vector<1xf32>
    %reduce_sum3A_33 = vector.shape_cast %reduce_sum3A_32 : vector<1xf32> to vector<1x1xf32>
    %reduce_sum3A_34 = vector.extract %reduce_sum3A_33[0, 0] : f32 from vector<1x1xf32>
    %div3A_35 = arith.constant 6.400000e+01 : f32
    %div3A_36 = arith.divf %reduce_sum3A_34, %div3A_35 : f32
    %sub3A_37 = vector.broadcast %div3A_28 : f32 to vector<64xf32>
    %sub3A_38 = arith.subf %add3A, %sub3A_37 : vector<64xf32>
    %add3A_39 = arith.constant 9.99999974E-6 : f32
    %add3A_40 = arith.addf %div3A_36, %add3A_39 : f32
    %sqrt3A = math.sqrt %add3A_40 : f32
    %div3A_41 = vector.broadcast %sqrt3A : f32 to vector<64xf32>
    %div3A_42 = arith.divf %sub3A_38, %div3A_41 : vector<64xf32>
    %get3A_43 = arith.constant 0 : index
    %get3A_44 = vector.load %arg3[%get3A_43] : memref<64xf32, #tpu.memory_space<vmem>>, vector<64xf32>
    %mul3A_45 = arith.mulf %div3A_42, %get3A_44 : vector<64xf32>
    %get3A_46 = arith.constant 0 : index
    %get3A_47 = vector.load %arg4[%get3A_46] : memref<64xf32, #tpu.memory_space<vmem>>, vector<64xf32>
    %add3A_48 = arith.addf %mul3A_45, %get3A_47 : vector<64xf32>
    %logistic3A = arith.negf %add3A_48 : vector<64xf32>
    %logistic3A_49 = math.exp %logistic3A : vector<64xf32>
    %logistic3A_50 = arith.constant 1.000000e+00 : f32
    %logistic3A_51 = vector.broadcast %logistic3A_50 : f32 to vector<64xf32>
    %logistic3A_52 = arith.addf %logistic3A_51, %logistic3A_49 : vector<64xf32>
    %logistic3A_53 = arith.divf %logistic3A_51, %logistic3A_52 : vector<64xf32>
    %mul3A_54 = arith.mulf %add3A_48, %logistic3A_53 : vector<64xf32>
    %get3A_55 = arith.constant 0 : index
    %get3A_56 = arith.constant 0 : index
    %get3A_57 = vector.load %arg5[%get3A_55, %get3A_56] : memref<64x128xf32, #tpu.memory_space<vmem>>, vector<64x128xf32>
    %dot_general3A_58 = arith.constant dense<0.000000e+00> : vector<128xf32>
    %dot_general3A_59 = tpu.matmul %mul3A_54, %get3A_57, %dot_general3A_58 {dimension_numbers = #tpu.dot_dimension_numbers<[0], [0], [], [1], [1, 1], [], []>, transpose_lhs_hint = false} : vector<64xf32>, vector<64x128xf32>, vector<128xf32> -> vector<128xf32>
    %get3A_60 = arith.constant 0 : index
    %get3A_61 = vector.load %arg6[%get3A_60] : memref<128xf32, #tpu.memory_space<vmem>>, vector<128xf32>
    %add3A_62 = arith.addf %dot_general3A_59, %get3A_61 : vector<128xf32>
    %mul3A_63 = arith.mulf %add3A_62, %add3A_62 : vector<128xf32>
    %reduce_sum3A_64 = vector.shape_cast %mul3A_63 : vector<128xf32> to vector<1x128xf32>
    %reduce_sum3A_65 = arith.constant dense<0.000000e+00> : vector<1xf32>
    %reduce_sum3A_66 = vector.multi_reduction <add>, %reduce_sum3A_64, %reduce_sum3A_65 [1] : vector<1x128xf32> to vector<1xf32>
    %reduce_sum3A_67 = vector.shape_cast %reduce_sum3A_66 : vector<1xf32> to vector<1x1xf32>
    %reduce_sum3A_68 = vector.extract %reduce_sum3A_67[0, 0] : f32 from vector<1x1xf32>
    %sqrt3A_69 = math.sqrt %reduce_sum3A_68 : f32
    %max3A = arith.constant 9.99999996E-13 : f32
    %max3A_70 = arith.maximumf %sqrt3A_69, %max3A : f32
    %div3A_71 = vector.broadcast %max3A_70 : f32 to vector<128xf32>
    %div3A_72 = arith.divf %add3A_62, %div3A_71 : vector<128xf32>
    %swap3A = arith.constant 0 : index
    %swap3A_73 = arith.constant 0 : index
    %swap3A_74 = vector.load %arg7[%swap3A, %swap3A_73] : memref<1x128xf32, #tpu.memory_space<vmem>>, vector<1x128xf32>
    %swap3A_75 = vector.shape_cast %swap3A_74 : vector<1x128xf32> to vector<128xf32>
    %swap3A_76 = vector.shape_cast %div3A_72 : vector<128xf32> to vector<1x128xf32>
    tpu.vector_store %arg7[%swap3A, %swap3A_73], %swap3A_76 {strides = array<i32>} : memref<1x128xf32, #tpu.memory_space<vmem>>, vector<1x128xf32>,
    return
  }
}

</mosaic_0001>

<sc_bundles>
// kernel: kernel.11.cloned.1.call-start
scs
__scs_entry_jumppad:
0x0: {  	(pc) =	sbr.rel $0x88, $3  }
0x1: {  	(tag) =	ssettag $0x0;
	lr =	simm.s32 $0x1  }
0x2: {  	[smem:$0x3F8E] =	sst lr;
	_ =	strace $0xD0000000  }
0x3: {  	_ = 	snop  }
0x4: {  	_ = 	snop  }
0x5: {  	_ = 	snop  }
0x6: {  	_ = 	snop  }
0x7: {  	_ = 	snop  }
__scs_overlays_trampoline_lowered:
0x8: {  	[smem:$0x3F9D] =	sst s0  }
0x9: {  	[smem:$0x3F9E] =	sst s1  }
0xa: {  	[smem:$0x3F9F] =	sst s2  }
0xb: {  	[smem:$0x3FA0] =	sst s3  }
0xc: {  	[smem:$0x3FA1] =	sst s4  }
0xd: {  	[smem:$0x3FA2] =	sst s5  }
0xe: {  	[smem:$0x3FA3] =	sst s6  }
0xf: {  	[smem:$0x3FA4] =	sst s7  }
0x10: {  	[smem:$0x3FA5] =	sst s8  }
0x11: {  	[smem:$0x3FA6] =	sst s9;
	s0 =	simm.s32 @!p0 $0x0  }
0x12: {  	s1 =	sld [smem:$0x3F8C];
	s0 =	simm.s32 @p0 $0x1  }
0x13: {  	[smem:$0x3FA7] =	sst s0;
	s0 =	simm.s32 @!p1 $0x0  }
0x14: {  	s2 =	sld [smem:$0x3F8B];
	s0 =	simm.s32 @p1 $0x1  }
0x15: {  	[smem:$0x3FA8] =	sst s0;
	s0 =	simm.s32 @!p2 $0x0  }
0x16: {  	s3 =	sld [smem:$0x3FDB];
	s0 =	simm.s32 @p2 $0x1  }
0x17: {  	s4 =	simm.s32 $0x1BF5;
	[smem:$0x3FAA] =	sst s0  }
0x18: {  	s0 =	sld [smem:$0x3F8D];
	_ =	swait.ge [sflag:s4], $0x0  }
0x19: {  	s7 =	sld [smem:$0x3F8E]  }
0x1a: {  	s8 =	sadd.s32 $0xFFFFE003, lr  }
0x1b: {  	s9 =	sadd.s32 $0xFFFFFEF7, lr;
	s5 =	simm.s32 $0xFFFFFFFF;
	p2 =	slt.u32 s8, $0xFFFFF086  }
0x1c: {  	p1 =	slt.u32 s9, $0xF7A;
	s5 =	simm.s32 @!p2 $0x0  }
0x1d: {  	s5 =	simm.s32 @p1 $0x1;
	p0 =	seq.s32 s7, s2  }
0x1e: {  	s7 =	smul.u32 @!p0 $0xF7A, s2;
	p2 =	seq.s32 @!p0 s5, $0x0  }
0x1f: {  	s9 =	smul.u32 $0xF7A, s1;
	s8 =	simm.s32 @!p0 $0x1BF5;
	p2 =	por !p2, p0  }
0x20: {  	[sflag:s8] =	ssyncset.s32 @!p0 $0xFFFFF086;
	s6 =	sadd.s32 @!p0 s3, s7;
	s7 =	simm.s32 @!p0 $0x108  }
0x21: {  	s3 =	sadd.s32 s3, s9;
	s6 =	sadd.s32 @!p0 $0x88, s6;
	s7 =	simm.s32 @p2 $0x1082  }
0x22: {  	[simem:s7], [sflag:s8] =	dma.local @!p0 [hbm:s6], $0xF7A  }
0x23: {  	s9 =	sor.u32 $0xD0000000, s2;
	s6 =	simm.s32 $0x108;
	_ =	swait.ge @!p0 [sflag:s8], $0x0  }
0x24: {  	s3 =	sadd.s32 $0x88, s3;
	s6 =	simm.s32 @!p1 $0x1082;
	[sflag:s4] =	ssyncset.s32 $0xFFFFF086  }
0x25: {  	[simem:s6], [sflag:s4] =	dma.local [hbm:s3], $0xF7A  }
0x26: {  	[smem:$0x3F8E] =	sst s1;
	(tag) =	ssettag s2;
	_ =	strace s9  }
0x27: {  	s1 =	sld [smem:$0x3F9E]  }
0x28: {  	s2 =	sld [smem:$0x3F9F]  }
0x29: {  	s4 =	sld [smem:$0x3FA1]  }
0x2a: {  	p0 =	seq.s32 s5, $0x0;
	s5 =	sld [smem:$0x3FA2]  }
0x2b: {  	s6 =	sld [smem:$0x3FA3]  }
0x2c: {  	s7 =	sld [smem:$0x3FA4]  }
0x2d: {  	s3 =	simm.s32 $0x108;
	s8 =	sld [smem:$0x3FA5]  }
0x2e: {  	s3 =	simm.s32 @!p0 $0x1082;
	s9 =	sld [smem:$0x3FA6]  }
0x2f: {  	lr =	sadd.s32 s0, s3;
	s0 =	sld [smem:$0x3F9D]  }
0x30: {  	s3 =	sld [smem:$0x3FA0]  }
0x31: {  	[smem:$0x3FA9] =	sst s10  }
0x32: {  	s10 =	sld [smem:$0x3FA7];
	_ =	sdelay $0x3  }
0x33: {  	p0 =	seq.s32 s10, $0x1;
	s10 =	sld [smem:$0x3FA9];
	_ =	sdelay $0x3  }
0x34: {  	[smem:$0x3FA9] =	sst s10  }
0x35: {  	s10 =	sld [smem:$0x3FA8];
	_ =	sdelay $0x3  }
0x36: {  	p1 =	seq.s32 s10, $0x1;
	s10 =	sld [smem:$0x3FA9];
	_ =	sdelay $0x3  }
0x37: {  	[smem:$0x3FA9] =	sst s10  }
0x38: {  	s10 =	sld [smem:$0x3FAA]  }
0x39: {  	_ = 	snop;
	(pc) =	sbr.ind lr, $3  }
0x3a: {  	_ = 	snop  }
0x3b: {  	_ = 	snop  }
0x3c: {  	p2 =	seq.s32 s10, $0x1;
	s10 =	sld [smem:$0x3FA9]  }
0x3d: {  	_ =	shalt  }
0x3e: {  	_ =	shalt  }
0x3f: {  	_ =	shalt  }
0x40: {  	_ =	shalt  }
0x41: {  	_ =	shalt  }
0x42: {  	_ =	shalt  }
0x43: {  	_ =	shalt  }
0x44: {  	_ =	shalt  }
0x45: {  	_ =	shalt  }
0x46: {  	_ =	shalt  }
0x47: {  	_ =	shalt  }
0x48: {  	_ =	shalt  }
0x49: {  	_ =	shalt  }
0x4a: {  	_ =	shalt  }
0x4b: {  	_ =	shalt  }
0x4c: {  	_ =	shalt  }
0x4d: {  	_ =	shalt  }
0x4e: {  	_ =	shalt  }
0x4f: {  	_ =	shalt  }
0x50: {  	_ =	shalt  }
0x51: {  	_ =	shalt  }
0x52: {  	_ =	shalt  }
0x53: {  	_ =	shalt  }
0x54: {  	_ =	shalt  }
0x55: {  	_ =	shalt  }
0x56: {  	_ =	shalt  }
0x57: {  	_ =	shalt  }
0x58: {  	_ =	shalt  }
0x59: {  	_ =	shalt  }
0x5a: {  	_ =	shalt  }
0x5b: {  	_ =	shalt  }
0x5c: {  	_ =	shalt  }
0x5d: {  	_ =	shalt  }
0x5e: {  	_ =	shalt  }
0x5f: {  	_ =	shalt  }
0x60: {  	_ =	shalt  }
0x61: {  	_ =	shalt  }
0x62: {  	_ =	shalt  }
0x63: {  	_ =	shalt  }
0x64: {  	_ =	shalt  }
0x65: {  	_ =	shalt  }
0x66: {  	_ =	shalt  }
0x67: {  	_ =	shalt  }
0x68: {  	_ =	shalt  }
0x69: {  	_ =	shalt  }
0x6a: {  	_ =	shalt  }
0x6b: {  	_ =	shalt  }
0x6c: {  	_ =	shalt  }
0x6d: {  	_ =	shalt  }
0x6e: {  	_ =	shalt  }
0x6f: {  	_ =	shalt  }
0x70: {  	_ =	shalt  }
0x71: {  	_ =	shalt  }
0x72: {  	_ =	shalt  }
0x73: {  	_ =	shalt  }
0x74: {  	_ =	shalt  }
0x75: {  	_ =	shalt  }
0x76: {  	_ =	shalt  }
0x77: {  	_ =	shalt  }
0x78: {  	_ =	shalt  }
0x79: {  	_ =	shalt  }
0x7a: {  	_ =	shalt  }
0x7b: {  	_ =	shalt  }
0x7c: {  	_ =	shalt  }
0x7d: {  	_ =	shalt  }
0x7e: {  	_ =	shalt  }
0x7f: {  	_ =	shalt  }
0x80: {  	_ =	shalt  }
0x81: {  	_ =	shalt  }
0x82: {  	_ =	shalt  }
0x83: {  	_ =	shalt  }
0x84: {  	_ =	shalt  }
0x85: {  	_ =	shalt  }
0x86: {  	_ =	shalt  }
0x87: {  	_ =	shalt  }
.Lfunc_end0:
.L_simem_size_0:
called_computation.1_lowered:
.L_overlay_start_0:
0x88: {  	s2 =	sld [smem:$0x3FD9]  }
0x89: {  	s3 =	sld [smem:$0x3FFE];
	_ =	sdelay $0x1  }
0x8a: {  	s1 =	srdreg.scid  }
0x8b: {  	s0 =	sand.u32 $0x1, s1  }
0x8c: {  	s16 =	sshll.u32 s0, $0xA;
	s2 =	sadd.s32 s3, s2  }
0x8d: {  	s2 =	sadd.s32 s2, s16  }
0x8e: {  	[smem:$0x3FB5] =	sst s2  }
0x8f: {  	_ = 	snop  }
0x90: {  	(tm) =	ssettm $0x1  }
0x91: {  	s17 =	sld [smem:$0x3FFB];
	_ =	sdelay $0x3  }
0x92: {  	_ =	strace s17  }
0x93: {  	s2 =	sld [smem:$0x3FFC];
	_ =	sdelay $0x3  }
0x94: {  	_ =	strace s2  }
0x95: {  	s2 =	sld [smem:$0x3FFD];
	_ =	sdelay $0x3  }
0x96: {  	_ =	strace s2  }
0x97: {  	_ =	strace $0x8FFFFFFF  }
0x98: {  	s18 =	sld [smem:$0x3FDB];
	_ =	sdelay $0x1  }
0x99: {  	s19 =	simm.s32 $_scs_section_size  }
0x9a: {  	s4 =	simm.s32 $_size__tile_overlayer_lowered;
	s5 =	simm.s32 $_tile_overlayer_lowered  }
0x9b: {  	s22 =	simm.s32 $0x1BFF;
	s21 =	sshll.u32 s5, $0x1;
	s2 =	sadd.s32 s19, s18  }
0x9c: {  	s6 =	simm.s32 $0x0;
	s20 =	sshll.u32 s4, $0x1;
	s4 =	sadd.s32 s21, s2  }
0x9d: {  	[timem:s6], [sflag:s22] =	dma.local [hbm:s4], s20  }
0x9e: {  	_ =	swait.ge [sflag:s22], s20  }
0x9f: {  	s3 =	ssub.s32 $0x0, s20;
	[sflag:s22] =	ssyncset.done $0x0  }
0xa0: {  	[sflag:s22] =	ssyncadd.s32 s3;
	_ =	sdelay $0x1  }
0xa1: {  	s23 =	simm.s32 $0x1B8B  }
0xa2: {  	_ =	swait.ge [sflag:s23], $0x1  }
0xa3: {  	[sflag:s23] =	ssyncset.done $0x0  }
0xa4: {  	s25 =	simm.s32 $0x1B8E;
	s24 =	sld [smem:$0x3FFE];
	[sflag:s23] =	ssyncadd.s32 $0xFFFFFFFF  }
0xa5: {  	s26 =	simm.s32 $execute0_lowered;
	[smem:$0x3FD2] =	sst s25  }
0xa6: {  	s4 =	sshll.u32 s26, $0x1;
	_ =	strace $0x80000049;
	[dreg:$0x1] =	wrdreg $0xFFFFFFFF  }
0xa7: {  	s28 =	simm.s32 $_size_execute0_lowered;
	s2 =	sadd.s32 s2, s4;
	[dreg:$0x0] =	wrdreg $0x0  }
0xa8: {  	s4 =	sshll.u32 s28, $0x1;
	[dreg:$0x2] =	wrdreg s2  }
0xa9: {  	[dreg:$0x3] =	wrdreg s4  }
0xaa: {  	[dreg:$0x4] =	wrdreg $0xC0  }
0xab: {  	_ =	task [dreg:s6], $0x5FFFF  }
0xac: {  	[dreg:$0x1] =	wrdreg $0xFFFFFFFF  }
0xad: {  	[dreg:$0x0] =	wrdreg $0x60  }
0xae: {  	[dreg:$0x2] =	wrdreg s24  }
0xaf: {  	[dreg:$0x3] =	wrdreg $0x173C00  }
0xb0: {  	[dreg:$0x4] =	wrdreg $0xD3C00  }
0xb1: {  	[dreg:$0x5] =	wrdreg $0x9  }
0xb2: {  	_ =	task.clear_ibuf [dreg:s6], $0x6FFFF;
	_ =	strace $0x90000049  }
0xb3: {  	s29 =	simm.s32 $0x9;
	_ =	strace $0x8000004B  }
0xb4: {  	_ =	swait.ge [sflag:s29], $0x1  }
0xb5: {  	[sflag:s29] =	ssyncadd.s32 $0xFFFFFFFF  }
0xb6: {  	_ =	strace $0x9000004B  }
0xb7: {  	_ =	sfence  }
0xb8: {  	s30 =	sld [smem:$0x0];
	_ =	sdelay $0x2  }
0xb9: {  	s31 =	sshll.u32 s1, $0xD;
	s1 =	sshrl.u32 s1, $0x2  }
0xba: {  	s3 =	sand.u32 $0x4000, s31;
	s1 =	sadd.s32 s1, s30  }
0xbb: {  	s0 =	sor.u32 s3, s0;
	s1 =	sshll.u32 s1, $0x11  }
0xbc: {  	s0 =	sor.u32 s1, s0  }
0xbd: {  	s0 =	sadd.s32 $0x8F2B, s0  }
0xbe: {  	[sflag:s0] =	ssyncadd.remote.s32 $0x1  }
0xbf: {  	_ =	sfence.sel $0xFFFF  }
0xc0: {  	[dreg:$0x0] =	wrdreg $0xFFFFFFFF;
	(pc) =	sbr.abs _section_cstart, $3  }
0xc1: {  	[dreg:$0x1] =	wrdreg $0xFFFFFFFF  }
0xc2: {  	_ =	task.clear_ibuf [dreg:s6], $0x2FFFF;
	_ =	strace $0x9FFFFFFF  }
0xc3: {  	(tm) =	ssettm $0x7FFFFFFF  }
tec
execute0_lowered:
.L_overlay_start_1:
0x0: {  	(tag) =	ssettag $0x1  }
0x1: {  	s0 =	srdreg.scid;
	s14 =	stileid.u32  }
0x2: {  	s5 =	rddreg [dreg:$0x0];
	s1 =	smul.u32 $0x5000, s14  }
0x3: {  	s2 =	rddreg [dreg:$0x1];
	s8 =	smul.u32 $0x280, s14  }
0x4: {  	s3 =	rddreg [dreg:$0x2];
	s4 =	simm.s32 $0x0;
	s10 =	smul.u32 $0x140, s14  }
0x5: {  	s28 =	simm.s32 $0x80;
	s0 =	sand.u32 $0x1, s0;
	s14 =	smul.u32 $0xA000, s14  }
0x6: {  	s29 =	simm.s32 $0x1C440;
	s30 =	simm.s32 $0x2000;
	s6 =	smul.u32 $0x50000, s0  }
0x7: {  	s31 =	simm.s32 $0x1C4C0;
	[smem:$0x7FF] =	sst s4;
	s7 =	smul.u32 $0x2800, s0  }
0x8: {  	s11 =	sadd.s32 $0x43800, s5;
	s9 =	smul.u32 $0x1400, s0;
	_ =	strace $0x8000004A  }
0x9: {  	s15 =	ssub.s32 $0x2, s0;
	s0 =	smul.u32 $0xA0000, s0;
	s13 =	sshrl.u32 s1, $0x3  }
0xa: {  	s17 =	sadd.s32 $0x5000, s14;
	s20 =	sadd.s32 s14, s3;
	s22 =	sshrl.u32 s14, $0x3  }
0xb: {  	s6 =	sadd.s32 s1, s6;
	s7 =	sadd.s32 s8, s7;
	s12 =	sadd.s32 s10, s9  }
0xc: {  	s9 =	sadd.s32 s13, s5;
	s13 =	sadd.s32 $0x5200, s5;
	s1 =	sadd.s32 s1, s2  }
0xd: {  	s16 =	sadd.s32 s14, s0;
	s0 =	sadd.s32 s0, s17;
	[dreg:$0x9] =	wrdreg s20  }
0xe: {  	s23 =	sshrl.u32 s17, $0x3;
	s20 =	simm.s32 $0x8000;
	s6 =	sshrl.u32 s6, $0x3  }
0xf: {  	s7 =	sshrl.u32 s7, $0x3;
	s8 =	sshrl.u32 s12, $0x3;
	s12 =	sshrl.u32 s15, $0x1  }
0x10: {  	[dreg:$0x6] =	wrdreg s1;
	s18 =	sadd.s32 $0x19200, s9;
	s1 =	sshrl.u32 s16, $0x3  }
0x11: {  	s0 =	sshrl.u32 s0, $0x3;
	s24 =	sadd.s32 s13, s22;
	s25 =	sadd.s32 s13, s23  }
0x12: {  	s22 =	simm.s32 $0x8140;
	s23 =	simm.s32 $0x83C0;
	s9 =	simm.s32 $0x1C740  }
0x13: {  	s13 =	simm.s32 $0x0;
	s6 =	sadd.s32 s6, s5;
	s7 =	sadd.s32 s7, s5  }
0x14: {  	s8 =	sadd.s32 s8, s5;
	s5 =	sadd.s32 $0x93800, s5;
	[dreg:$0x7] =	wrdreg s18  }
0x15: {  	s15 =	ssub.s32 s15, s12;
	s19 =	sadd.s32 s11, s1;
	[dreg:$0xb] =	wrdreg s24  }
0x16: {  	s21 =	sadd.s32 s11, s0;
	s12 =	sadd.s32 s17, s3;
	[dreg:$0xc] =	wrdreg s25  }
0x17: {  	s24 =	simm.s32 $0x1C3C0;
	s25 =	simm.s32 $0x3;
	[dreg:$0x8] =	wrdreg s19  }
0x18: {  	s11 =	simm.s32 $0x2;
	s8 =	sadd.s32 $0x4C00, s8;
	[dreg:$0xa] =	wrdreg s21  }
0x19: {  	s7 =	sadd.s32 $0x4200, s7;
	s1 =	sadd.s32 s5, s1;
	[dreg:$0x4] =	wrdreg s8  }
0x1a: {  	s0 =	sadd.s32 s5, s0;
	s26 =	smax.u32 s15, $0x1;
	[dreg:$0x5] =	wrdreg s7  }
0x1b: {  	s18 =	sadd.s32 $0x6B800, s6;
	s19 =	sadd.s32 $0x7F800, s6;
	[dreg:$0xd] =	wrdreg s1  }
0x1c: {  	s21 =	simm.s32 $0x1;
	s5 =	simm.s32 $0x6000;
	[dreg:$0xe] =	wrdreg s0  }
0x1d: {  	s6 =	simm.s32 $0x1C640;
	[dreg:$0xf] =	wrdreg s26;
	s26 =	simm.s32 $0x1C5C0  }
0x1e: {  	s1 =	simm.s32 $0x4000;
	s0 =	simm.s32 $0x1C540;
	s8 =	simm.s32 $0x1C6C0  }
.LBB2_1:
0x1f: {  	s7 =	rddreg [dreg:$0x4]  }
0x20: {  	[tilespmem:s20], [sflag:$0x1] =	stream.linear.gather [hbm4b:s7+s4], $0x140, $0x38;
	[tilespmem:$0x1C7C0] =	vst v63  }
0x21: {  	_ =	swait.ge [sflag:s21], $0x140  }
0x22: {  	[sflag:s21] =	ssyncset.done $0x0  }
0x23: {  	s14 =	stileid.u32;
	s10 =	rddreg [dreg:$0x5];
	[sflag:s21] =	ssyncadd.s32 $0xFFFFFEC0  }
0x24: {  	[tilespmem:s22], [sflag:$0x1] =	stream.linear.gather [hbm4b:s10+s4], $0x280, $0x38;
	[tilespmem:$0x1C7C0] =	vst v63  }
0x25: {  	s14 =	sshll.u32 s14, $0x6;
	_ =	swait.ge [sflag:s21], $0x280  }
0x26: {  	s14 =	sor.u32 $0x1C01, s14;
	[sflag:s21] =	ssyncset.done $0x0;
	s15 =	rddreg [dreg:$0x6]  }
0x27: {  	s16 =	rddreg [dreg:$0x7];
	[sflag:s21] =	ssyncadd.s32 $0xFFFFFD80;
	s15 =	sshrl.u32 s15, $0x3  }
0x28: {  	[spmem:s15], [sflag:s14] =	dma.local [hbm:s16], $0xA00  }
0x29: {  	_ =	swait.ge [sflag:s21], $0xA00  }
0x2a: {  	[sflag:s21] =	ssyncset.done $0x0  }
0x2b: {  	s17 =	rddreg [dreg:$0x8];
	[sflag:s21] =	ssyncadd.s32 $0xFFFFF600  }
0x2c: {  	[tilespmem:s23], [sflag:$0x1] =	stream.linear.gather [hbm4b:s17+s4], $0x5000, $0x38;
	[tilespmem:$0x1C7C0] =	vst v63  }
0x2d: {  	v0 =	vmov s4;
	_ =	swait.ge [sflag:s21], $0x5000  }
0x2e: {  	[sflag:s21] =	ssyncset.done $0x0  }
0x2f: {  	s15 =	simm.s32 $0x83E0;
	[sflag:s21] =	ssyncadd.s32 $0xFFFFB000  }
0x30: {  	v2 =	vld [tilespmem:s15+$0xFFFFFFF0]  }
0x31: {  	v3 =	vld [tilespmem:s15+$0x10]  }
0x32: {  	v5 =	vld.idx.msk [tilespmem:v0+s22+$0x0], $0xffff  }
0x33: {  	v0 =	vld [tilespmem:s15+$0xFFFFFFE0]  }
0x34: {  	v6 =	vld [tilespmem:s15+$0x0];
	_ =	sdelay $0x3  }
0x35: {  	s17 =	simm.s32 $0x1;
	v1 =	vmul.f32 v0, v5;
	v4 =	vmul.f32 v3, v5  }
0x36: {  	s16 =	simm.s32 $0x2;
	v0 =	vmov s17;
	v3 =	vmul.f32 v2, v5;
	v2 =	vmul.f32 v6, v5;
	s17 =	simm.s32 $0x83E0  }
.LBB2_2:
0x37: {  	p0 =	sne.s32 s16, $0x13F  }
0x38: {  	[tilespmem:s15+$0x10] =	vst v4;
	s17 =	sadd.s32 $0x40, s17;
	s7 =	smov.u32 s16;
	s16 =	sadd.s32 $0x1, s16  }
0x39: {  	[tilespmem:s15+$0xFFFFFFE0] =	vst v1  }
0x3a: {  	v5 =	vld [tilespmem:s17+$0xFFFFFFF0];
	[tilespmem:s15+$0xFFFFFFF0] =	vst v3  }
0x3b: {  	v3 =	vld [tilespmem:s17+$0x10];
	[tilespmem:s15+$0x0] =	vst v2;
	s15 =	smov.u32 s17  }
0x3c: {  	v2 =	vld.idx.msk [tilespmem:v0+s22+$0x0], $0xffff  }
0x3d: {  	v0 =	vld [tilespmem:s17+$0xFFFFFFE0]  }
0x3e: {  	v6 =	vld [tilespmem:s17+$0x0]  }
.Ltmp0:
0x3f: {  	(pc) =	sbr.rel @p0 .LBB2_2-.Ltmp0, $3  }
0x40: {  	_ =	sdelay $0x1  }
0x41: {  	v4 =	vmul.f32 v3, v2;
	v1 =	vmul.f32 v0, v2  }
0x42: {  	v3 =	vmul.f32 v5, v2;
	v0 =	vmov s7;
	v2 =	vmul.f32 v6, v2  }
0x43: {  	[tilespmem:s15+$0x10] =	vst v4  }
0x44: {  	s7 =	sadd.s32 $0x40, s17;
	[tilespmem:s15+$0xFFFFFFE0] =	vst v1  }
0x45: {  	v1 =	vld [tilespmem:s7+$0xFFFFFFF0];
	[tilespmem:s15+$0xFFFFFFF0] =	vst v3  }
0x46: {  	v3 =	vld [tilespmem:s7+$0x10];
	[tilespmem:s15+$0x0] =	vst v2  }
0x47: {  	v0 =	vld.idx.msk [tilespmem:v0+s22+$0x0], $0xffff  }
0x48: {  	v2 =	vld [tilespmem:s7+$0xFFFFFFE0];
	_ =	sdelay $0x1  }
0x49: {  	v4 =	vld [tilespmem:s7+$0x0];
	_ =	sdelay $0x1  }
0x4a: {  	v3 =	vmul.f32 v3, v0  }
0x4b: {  	v2 =	vmul.f32 v2, v0  }
0x4c: {  	v1 =	vmul.f32 v1, v0;
	[tilespmem:s7+$0x10] =	vst v3  }
0x4d: {  	v0 =	vmul.f32 v4, v0;
	[tilespmem:s7+$0xFFFFFFE0] =	vst v2  }
0x4e: {  	[tilespmem:s7+$0xFFFFFFF0] =	vst v1  }
0x4f: {  	s10 =	rddreg [dreg:$0x9];
	[tilespmem:s7+$0x0] =	vst v0  }
0x50: {  	[spmem:s10] =	stream.linear.scatter [tilespmem:s23], [sflag:$0x1], $0x5000, $0x38;
	[tilespmem:$0x1C7C0] =	vst v63  }
0x51: {  	_ =	swait.ge [sflag:s21], $0x5000  }
0x52: {  	[sflag:s21] =	ssyncset.done $0x0  }
0x53: {  	s16 =	simm.s32 $0x140;
	s15 =	rddreg [dreg:$0xa];
	[sflag:s21] =	ssyncadd.s32 $0xFFFFB000  }
0x54: {  	[tilespmem:s23], [sflag:$0x1] =	stream.linear.gather [hbm4b:s15+s4], $0x5000, $0x38;
	[tilespmem:$0x1C7C0] =	vst v63  }
0x55: {  	v0 =	vmov s16;
	_ =	swait.ge [sflag:s21], $0x5000  }
0x56: {  	[sflag:s21] =	ssyncset.done $0x0  }
0x57: {  	s15 =	simm.s32 $0x83E0;
	[sflag:s21] =	ssyncadd.s32 $0xFFFFB000  }
0x58: {  	v2 =	vld [tilespmem:s15+$0xFFFFFFF0]  }
0x59: {  	v3 =	vld [tilespmem:s15+$0x10]  }
0x5a: {  	v5 =	vld.idx.msk [tilespmem:v0+s22+$0x0], $0xffff  }
0x5b: {  	v0 =	vld [tilespmem:s15+$0xFFFFFFE0]  }
0x5c: {  	v6 =	vld [tilespmem:s15+$0x0];
	_ =	sdelay $0x3  }
0x5d: {  	s17 =	simm.s32 $0x141;
	v1 =	vmul.f32 v0, v5;
	v4 =	vmul.f32 v3, v5  }
0x5e: {  	s16 =	simm.s32 $0x142;
	v0 =	vmov s17;
	v3 =	vmul.f32 v2, v5;
	v2 =	vmul.f32 v6, v5;
	s17 =	simm.s32 $0x83E0  }
.LBB2_4:
0x5f: {  	p0 =	sne.s32 s16, $0x27F  }
0x60: {  	[tilespmem:s15+$0x10] =	vst v4;
	s17 =	sadd.s32 $0x40, s17;
	s7 =	smov.u32 s16;
	s16 =	sadd.s32 $0x1, s16  }
0x61: {  	[tilespmem:s15+$0xFFFFFFE0] =	vst v1  }
0x62: {  	v5 =	vld [tilespmem:s17+$0xFFFFFFF0];
	[tilespmem:s15+$0xFFFFFFF0] =	vst v3  }
0x63: {  	v3 =	vld [tilespmem:s17+$0x10];
	[tilespmem:s15+$0x0] =	vst v2;
	s15 =	smov.u32 s17  }
0x64: {  	v2 =	vld.idx.msk [tilespmem:v0+s22+$0x0], $0xffff  }
0x65: {  	v0 =	vld [tilespmem:s17+$0xFFFFFFE0]  }
0x66: {  	v6 =	vld [tilespmem:s17+$0x0]  }
.Ltmp1:
0x67: {  	(pc) =	sbr.rel @p0 .LBB2_4-.Ltmp1, $3  }
0x68: {  	_ =	sdelay $0x1  }
0x69: {  	v4 =	vmul.f32 v3, v2;
	v1 =	vmul.f32 v0, v2  }
0x6a: {  	v3 =	vmul.f32 v5, v2;
	v0 =	vmov s7;
	v2 =	vmul.f32 v6, v2  }
0x6b: {  	[tilespmem:s15+$0x10] =	vst v4  }
0x6c: {  	s7 =	sadd.s32 $0x40, s17;
	[tilespmem:s15+$0xFFFFFFE0] =	vst v1  }
0x6d: {  	v1 =	vld [tilespmem:s7+$0xFFFFFFF0];
	[tilespmem:s15+$0xFFFFFFF0] =	vst v3  }
0x6e: {  	v3 =	vld [tilespmem:s7+$0x10];
	[tilespmem:s15+$0x0] =	vst v2  }
0x6f: {  	v0 =	vld.idx.msk [tilespmem:v0+s22+$0x0], $0xffff  }
0x70: {  	v2 =	vld [tilespmem:s7+$0xFFFFFFE0];
	_ =	sdelay $0x1  }
0x71: {  	v4 =	vld [tilespmem:s7+$0x0];
	_ =	sdelay $0x1  }
0x72: {  	v3 =	vmul.f32 v3, v0  }
0x73: {  	v2 =	vmul.f32 v2, v0  }
0x74: {  	v1 =	vmul.f32 v1, v0;
	[tilespmem:s7+$0x10] =	vst v3  }
0x75: {  	v0 =	vmul.f32 v4, v0;
	[tilespmem:s7+$0xFFFFFFE0] =	vst v2  }
0x76: {  	[tilespmem:s7+$0xFFFFFFF0] =	vst v1  }
0x77: {  	[tilespmem:s7+$0x0] =	vst v0  }
0x78: {  	[spmem:s12] =	stream.linear.scatter [tilespmem:s23], [sflag:$0x1], $0x5000, $0x38;
	[tilespmem:$0x1C7C0] =	vst v63  }
0x79: {  	_ =	swait.ge [sflag:s21], $0x5000  }
0x7a: {  	[sflag:s21] =	ssyncset.done $0x0  }
0x7b: {  	[sflag:s21] =	ssyncadd.s32 $0xFFFFB000  }
0x7c: {  	s16 =	sadd.s32 $0x0, s19;
	[bflag:$0x0] =	sbarrier.arrive $0xFFFF  }
0x7d: {  	[tilespmem:s24], [sflag:$0x3] =	stream.linear.gather [hbm4b:s16+s4], $0x200, $0x38;
	[tilespmem:$0x1C7C0] =	vst v63  }
0x7e: {  	_ =	swait.ge [sflag:s25], $0x200  }
0x7f: {  	[sflag:s25] =	ssyncset.done $0x0  }
0x80: {  	s17 =	sadd.s32 $0x0, s18;
	[sflag:s25] =	ssyncadd.s32 $0xFFFFFE00  }
0x81: {  	[tilespmem:s26], [sflag:$0x3] =	stream.linear.gather [hbm4b:s17+s4], $0x200, $0x38;
	[tilespmem:$0x1C7C0] =	vst v63  }
0x82: {  	_ =	swait.ge [sflag:s25], $0x200  }
0x83: {  	[sflag:s25] =	ssyncset.done $0x0  }
0x84: {  	[sflag:s25] =	ssyncadd.s32 $0xFFFFFE00  }
0x85: {  	[tilespmem:s4], [sflag:$0x1] =	stream.indirect.gather [spmem:s3], $0x40, s24, s28, $0xb8;
	[tilespmem:$0x1C7C0] =	vst v63  }
0x86: {  	_ = 	snop  }
0x87: {  	[tilespmem:s30], [sflag:$0x1] =	stream.indirect.gather [spmem:s3], $0x40, s29, s28, $0xb8;
	[tilespmem:$0x1C7C0] =	vst v63  }
0x88: {  	_ = 	snop  }
0x89: {  	[tilespmem:s1], [sflag:$0x1] =	stream.indirect.gather [spmem:s3], $0x40, s31, s28, $0xb8;
	[tilespmem:$0x1C7C0] =	vst v63  }
0x8a: {  	_ = 	snop  }
0x8b: {  	[tilespmem:s5], [sflag:$0x1] =	stream.indirect.gather [spmem:s3], $0x40, s0, s28, $0xb8;
	[tilespmem:$0x1C7C0] =	vst v63  }
0x8c: {  	_ =	swait.ge [sflag:s21], $0x2000  }
0x8d: {  	[sflag:s21] =	ssyncset.done $0x0  }
0x8e: {  	[sflag:s21] =	ssyncadd.s32 $0xFFFFE000  }
0x8f: {  	[spmem:s2] =	stream.indirect.scatter.add.f32 [tilespmem:s4], [sflag:$0x2], $0x40, s26, s28, $0xb8;
	[tilespmem:$0x1C7C0] =	vst v63  }
0x90: {  	_ =	swait.ge [sflag:s21], $0x2000  }
0x91: {  	[sflag:s21] =	ssyncset.done $0x0  }
0x92: {  	[sflag:s21] =	ssyncadd.s32 $0xFFFFE000  }
0x93: {  	[spmem:s2] =	stream.indirect.scatter.add.f32 [tilespmem:s30], [sflag:$0x2], $0x40, s6, s28, $0xb8;
	[tilespmem:$0x1C7C0] =	vst v63  }
0x94: {  	_ =	swait.ge [sflag:s21], $0x2000  }
0x95: {  	[sflag:s21] =	ssyncset.done $0x0  }
0x96: {  	[sflag:s21] =	ssyncadd.s32 $0xFFFFE000  }
0x97: {  	[spmem:s2] =	stream.indirect.scatter.add.f32 [tilespmem:s1], [sflag:$0x2], $0x40, s8, s28, $0xb8;
	[tilespmem:$0x1C7C0] =	vst v63  }
0x98: {  	_ =	swait.ge [sflag:s21], $0x2000  }
0x99: {  	[sflag:s21] =	ssyncset.done $0x0  }
0x9a: {  	[sflag:s21] =	ssyncadd.s32 $0xFFFFE000  }
0x9b: {  	[spmem:s2] =	stream.indirect.scatter.add.f32 [tilespmem:s5], [sflag:$0x2], $0x40, s9, s28, $0xb8;
	[tilespmem:$0x1C7C0] =	vst v63  }
0x9c: {  	_ =	swait.ge [sflag:s11], $0x2000  }
0x9d: {  	[sflag:s11] =	ssyncset.done $0x0  }
0x9e: {  	[sflag:s11] =	ssyncadd.s32 $0xFFFFE000  }
0x9f: {  	_ =	swait.ge [sflag:s11], $0x2000  }
0xa0: {  	[sflag:s11] =	ssyncset.done $0x0  }
0xa1: {  	[sflag:s11] =	ssyncadd.s32 $0xFFFFE000  }
0xa2: {  	_ =	swait.ge [sflag:s11], $0x2000  }
0xa3: {  	[sflag:s11] =	ssyncset.done $0x0  }
0xa4: {  	[sflag:s11] =	ssyncadd.s32 $0xFFFFE000  }
0xa5: {  	_ =	swait.ge [sflag:s11], $0x2000  }
0xa6: {  	s15 =	simm.s32 $0x40;
	s17 =	simm.s32 $0x80;
	[sflag:s11] =	ssyncset.done $0x0  }
.LBB2_6:
0xa7: {  	s7 =	sadd.s32 s15, s19  }
0xa8: {  	[sflag:s11] =	ssyncadd.s32 $0xFFFFE000;
	s10 =	smov.u32 s17;
	s16 =	sadd.s32 $0x40, s17  }
0xa9: {  	[tilespmem:s24], [sflag:$0x3] =	stream.linear.gather [hbm4b:s7+s4], $0x200, $0x38;
	[tilespmem:$0x1C7C0] =	vst v63  }
0xaa: {  	p0 =	sne.s32 s17, $0x9C0;
	_ =	swait.ge [sflag:s25], $0x200  }
0xab: {  	[sflag:s25] =	ssyncset.done $0x0  }
0xac: {  	s7 =	sadd.s32 s15, s18;
	s15 =	smov.u32 s10;
	[sflag:s25] =	ssyncadd.s32 $0xFFFFFE00  }
0xad: {  	[tilespmem:s26], [sflag:$0x3] =	stream.linear.gather [hbm4b:s7+s4], $0x200, $0x38;
	[tilespmem:$0x1C7C0] =	vst v63  }
0xae: {  	_ =	swait.ge [sflag:s25], $0x200  }
0xaf: {  	[sflag:s25] =	ssyncset.done $0x0  }
0xb0: {  	[sflag:s25] =	ssyncadd.s32 $0xFFFFFE00  }
0xb1: {  	[tilespmem:s4], [sflag:$0x1] =	stream.indirect.gather [spmem:s3], $0x40, s24, s28, $0xb8;
	[tilespmem:$0x1C7C0] =	vst v63  }
0xb2: {  	_ = 	snop  }
0xb3: {  	[tilespmem:s30], [sflag:$0x1] =	stream.indirect.gather [spmem:s3], $0x40, s29, s28, $0xb8;
	[tilespmem:$0x1C7C0] =	vst v63  }
0xb4: {  	_ = 	snop  }
0xb5: {  	[tilespmem:s1], [sflag:$0x1] =	stream.indirect.gather [spmem:s3], $0x40, s31, s28, $0xb8;
	[tilespmem:$0x1C7C0] =	vst v63  }
0xb6: {  	_ = 	snop  }
0xb7: {  	[tilespmem:s5], [sflag:$0x1] =	stream.indirect.gather [spmem:s3], $0x40, s0, s28, $0xb8;
	[tilespmem:$0x1C7C0] =	vst v63  }
0xb8: {  	_ =	swait.ge [sflag:s21], $0x2000  }
0xb9: {  	[sflag:s21] =	ssyncset.done $0x0  }
0xba: {  	[sflag:s21] =	ssyncadd.s32 $0xFFFFE000  }
0xbb: {  	[spmem:s2] =	stream.indirect.scatter.add.f32 [tilespmem:s4], [sflag:$0x2], $0x40, s26, s28, $0xb8;
	[tilespmem:$0x1C7C0] =	vst v63  }
0xbc: {  	_ =	swait.ge [sflag:s21], $0x2000  }
0xbd: {  	[sflag:s21] =	ssyncset.done $0x0  }
0xbe: {  	[sflag:s21] =	ssyncadd.s32 $0xFFFFE000  }
0xbf: {  	[spmem:s2] =	stream.indirect.scatter.add.f32 [tilespmem:s30], [sflag:$0x2], $0x40, s6, s28, $0xb8;
	[tilespmem:$0x1C7C0] =	vst v63  }
0xc0: {  	_ =	swait.ge [sflag:s21], $0x2000  }
0xc1: {  	[sflag:s21] =	ssyncset.done $0x0  }
0xc2: {  	[sflag:s21] =	ssyncadd.s32 $0xFFFFE000  }
0xc3: {  	[spmem:s2] =	stream.indirect.scatter.add.f32 [tilespmem:s1], [sflag:$0x2], $0x40, s8, s28, $0xb8;
	[tilespmem:$0x1C7C0] =	vst v63  }
0xc4: {  	_ =	swait.ge [sflag:s21], $0x2000  }
0xc5: {  	[sflag:s21] =	ssyncset.done $0x0  }
0xc6: {  	[sflag:s21] =	ssyncadd.s32 $0xFFFFE000  }
0xc7: {  	[spmem:s2] =	stream.indirect.scatter.add.f32 [tilespmem:s5], [sflag:$0x2], $0x40, s9, s28, $0xb8;
	[tilespmem:$0x1C7C0] =	vst v63  }
0xc8: {  	_ =	swait.ge [sflag:s11], $0x2000  }
0xc9: {  	[sflag:s11] =	ssyncset.done $0x0  }
0xca: {  	[sflag:s11] =	ssyncadd.s32 $0xFFFFE000  }
0xcb: {  	_ =	swait.ge [sflag:s11], $0x2000  }
0xcc: {  	[sflag:s11] =	ssyncset.done $0x0  }
0xcd: {  	[sflag:s11] =	ssyncadd.s32 $0xFFFFE000  }
.Ltmp2:
0xce: {  	_ =	swait.ge [sflag:s11], $0x2000;
	(pc) =	sbr.rel @p0 .LBB2_6-.Ltmp2, $4  }
0xcf: {  	[sflag:s11] =	ssyncset.done $0x0  }
0xd0: {  	[sflag:s11] =	ssyncadd.s32 $0xFFFFE000  }
0xd1: {  	_ =	swait.ge [sflag:s11], $0x2000  }
0xd2: {  	s17 =	smov.u32 s16;
	[sflag:s11] =	ssyncset.done $0x0  }
0xd3: {  	s7 =	sadd.s32 s15, s19;
	[sflag:s11] =	ssyncadd.s32 $0xFFFFE000  }
0xd4: {  	[tilespmem:s24], [sflag:$0x3] =	stream.linear.gather [hbm4b:s7+s4], $0x200, $0x38;
	[tilespmem:$0x1C7C0] =	vst v63  }
0xd5: {  	_ =	swait.ge [sflag:s25], $0x200  }
0xd6: {  	[sflag:s25] =	ssyncset.done $0x0  }
0xd7: {  	s10 =	sadd.s32 s15, s18;
	[sflag:s25] =	ssyncadd.s32 $0xFFFFFE00  }
0xd8: {  	[tilespmem:s26], [sflag:$0x3] =	stream.linear.gather [hbm4b:s10+s4], $0x200, $0x38;
	[tilespmem:$0x1C7C0] =	vst v63  }
0xd9: {  	_ =	swait.ge [sflag:s25], $0x200  }
0xda: {  	[sflag:s25] =	ssyncset.done $0x0  }
0xdb: {  	[sflag:s25] =	ssyncadd.s32 $0xFFFFFE00  }
0xdc: {  	[tilespmem:s4], [sflag:$0x1] =	stream.indirect.gather [spmem:s3], $0x40, s24, s28, $0xb8;
	[tilespmem:$0x1C7C0] =	vst v63  }
0xdd: {  	_ = 	snop  }
0xde: {  	[tilespmem:s30], [sflag:$0x1] =	stream.indirect.gather [spmem:s3], $0x40, s29, s28, $0xb8;
	[tilespmem:$0x1C7C0] =	vst v63  }
0xdf: {  	_ = 	snop  }
0xe0: {  	[tilespmem:s1], [sflag:$0x1] =	stream.indirect.gather [spmem:s3], $0x40, s31, s28, $0xb8;
	[tilespmem:$0x1C7C0] =	vst v63  }
0xe1: {  	_ = 	snop  }
0xe2: {  	[tilespmem:s5], [sflag:$0x1] =	stream.indirect.gather [spmem:s3], $0x40, s0, s28, $0xb8;
	[tilespmem:$0x1C7C0] =	vst v63  }
0xe3: {  	_ =	swait.ge [sflag:s21], $0x2000  }
0xe4: {  	[sflag:s21] =	ssyncset.done $0x0  }
0xe5: {  	[sflag:s21] =	ssyncadd.s32 $0xFFFFE000  }
0xe6: {  	[spmem:s2] =	stream.indirect.scatter.add.f32 [tilespmem:s4], [sflag:$0x2], $0x40, s26, s28, $0xb8;
	[tilespmem:$0x1C7C0] =	vst v63  }
0xe7: {  	_ =	swait.ge [sflag:s21], $0x2000  }
0xe8: {  	[sflag:s21] =	ssyncset.done $0x0  }
0xe9: {  	[sflag:s21] =	ssyncadd.s32 $0xFFFFE000  }
0xea: {  	[spmem:s2] =	stream.indirect.scatter.add.f32 [tilespmem:s30], [sflag:$0x2], $0x40, s6, s28, $0xb8;
	[tilespmem:$0x1C7C0] =	vst v63  }
0xeb: {  	_ =	swait.ge [sflag:s21], $0x2000  }
0xec: {  	[sflag:s21] =	ssyncset.done $0x0  }
0xed: {  	[sflag:s21] =	ssyncadd.s32 $0xFFFFE000  }
0xee: {  	[spmem:s2] =	stream.indirect.scatter.add.f32 [tilespmem:s1], [sflag:$0x2], $0x40, s8, s28, $0xb8;
	[tilespmem:$0x1C7C0] =	vst v63  }
0xef: {  	_ =	swait.ge [sflag:s21], $0x2000  }
0xf0: {  	[sflag:s21] =	ssyncset.done $0x0  }
0xf1: {  	[sflag:s21] =	ssyncadd.s32 $0xFFFFE000  }
0xf2: {  	[spmem:s2] =	stream.indirect.scatter.add.f32 [tilespmem:s5], [sflag:$0x2], $0x40, s9, s28, $0xb8;
	[tilespmem:$0x1C7C0] =	vst v63  }
0xf3: {  	_ =	swait.ge [sflag:s11], $0x2000  }
0xf4: {  	[sflag:s11] =	ssyncset.done $0x0  }
0xf5: {  	[sflag:s11] =	ssyncadd.s32 $0xFFFFE000  }
0xf6: {  	_ =	swait.ge [sflag:s11], $0x2000  }
0xf7: {  	[sflag:s11] =	ssyncset.done $0x0  }
0xf8: {  	[sflag:s11] =	ssyncadd.s32 $0xFFFFE000  }
0xf9: {  	_ =	swait.ge [sflag:s11], $0x2000  }
0xfa: {  	[sflag:s11] =	ssyncset.done $0x0  }
0xfb: {  	[sflag:s11] =	ssyncadd.s32 $0xFFFFE000  }
0xfc: {  	_ =	swait.ge [sflag:s11], $0x2000  }
0xfd: {  	[sflag:s11] =	ssyncset.done $0x0  }
0xfe: {  	[sflag:s11] =	ssyncadd.s32 $0xFFFFE000  }
0xff: {  	[bflag:$0x0] =	sbarrier.arrive $0xFFFF  }
0x100: {  	s16 =	simm.s32 $0x0;
	s15 =	rddreg [dreg:$0x6]  }
0x101: {  	[tilespmem:s23], [sflag:$0x1] =	stream.linear.gather [spmem:s15], $0x5000, $0x38;
	[tilespmem:$0x1C7C0] =	vst v63  }
0x102: {  	v0 =	vmov s16;
	_ =	swait.ge [sflag:s21], $0x5000  }
0x103: {  	[sflag:s21] =	ssyncset.done $0x0  }
0x104: {  	s15 =	simm.s32 $0x83E0;
	[sflag:s21] =	ssyncadd.s32 $0xFFFFB000  }
0x105: {  	v2 =	vld [tilespmem:s15+$0xFFFFFFF0]  }
0x106: {  	v3 =	vld [tilespmem:s15+$0x10]  }
0x107: {  	v5 =	vld.idx.msk [tilespmem:v0+s20+$0x0], $0xffff  }
0x108: {  	v0 =	vld [tilespmem:s15+$0xFFFFFFE0]  }
0x109: {  	v6 =	vld [tilespmem:s15+$0x0];
	_ =	sdelay $0x3  }
0x10a: {  	s17 =	simm.s32 $0x1;
	v1 =	vmul.f32 v0, v5;
	v4 =	vmul.f32 v3, v5  }
0x10b: {  	s16 =	simm.s32 $0x2;
	v0 =	vmov s17;
	v3 =	vmul.f32 v2, v5;
	v2 =	vmul.f32 v6, v5;
	s17 =	simm.s32 $0x83E0  }
.LBB2_8:
0x10c: {  	p0 =	sne.s32 s16, $0x13F  }
0x10d: {  	[tilespmem:s15+$0x10] =	vst v4;
	s17 =	sadd.s32 $0x40, s17;
	s7 =	smov.u32 s16;
	s16 =	sadd.s32 $0x1, s16  }
0x10e: {  	[tilespmem:s15+$0xFFFFFFE0] =	vst v1  }
0x10f: {  	v5 =	vld [tilespmem:s17+$0xFFFFFFF0];
	[tilespmem:s15+$0xFFFFFFF0] =	vst v3  }
0x110: {  	v3 =	vld [tilespmem:s17+$0x10];
	[tilespmem:s15+$0x0] =	vst v2;
	s15 =	smov.u32 s17  }
0x111: {  	v2 =	vld.idx.msk [tilespmem:v0+s20+$0x0], $0xffff  }
0x112: {  	v0 =	vld [tilespmem:s17+$0xFFFFFFE0]  }
0x113: {  	v6 =	vld [tilespmem:s17+$0x0]  }
.Ltmp3:
0x114: {  	(pc) =	sbr.rel @p0 .LBB2_8-.Ltmp3, $3  }
0x115: {  	_ =	sdelay $0x1  }
0x116: {  	v4 =	vmul.f32 v3, v2;
	v1 =	vmul.f32 v0, v2  }
0x117: {  	v3 =	vmul.f32 v5, v2;
	v0 =	vmov s7;
	v2 =	vmul.f32 v6, v2  }
0x118: {  	[tilespmem:s15+$0x10] =	vst v4  }
0x119: {  	s7 =	sadd.s32 $0x40, s17;
	[tilespmem:s15+$0xFFFFFFE0] =	vst v1  }
0x11a: {  	v1 =	vld [tilespmem:s7+$0xFFFFFFF0];
	[tilespmem:s15+$0xFFFFFFF0] =	vst v3  }
0x11b: {  	v3 =	vld [tilespmem:s7+$0x10];
	[tilespmem:s15+$0x0] =	vst v2  }
0x11c: {  	v0 =	vld.idx.msk [tilespmem:v0+s20+$0x0], $0xffff  }
0x11d: {  	v2 =	vld [tilespmem:s7+$0xFFFFFFE0];
	_ =	sdelay $0x1  }
0x11e: {  	v4 =	vld [tilespmem:s7+$0x0];
	_ =	sdelay $0x1  }
0x11f: {  	v3 =	vmul.f32 v3, v0  }
0x120: {  	v2 =	vmul.f32 v2, v0  }
0x121: {  	v1 =	vmul.f32 v1, v0;
	[tilespmem:s7+$0x10] =	vst v3  }
0x122: {  	v0 =	vmul.f32 v4, v0;
	[tilespmem:s7+$0xFFFFFFE0] =	vst v2  }
0x123: {  	[tilespmem:s7+$0xFFFFFFF0] =	vst v1  }
0x124: {  	s16 =	rddreg [dreg:$0x6];
	[tilespmem:s7+$0x0] =	vst v0  }
0x125: {  	[spmem:s16] =	stream.linear.scatter [tilespmem:s23], [sflag:$0x1], $0x5000, $0x38;
	[tilespmem:$0x1C7C0] =	vst v63  }
0x126: {  	_ =	swait.ge [sflag:s21], $0x5000  }
0x127: {  	[sflag:s21] =	ssyncset.done $0x0;
	s17 =	rddreg [dreg:$0x9]  }
0x128: {  	s10 =	rddreg [dreg:$0xb];
	[sflag:s21] =	ssyncadd.s32 $0xFFFFB000;
	s7 =	sshrl.u32 s17, $0x3  }
0x129: {  	[spmem:s7], [sflag:s14] =	dma.local [hbm:s10], $0xA00  }
0x12a: {  	_ =	swait.ge [sflag:s21], $0xA00  }
0x12b: {  	[sflag:s21] =	ssyncset.done $0x0  }
0x12c: {  	s10 =	sshrl.u32 s12, $0x3;
	s15 =	rddreg [dreg:$0xc];
	[sflag:s21] =	ssyncadd.s32 $0xFFFFF600  }
0x12d: {  	[spmem:s10], [sflag:s14] =	dma.local [hbm:s15], $0xA00  }
0x12e: {  	_ =	swait.ge [sflag:s21], $0xA00  }
0x12f: {  	[sflag:s21] =	ssyncset.done $0x0  }
0x130: {  	[sflag:s21] =	ssyncadd.s32 $0xFFFFF600  }
0x131: {  	s16 =	sadd.s32 $0x0, s18;
	[bflag:$0x0] =	sbarrier.arrive $0xFFFF  }
0x132: {  	[tilespmem:s24], [sflag:$0x3] =	stream.linear.gather [hbm4b:s16+s4], $0x200, $0x38;
	[tilespmem:$0x1C7C0] =	vst v63  }
0x133: {  	_ =	swait.ge [sflag:s25], $0x200  }
0x134: {  	[sflag:s25] =	ssyncset.done $0x0  }
0x135: {  	s17 =	sadd.s32 $0x0, s19;
	[sflag:s25] =	ssyncadd.s32 $0xFFFFFE00  }
0x136: {  	[tilespmem:s26], [sflag:$0x3] =	stream.linear.gather [hbm4b:s17+s4], $0x200, $0x38;
	[tilespmem:$0x1C7C0] =	vst v63  }
0x137: {  	_ =	swait.ge [sflag:s25], $0x200  }
0x138: {  	[sflag:s25] =	ssyncset.done $0x0  }
0x139: {  	[sflag:s25] =	ssyncadd.s32 $0xFFFFFE00  }
0x13a: {  	[tilespmem:s4], [sflag:$0x1] =	stream.indirect.gather [spmem:s2], $0x40, s24, s28, $0xb8;
	[tilespmem:$0x1C7C0] =	vst v63  }
0x13b: {  	_ = 	snop  }
0x13c: {  	[tilespmem:s30], [sflag:$0x1] =	stream.indirect.gather [spmem:s2], $0x40, s29, s28, $0xb8;
	[tilespmem:$0x1C7C0] =	vst v63  }
0x13d: {  	_ = 	snop  }
0x13e: {  	[tilespmem:s1], [sflag:$0x1] =	stream.indirect.gather [spmem:s2], $0x40, s31, s28, $0xb8;
	[tilespmem:$0x1C7C0] =	vst v63  }
0x13f: {  	_ = 	snop  }
0x140: {  	[tilespmem:s5], [sflag:$0x1] =	stream.indirect.gather [spmem:s2], $0x40, s0, s28, $0xb8;
	[tilespmem:$0x1C7C0] =	vst v63  }
0x141: {  	_ =	swait.ge [sflag:s21], $0x2000  }
0x142: {  	[sflag:s21] =	ssyncset.done $0x0  }
0x143: {  	[sflag:s21] =	ssyncadd.s32 $0xFFFFE000  }
0x144: {  	[spmem:s3] =	stream.indirect.scatter.add.f32 [tilespmem:s4], [sflag:$0x2], $0x40, s26, s28, $0xb8;
	[tilespmem:$0x1C7C0] =	vst v63  }
0x145: {  	_ =	swait.ge [sflag:s21], $0x2000  }
0x146: {  	[sflag:s21] =	ssyncset.done $0x0  }
0x147: {  	[sflag:s21] =	ssyncadd.s32 $0xFFFFE000  }
0x148: {  	[spmem:s3] =	stream.indirect.scatter.add.f32 [tilespmem:s30], [sflag:$0x2], $0x40, s6, s28, $0xb8;
	[tilespmem:$0x1C7C0] =	vst v63  }
0x149: {  	_ =	swait.ge [sflag:s21], $0x2000  }
0x14a: {  	[sflag:s21] =	ssyncset.done $0x0  }
0x14b: {  	[sflag:s21] =	ssyncadd.s32 $0xFFFFE000  }
0x14c: {  	[spmem:s3] =	stream.indirect.scatter.add.f32 [tilespmem:s1], [sflag:$0x2], $0x40, s8, s28, $0xb8;
	[tilespmem:$0x1C7C0] =	vst v63  }
0x14d: {  	_ =	swait.ge [sflag:s21], $0x2000  }
0x14e: {  	[sflag:s21] =	ssyncset.done $0x0  }
0x14f: {  	[sflag:s21] =	ssyncadd.s32 $0xFFFFE000  }
0x150: {  	[spmem:s3] =	stream.indirect.scatter.add.f32 [tilespmem:s5], [sflag:$0x2], $0x40, s9, s28, $0xb8;
	[tilespmem:$0x1C7C0] =	vst v63  }
0x151: {  	_ =	swait.ge [sflag:s11], $0x2000  }
0x152: {  	[sflag:s11] =	ssyncset.done $0x0  }
0x153: {  	[sflag:s11] =	ssyncadd.s32 $0xFFFFE000  }
0x154: {  	_ =	swait.ge [sflag:s11], $0x2000  }
0x155: {  	[sflag:s11] =	ssyncset.done $0x0  }
0x156: {  	[sflag:s11] =	ssyncadd.s32 $0xFFFFE000  }
0x157: {  	_ =	swait.ge [sflag:s11], $0x2000  }
0x158: {  	[sflag:s11] =	ssyncset.done $0x0  }
0x159: {  	[sflag:s11] =	ssyncadd.s32 $0xFFFFE000  }
0x15a: {  	_ =	swait.ge [sflag:s11], $0x2000  }
0x15b: {  	s14 =	simm.s32 $0x40;
	s16 =	simm.s32 $0x80;
	[sflag:s11] =	ssyncset.done $0x0  }
.LBB2_10:
0x15c: {  	s7 =	sadd.s32 s14, s18  }
0x15d: {  	[sflag:s11] =	ssyncadd.s32 $0xFFFFE000;
	s10 =	smov.u32 s16;
	s15 =	sadd.s32 $0x40, s16  }
0x15e: {  	[tilespmem:s24], [sflag:$0x3] =	stream.linear.gather [hbm4b:s7+s4], $0x200, $0x38;
	[tilespmem:$0x1C7C0] =	vst v63  }
0x15f: {  	p0 =	sne.s32 s16, $0x9C0;
	_ =	swait.ge [sflag:s25], $0x200  }
0x160: {  	[sflag:s25] =	ssyncset.done $0x0  }
0x161: {  	s7 =	sadd.s32 s14, s19;
	s14 =	smov.u32 s10;
	[sflag:s25] =	ssyncadd.s32 $0xFFFFFE00  }
0x162: {  	[tilespmem:s26], [sflag:$0x3] =	stream.linear.gather [hbm4b:s7+s4], $0x200, $0x38;
	[tilespmem:$0x1C7C0] =	vst v63  }
0x163: {  	_ =	swait.ge [sflag:s25], $0x200  }
0x164: {  	[sflag:s25] =	ssyncset.done $0x0  }
0x165: {  	[sflag:s25] =	ssyncadd.s32 $0xFFFFFE00  }
0x166: {  	[tilespmem:s4], [sflag:$0x1] =	stream.indirect.gather [spmem:s2], $0x40, s24, s28, $0xb8;
	[tilespmem:$0x1C7C0] =	vst v63  }
0x167: {  	_ = 	snop  }
0x168: {  	[tilespmem:s30], [sflag:$0x1] =	stream.indirect.gather [spmem:s2], $0x40, s29, s28, $0xb8;
	[tilespmem:$0x1C7C0] =	vst v63  }
0x169: {  	_ = 	snop  }
0x16a: {  	[tilespmem:s1], [sflag:$0x1] =	stream.indirect.gather [spmem:s2], $0x40, s31, s28, $0xb8;
	[tilespmem:$0x1C7C0] =	vst v63  }
0x16b: {  	_ = 	snop  }
0x16c: {  	[tilespmem:s5], [sflag:$0x1] =	stream.indirect.gather [spmem:s2], $0x40, s0, s28, $0xb8;
	[tilespmem:$0x1C7C0] =	vst v63  }
0x16d: {  	_ =	swait.ge [sflag:s21], $0x2000  }
0x16e: {  	[sflag:s21] =	ssyncset.done $0x0  }
0x16f: {  	[sflag:s21] =	ssyncadd.s32 $0xFFFFE000  }
0x170: {  	[spmem:s3] =	stream.indirect.scatter.add.f32 [tilespmem:s4], [sflag:$0x2], $0x40, s26, s28, $0xb8;
	[tilespmem:$0x1C7C0] =	vst v63  }
0x171: {  	_ =	swait.ge [sflag:s21], $0x2000  }
0x172: {  	[sflag:s21] =	ssyncset.done $0x0  }
0x173: {  	[sflag:s21] =	ssyncadd.s32 $0xFFFFE000  }
0x174: {  	[spmem:s3] =	stream.indirect.scatter.add.f32 [tilespmem:s30], [sflag:$0x2], $0x40, s6, s28, $0xb8;
	[tilespmem:$0x1C7C0] =	vst v63  }
0x175: {  	_ =	swait.ge [sflag:s21], $0x2000  }
0x176: {  	[sflag:s21] =	ssyncset.done $0x0  }
0x177: {  	[sflag:s21] =	ssyncadd.s32 $0xFFFFE000  }
0x178: {  	[spmem:s3] =	stream.indirect.scatter.add.f32 [tilespmem:s1], [sflag:$0x2], $0x40, s8, s28, $0xb8;
	[tilespmem:$0x1C7C0] =	vst v63  }
0x179: {  	_ =	swait.ge [sflag:s21], $0x2000  }
0x17a: {  	[sflag:s21] =	ssyncset.done $0x0  }
0x17b: {  	[sflag:s21] =	ssyncadd.s32 $0xFFFFE000  }
0x17c: {  	[spmem:s3] =	stream.indirect.scatter.add.f32 [tilespmem:s5], [sflag:$0x2], $0x40, s9, s28, $0xb8;
	[tilespmem:$0x1C7C0] =	vst v63  }
0x17d: {  	_ =	swait.ge [sflag:s11], $0x2000  }
0x17e: {  	[sflag:s11] =	ssyncset.done $0x0  }
0x17f: {  	[sflag:s11] =	ssyncadd.s32 $0xFFFFE000  }
0x180: {  	_ =	swait.ge [sflag:s11], $0x2000  }
0x181: {  	[sflag:s11] =	ssyncset.done $0x0  }
0x182: {  	[sflag:s11] =	ssyncadd.s32 $0xFFFFE000  }
.Ltmp4:
0x183: {  	_ =	swait.ge [sflag:s11], $0x2000;
	(pc) =	sbr.rel @p0 .LBB2_10-.Ltmp4, $4  }
0x184: {  	[sflag:s11] =	ssyncset.done $0x0  }
0x185: {  	[sflag:s11] =	ssyncadd.s32 $0xFFFFE000  }
0x186: {  	_ =	swait.ge [sflag:s11], $0x2000  }
0x187: {  	s16 =	smov.u32 s15;
	[sflag:s11] =	ssyncset.done $0x0  }
0x188: {  	s7 =	sadd.s32 s14, s18;
	[sflag:s11] =	ssyncadd.s32 $0xFFFFE000  }
0x189: {  	[tilespmem:s24], [sflag:$0x3] =	stream.linear.gather [hbm4b:s7+s4], $0x200, $0x38;
	[tilespmem:$0x1C7C0] =	vst v63  }
0x18a: {  	_ =	swait.ge [sflag:s25], $0x200  }
0x18b: {  	[sflag:s25] =	ssyncset.done $0x0  }
0x18c: {  	s14 =	sadd.s32 s14, s19;
	[sflag:s25] =	ssyncadd.s32 $0xFFFFFE00  }
0x18d: {  	[tilespmem:s26], [sflag:$0x3] =	stream.linear.gather [hbm4b:s14+s4], $0x200, $0x38;
	[tilespmem:$0x1C7C0] =	vst v63  }
0x18e: {  	_ =	swait.ge [sflag:s25], $0x200  }
0x18f: {  	[sflag:s25] =	ssyncset.done $0x0  }
0x190: {  	[sflag:s25] =	ssyncadd.s32 $0xFFFFFE00  }
0x191: {  	[tilespmem:s4], [sflag:$0x1] =	stream.indirect.gather [spmem:s2], $0x40, s24, s28, $0xb8;
	[tilespmem:$0x1C7C0] =	vst v63  }
0x192: {  	_ = 	snop  }
0x193: {  	[tilespmem:s30], [sflag:$0x1] =	stream.indirect.gather [spmem:s2], $0x40, s29, s28, $0xb8;
	[tilespmem:$0x1C7C0] =	vst v63  }
0x194: {  	_ = 	snop  }
0x195: {  	[tilespmem:s1], [sflag:$0x1] =	stream.indirect.gather [spmem:s2], $0x40, s31, s28, $0xb8;
	[tilespmem:$0x1C7C0] =	vst v63  }
0x196: {  	_ = 	snop  }
0x197: {  	[tilespmem:s5], [sflag:$0x1] =	stream.indirect.gather [spmem:s2], $0x40, s0, s28, $0xb8;
	[tilespmem:$0x1C7C0] =	vst v63  }
0x198: {  	_ =	swait.ge [sflag:s21], $0x2000  }
0x199: {  	[sflag:s21] =	ssyncset.done $0x0  }
0x19a: {  	[sflag:s21] =	ssyncadd.s32 $0xFFFFE000  }
0x19b: {  	[spmem:s3] =	stream.indirect.scatter.add.f32 [tilespmem:s4], [sflag:$0x2], $0x40, s26, s28, $0xb8;
	[tilespmem:$0x1C7C0] =	vst v63  }
0x19c: {  	_ =	swait.ge [sflag:s21], $0x2000  }
0x19d: {  	[sflag:s21] =	ssyncset.done $0x0  }
0x19e: {  	[sflag:s21] =	ssyncadd.s32 $0xFFFFE000  }
0x19f: {  	[spmem:s3] =	stream.indirect.scatter.add.f32 [tilespmem:s30], [sflag:$0x2], $0x40, s6, s28, $0xb8;
	[tilespmem:$0x1C7C0] =	vst v63  }
0x1a0: {  	_ =	swait.ge [sflag:s21], $0x2000  }
0x1a1: {  	[sflag:s21] =	ssyncset.done $0x0  }
0x1a2: {  	[sflag:s21] =	ssyncadd.s32 $0xFFFFE000  }
0x1a3: {  	[spmem:s3] =	stream.indirect.scatter.add.f32 [tilespmem:s1], [sflag:$0x2], $0x40, s8, s28, $0xb8;
	[tilespmem:$0x1C7C0] =	vst v63  }
0x1a4: {  	_ =	swait.ge [sflag:s21], $0x2000  }
0x1a5: {  	[sflag:s21] =	ssyncset.done $0x0  }
0x1a6: {  	[sflag:s21] =	ssyncadd.s32 $0xFFFFE000  }
0x1a7: {  	[spmem:s3] =	stream.indirect.scatter.add.f32 [tilespmem:s5], [sflag:$0x2], $0x40, s9, s28, $0xb8;
	[tilespmem:$0x1C7C0] =	vst v63  }
0x1a8: {  	_ =	swait.ge [sflag:s11], $0x2000  }
0x1a9: {  	[sflag:s11] =	ssyncset.done $0x0  }
0x1aa: {  	[sflag:s11] =	ssyncadd.s32 $0xFFFFE000  }
0x1ab: {  	_ =	swait.ge [sflag:s11], $0x2000  }
0x1ac: {  	[sflag:s11] =	ssyncset.done $0x0  }
0x1ad: {  	[sflag:s11] =	ssyncadd.s32 $0xFFFFE000  }
0x1ae: {  	_ =	swait.ge [sflag:s11], $0x2000  }
0x1af: {  	[sflag:s11] =	ssyncset.done $0x0  }
0x1b0: {  	[sflag:s11] =	ssyncadd.s32 $0xFFFFE000  }
0x1b1: {  	_ =	swait.ge [sflag:s11], $0x2000  }
0x1b2: {  	[sflag:s11] =	ssyncset.done $0x0  }
0x1b3: {  	[sflag:s11] =	ssyncadd.s32 $0xFFFFE000  }
0x1b4: {  	[bflag:$0x0] =	sbarrier.arrive $0xFFFF  }
0x1b5: {  	s16 =	simm.s32 $0x0;
	s15 =	rddreg [dreg:$0x9]  }
0x1b6: {  	[tilespmem:s23], [sflag:$0x1] =	stream.linear.gather [spmem:s15], $0x5000, $0x38;
	[tilespmem:$0x1C7C0] =	vst v63  }
0x1b7: {  	v0 =	vmov s16;
	_ =	swait.ge [sflag:s21], $0x5000  }
0x1b8: {  	[sflag:s21] =	ssyncset.done $0x0  }
0x1b9: {  	s14 =	simm.s32 $0x83E0;
	[sflag:s21] =	ssyncadd.s32 $0xFFFFB000  }
0x1ba: {  	v1 =	vld [tilespmem:s14+$0xFFFFFFF0]  }
0x1bb: {  	v2 =	vld [tilespmem:s14+$0x10]  }
0x1bc: {  	v0 =	vld.idx.msk [tilespmem:v0+s22+$0x0], $0xffff  }
0x1bd: {  	v3 =	vld [tilespmem:s14+$0xFFFFFFE0]  }
0x1be: {  	v4 =	vld [tilespmem:s14+$0x0];
	_ =	sdelay $0x3  }
0x1bf: {  	v3 =	vmul.f32 v3, v0;
	v5 =	vmul.f32 v2, v0  }
0x1c0: {  	s17 =	simm.s32 $0x1;
	v2 =	vmul.f32 v1, v0;
	v1 =	vmul.f32 v4, v0  }
0x1c1: {  	s16 =	simm.s32 $0x83E0;
	s15 =	simm.s32 $0x2;
	v0 =	vmov s17;
	v3 =	vmax.f32 v3, $0.0e+00;
	v4 =	vmax.f32 v5, $0.0e+00  }
.LBB2_12:
0x1c2: {  	p0 =	sne.s32 s15, $0x13F  }
0x1c3: {  	v2 =	vmax.f32 v2, $0.0e+00;
	v1 =	vmax.f32 v1, $0.0e+00;
	[tilespmem:s14+$0x10] =	vst v4;
	s16 =	sadd.s32 $0x40, s16;
	s7 =	smov.u32 s15;
	s15 =	sadd.s32 $0x1, s15  }
0x1c4: {  	[tilespmem:s14+$0xFFFFFFE0] =	vst v3  }
0x1c5: {  	v3 =	vld [tilespmem:s16+$0xFFFFFFF0];
	[tilespmem:s14+$0xFFFFFFF0] =	vst v2  }
0x1c6: {  	v2 =	vld [tilespmem:s16+$0x10];
	[tilespmem:s14+$0x0] =	vst v1;
	s14 =	smov.u32 s16  }
0x1c7: {  	v0 =	vld.idx.msk [tilespmem:v0+s22+$0x0], $0xffff  }
0x1c8: {  	v1 =	vld [tilespmem:s16+$0xFFFFFFE0]  }
0x1c9: {  	v4 =	vld [tilespmem:s16+$0x0];
	_ =	sdelay $0x1  }
.Ltmp5:
0x1ca: {  	(pc) =	sbr.rel @p0 .LBB2_12-.Ltmp5, $4  }
0x1cb: {  	_ = 	snop  }
0x1cc: {  	v6 =	vmul.f32 v2, v0;
	v5 =	vmul.f32 v1, v0  }
0x1cd: {  	v2 =	vmul.f32 v3, v0;
	v1 =	vmul.f32 v4, v0  }
0x1ce: {  	v0 =	vmov s7;
	v4 =	vmax.f32 v6, $0.0e+00;
	v3 =	vmax.f32 v5, $0.0e+00  }
0x1cf: {  	[tilespmem:s14+$0x10] =	vst v4  }
0x1d0: {  	s7 =	sadd.s32 $0x40, s16;
	[tilespmem:s14+$0xFFFFFFE0] =	vst v3;
	v2 =	vmax.f32 v2, $0.0e+00  }
0x1d1: {  	v1 =	vmax.f32 v1, $0.0e+00;
	v3 =	vld [tilespmem:s7+$0xFFFFFFF0];
	[tilespmem:s14+$0xFFFFFFF0] =	vst v2  }
0x1d2: {  	v2 =	vld [tilespmem:s7+$0x10];
	[tilespmem:s14+$0x0] =	vst v1  }
0x1d3: {  	v0 =	vld.idx.msk [tilespmem:v0+s22+$0x0], $0xffff  }
0x1d4: {  	v1 =	vld [tilespmem:s7+$0xFFFFFFE0]  }
0x1d5: {  	v4 =	vld [tilespmem:s7+$0x0];
	_ =	sdelay $0x2  }
0x1d6: {  	v2 =	vmul.f32 v2, v0  }
0x1d7: {  	v1 =	vmul.f32 v1, v0  }
0x1d8: {  	v3 =	vmul.f32 v3, v0;
	v0 =	vmul.f32 v4, v0;
	v2 =	vmax.f32 v2, $0.0e+00  }
0x1d9: {  	v1 =	vmax.f32 v1, $0.0e+00;
	[tilespmem:s7+$0x10] =	vst v2  }
0x1da: {  	v0 =	vmax.f32 v0, $0.0e+00;
	[tilespmem:s7+$0xFFFFFFE0] =	vst v1  }
0x1db: {  	v2 =	vmax.f32 v3, $0.0e+00;
	[tilespmem:s7+$0x0] =	vst v0  }
0x1dc: {  	s15 =	rddreg [dreg:$0xd];
	[tilespmem:s7+$0xFFFFFFF0] =	vst v2  }
0x1dd: {  	[hbm4b:s15+s4] =	stream.linear.scatter [tilespmem:s23], [sflag:$0x1], $0x5000, $0x38;
	[tilespmem:$0x1C7C0] =	vst v63  }
0x1de: {  	_ =	swait.ge [sflag:s21], $0x5000  }
0x1df: {  	[sflag:s21] =	ssyncset.done $0x0  }
0x1e0: {  	s16 =	simm.s32 $0x140;
	[sflag:s21] =	ssyncadd.s32 $0xFFFFB000  }
0x1e1: {  	[tilespmem:s23], [sflag:$0x1] =	stream.linear.gather [spmem:s12], $0x5000, $0x38;
	[tilespmem:$0x1C7C0] =	vst v63  }
0x1e2: {  	v0 =	vmov s16;
	_ =	swait.ge [sflag:s21], $0x5000  }
0x1e3: {  	[sflag:s21] =	ssyncset.done $0x0  }
0x1e4: {  	s14 =	simm.s32 $0x83E0;
	[sflag:s21] =	ssyncadd.s32 $0xFFFFB000  }
0x1e5: {  	v1 =	vld [tilespmem:s14+$0xFFFFFFF0]  }
0x1e6: {  	v2 =	vld [tilespmem:s14+$0x10]  }
0x1e7: {  	v0 =	vld.idx.msk [tilespmem:v0+s22+$0x0], $0xffff  }
0x1e8: {  	v3 =	vld [tilespmem:s14+$0xFFFFFFE0]  }
0x1e9: {  	v4 =	vld [tilespmem:s14+$0x0];
	_ =	sdelay $0x3  }
0x1ea: {  	v3 =	vmul.f32 v3, v0;
	v5 =	vmul.f32 v2, v0  }
0x1eb: {  	s17 =	simm.s32 $0x141;
	v2 =	vmul.f32 v1, v0;
	v1 =	vmul.f32 v4, v0  }
0x1ec: {  	s16 =	simm.s32 $0x83E0;
	s15 =	simm.s32 $0x142;
	v0 =	vmov s17;
	v3 =	vmax.f32 v3, $0.0e+00;
	v4 =	vmax.f32 v5, $0.0e+00  }
.LBB2_14:
0x1ed: {  	p0 =	sne.s32 s15, $0x27F  }
0x1ee: {  	v2 =	vmax.f32 v2, $0.0e+00;
	v1 =	vmax.f32 v1, $0.0e+00;
	[tilespmem:s14+$0x10] =	vst v4;
	s16 =	sadd.s32 $0x40, s16;
	s7 =	smov.u32 s15;
	s15 =	sadd.s32 $0x1, s15  }
0x1ef: {  	[tilespmem:s14+$0xFFFFFFE0] =	vst v3  }
0x1f0: {  	v3 =	vld [tilespmem:s16+$0xFFFFFFF0];
	[tilespmem:s14+$0xFFFFFFF0] =	vst v2  }
0x1f1: {  	v2 =	vld [tilespmem:s16+$0x10];
	[tilespmem:s14+$0x0] =	vst v1;
	s14 =	smov.u32 s16  }
0x1f2: {  	v0 =	vld.idx.msk [tilespmem:v0+s22+$0x0], $0xffff  }
0x1f3: {  	v1 =	vld [tilespmem:s16+$0xFFFFFFE0]  }
0x1f4: {  	v4 =	vld [tilespmem:s16+$0x0];
	_ =	sdelay $0x1  }
.Ltmp6:
0x1f5: {  	(pc) =	sbr.rel @p0 .LBB2_14-.Ltmp6, $4  }
0x1f6: {  	_ = 	snop  }
0x1f7: {  	v6 =	vmul.f32 v2, v0;
	v5 =	vmul.f32 v1, v0  }
0x1f8: {  	v2 =	vmul.f32 v3, v0;
	v1 =	vmul.f32 v4, v0  }
0x1f9: {  	v0 =	vmov s7;
	v4 =	vmax.f32 v6, $0.0e+00;
	v3 =	vmax.f32 v5, $0.0e+00  }
0x1fa: {  	[tilespmem:s14+$0x10] =	vst v4  }
0x1fb: {  	s7 =	sadd.s32 $0x40, s16;
	[tilespmem:s14+$0xFFFFFFE0] =	vst v3;
	v2 =	vmax.f32 v2, $0.0e+00  }
0x1fc: {  	v1 =	vmax.f32 v1, $0.0e+00;
	v3 =	vld [tilespmem:s7+$0xFFFFFFF0];
	[tilespmem:s14+$0xFFFFFFF0] =	vst v2  }
0x1fd: {  	v2 =	vld [tilespmem:s7+$0x10];
	[tilespmem:s14+$0x0] =	vst v1  }
0x1fe: {  	v0 =	vld.idx.msk [tilespmem:v0+s22+$0x0], $0xffff  }
0x1ff: {  	v1 =	vld [tilespmem:s7+$0xFFFFFFE0];
	_ =	sdelay $0x1  }
0x200: {  	v4 =	vld [tilespmem:s7+$0x0];
	_ =	sdelay $0x1  }
0x201: {  	v2 =	vmul.f32 v2, v0  }
0x202: {  	v1 =	vmul.f32 v1, v0  }
0x203: {  	v3 =	vmul.f32 v3, v0;
	v2 =	vmax.f32 v2, $0.0e+00  }
0x204: {  	v0 =	vmul.f32 v4, v0;
	v1 =	vmax.f32 v1, $0.0e+00;
	[tilespmem:s7+$0x10] =	vst v2  }
0x205: {  	v63 =	vmax.f32 v3, $0.0e+00;
	[tilespmem:s7+$0xFFFFFFE0] =	vst v1  }
0x206: {  	v0 =	vmax.f32 v0, $0.0e+00;
	[tilespmem:s7+$0xFFFFFFF0] =	vst v63  }
0x207: {  	s16 =	rddreg [dreg:$0xe];
	[tilespmem:s7+$0x0] =	vst v0  }
0x208: {  	[hbm4b:s16+s4] =	stream.linear.scatter [tilespmem:s23], [sflag:$0x1], $0x5000, $0x38;
	[tilespmem:$0x1C7C0] =	vst v63  }
0x209: {  	_ =	swait.ge [sflag:s21], $0x5000  }
0x20a: {  	s13 =	sadd.s32 $0x1, s13;
	s17 =	rddreg [dreg:$0xf]  }
0x20b: {  	p0 =	sne.s32 s13, s17  }
.Ltmp7:
0x20c: {  	_ = 	snop;
	(pc) =	sbr.rel @p0 .LBB2_1-.Ltmp7, $3  }
0x20d: {  	_ =	sdelay $0x1  }
0x20e: {  	[sflag:s21] =	ssyncset.done $0x0  }
0x20f: {  	[sflag:s21] =	ssyncadd.s32 $0xFFFFB000  }
0x210: {  	_ =	sfence.sel $0x180000  }
0x211: {  	[bflag:$0x0] =	sbarrier.arrive $0xFFFF  }
0x212: {  	_ =	strace $0x9000004A  }
0x213: {  	s0 =	stileid.u32;
	[bflag:$0x2] =	sbarrier.arrive $0xFFFF  }
0x214: {  	p0 =	sne.s32 s0, $0x0;
	s0 =	rddreg [dreg:$0x3]  }
0x215: {  	s0 =	sadd.s32 @!p0 $0x100000, s0  }
0x216: {  	[sflag:s0] =	ssyncadd.tile.s32 @!p0 $0x1;
	_ =	shalt  }
.Lfunc_end2:
_tile_overlayer_lowered:
.L_overlay_start_2:
0x217: {  	(tag) =	ssettag $0x2  }
0x218: {  	s0 =	rddreg [dreg:$0x0];
	s2 =	stileid.u32  }
0x219: {  	s1 =	rddreg [dreg:$0x1];
	p0 =	sne.s32 s2, $0x0  }
0x21a: {  	s3 =	rddreg [dreg:$0x2];
	[bflag:$0x3] =	sbarrier.arrive $0xFFFF;
	s2 =	simm.s32 @!p0 $0x1C01  }
0x21b: {  	[timem:s3], [sflag:s2] =	dma.local @!p0 [hbm:s0], s1  }
0x21c: {  	s0 =	simm.s32 @!p0 $0x1  }
0x21d: {  	_ =	swait.ge @!p0 [sflag:s0], s1  }
0x21e: {  	s1 =	ssub.s32 @!p0 $0x0, s1;
	[sflag:s0] =	ssyncset.done @!p0 $0x0  }
0x21f: {  	[sflag:s0] =	ssyncadd.s32 @!p0 s1  }
0x220: {  	[bflag:$0x3] =	sbarrier.arrive $0xFFFF  }
0x221: {  	_ =	shalt  }

// kernel: kernel.14.cloned.1.call-start
scs
__scs_entry_jumppad:
0x0: {  	(pc) =	sbr.rel $0x88, $3  }
0x1: {  	(tag) =	ssettag $0x0;
	lr =	simm.s32 $0x1  }
0x2: {  	[smem:$0x3F8E] =	sst lr;
	_ =	strace $0xD0000000  }
0x3: {  	_ = 	snop  }
0x4: {  	_ = 	snop  }
0x5: {  	_ = 	snop  }
0x6: {  	_ = 	snop  }
0x7: {  	_ = 	snop  }
__scs_overlays_trampoline_lowered:
0x8: {  	[smem:$0x3F9D] =	sst s0  }
0x9: {  	[smem:$0x3F9E] =	sst s1  }
0xa: {  	[smem:$0x3F9F] =	sst s2  }
0xb: {  	[smem:$0x3FA0] =	sst s3  }
0xc: {  	[smem:$0x3FA1] =	sst s4  }
0xd: {  	[smem:$0x3FA2] =	sst s5  }
0xe: {  	[smem:$0x3FA3] =	sst s6  }
0xf: {  	[smem:$0x3FA4] =	sst s7  }
0x10: {  	[smem:$0x3FA5] =	sst s8  }
0x11: {  	[smem:$0x3FA6] =	sst s9;
	s0 =	simm.s32 @!p0 $0x0  }
0x12: {  	s1 =	sld [smem:$0x3F8C];
	s0 =	simm.s32 @p0 $0x1  }
0x13: {  	[smem:$0x3FA7] =	sst s0;
	s0 =	simm.s32 @!p1 $0x0  }
0x14: {  	s2 =	sld [smem:$0x3F8B];
	s0 =	simm.s32 @p1 $0x1  }
0x15: {  	[smem:$0x3FA8] =	sst s0;
	s0 =	simm.s32 @!p2 $0x0  }
0x16: {  	s3 =	sld [smem:$0x3FDB];
	s0 =	simm.s32 @p2 $0x1  }
0x17: {  	s4 =	simm.s32 $0x1BF5;
	[smem:$0x3FAA] =	sst s0  }
0x18: {  	s0 =	sld [smem:$0x3F8D];
	_ =	swait.ge [sflag:s4], $0x0  }
0x19: {  	s7 =	sld [smem:$0x3F8E]  }
0x1a: {  	s8 =	sadd.s32 $0xFFFFE003, lr  }
0x1b: {  	s9 =	sadd.s32 $0xFFFFFEF7, lr;
	s5 =	simm.s32 $0xFFFFFFFF;
	p2 =	slt.u32 s8, $0xFFFFF086  }
0x1c: {  	p1 =	slt.u32 s9, $0xF7A;
	s5 =	simm.s32 @!p2 $0x0  }
0x1d: {  	s5 =	simm.s32 @p1 $0x1;
	p0 =	seq.s32 s7, s2  }
0x1e: {  	s7 =	smul.u32 @!p0 $0xF7A, s2;
	p2 =	seq.s32 @!p0 s5, $0x0  }
0x1f: {  	s9 =	smul.u32 $0xF7A, s1;
	s8 =	simm.s32 @!p0 $0x1BF5;
	p2 =	por !p2, p0  }
0x20: {  	[sflag:s8] =	ssyncset.s32 @!p0 $0xFFFFF086;
	s6 =	sadd.s32 @!p0 s3, s7;
	s7 =	simm.s32 @!p0 $0x108  }
0x21: {  	s3 =	sadd.s32 s3, s9;
	s6 =	sadd.s32 @!p0 $0x88, s6;
	s7 =	simm.s32 @p2 $0x1082  }
0x22: {  	[simem:s7], [sflag:s8] =	dma.local @!p0 [hbm:s6], $0xF7A  }
0x23: {  	s9 =	sor.u32 $0xD0000000, s2;
	s6 =	simm.s32 $0x108;
	_ =	swait.ge @!p0 [sflag:s8], $0x0  }
0x24: {  	s3 =	sadd.s32 $0x88, s3;
	s6 =	simm.s32 @!p1 $0x1082;
	[sflag:s4] =	ssyncset.s32 $0xFFFFF086  }
0x25: {  	[simem:s6], [sflag:s4] =	dma.local [hbm:s3], $0xF7A  }
0x26: {  	[smem:$0x3F8E] =	sst s1;
	(tag) =	ssettag s2;
	_ =	strace s9  }
0x27: {  	s1 =	sld [smem:$0x3F9E]  }
0x28: {  	s2 =	sld [smem:$0x3F9F]  }
0x29: {  	s4 =	sld [smem:$0x3FA1]  }
0x2a: {  	p0 =	seq.s32 s5, $0x0;
	s5 =	sld [smem:$0x3FA2]  }
0x2b: {  	s6 =	sld [smem:$0x3FA3]  }
0x2c: {  	s7 =	sld [smem:$0x3FA4]  }
0x2d: {  	s3 =	simm.s32 $0x108;
	s8 =	sld [smem:$0x3FA5]  }
0x2e: {  	s3 =	simm.s32 @!p0 $0x1082;
	s9 =	sld [smem:$0x3FA6]  }
0x2f: {  	lr =	sadd.s32 s0, s3;
	s0 =	sld [smem:$0x3F9D]  }
0x30: {  	s3 =	sld [smem:$0x3FA0]  }
0x31: {  	[smem:$0x3FA9] =	sst s10  }
0x32: {  	s10 =	sld [smem:$0x3FA7];
	_ =	sdelay $0x3  }
0x33: {  	p0 =	seq.s32 s10, $0x1;
	s10 =	sld [smem:$0x3FA9];
	_ =	sdelay $0x3  }
0x34: {  	[smem:$0x3FA9] =	sst s10  }
0x35: {  	s10 =	sld [smem:$0x3FA8];
	_ =	sdelay $0x3  }
0x36: {  	p1 =	seq.s32 s10, $0x1;
	s10 =	sld [smem:$0x3FA9];
	_ =	sdelay $0x3  }
0x37: {  	[smem:$0x3FA9] =	sst s10  }
0x38: {  	s10 =	sld [smem:$0x3FAA]  }
0x39: {  	_ = 	snop;
	(pc) =	sbr.ind lr, $3  }
0x3a: {  	_ = 	snop  }
0x3b: {  	_ = 	snop  }
0x3c: {  	p2 =	seq.s32 s10, $0x1;
	s10 =	sld [smem:$0x3FA9]  }
0x3d: {  	_ =	shalt  }
0x3e: {  	_ =	shalt  }
0x3f: {  	_ =	shalt  }
0x40: {  	_ =	shalt  }
0x41: {  	_ =	shalt  }
0x42: {  	_ =	shalt  }
0x43: {  	_ =	shalt  }
0x44: {  	_ =	shalt  }
0x45: {  	_ =	shalt  }
0x46: {  	_ =	shalt  }
0x47: {  	_ =	shalt  }
0x48: {  	_ =	shalt  }
0x49: {  	_ =	shalt  }
0x4a: {  	_ =	shalt  }
0x4b: {  	_ =	shalt  }
0x4c: {  	_ =	shalt  }
0x4d: {  	_ =	shalt  }
0x4e: {  	_ =	shalt  }
0x4f: {  	_ =	shalt  }
0x50: {  	_ =	shalt  }
0x51: {  	_ =	shalt  }
0x52: {  	_ =	shalt  }
0x53: {  	_ =	shalt  }
0x54: {  	_ =	shalt  }
0x55: {  	_ =	shalt  }
0x56: {  	_ =	shalt  }
0x57: {  	_ =	shalt  }
0x58: {  	_ =	shalt  }
0x59: {  	_ =	shalt  }
0x5a: {  	_ =	shalt  }
0x5b: {  	_ =	shalt  }
0x5c: {  	_ =	shalt  }
0x5d: {  	_ =	shalt  }
0x5e: {  	_ =	shalt  }
0x5f: {  	_ =	shalt  }
0x60: {  	_ =	shalt  }
0x61: {  	_ =	shalt  }
0x62: {  	_ =	shalt  }
0x63: {  	_ =	shalt  }
0x64: {  	_ =	shalt  }
0x65: {  	_ =	shalt  }
0x66: {  	_ =	shalt  }
0x67: {  	_ =	shalt  }
0x68: {  	_ =	shalt  }
0x69: {  	_ =	shalt  }
0x6a: {  	_ =	shalt  }
0x6b: {  	_ =	shalt  }
0x6c: {  	_ =	shalt  }
0x6d: {  	_ =	shalt  }
0x6e: {  	_ =	shalt  }
0x6f: {  	_ =	shalt  }
0x70: {  	_ =	shalt  }
0x71: {  	_ =	shalt  }
0x72: {  	_ =	shalt  }
0x73: {  	_ =	shalt  }
0x74: {  	_ =	shalt  }
0x75: {  	_ =	shalt  }
0x76: {  	_ =	shalt  }
0x77: {  	_ =	shalt  }
0x78: {  	_ =	shalt  }
0x79: {  	_ =	shalt  }
0x7a: {  	_ =	shalt  }
0x7b: {  	_ =	shalt  }
0x7c: {  	_ =	shalt  }
0x7d: {  	_ =	shalt  }
0x7e: {  	_ =	shalt  }
0x7f: {  	_ =	shalt  }
0x80: {  	_ =	shalt  }
0x81: {  	_ =	shalt  }
0x82: {  	_ =	shalt  }
0x83: {  	_ =	shalt  }
0x84: {  	_ =	shalt  }
0x85: {  	_ =	shalt  }
0x86: {  	_ =	shalt  }
0x87: {  	_ =	shalt  }
.Lfunc_end0:
.L_simem_size_0:
called_computation.2_lowered:
.L_overlay_start_0:
0x88: {  	s2 =	sld [smem:$0x3FD9]  }
0x89: {  	s3 =	sld [smem:$0x3FFE];
	_ =	sdelay $0x1  }
0x8a: {  	s1 =	srdreg.scid  }
0x8b: {  	s0 =	sand.u32 $0x1, s1  }
0x8c: {  	s16 =	sshll.u32 s0, $0xA;
	s2 =	sadd.s32 s3, s2  }
0x8d: {  	s2 =	sadd.s32 s2, s16  }
0x8e: {  	[smem:$0x3FB5] =	sst s2  }
0x8f: {  	_ = 	snop  }
0x90: {  	(tm) =	ssettm $0x1  }
0x91: {  	s17 =	sld [smem:$0x3FFB];
	_ =	sdelay $0x3  }
0x92: {  	_ =	strace s17  }
0x93: {  	s2 =	sld [smem:$0x3FFC];
	_ =	sdelay $0x3  }
0x94: {  	_ =	strace s2  }
0x95: {  	s2 =	sld [smem:$0x3FFD];
	_ =	sdelay $0x3  }
0x96: {  	_ =	strace s2  }
0x97: {  	_ =	strace $0x8FFFFFFF  }
0x98: {  	s18 =	sld [smem:$0x3FDB];
	_ =	sdelay $0x1  }
0x99: {  	s19 =	simm.s32 $_scs_section_size  }
0x9a: {  	s4 =	simm.s32 $_size__tile_overlayer_lowered;
	s5 =	simm.s32 $_tile_overlayer_lowered  }
0x9b: {  	s22 =	simm.s32 $0x1BFF;
	s21 =	sshll.u32 s5, $0x1;
	s2 =	sadd.s32 s19, s18  }
0x9c: {  	s6 =	simm.s32 $0x0;
	s20 =	sshll.u32 s4, $0x1;
	s4 =	sadd.s32 s21, s2  }
0x9d: {  	[timem:s6], [sflag:s22] =	dma.local [hbm:s4], s20  }
0x9e: {  	_ =	swait.ge [sflag:s22], s20  }
0x9f: {  	s3 =	ssub.s32 $0x0, s20;
	[sflag:s22] =	ssyncset.done $0x0  }
0xa0: {  	[sflag:s22] =	ssyncadd.s32 s3;
	_ =	sdelay $0x1  }
0xa1: {  	s23 =	simm.s32 $0x1B8B  }
0xa2: {  	_ =	swait.ge [sflag:s23], $0x1  }
0xa3: {  	[sflag:s23] =	ssyncset.done $0x0  }
0xa4: {  	s25 =	simm.s32 $0x1B8E;
	s24 =	sld [smem:$0x3FFE];
	[sflag:s23] =	ssyncadd.s32 $0xFFFFFFFF  }
0xa5: {  	s26 =	simm.s32 $execute0_lowered;
	[smem:$0x3FD2] =	sst s25  }
0xa6: {  	s4 =	sshll.u32 s26, $0x1;
	_ =	strace $0x8000004C;
	[dreg:$0x1] =	wrdreg $0xFFFFFFFF  }
0xa7: {  	s28 =	simm.s32 $_size_execute0_lowered;
	s2 =	sadd.s32 s2, s4;
	[dreg:$0x0] =	wrdreg $0x0  }
0xa8: {  	s4 =	sshll.u32 s28, $0x1;
	[dreg:$0x2] =	wrdreg s2  }
0xa9: {  	[dreg:$0x3] =	wrdreg s4  }
0xaa: {  	[dreg:$0x4] =	wrdreg $0xC0  }
0xab: {  	_ =	task [dreg:s6], $0x5FFFF  }
0xac: {  	[dreg:$0x1] =	wrdreg $0xFFFFFFFF  }
0xad: {  	[dreg:$0x0] =	wrdreg $0x60  }
0xae: {  	[dreg:$0x2] =	wrdreg s24  }
0xaf: {  	[dreg:$0x3] =	wrdreg $0x173C00  }
0xb0: {  	[dreg:$0x4] =	wrdreg $0xD3C00  }
0xb1: {  	[dreg:$0x5] =	wrdreg $0x9  }
0xb2: {  	_ =	task.clear_ibuf [dreg:s6], $0x6FFFF;
	_ =	strace $0x9000004C  }
0xb3: {  	s29 =	simm.s32 $0x9;
	_ =	strace $0x8000004E  }
0xb4: {  	_ =	swait.ge [sflag:s29], $0x1  }
0xb5: {  	[sflag:s29] =	ssyncadd.s32 $0xFFFFFFFF  }
0xb6: {  	_ =	strace $0x9000004E  }
0xb7: {  	_ =	sfence  }
0xb8: {  	s30 =	sld [smem:$0x0];
	_ =	sdelay $0x2  }
0xb9: {  	s31 =	sshll.u32 s1, $0xD;
	s1 =	sshrl.u32 s1, $0x2  }
0xba: {  	s3 =	sand.u32 $0x4000, s31;
	s1 =	sadd.s32 s1, s30  }
0xbb: {  	s0 =	sor.u32 s3, s0;
	s1 =	sshll.u32 s1, $0x11  }
0xbc: {  	s0 =	sor.u32 s1, s0  }
0xbd: {  	s0 =	sadd.s32 $0x8F2B, s0  }
0xbe: {  	[sflag:s0] =	ssyncadd.remote.s32 $0x1  }
0xbf: {  	_ =	sfence.sel $0xFFFF  }
0xc0: {  	[dreg:$0x0] =	wrdreg $0xFFFFFFFF;
	(pc) =	sbr.abs _section_cstart, $3  }
0xc1: {  	[dreg:$0x1] =	wrdreg $0xFFFFFFFF  }
0xc2: {  	_ =	task.clear_ibuf [dreg:s6], $0x2FFFF;
	_ =	strace $0x9FFFFFFF  }
0xc3: {  	(tm) =	ssettm $0x7FFFFFFF  }
tec
execute0_lowered:
.L_overlay_start_1:
0x0: {  	(tag) =	ssettag $0x1  }
0x1: {  	s0 =	srdreg.scid;
	s14 =	stileid.u32  }
0x2: {  	s5 =	rddreg [dreg:$0x0];
	s1 =	smul.u32 $0x5000, s14  }
0x3: {  	s2 =	rddreg [dreg:$0x1];
	s8 =	smul.u32 $0x280, s14  }
0x4: {  	s3 =	rddreg [dreg:$0x2];
	s4 =	simm.s32 $0x0;
	s10 =	smul.u32 $0x140, s14  }
0x5: {  	s28 =	simm.s32 $0x80;
	s0 =	sand.u32 $0x1, s0;
	s14 =	smul.u32 $0xA000, s14  }
0x6: {  	s29 =	simm.s32 $0x1C440;
	s30 =	simm.s32 $0x2000;
	s6 =	smul.u32 $0x50000, s0  }
0x7: {  	s31 =	simm.s32 $0x1C4C0;
	[smem:$0x7FF] =	sst s4;
	s7 =	smul.u32 $0x2800, s0  }
0x8: {  	s11 =	sadd.s32 $0x23200, s5;
	s9 =	smul.u32 $0x1400, s0;
	_ =	strace $0x8000004D  }
0x9: {  	s15 =	ssub.s32 $0x2, s0;
	s0 =	smul.u32 $0xA0000, s0;
	s13 =	sshrl.u32 s1, $0x3  }
0xa: {  	s17 =	sadd.s32 $0x5000, s14;
	s20 =	sadd.s32 s14, s3;
	s22 =	sshrl.u32 s14, $0x3  }
0xb: {  	s6 =	sadd.s32 s1, s6;
	s7 =	sadd.s32 s8, s7;
	s12 =	sadd.s32 s10, s9  }
0xc: {  	s9 =	sadd.s32 s13, s5;
	s13 =	sadd.s32 $0x5200, s5;
	s1 =	sadd.s32 s1, s2  }
0xd: {  	s16 =	sadd.s32 s14, s0;
	s0 =	sadd.s32 s0, s17;
	[dreg:$0x9] =	wrdreg s20  }
0xe: {  	s23 =	sshrl.u32 s17, $0x3;
	s20 =	simm.s32 $0x8000;
	s6 =	sshrl.u32 s6, $0x3  }
0xf: {  	s7 =	sshrl.u32 s7, $0x3;
	s8 =	sshrl.u32 s12, $0x3;
	s12 =	sshrl.u32 s15, $0x1  }
0x10: {  	[dreg:$0x6] =	wrdreg s1;
	s18 =	sadd.s32 $0x19200, s9;
	s1 =	sshrl.u32 s16, $0x3  }
0x11: {  	s0 =	sshrl.u32 s0, $0x3;
	s24 =	sadd.s32 s13, s22;
	s25 =	sadd.s32 s13, s23  }
0x12: {  	s22 =	simm.s32 $0x8140;
	s23 =	simm.s32 $0x83C0;
	s9 =	simm.s32 $0x1C740  }
0x13: {  	s13 =	simm.s32 $0x0;
	s6 =	sadd.s32 s6, s5;
	s7 =	sadd.s32 s7, s5  }
0x14: {  	s8 =	sadd.s32 s8, s5;
	s5 =	sadd.s32 $0x93800, s5;
	[dreg:$0x7] =	wrdreg s18  }
0x15: {  	s15 =	ssub.s32 s15, s12;
	s19 =	sadd.s32 s11, s1;
	[dreg:$0xb] =	wrdreg s24  }
0x16: {  	s21 =	sadd.s32 s11, s0;
	s12 =	sadd.s32 s17, s3;
	[dreg:$0xc] =	wrdreg s25  }
0x17: {  	s24 =	simm.s32 $0x1C3C0;
	s25 =	simm.s32 $0x3;
	[dreg:$0x8] =	wrdreg s19  }
0x18: {  	s11 =	simm.s32 $0x2;
	s8 =	sadd.s32 $0x4C00, s8;
	[dreg:$0xa] =	wrdreg s21  }
0x19: {  	s7 =	sadd.s32 $0x4200, s7;
	s1 =	sadd.s32 s5, s1;
	[dreg:$0x4] =	wrdreg s8  }
0x1a: {  	s0 =	sadd.s32 s5, s0;
	s26 =	smax.u32 s15, $0x1;
	[dreg:$0x5] =	wrdreg s7  }
0x1b: {  	s18 =	sadd.s32 $0x6B800, s6;
	s19 =	sadd.s32 $0x7F800, s6;
	[dreg:$0xd] =	wrdreg s1  }
0x1c: {  	s21 =	simm.s32 $0x1;
	s5 =	simm.s32 $0x6000;
	[dreg:$0xe] =	wrdreg s0  }
0x1d: {  	s6 =	simm.s32 $0x1C640;
	[dreg:$0xf] =	wrdreg s26;
	s26 =	simm.s32 $0x1C5C0  }
0x1e: {  	s1 =	simm.s32 $0x4000;
	s0 =	simm.s32 $0x1C540;
	s8 =	simm.s32 $0x1C6C0  }
.LBB2_1:
0x1f: {  	s7 =	rddreg [dreg:$0x4]  }
0x20: {  	[tilespmem:s20], [sflag:$0x1] =	stream.linear.gather [hbm4b:s7+s4], $0x140, $0x38;
	[tilespmem:$0x1C7C0] =	vst v63  }
0x21: {  	_ =	swait.ge [sflag:s21], $0x140  }
0x22: {  	[sflag:s21] =	ssyncset.done $0x0  }
0x23: {  	s14 =	stileid.u32;
	s10 =	rddreg [dreg:$0x5];
	[sflag:s21] =	ssyncadd.s32 $0xFFFFFEC0  }
0x24: {  	[tilespmem:s22], [sflag:$0x1] =	stream.linear.gather [hbm4b:s10+s4], $0x280, $0x38;
	[tilespmem:$0x1C7C0] =	vst v63  }
0x25: {  	s14 =	sshll.u32 s14, $0x6;
	_ =	swait.ge [sflag:s21], $0x280  }
0x26: {  	s14 =	sor.u32 $0x1C01, s14;
	[sflag:s21] =	ssyncset.done $0x0;
	s15 =	rddreg [dreg:$0x6]  }
0x27: {  	s16 =	rddreg [dreg:$0x7];
	[sflag:s21] =	ssyncadd.s32 $0xFFFFFD80;
	s15 =	sshrl.u32 s15, $0x3  }
0x28: {  	[spmem:s15], [sflag:s14] =	dma.local [hbm:s16], $0xA00  }
0x29: {  	_ =	swait.ge [sflag:s21], $0xA00  }
0x2a: {  	[sflag:s21] =	ssyncset.done $0x0  }
0x2b: {  	s17 =	rddreg [dreg:$0x8];
	[sflag:s21] =	ssyncadd.s32 $0xFFFFF600  }
0x2c: {  	[tilespmem:s23], [sflag:$0x1] =	stream.linear.gather [hbm4b:s17+s4], $0x5000, $0x38;
	[tilespmem:$0x1C7C0] =	vst v63  }
0x2d: {  	v0 =	vmov s4;
	_ =	swait.ge [sflag:s21], $0x5000  }
0x2e: {  	[sflag:s21] =	ssyncset.done $0x0  }
0x2f: {  	s15 =	simm.s32 $0x83E0;
	[sflag:s21] =	ssyncadd.s32 $0xFFFFB000  }
0x30: {  	v2 =	vld [tilespmem:s15+$0xFFFFFFF0]  }
0x31: {  	v3 =	vld [tilespmem:s15+$0x10]  }
0x32: {  	v5 =	vld.idx.msk [tilespmem:v0+s22+$0x0], $0xffff  }
0x33: {  	v0 =	vld [tilespmem:s15+$0xFFFFFFE0]  }
0x34: {  	v6 =	vld [tilespmem:s15+$0x0];
	_ =	sdelay $0x3  }
0x35: {  	s17 =	simm.s32 $0x1;
	v1 =	vmul.f32 v0, v5;
	v4 =	vmul.f32 v3, v5  }
0x36: {  	s16 =	simm.s32 $0x2;
	v0 =	vmov s17;
	v3 =	vmul.f32 v2, v5;
	v2 =	vmul.f32 v6, v5;
	s17 =	simm.s32 $0x83E0  }
.LBB2_2:
0x37: {  	p0 =	sne.s32 s16, $0x13F  }
0x38: {  	[tilespmem:s15+$0x10] =	vst v4;
	s17 =	sadd.s32 $0x40, s17;
	s7 =	smov.u32 s16;
	s16 =	sadd.s32 $0x1, s16  }
0x39: {  	[tilespmem:s15+$0xFFFFFFE0] =	vst v1  }
0x3a: {  	v5 =	vld [tilespmem:s17+$0xFFFFFFF0];
	[tilespmem:s15+$0xFFFFFFF0] =	vst v3  }
0x3b: {  	v3 =	vld [tilespmem:s17+$0x10];
	[tilespmem:s15+$0x0] =	vst v2;
	s15 =	smov.u32 s17  }
0x3c: {  	v2 =	vld.idx.msk [tilespmem:v0+s22+$0x0], $0xffff  }
0x3d: {  	v0 =	vld [tilespmem:s17+$0xFFFFFFE0]  }
0x3e: {  	v6 =	vld [tilespmem:s17+$0x0]  }
.Ltmp0:
0x3f: {  	(pc) =	sbr.rel @p0 .LBB2_2-.Ltmp0, $3  }
0x40: {  	_ =	sdelay $0x1  }
0x41: {  	v4 =	vmul.f32 v3, v2;
	v1 =	vmul.f32 v0, v2  }
0x42: {  	v3 =	vmul.f32 v5, v2;
	v0 =	vmov s7;
	v2 =	vmul.f32 v6, v2  }
0x43: {  	[tilespmem:s15+$0x10] =	vst v4  }
0x44: {  	s7 =	sadd.s32 $0x40, s17;
	[tilespmem:s15+$0xFFFFFFE0] =	vst v1  }
0x45: {  	v1 =	vld [tilespmem:s7+$0xFFFFFFF0];
	[tilespmem:s15+$0xFFFFFFF0] =	vst v3  }
0x46: {  	v3 =	vld [tilespmem:s7+$0x10];
	[tilespmem:s15+$0x0] =	vst v2  }
0x47: {  	v0 =	vld.idx.msk [tilespmem:v0+s22+$0x0], $0xffff  }
0x48: {  	v2 =	vld [tilespmem:s7+$0xFFFFFFE0];
	_ =	sdelay $0x1  }
0x49: {  	v4 =	vld [tilespmem:s7+$0x0];
	_ =	sdelay $0x1  }
0x4a: {  	v3 =	vmul.f32 v3, v0  }
0x4b: {  	v2 =	vmul.f32 v2, v0  }
0x4c: {  	v1 =	vmul.f32 v1, v0;
	[tilespmem:s7+$0x10] =	vst v3  }
0x4d: {  	v0 =	vmul.f32 v4, v0;
	[tilespmem:s7+$0xFFFFFFE0] =	vst v2  }
0x4e: {  	[tilespmem:s7+$0xFFFFFFF0] =	vst v1  }
0x4f: {  	s10 =	rddreg [dreg:$0x9];
	[tilespmem:s7+$0x0] =	vst v0  }
0x50: {  	[spmem:s10] =	stream.linear.scatter [tilespmem:s23], [sflag:$0x1], $0x5000, $0x38;
	[tilespmem:$0x1C7C0] =	vst v63  }
0x51: {  	_ =	swait.ge [sflag:s21], $0x5000  }
0x52: {  	[sflag:s21] =	ssyncset.done $0x0  }
0x53: {  	s16 =	simm.s32 $0x140;
	s15 =	rddreg [dreg:$0xa];
	[sflag:s21] =	ssyncadd.s32 $0xFFFFB000  }
0x54: {  	[tilespmem:s23], [sflag:$0x1] =	stream.linear.gather [hbm4b:s15+s4], $0x5000, $0x38;
	[tilespmem:$0x1C7C0] =	vst v63  }
0x55: {  	v0 =	vmov s16;
	_ =	swait.ge [sflag:s21], $0x5000  }
0x56: {  	[sflag:s21] =	ssyncset.done $0x0  }
0x57: {  	s15 =	simm.s32 $0x83E0;
	[sflag:s21] =	ssyncadd.s32 $0xFFFFB000  }
0x58: {  	v2 =	vld [tilespmem:s15+$0xFFFFFFF0]  }
0x59: {  	v3 =	vld [tilespmem:s15+$0x10]  }
0x5a: {  	v5 =	vld.idx.msk [tilespmem:v0+s22+$0x0], $0xffff  }
0x5b: {  	v0 =	vld [tilespmem:s15+$0xFFFFFFE0]  }
0x5c: {  	v6 =	vld [tilespmem:s15+$0x0];
	_ =	sdelay $0x3  }
0x5d: {  	s17 =	simm.s32 $0x141;
	v1 =	vmul.f32 v0, v5;
	v4 =	vmul.f32 v3, v5  }
0x5e: {  	s16 =	simm.s32 $0x142;
	v0 =	vmov s17;
	v3 =	vmul.f32 v2, v5;
	v2 =	vmul.f32 v6, v5;
	s17 =	simm.s32 $0x83E0  }
.LBB2_4:
0x5f: {  	p0 =	sne.s32 s16, $0x27F  }
0x60: {  	[tilespmem:s15+$0x10] =	vst v4;
	s17 =	sadd.s32 $0x40, s17;
	s7 =	smov.u32 s16;
	s16 =	sadd.s32 $0x1, s16  }
0x61: {  	[tilespmem:s15+$0xFFFFFFE0] =	vst v1  }
0x62: {  	v5 =	vld [tilespmem:s17+$0xFFFFFFF0];
	[tilespmem:s15+$0xFFFFFFF0] =	vst v3  }
0x63: {  	v3 =	vld [tilespmem:s17+$0x10];
	[tilespmem:s15+$0x0] =	vst v2;
	s15 =	smov.u32 s17  }
0x64: {  	v2 =	vld.idx.msk [tilespmem:v0+s22+$0x0], $0xffff  }
0x65: {  	v0 =	vld [tilespmem:s17+$0xFFFFFFE0]  }
0x66: {  	v6 =	vld [tilespmem:s17+$0x0]  }
.Ltmp1:
0x67: {  	(pc) =	sbr.rel @p0 .LBB2_4-.Ltmp1, $3  }
0x68: {  	_ =	sdelay $0x1  }
0x69: {  	v4 =	vmul.f32 v3, v2;
	v1 =	vmul.f32 v0, v2  }
0x6a: {  	v3 =	vmul.f32 v5, v2;
	v0 =	vmov s7;
	v2 =	vmul.f32 v6, v2  }
0x6b: {  	[tilespmem:s15+$0x10] =	vst v4  }
0x6c: {  	s7 =	sadd.s32 $0x40, s17;
	[tilespmem:s15+$0xFFFFFFE0] =	vst v1  }
0x6d: {  	v1 =	vld [tilespmem:s7+$0xFFFFFFF0];
	[tilespmem:s15+$0xFFFFFFF0] =	vst v3  }
0x6e: {  	v3 =	vld [tilespmem:s7+$0x10];
	[tilespmem:s15+$0x0] =	vst v2  }
0x6f: {  	v0 =	vld.idx.msk [tilespmem:v0+s22+$0x0], $0xffff  }
0x70: {  	v2 =	vld [tilespmem:s7+$0xFFFFFFE0];
	_ =	sdelay $0x1  }
0x71: {  	v4 =	vld [tilespmem:s7+$0x0];
	_ =	sdelay $0x1  }
0x72: {  	v3 =	vmul.f32 v3, v0  }
0x73: {  	v2 =	vmul.f32 v2, v0  }
0x74: {  	v1 =	vmul.f32 v1, v0;
	[tilespmem:s7+$0x10] =	vst v3  }
0x75: {  	v0 =	vmul.f32 v4, v0;
	[tilespmem:s7+$0xFFFFFFE0] =	vst v2  }
0x76: {  	[tilespmem:s7+$0xFFFFFFF0] =	vst v1  }
0x77: {  	[tilespmem:s7+$0x0] =	vst v0  }
0x78: {  	[spmem:s12] =	stream.linear.scatter [tilespmem:s23], [sflag:$0x1], $0x5000, $0x38;
	[tilespmem:$0x1C7C0] =	vst v63  }
0x79: {  	_ =	swait.ge [sflag:s21], $0x5000  }
0x7a: {  	[sflag:s21] =	ssyncset.done $0x0  }
0x7b: {  	[sflag:s21] =	ssyncadd.s32 $0xFFFFB000  }
0x7c: {  	s16 =	sadd.s32 $0x0, s19;
	[bflag:$0x0] =	sbarrier.arrive $0xFFFF  }
0x7d: {  	[tilespmem:s24], [sflag:$0x3] =	stream.linear.gather [hbm4b:s16+s4], $0x200, $0x38;
	[tilespmem:$0x1C7C0] =	vst v63  }
0x7e: {  	_ =	swait.ge [sflag:s25], $0x200  }
0x7f: {  	[sflag:s25] =	ssyncset.done $0x0  }
0x80: {  	s17 =	sadd.s32 $0x0, s18;
	[sflag:s25] =	ssyncadd.s32 $0xFFFFFE00  }
0x81: {  	[tilespmem:s26], [sflag:$0x3] =	stream.linear.gather [hbm4b:s17+s4], $0x200, $0x38;
	[tilespmem:$0x1C7C0] =	vst v63  }
0x82: {  	_ =	swait.ge [sflag:s25], $0x200  }
0x83: {  	[sflag:s25] =	ssyncset.done $0x0  }
0x84: {  	[sflag:s25] =	ssyncadd.s32 $0xFFFFFE00  }
0x85: {  	[tilespmem:s4], [sflag:$0x1] =	stream.indirect.gather [spmem:s3], $0x40, s24, s28, $0xb8;
	[tilespmem:$0x1C7C0] =	vst v63  }
0x86: {  	_ = 	snop  }
0x87: {  	[tilespmem:s30], [sflag:$0x1] =	stream.indirect.gather [spmem:s3], $0x40, s29, s28, $0xb8;
	[tilespmem:$0x1C7C0] =	vst v63  }
0x88: {  	_ = 	snop  }
0x89: {  	[tilespmem:s1], [sflag:$0x1] =	stream.indirect.gather [spmem:s3], $0x40, s31, s28, $0xb8;
	[tilespmem:$0x1C7C0] =	vst v63  }
0x8a: {  	_ = 	snop  }
0x8b: {  	[tilespmem:s5], [sflag:$0x1] =	stream.indirect.gather [spmem:s3], $0x40, s0, s28, $0xb8;
	[tilespmem:$0x1C7C0] =	vst v63  }
0x8c: {  	_ =	swait.ge [sflag:s21], $0x2000  }
0x8d: {  	[sflag:s21] =	ssyncset.done $0x0  }
0x8e: {  	[sflag:s21] =	ssyncadd.s32 $0xFFFFE000  }
0x8f: {  	[spmem:s2] =	stream.indirect.scatter.add.f32 [tilespmem:s4], [sflag:$0x2], $0x40, s26, s28, $0xb8;
	[tilespmem:$0x1C7C0] =	vst v63  }
0x90: {  	_ =	swait.ge [sflag:s21], $0x2000  }
0x91: {  	[sflag:s21] =	ssyncset.done $0x0  }
0x92: {  	[sflag:s21] =	ssyncadd.s32 $0xFFFFE000  }
0x93: {  	[spmem:s2] =	stream.indirect.scatter.add.f32 [tilespmem:s30], [sflag:$0x2], $0x40, s6, s28, $0xb8;
	[tilespmem:$0x1C7C0] =	vst v63  }
0x94: {  	_ =	swait.ge [sflag:s21], $0x2000  }
0x95: {  	[sflag:s21] =	ssyncset.done $0x0  }
0x96: {  	[sflag:s21] =	ssyncadd.s32 $0xFFFFE000  }
0x97: {  	[spmem:s2] =	stream.indirect.scatter.add.f32 [tilespmem:s1], [sflag:$0x2], $0x40, s8, s28, $0xb8;
	[tilespmem:$0x1C7C0] =	vst v63  }
0x98: {  	_ =	swait.ge [sflag:s21], $0x2000  }
0x99: {  	[sflag:s21] =	ssyncset.done $0x0  }
0x9a: {  	[sflag:s21] =	ssyncadd.s32 $0xFFFFE000  }
0x9b: {  	[spmem:s2] =	stream.indirect.scatter.add.f32 [tilespmem:s5], [sflag:$0x2], $0x40, s9, s28, $0xb8;
	[tilespmem:$0x1C7C0] =	vst v63  }
0x9c: {  	_ =	swait.ge [sflag:s11], $0x2000  }
0x9d: {  	[sflag:s11] =	ssyncset.done $0x0  }
0x9e: {  	[sflag:s11] =	ssyncadd.s32 $0xFFFFE000  }
0x9f: {  	_ =	swait.ge [sflag:s11], $0x2000  }
0xa0: {  	[sflag:s11] =	ssyncset.done $0x0  }
0xa1: {  	[sflag:s11] =	ssyncadd.s32 $0xFFFFE000  }
0xa2: {  	_ =	swait.ge [sflag:s11], $0x2000  }
0xa3: {  	[sflag:s11] =	ssyncset.done $0x0  }
0xa4: {  	[sflag:s11] =	ssyncadd.s32 $0xFFFFE000  }
0xa5: {  	_ =	swait.ge [sflag:s11], $0x2000  }
0xa6: {  	s15 =	simm.s32 $0x40;
	s17 =	simm.s32 $0x80;
	[sflag:s11] =	ssyncset.done $0x0  }
.LBB2_6:
0xa7: {  	s7 =	sadd.s32 s15, s19  }
0xa8: {  	[sflag:s11] =	ssyncadd.s32 $0xFFFFE000;
	s10 =	smov.u32 s17;
	s16 =	sadd.s32 $0x40, s17  }
0xa9: {  	[tilespmem:s24], [sflag:$0x3] =	stream.linear.gather [hbm4b:s7+s4], $0x200, $0x38;
	[tilespmem:$0x1C7C0] =	vst v63  }
0xaa: {  	p0 =	sne.s32 s17, $0x9C0;
	_ =	swait.ge [sflag:s25], $0x200  }
0xab: {  	[sflag:s25] =	ssyncset.done $0x0  }
0xac: {  	s7 =	sadd.s32 s15, s18;
	s15 =	smov.u32 s10;
	[sflag:s25] =	ssyncadd.s32 $0xFFFFFE00  }
0xad: {  	[tilespmem:s26], [sflag:$0x3] =	stream.linear.gather [hbm4b:s7+s4], $0x200, $0x38;
	[tilespmem:$0x1C7C0] =	vst v63  }
0xae: {  	_ =	swait.ge [sflag:s25], $0x200  }
0xaf: {  	[sflag:s25] =	ssyncset.done $0x0  }
0xb0: {  	[sflag:s25] =	ssyncadd.s32 $0xFFFFFE00  }
0xb1: {  	[tilespmem:s4], [sflag:$0x1] =	stream.indirect.gather [spmem:s3], $0x40, s24, s28, $0xb8;
	[tilespmem:$0x1C7C0] =	vst v63  }
0xb2: {  	_ = 	snop  }
0xb3: {  	[tilespmem:s30], [sflag:$0x1] =	stream.indirect.gather [spmem:s3], $0x40, s29, s28, $0xb8;
	[tilespmem:$0x1C7C0] =	vst v63  }
0xb4: {  	_ = 	snop  }
0xb5: {  	[tilespmem:s1], [sflag:$0x1] =	stream.indirect.gather [spmem:s3], $0x40, s31, s28, $0xb8;
	[tilespmem:$0x1C7C0] =	vst v63  }
0xb6: {  	_ = 	snop  }
0xb7: {  	[tilespmem:s5], [sflag:$0x1] =	stream.indirect.gather [spmem:s3], $0x40, s0, s28, $0xb8;
	[tilespmem:$0x1C7C0] =	vst v63  }
0xb8: {  	_ =	swait.ge [sflag:s21], $0x2000  }
0xb9: {  	[sflag:s21] =	ssyncset.done $0x0  }
0xba: {  	[sflag:s21] =	ssyncadd.s32 $0xFFFFE000  }
0xbb: {  	[spmem:s2] =	stream.indirect.scatter.add.f32 [tilespmem:s4], [sflag:$0x2], $0x40, s26, s28, $0xb8;
	[tilespmem:$0x1C7C0] =	vst v63  }
0xbc: {  	_ =	swait.ge [sflag:s21], $0x2000  }
0xbd: {  	[sflag:s21] =	ssyncset.done $0x0  }
0xbe: {  	[sflag:s21] =	ssyncadd.s32 $0xFFFFE000  }
0xbf: {  	[spmem:s2] =	stream.indirect.scatter.add.f32 [tilespmem:s30], [sflag:$0x2], $0x40, s6, s28, $0xb8;
	[tilespmem:$0x1C7C0] =	vst v63  }
0xc0: {  	_ =	swait.ge [sflag:s21], $0x2000  }
0xc1: {  	[sflag:s21] =	ssyncset.done $0x0  }
0xc2: {  	[sflag:s21] =	ssyncadd.s32 $0xFFFFE000  }
0xc3: {  	[spmem:s2] =	stream.indirect.scatter.add.f32 [tilespmem:s1], [sflag:$0x2], $0x40, s8, s28, $0xb8;
	[tilespmem:$0x1C7C0] =	vst v63  }
0xc4: {  	_ =	swait.ge [sflag:s21], $0x2000  }
0xc5: {  	[sflag:s21] =	ssyncset.done $0x0  }
0xc6: {  	[sflag:s21] =	ssyncadd.s32 $0xFFFFE000  }
0xc7: {  	[spmem:s2] =	stream.indirect.scatter.add.f32 [tilespmem:s5], [sflag:$0x2], $0x40, s9, s28, $0xb8;
	[tilespmem:$0x1C7C0] =	vst v63  }
0xc8: {  	_ =	swait.ge [sflag:s11], $0x2000  }
0xc9: {  	[sflag:s11] =	ssyncset.done $0x0  }
0xca: {  	[sflag:s11] =	ssyncadd.s32 $0xFFFFE000  }
0xcb: {  	_ =	swait.ge [sflag:s11], $0x2000  }
0xcc: {  	[sflag:s11] =	ssyncset.done $0x0  }
0xcd: {  	[sflag:s11] =	ssyncadd.s32 $0xFFFFE000  }
.Ltmp2:
0xce: {  	_ =	swait.ge [sflag:s11], $0x2000;
	(pc) =	sbr.rel @p0 .LBB2_6-.Ltmp2, $4  }
0xcf: {  	[sflag:s11] =	ssyncset.done $0x0  }
0xd0: {  	[sflag:s11] =	ssyncadd.s32 $0xFFFFE000  }
0xd1: {  	_ =	swait.ge [sflag:s11], $0x2000  }
0xd2: {  	s17 =	smov.u32 s16;
	[sflag:s11] =	ssyncset.done $0x0  }
0xd3: {  	s7 =	sadd.s32 s15, s19;
	[sflag:s11] =	ssyncadd.s32 $0xFFFFE000  }
0xd4: {  	[tilespmem:s24], [sflag:$0x3] =	stream.linear.gather [hbm4b:s7+s4], $0x200, $0x38;
	[tilespmem:$0x1C7C0] =	vst v63  }
0xd5: {  	_ =	swait.ge [sflag:s25], $0x200  }
0xd6: {  	[sflag:s25] =	ssyncset.done $0x0  }
0xd7: {  	s10 =	sadd.s32 s15, s18;
	[sflag:s25] =	ssyncadd.s32 $0xFFFFFE00  }
0xd8: {  	[tilespmem:s26], [sflag:$0x3] =	stream.linear.gather [hbm4b:s10+s4], $0x200, $0x38;
	[tilespmem:$0x1C7C0] =	vst v63  }
0xd9: {  	_ =	swait.ge [sflag:s25], $0x200  }
0xda: {  	[sflag:s25] =	ssyncset.done $0x0  }
0xdb: {  	[sflag:s25] =	ssyncadd.s32 $0xFFFFFE00  }
0xdc: {  	[tilespmem:s4], [sflag:$0x1] =	stream.indirect.gather [spmem:s3], $0x40, s24, s28, $0xb8;
	[tilespmem:$0x1C7C0] =	vst v63  }
0xdd: {  	_ = 	snop  }
0xde: {  	[tilespmem:s30], [sflag:$0x1] =	stream.indirect.gather [spmem:s3], $0x40, s29, s28, $0xb8;
	[tilespmem:$0x1C7C0] =	vst v63  }
0xdf: {  	_ = 	snop  }
0xe0: {  	[tilespmem:s1], [sflag:$0x1] =	stream.indirect.gather [spmem:s3], $0x40, s31, s28, $0xb8;
	[tilespmem:$0x1C7C0] =	vst v63  }
0xe1: {  	_ = 	snop  }
0xe2: {  	[tilespmem:s5], [sflag:$0x1] =	stream.indirect.gather [spmem:s3], $0x40, s0, s28, $0xb8;
	[tilespmem:$0x1C7C0] =	vst v63  }
0xe3: {  	_ =	swait.ge [sflag:s21], $0x2000  }
0xe4: {  	[sflag:s21] =	ssyncset.done $0x0  }
0xe5: {  	[sflag:s21] =	ssyncadd.s32 $0xFFFFE000  }
0xe6: {  	[spmem:s2] =	stream.indirect.scatter.add.f32 [tilespmem:s4], [sflag:$0x2], $0x40, s26, s28, $0xb8;
	[tilespmem:$0x1C7C0] =	vst v63  }
0xe7: {  	_ =	swait.ge [sflag:s21], $0x2000  }
0xe8: {  	[sflag:s21] =	ssyncset.done $0x0  }
0xe9: {  	[sflag:s21] =	ssyncadd.s32 $0xFFFFE000  }
0xea: {  	[spmem:s2] =	stream.indirect.scatter.add.f32 [tilespmem:s30], [sflag:$0x2], $0x40, s6, s28, $0xb8;
	[tilespmem:$0x1C7C0] =	vst v63  }
0xeb: {  	_ =	swait.ge [sflag:s21], $0x2000  }
0xec: {  	[sflag:s21] =	ssyncset.done $0x0  }
0xed: {  	[sflag:s21] =	ssyncadd.s32 $0xFFFFE000  }
0xee: {  	[spmem:s2] =	stream.indirect.scatter.add.f32 [tilespmem:s1], [sflag:$0x2], $0x40, s8, s28, $0xb8;
	[tilespmem:$0x1C7C0] =	vst v63  }
0xef: {  	_ =	swait.ge [sflag:s21], $0x2000  }
0xf0: {  	[sflag:s21] =	ssyncset.done $0x0  }
0xf1: {  	[sflag:s21] =	ssyncadd.s32 $0xFFFFE000  }
0xf2: {  	[spmem:s2] =	stream.indirect.scatter.add.f32 [tilespmem:s5], [sflag:$0x2], $0x40, s9, s28, $0xb8;
	[tilespmem:$0x1C7C0] =	vst v63  }
0xf3: {  	_ =	swait.ge [sflag:s11], $0x2000  }
0xf4: {  	[sflag:s11] =	ssyncset.done $0x0  }
0xf5: {  	[sflag:s11] =	ssyncadd.s32 $0xFFFFE000  }
0xf6: {  	_ =	swait.ge [sflag:s11], $0x2000  }
0xf7: {  	[sflag:s11] =	ssyncset.done $0x0  }
0xf8: {  	[sflag:s11] =	ssyncadd.s32 $0xFFFFE000  }
0xf9: {  	_ =	swait.ge [sflag:s11], $0x2000  }
0xfa: {  	[sflag:s11] =	ssyncset.done $0x0  }
0xfb: {  	[sflag:s11] =	ssyncadd.s32 $0xFFFFE000  }
0xfc: {  	_ =	swait.ge [sflag:s11], $0x2000  }
0xfd: {  	[sflag:s11] =	ssyncset.done $0x0  }
0xfe: {  	[sflag:s11] =	ssyncadd.s32 $0xFFFFE000  }
0xff: {  	[bflag:$0x0] =	sbarrier.arrive $0xFFFF  }
0x100: {  	s16 =	simm.s32 $0x0;
	s15 =	rddreg [dreg:$0x6]  }
0x101: {  	[tilespmem:s23], [sflag:$0x1] =	stream.linear.gather [spmem:s15], $0x5000, $0x38;
	[tilespmem:$0x1C7C0] =	vst v63  }
0x102: {  	v0 =	vmov s16;
	_ =	swait.ge [sflag:s21], $0x5000  }
0x103: {  	[sflag:s21] =	ssyncset.done $0x0  }
0x104: {  	s15 =	simm.s32 $0x83E0;
	[sflag:s21] =	ssyncadd.s32 $0xFFFFB000  }
0x105: {  	v2 =	vld [tilespmem:s15+$0xFFFFFFF0]  }
0x106: {  	v3 =	vld [tilespmem:s15+$0x10]  }
0x107: {  	v5 =	vld.idx.msk [tilespmem:v0+s20+$0x0], $0xffff  }
0x108: {  	v0 =	vld [tilespmem:s15+$0xFFFFFFE0]  }
0x109: {  	v6 =	vld [tilespmem:s15+$0x0];
	_ =	sdelay $0x3  }
0x10a: {  	s17 =	simm.s32 $0x1;
	v1 =	vmul.f32 v0, v5;
	v4 =	vmul.f32 v3, v5  }
0x10b: {  	s16 =	simm.s32 $0x2;
	v0 =	vmov s17;
	v3 =	vmul.f32 v2, v5;
	v2 =	vmul.f32 v6, v5;
	s17 =	simm.s32 $0x83E0  }
.LBB2_8:
0x10c: {  	p0 =	sne.s32 s16, $0x13F  }
0x10d: {  	[tilespmem:s15+$0x10] =	vst v4;
	s17 =	sadd.s32 $0x40, s17;
	s7 =	smov.u32 s16;
	s16 =	sadd.s32 $0x1, s16  }
0x10e: {  	[tilespmem:s15+$0xFFFFFFE0] =	vst v1  }
0x10f: {  	v5 =	vld [tilespmem:s17+$0xFFFFFFF0];
	[tilespmem:s15+$0xFFFFFFF0] =	vst v3  }
0x110: {  	v3 =	vld [tilespmem:s17+$0x10];
	[tilespmem:s15+$0x0] =	vst v2;
	s15 =	smov.u32 s17  }
0x111: {  	v2 =	vld.idx.msk [tilespmem:v0+s20+$0x0], $0xffff  }
0x112: {  	v0 =	vld [tilespmem:s17+$0xFFFFFFE0]  }
0x113: {  	v6 =	vld [tilespmem:s17+$0x0]  }
.Ltmp3:
0x114: {  	(pc) =	sbr.rel @p0 .LBB2_8-.Ltmp3, $3  }
0x115: {  	_ =	sdelay $0x1  }
0x116: {  	v4 =	vmul.f32 v3, v2;
	v1 =	vmul.f32 v0, v2  }
0x117: {  	v3 =	vmul.f32 v5, v2;
	v0 =	vmov s7;
	v2 =	vmul.f32 v6, v2  }
0x118: {  	[tilespmem:s15+$0x10] =	vst v4  }
0x119: {  	s7 =	sadd.s32 $0x40, s17;
	[tilespmem:s15+$0xFFFFFFE0] =	vst v1  }
0x11a: {  	v1 =	vld [tilespmem:s7+$0xFFFFFFF0];
	[tilespmem:s15+$0xFFFFFFF0] =	vst v3  }
0x11b: {  	v3 =	vld [tilespmem:s7+$0x10];
	[tilespmem:s15+$0x0] =	vst v2  }
0x11c: {  	v0 =	vld.idx.msk [tilespmem:v0+s20+$0x0], $0xffff  }
0x11d: {  	v2 =	vld [tilespmem:s7+$0xFFFFFFE0];
	_ =	sdelay $0x1  }
0x11e: {  	v4 =	vld [tilespmem:s7+$0x0];
	_ =	sdelay $0x1  }
0x11f: {  	v3 =	vmul.f32 v3, v0  }
0x120: {  	v2 =	vmul.f32 v2, v0  }
0x121: {  	v1 =	vmul.f32 v1, v0;
	[tilespmem:s7+$0x10] =	vst v3  }
0x122: {  	v0 =	vmul.f32 v4, v0;
	[tilespmem:s7+$0xFFFFFFE0] =	vst v2  }
0x123: {  	[tilespmem:s7+$0xFFFFFFF0] =	vst v1  }
0x124: {  	s16 =	rddreg [dreg:$0x6];
	[tilespmem:s7+$0x0] =	vst v0  }
0x125: {  	[spmem:s16] =	stream.linear.scatter [tilespmem:s23], [sflag:$0x1], $0x5000, $0x38;
	[tilespmem:$0x1C7C0] =	vst v63  }
0x126: {  	_ =	swait.ge [sflag:s21], $0x5000  }
0x127: {  	[sflag:s21] =	ssyncset.done $0x0;
	s17 =	rddreg [dreg:$0x9]  }
0x128: {  	s10 =	rddreg [dreg:$0xb];
	[sflag:s21] =	ssyncadd.s32 $0xFFFFB000;
	s7 =	sshrl.u32 s17, $0x3  }
0x129: {  	[spmem:s7], [sflag:s14] =	dma.local [hbm:s10], $0xA00  }
0x12a: {  	_ =	swait.ge [sflag:s21], $0xA00  }
0x12b: {  	[sflag:s21] =	ssyncset.done $0x0  }
0x12c: {  	s10 =	sshrl.u32 s12, $0x3;
	s15 =	rddreg [dreg:$0xc];
	[sflag:s21] =	ssyncadd.s32 $0xFFFFF600  }
0x12d: {  	[spmem:s10], [sflag:s14] =	dma.local [hbm:s15], $0xA00  }
0x12e: {  	_ =	swait.ge [sflag:s21], $0xA00  }
0x12f: {  	[sflag:s21] =	ssyncset.done $0x0  }
0x130: {  	[sflag:s21] =	ssyncadd.s32 $0xFFFFF600  }
0x131: {  	s16 =	sadd.s32 $0x0, s18;
	[bflag:$0x0] =	sbarrier.arrive $0xFFFF  }
0x132: {  	[tilespmem:s24], [sflag:$0x3] =	stream.linear.gather [hbm4b:s16+s4], $0x200, $0x38;
	[tilespmem:$0x1C7C0] =	vst v63  }
0x133: {  	_ =	swait.ge [sflag:s25], $0x200  }
0x134: {  	[sflag:s25] =	ssyncset.done $0x0  }
0x135: {  	s17 =	sadd.s32 $0x0, s19;
	[sflag:s25] =	ssyncadd.s32 $0xFFFFFE00  }
0x136: {  	[tilespmem:s26], [sflag:$0x3] =	stream.linear.gather [hbm4b:s17+s4], $0x200, $0x38;
	[tilespmem:$0x1C7C0] =	vst v63  }
0x137: {  	_ =	swait.ge [sflag:s25], $0x200  }
0x138: {  	[sflag:s25] =	ssyncset.done $0x0  }
0x139: {  	[sflag:s25] =	ssyncadd.s32 $0xFFFFFE00  }
0x13a: {  	[tilespmem:s4], [sflag:$0x1] =	stream.indirect.gather [spmem:s2], $0x40, s24, s28, $0xb8;
	[tilespmem:$0x1C7C0] =	vst v63  }
0x13b: {  	_ = 	snop  }
0x13c: {  	[tilespmem:s30], [sflag:$0x1] =	stream.indirect.gather [spmem:s2], $0x40, s29, s28, $0xb8;
	[tilespmem:$0x1C7C0] =	vst v63  }
0x13d: {  	_ = 	snop  }
0x13e: {  	[tilespmem:s1], [sflag:$0x1] =	stream.indirect.gather [spmem:s2], $0x40, s31, s28, $0xb8;
	[tilespmem:$0x1C7C0] =	vst v63  }
0x13f: {  	_ = 	snop  }
0x140: {  	[tilespmem:s5], [sflag:$0x1] =	stream.indirect.gather [spmem:s2], $0x40, s0, s28, $0xb8;
	[tilespmem:$0x1C7C0] =	vst v63  }
0x141: {  	_ =	swait.ge [sflag:s21], $0x2000  }
0x142: {  	[sflag:s21] =	ssyncset.done $0x0  }
0x143: {  	[sflag:s21] =	ssyncadd.s32 $0xFFFFE000  }
0x144: {  	[spmem:s3] =	stream.indirect.scatter.add.f32 [tilespmem:s4], [sflag:$0x2], $0x40, s26, s28, $0xb8;
	[tilespmem:$0x1C7C0] =	vst v63  }
0x145: {  	_ =	swait.ge [sflag:s21], $0x2000  }
0x146: {  	[sflag:s21] =	ssyncset.done $0x0  }
0x147: {  	[sflag:s21] =	ssyncadd.s32 $0xFFFFE000  }
0x148: {  	[spmem:s3] =	stream.indirect.scatter.add.f32 [tilespmem:s30], [sflag:$0x2], $0x40, s6, s28, $0xb8;
	[tilespmem:$0x1C7C0] =	vst v63  }
0x149: {  	_ =	swait.ge [sflag:s21], $0x2000  }
0x14a: {  	[sflag:s21] =	ssyncset.done $0x0  }
0x14b: {  	[sflag:s21] =	ssyncadd.s32 $0xFFFFE000  }
0x14c: {  	[spmem:s3] =	stream.indirect.scatter.add.f32 [tilespmem:s1], [sflag:$0x2], $0x40, s8, s28, $0xb8;
	[tilespmem:$0x1C7C0] =	vst v63  }
0x14d: {  	_ =	swait.ge [sflag:s21], $0x2000  }
0x14e: {  	[sflag:s21] =	ssyncset.done $0x0  }
0x14f: {  	[sflag:s21] =	ssyncadd.s32 $0xFFFFE000  }
0x150: {  	[spmem:s3] =	stream.indirect.scatter.add.f32 [tilespmem:s5], [sflag:$0x2], $0x40, s9, s28, $0xb8;
	[tilespmem:$0x1C7C0] =	vst v63  }
0x151: {  	_ =	swait.ge [sflag:s11], $0x2000  }
0x152: {  	[sflag:s11] =	ssyncset.done $0x0  }
0x153: {  	[sflag:s11] =	ssyncadd.s32 $0xFFFFE000  }
0x154: {  	_ =	swait.ge [sflag:s11], $0x2000  }
0x155: {  	[sflag:s11] =	ssyncset.done $0x0  }
0x156: {  	[sflag:s11] =	ssyncadd.s32 $0xFFFFE000  }
0x157: {  	_ =	swait.ge [sflag:s11], $0x2000  }
0x158: {  	[sflag:s11] =	ssyncset.done $0x0  }
0x159: {  	[sflag:s11] =	ssyncadd.s32 $0xFFFFE000  }
0x15a: {  	_ =	swait.ge [sflag:s11], $0x2000  }
0x15b: {  	s14 =	simm.s32 $0x40;
	s16 =	simm.s32 $0x80;
	[sflag:s11] =	ssyncset.done $0x0  }
.LBB2_10:
0x15c: {  	s7 =	sadd.s32 s14, s18  }
0x15d: {  	[sflag:s11] =	ssyncadd.s32 $0xFFFFE000;
	s10 =	smov.u32 s16;
	s15 =	sadd.s32 $0x40, s16  }
0x15e: {  	[tilespmem:s24], [sflag:$0x3] =	stream.linear.gather [hbm4b:s7+s4], $0x200, $0x38;
	[tilespmem:$0x1C7C0] =	vst v63  }
0x15f: {  	p0 =	sne.s32 s16, $0x9C0;
	_ =	swait.ge [sflag:s25], $0x200  }
0x160: {  	[sflag:s25] =	ssyncset.done $0x0  }
0x161: {  	s7 =	sadd.s32 s14, s19;
	s14 =	smov.u32 s10;
	[sflag:s25] =	ssyncadd.s32 $0xFFFFFE00  }
0x162: {  	[tilespmem:s26], [sflag:$0x3] =	stream.linear.gather [hbm4b:s7+s4], $0x200, $0x38;
	[tilespmem:$0x1C7C0] =	vst v63  }
0x163: {  	_ =	swait.ge [sflag:s25], $0x200  }
0x164: {  	[sflag:s25] =	ssyncset.done $0x0  }
0x165: {  	[sflag:s25] =	ssyncadd.s32 $0xFFFFFE00  }
0x166: {  	[tilespmem:s4], [sflag:$0x1] =	stream.indirect.gather [spmem:s2], $0x40, s24, s28, $0xb8;
	[tilespmem:$0x1C7C0] =	vst v63  }
0x167: {  	_ = 	snop  }
0x168: {  	[tilespmem:s30], [sflag:$0x1] =	stream.indirect.gather [spmem:s2], $0x40, s29, s28, $0xb8;
	[tilespmem:$0x1C7C0] =	vst v63  }
0x169: {  	_ = 	snop  }
0x16a: {  	[tilespmem:s1], [sflag:$0x1] =	stream.indirect.gather [spmem:s2], $0x40, s31, s28, $0xb8;
	[tilespmem:$0x1C7C0] =	vst v63  }
0x16b: {  	_ = 	snop  }
0x16c: {  	[tilespmem:s5], [sflag:$0x1] =	stream.indirect.gather [spmem:s2], $0x40, s0, s28, $0xb8;
	[tilespmem:$0x1C7C0] =	vst v63  }
0x16d: {  	_ =	swait.ge [sflag:s21], $0x2000  }
0x16e: {  	[sflag:s21] =	ssyncset.done $0x0  }
0x16f: {  	[sflag:s21] =	ssyncadd.s32 $0xFFFFE000  }
0x170: {  	[spmem:s3] =	stream.indirect.scatter.add.f32 [tilespmem:s4], [sflag:$0x2], $0x40, s26, s28, $0xb8;
	[tilespmem:$0x1C7C0] =	vst v63  }
0x171: {  	_ =	swait.ge [sflag:s21], $0x2000  }
0x172: {  	[sflag:s21] =	ssyncset.done $0x0  }
0x173: {  	[sflag:s21] =	ssyncadd.s32 $0xFFFFE000  }
0x174: {  	[spmem:s3] =	stream.indirect.scatter.add.f32 [tilespmem:s30], [sflag:$0x2], $0x40, s6, s28, $0xb8;
	[tilespmem:$0x1C7C0] =	vst v63  }
0x175: {  	_ =	swait.ge [sflag:s21], $0x2000  }
0x176: {  	[sflag:s21] =	ssyncset.done $0x0  }
0x177: {  	[sflag:s21] =	ssyncadd.s32 $0xFFFFE000  }
0x178: {  	[spmem:s3] =	stream.indirect.scatter.add.f32 [tilespmem:s1], [sflag:$0x2], $0x40, s8, s28, $0xb8;
	[tilespmem:$0x1C7C0] =	vst v63  }
0x179: {  	_ =	swait.ge [sflag:s21], $0x2000  }
0x17a: {  	[sflag:s21] =	ssyncset.done $0x0  }
0x17b: {  	[sflag:s21] =	ssyncadd.s32 $0xFFFFE000  }
0x17c: {  	[spmem:s3] =	stream.indirect.scatter.add.f32 [tilespmem:s5], [sflag:$0x2], $0x40, s9, s28, $0xb8;
	[tilespmem:$0x1C7C0] =	vst v63  }
0x17d: {  	_ =	swait.ge [sflag:s11], $0x2000  }
0x17e: {  	[sflag:s11] =	ssyncset.done $0x0  }
0x17f: {  	[sflag:s11] =	ssyncadd.s32 $0xFFFFE000  }
0x180: {  	_ =	swait.ge [sflag:s11], $0x2000  }
0x181: {  	[sflag:s11] =	ssyncset.done $0x0  }
0x182: {  	[sflag:s11] =	ssyncadd.s32 $0xFFFFE000  }
.Ltmp4:
0x183: {  	_ =	swait.ge [sflag:s11], $0x2000;
	(pc) =	sbr.rel @p0 .LBB2_10-.Ltmp4, $4  }
0x184: {  	[sflag:s11] =	ssyncset.done $0x0  }
0x185: {  	[sflag:s11] =	ssyncadd.s32 $0xFFFFE000  }
0x186: {  	_ =	swait.ge [sflag:s11], $0x2000  }
0x187: {  	s16 =	smov.u32 s15;
	[sflag:s11] =	ssyncset.done $0x0  }
0x188: {  	s7 =	sadd.s32 s14, s18;
	[sflag:s11] =	ssyncadd.s32 $0xFFFFE000  }
0x189: {  	[tilespmem:s24], [sflag:$0x3] =	stream.linear.gather [hbm4b:s7+s4], $0x200, $0x38;
	[tilespmem:$0x1C7C0] =	vst v63  }
0x18a: {  	_ =	swait.ge [sflag:s25], $0x200  }
0x18b: {  	[sflag:s25] =	ssyncset.done $0x0  }
0x18c: {  	s14 =	sadd.s32 s14, s19;
	[sflag:s25] =	ssyncadd.s32 $0xFFFFFE00  }
0x18d: {  	[tilespmem:s26], [sflag:$0x3] =	stream.linear.gather [hbm4b:s14+s4], $0x200, $0x38;
	[tilespmem:$0x1C7C0] =	vst v63  }
0x18e: {  	_ =	swait.ge [sflag:s25], $0x200  }
0x18f: {  	[sflag:s25] =	ssyncset.done $0x0  }
0x190: {  	[sflag:s25] =	ssyncadd.s32 $0xFFFFFE00  }
0x191: {  	[tilespmem:s4], [sflag:$0x1] =	stream.indirect.gather [spmem:s2], $0x40, s24, s28, $0xb8;
	[tilespmem:$0x1C7C0] =	vst v63  }
0x192: {  	_ = 	snop  }
0x193: {  	[tilespmem:s30], [sflag:$0x1] =	stream.indirect.gather [spmem:s2], $0x40, s29, s28, $0xb8;
	[tilespmem:$0x1C7C0] =	vst v63  }
0x194: {  	_ = 	snop  }
0x195: {  	[tilespmem:s1], [sflag:$0x1] =	stream.indirect.gather [spmem:s2], $0x40, s31, s28, $0xb8;
	[tilespmem:$0x1C7C0] =	vst v63  }
0x196: {  	_ = 	snop  }
0x197: {  	[tilespmem:s5], [sflag:$0x1] =	stream.indirect.gather [spmem:s2], $0x40, s0, s28, $0xb8;
	[tilespmem:$0x1C7C0] =	vst v63  }
0x198: {  	_ =	swait.ge [sflag:s21], $0x2000  }
0x199: {  	[sflag:s21] =	ssyncset.done $0x0  }
0x19a: {  	[sflag:s21] =	ssyncadd.s32 $0xFFFFE000  }
0x19b: {  	[spmem:s3] =	stream.indirect.scatter.add.f32 [tilespmem:s4], [sflag:$0x2], $0x40, s26, s28, $0xb8;
	[tilespmem:$0x1C7C0] =	vst v63  }
0x19c: {  	_ =	swait.ge [sflag:s21], $0x2000  }
0x19d: {  	[sflag:s21] =	ssyncset.done $0x0  }
0x19e: {  	[sflag:s21] =	ssyncadd.s32 $0xFFFFE000  }
0x19f: {  	[spmem:s3] =	stream.indirect.scatter.add.f32 [tilespmem:s30], [sflag:$0x2], $0x40, s6, s28, $0xb8;
	[tilespmem:$0x1C7C0] =	vst v63  }
0x1a0: {  	_ =	swait.ge [sflag:s21], $0x2000  }
0x1a1: {  	[sflag:s21] =	ssyncset.done $0x0  }
0x1a2: {  	[sflag:s21] =	ssyncadd.s32 $0xFFFFE000  }
0x1a3: {  	[spmem:s3] =	stream.indirect.scatter.add.f32 [tilespmem:s1], [sflag:$0x2], $0x40, s8, s28, $0xb8;
	[tilespmem:$0x1C7C0] =	vst v63  }
0x1a4: {  	_ =	swait.ge [sflag:s21], $0x2000  }
0x1a5: {  	[sflag:s21] =	ssyncset.done $0x0  }
0x1a6: {  	[sflag:s21] =	ssyncadd.s32 $0xFFFFE000  }
0x1a7: {  	[spmem:s3] =	stream.indirect.scatter.add.f32 [tilespmem:s5], [sflag:$0x2], $0x40, s9, s28, $0xb8;
	[tilespmem:$0x1C7C0] =	vst v63  }
0x1a8: {  	_ =	swait.ge [sflag:s11], $0x2000  }
0x1a9: {  	[sflag:s11] =	ssyncset.done $0x0  }
0x1aa: {  	[sflag:s11] =	ssyncadd.s32 $0xFFFFE000  }
0x1ab: {  	_ =	swait.ge [sflag:s11], $0x2000  }
0x1ac: {  	[sflag:s11] =	ssyncset.done $0x0  }
0x1ad: {  	[sflag:s11] =	ssyncadd.s32 $0xFFFFE000  }
0x1ae: {  	_ =	swait.ge [sflag:s11], $0x2000  }
0x1af: {  	[sflag:s11] =	ssyncset.done $0x0  }
0x1b0: {  	[sflag:s11] =	ssyncadd.s32 $0xFFFFE000  }
0x1b1: {  	_ =	swait.ge [sflag:s11], $0x2000  }
0x1b2: {  	[sflag:s11] =	ssyncset.done $0x0  }
0x1b3: {  	[sflag:s11] =	ssyncadd.s32 $0xFFFFE000  }
0x1b4: {  	[bflag:$0x0] =	sbarrier.arrive $0xFFFF  }
0x1b5: {  	s16 =	simm.s32 $0x0;
	s15 =	rddreg [dreg:$0x9]  }
0x1b6: {  	[tilespmem:s23], [sflag:$0x1] =	stream.linear.gather [spmem:s15], $0x5000, $0x38;
	[tilespmem:$0x1C7C0] =	vst v63  }
0x1b7: {  	v0 =	vmov s16;
	_ =	swait.ge [sflag:s21], $0x5000  }
0x1b8: {  	[sflag:s21] =	ssyncset.done $0x0  }
0x1b9: {  	s14 =	simm.s32 $0x83E0;
	[sflag:s21] =	ssyncadd.s32 $0xFFFFB000  }
0x1ba: {  	v1 =	vld [tilespmem:s14+$0xFFFFFFF0]  }
0x1bb: {  	v2 =	vld [tilespmem:s14+$0x10]  }
0x1bc: {  	v0 =	vld.idx.msk [tilespmem:v0+s22+$0x0], $0xffff  }
0x1bd: {  	v3 =	vld [tilespmem:s14+$0xFFFFFFE0]  }
0x1be: {  	v4 =	vld [tilespmem:s14+$0x0];
	_ =	sdelay $0x3  }
0x1bf: {  	v3 =	vmul.f32 v3, v0;
	v5 =	vmul.f32 v2, v0  }
0x1c0: {  	s17 =	simm.s32 $0x1;
	v2 =	vmul.f32 v1, v0;
	v1 =	vmul.f32 v4, v0  }
0x1c1: {  	s16 =	simm.s32 $0x83E0;
	s15 =	simm.s32 $0x2;
	v0 =	vmov s17;
	v3 =	vmax.f32 v3, $0.0e+00;
	v4 =	vmax.f32 v5, $0.0e+00  }
.LBB2_12:
0x1c2: {  	p0 =	sne.s32 s15, $0x13F  }
0x1c3: {  	v2 =	vmax.f32 v2, $0.0e+00;
	v1 =	vmax.f32 v1, $0.0e+00;
	[tilespmem:s14+$0x10] =	vst v4;
	s16 =	sadd.s32 $0x40, s16;
	s7 =	smov.u32 s15;
	s15 =	sadd.s32 $0x1, s15  }
0x1c4: {  	[tilespmem:s14+$0xFFFFFFE0] =	vst v3  }
0x1c5: {  	v3 =	vld [tilespmem:s16+$0xFFFFFFF0];
	[tilespmem:s14+$0xFFFFFFF0] =	vst v2  }
0x1c6: {  	v2 =	vld [tilespmem:s16+$0x10];
	[tilespmem:s14+$0x0] =	vst v1;
	s14 =	smov.u32 s16  }
0x1c7: {  	v0 =	vld.idx.msk [tilespmem:v0+s22+$0x0], $0xffff  }
0x1c8: {  	v1 =	vld [tilespmem:s16+$0xFFFFFFE0]  }
0x1c9: {  	v4 =	vld [tilespmem:s16+$0x0];
	_ =	sdelay $0x1  }
.Ltmp5:
0x1ca: {  	(pc) =	sbr.rel @p0 .LBB2_12-.Ltmp5, $4  }
0x1cb: {  	_ = 	snop  }
0x1cc: {  	v6 =	vmul.f32 v2, v0;
	v5 =	vmul.f32 v1, v0  }
0x1cd: {  	v2 =	vmul.f32 v3, v0;
	v1 =	vmul.f32 v4, v0  }
0x1ce: {  	v0 =	vmov s7;
	v4 =	vmax.f32 v6, $0.0e+00;
	v3 =	vmax.f32 v5, $0.0e+00  }
0x1cf: {  	[tilespmem:s14+$0x10] =	vst v4  }
0x1d0: {  	s7 =	sadd.s32 $0x40, s16;
	[tilespmem:s14+$0xFFFFFFE0] =	vst v3;
	v2 =	vmax.f32 v2, $0.0e+00  }
0x1d1: {  	v1 =	vmax.f32 v1, $0.0e+00;
	v3 =	vld [tilespmem:s7+$0xFFFFFFF0];
	[tilespmem:s14+$0xFFFFFFF0] =	vst v2  }
0x1d2: {  	v2 =	vld [tilespmem:s7+$0x10];
	[tilespmem:s14+$0x0] =	vst v1  }
0x1d3: {  	v0 =	vld.idx.msk [tilespmem:v0+s22+$0x0], $0xffff  }
0x1d4: {  	v1 =	vld [tilespmem:s7+$0xFFFFFFE0]  }
0x1d5: {  	v4 =	vld [tilespmem:s7+$0x0];
	_ =	sdelay $0x2  }
0x1d6: {  	v2 =	vmul.f32 v2, v0  }
0x1d7: {  	v1 =	vmul.f32 v1, v0  }
0x1d8: {  	v3 =	vmul.f32 v3, v0;
	v0 =	vmul.f32 v4, v0;
	v2 =	vmax.f32 v2, $0.0e+00  }
0x1d9: {  	v1 =	vmax.f32 v1, $0.0e+00;
	[tilespmem:s7+$0x10] =	vst v2  }
0x1da: {  	v0 =	vmax.f32 v0, $0.0e+00;
	[tilespmem:s7+$0xFFFFFFE0] =	vst v1  }
0x1db: {  	v2 =	vmax.f32 v3, $0.0e+00;
	[tilespmem:s7+$0x0] =	vst v0  }
0x1dc: {  	s15 =	rddreg [dreg:$0xd];
	[tilespmem:s7+$0xFFFFFFF0] =	vst v2  }
0x1dd: {  	[hbm4b:s15+s4] =	stream.linear.scatter [tilespmem:s23], [sflag:$0x1], $0x5000, $0x38;
	[tilespmem:$0x1C7C0] =	vst v63  }
0x1de: {  	_ =	swait.ge [sflag:s21], $0x5000  }
0x1df: {  	[sflag:s21] =	ssyncset.done $0x0  }
0x1e0: {  	s16 =	simm.s32 $0x140;
	[sflag:s21] =	ssyncadd.s32 $0xFFFFB000  }
0x1e1: {  	[tilespmem:s23], [sflag:$0x1] =	stream.linear.gather [spmem:s12], $0x5000, $0x38;
	[tilespmem:$0x1C7C0] =	vst v63  }
0x1e2: {  	v0 =	vmov s16;
	_ =	swait.ge [sflag:s21], $0x5000  }
0x1e3: {  	[sflag:s21] =	ssyncset.done $0x0  }
0x1e4: {  	s14 =	simm.s32 $0x83E0;
	[sflag:s21] =	ssyncadd.s32 $0xFFFFB000  }
0x1e5: {  	v1 =	vld [tilespmem:s14+$0xFFFFFFF0]  }
0x1e6: {  	v2 =	vld [tilespmem:s14+$0x10]  }
0x1e7: {  	v0 =	vld.idx.msk [tilespmem:v0+s22+$0x0], $0xffff  }
0x1e8: {  	v3 =	vld [tilespmem:s14+$0xFFFFFFE0]  }
0x1e9: {  	v4 =	vld [tilespmem:s14+$0x0];
	_ =	sdelay $0x3  }
0x1ea: {  	v3 =	vmul.f32 v3, v0;
	v5 =	vmul.f32 v2, v0  }
0x1eb: {  	s17 =	simm.s32 $0x141;
	v2 =	vmul.f32 v1, v0;
	v1 =	vmul.f32 v4, v0  }
0x1ec: {  	s16 =	simm.s32 $0x83E0;
	s15 =	simm.s32 $0x142;
	v0 =	vmov s17;
	v3 =	vmax.f32 v3, $0.0e+00;
	v4 =	vmax.f32 v5, $0.0e+00  }
.LBB2_14:
0x1ed: {  	p0 =	sne.s32 s15, $0x27F  }
0x1ee: {  	v2 =	vmax.f32 v2, $0.0e+00;
	v1 =	vmax.f32 v1, $0.0e+00;
	[tilespmem:s14+$0x10] =	vst v4;
	s16 =	sadd.s32 $0x40, s16;
	s7 =	smov.u32 s15;
	s15 =	sadd.s32 $0x1, s15  }
0x1ef: {  	[tilespmem:s14+$0xFFFFFFE0] =	vst v3  }
0x1f0: {  	v3 =	vld [tilespmem:s16+$0xFFFFFFF0];
	[tilespmem:s14+$0xFFFFFFF0] =	vst v2  }
0x1f1: {  	v2 =	vld [tilespmem:s16+$0x10];
	[tilespmem:s14+$0x0] =	vst v1;
	s14 =	smov.u32 s16  }
0x1f2: {  	v0 =	vld.idx.msk [tilespmem:v0+s22+$0x0], $0xffff  }
0x1f3: {  	v1 =	vld [tilespmem:s16+$0xFFFFFFE0]  }
0x1f4: {  	v4 =	vld [tilespmem:s16+$0x0];
	_ =	sdelay $0x1  }
.Ltmp6:
0x1f5: {  	(pc) =	sbr.rel @p0 .LBB2_14-.Ltmp6, $4  }
0x1f6: {  	_ = 	snop  }
0x1f7: {  	v6 =	vmul.f32 v2, v0;
	v5 =	vmul.f32 v1, v0  }
0x1f8: {  	v2 =	vmul.f32 v3, v0;
	v1 =	vmul.f32 v4, v0  }
0x1f9: {  	v0 =	vmov s7;
	v4 =	vmax.f32 v6, $0.0e+00;
	v3 =	vmax.f32 v5, $0.0e+00  }
0x1fa: {  	[tilespmem:s14+$0x10] =	vst v4  }
0x1fb: {  	s7 =	sadd.s32 $0x40, s16;
	[tilespmem:s14+$0xFFFFFFE0] =	vst v3;
	v2 =	vmax.f32 v2, $0.0e+00  }
0x1fc: {  	v1 =	vmax.f32 v1, $0.0e+00;
	v3 =	vld [tilespmem:s7+$0xFFFFFFF0];
	[tilespmem:s14+$0xFFFFFFF0] =	vst v2  }
0x1fd: {  	v2 =	vld [tilespmem:s7+$0x10];
	[tilespmem:s14+$0x0] =	vst v1  }
0x1fe: {  	v0 =	vld.idx.msk [tilespmem:v0+s22+$0x0], $0xffff  }
0x1ff: {  	v1 =	vld [tilespmem:s7+$0xFFFFFFE0];
	_ =	sdelay $0x1  }
0x200: {  	v4 =	vld [tilespmem:s7+$0x0];
	_ =	sdelay $0x1  }
0x201: {  	v2 =	vmul.f32 v2, v0  }
0x202: {  	v1 =	vmul.f32 v1, v0  }
0x203: {  	v3 =	vmul.f32 v3, v0;
	v2 =	vmax.f32 v2, $0.0e+00  }
0x204: {  	v0 =	vmul.f32 v4, v0;
	v1 =	vmax.f32 v1, $0.0e+00;
	[tilespmem:s7+$0x10] =	vst v2  }
0x205: {  	v63 =	vmax.f32 v3, $0.0e+00;
	[tilespmem:s7+$0xFFFFFFE0] =	vst v1  }
0x206: {  	v0 =	vmax.f32 v0, $0.0e+00;
	[tilespmem:s7+$0xFFFFFFF0] =	vst v63  }
0x207: {  	s16 =	rddreg [dreg:$0xe];
	[tilespmem:s7+$0x0] =	vst v0  }
0x208: {  	[hbm4b:s16+s4] =	stream.linear.scatter [tilespmem:s23], [sflag:$0x1], $0x5000, $0x38;
	[tilespmem:$0x1C7C0] =	vst v63  }
0x209: {  	_ =	swait.ge [sflag:s21], $0x5000  }
0x20a: {  	s13 =	sadd.s32 $0x1, s13;
	s17 =	rddreg [dreg:$0xf]  }
0x20b: {  	p0 =	sne.s32 s13, s17  }
.Ltmp7:
0x20c: {  	_ = 	snop;
	(pc) =	sbr.rel @p0 .LBB2_1-.Ltmp7, $3  }
0x20d: {  	_ =	sdelay $0x1  }
0x20e: {  	[sflag:s21] =	ssyncset.done $0x0  }
0x20f: {  	[sflag:s21] =	ssyncadd.s32 $0xFFFFB000  }
0x210: {  	_ =	sfence.sel $0x180000  }
0x211: {  	[bflag:$0x0] =	sbarrier.arrive $0xFFFF  }
0x212: {  	_ =	strace $0x9000004D  }
0x213: {  	s0 =	stileid.u32;
	[bflag:$0x2] =	sbarrier.arrive $0xFFFF  }
0x214: {  	p0 =	sne.s32 s0, $0x0;
	s0 =	rddreg [dreg:$0x3]  }
0x215: {  	s0 =	sadd.s32 @!p0 $0x100000, s0  }
0x216: {  	[sflag:s0] =	ssyncadd.tile.s32 @!p0 $0x1;
	_ =	shalt  }
.Lfunc_end2:
_tile_overlayer_lowered:
.L_overlay_start_2:
0x217: {  	(tag) =	ssettag $0x2  }
0x218: {  	s0 =	rddreg [dreg:$0x0];
	s2 =	stileid.u32  }
0x219: {  	s1 =	rddreg [dreg:$0x1];
	p0 =	sne.s32 s2, $0x0  }
0x21a: {  	s3 =	rddreg [dreg:$0x2];
	[bflag:$0x3] =	sbarrier.arrive $0xFFFF;
	s2 =	simm.s32 @!p0 $0x1C01  }
0x21b: {  	[timem:s3], [sflag:s2] =	dma.local @!p0 [hbm:s0], s1  }
0x21c: {  	s0 =	simm.s32 @!p0 $0x1  }
0x21d: {  	_ =	swait.ge @!p0 [sflag:s0], s1  }
0x21e: {  	s1 =	ssub.s32 @!p0 $0x0, s1;
	[sflag:s0] =	ssyncset.done @!p0 $0x0  }
0x21f: {  	[sflag:s0] =	ssyncadd.s32 @!p0 s1  }
0x220: {  	[bflag:$0x3] =	sbarrier.arrive $0xFFFF  }
0x221: {  	_ =	shalt  }

// kernel: kernel.8.cloned.1.call-start
scs
__scs_entry_jumppad:
0x0: {  	(pc) =	sbr.rel $0x88, $3  }
0x1: {  	(tag) =	ssettag $0x0;
	lr =	simm.s32 $0x1  }
0x2: {  	[smem:$0x3F8E] =	sst lr;
	_ =	strace $0xD0000000  }
0x3: {  	_ = 	snop  }
0x4: {  	_ = 	snop  }
0x5: {  	_ = 	snop  }
0x6: {  	_ = 	snop  }
0x7: {  	_ = 	snop  }
__scs_overlays_trampoline_lowered:
0x8: {  	[smem:$0x3F9D] =	sst s0  }
0x9: {  	[smem:$0x3F9E] =	sst s1  }
0xa: {  	[smem:$0x3F9F] =	sst s2  }
0xb: {  	[smem:$0x3FA0] =	sst s3  }
0xc: {  	[smem:$0x3FA1] =	sst s4  }
0xd: {  	[smem:$0x3FA2] =	sst s5  }
0xe: {  	[smem:$0x3FA3] =	sst s6  }
0xf: {  	[smem:$0x3FA4] =	sst s7  }
0x10: {  	[smem:$0x3FA5] =	sst s8  }
0x11: {  	[smem:$0x3FA6] =	sst s9;
	s0 =	simm.s32 @!p0 $0x0  }
0x12: {  	s1 =	sld [smem:$0x3F8C];
	s0 =	simm.s32 @p0 $0x1  }
0x13: {  	[smem:$0x3FA7] =	sst s0;
	s0 =	simm.s32 @!p1 $0x0  }
0x14: {  	s2 =	sld [smem:$0x3F8B];
	s0 =	simm.s32 @p1 $0x1  }
0x15: {  	[smem:$0x3FA8] =	sst s0;
	s0 =	simm.s32 @!p2 $0x0  }
0x16: {  	s3 =	sld [smem:$0x3FDB];
	s0 =	simm.s32 @p2 $0x1  }
0x17: {  	s4 =	simm.s32 $0x1BF5;
	[smem:$0x3FAA] =	sst s0  }
0x18: {  	s0 =	sld [smem:$0x3F8D];
	_ =	swait.ge [sflag:s4], $0x0  }
0x19: {  	s7 =	sld [smem:$0x3F8E]  }
0x1a: {  	s8 =	sadd.s32 $0xFFFFE003, lr  }
0x1b: {  	s9 =	sadd.s32 $0xFFFFFEF7, lr;
	s5 =	simm.s32 $0xFFFFFFFF;
	p2 =	slt.u32 s8, $0xFFFFF086  }
0x1c: {  	p1 =	slt.u32 s9, $0xF7A;
	s5 =	simm.s32 @!p2 $0x0  }
0x1d: {  	s5 =	simm.s32 @p1 $0x1;
	p0 =	seq.s32 s7, s2  }
0x1e: {  	s7 =	smul.u32 @!p0 $0xF7A, s2;
	p2 =	seq.s32 @!p0 s5, $0x0  }
0x1f: {  	s9 =	smul.u32 $0xF7A, s1;
	s8 =	simm.s32 @!p0 $0x1BF5;
	p2 =	por !p2, p0  }
0x20: {  	[sflag:s8] =	ssyncset.s32 @!p0 $0xFFFFF086;
	s6 =	sadd.s32 @!p0 s3, s7;
	s7 =	simm.s32 @!p0 $0x108  }
0x21: {  	s3 =	sadd.s32 s3, s9;
	s6 =	sadd.s32 @!p0 $0x88, s6;
	s7 =	simm.s32 @p2 $0x1082  }
0x22: {  	[simem:s7], [sflag:s8] =	dma.local @!p0 [hbm:s6], $0xF7A  }
0x23: {  	s9 =	sor.u32 $0xD0000000, s2;
	s6 =	simm.s32 $0x108;
	_ =	swait.ge @!p0 [sflag:s8], $0x0  }
0x24: {  	s3 =	sadd.s32 $0x88, s3;
	s6 =	simm.s32 @!p1 $0x1082;
	[sflag:s4] =	ssyncset.s32 $0xFFFFF086  }
0x25: {  	[simem:s6], [sflag:s4] =	dma.local [hbm:s3], $0xF7A  }
0x26: {  	[smem:$0x3F8E] =	sst s1;
	(tag) =	ssettag s2;
	_ =	strace s9  }
0x27: {  	s1 =	sld [smem:$0x3F9E]  }
0x28: {  	s2 =	sld [smem:$0x3F9F]  }
0x29: {  	s4 =	sld [smem:$0x3FA1]  }
0x2a: {  	p0 =	seq.s32 s5, $0x0;
	s5 =	sld [smem:$0x3FA2]  }
0x2b: {  	s6 =	sld [smem:$0x3FA3]  }
0x2c: {  	s7 =	sld [smem:$0x3FA4]  }
0x2d: {  	s3 =	simm.s32 $0x108;
	s8 =	sld [smem:$0x3FA5]  }
0x2e: {  	s3 =	simm.s32 @!p0 $0x1082;
	s9 =	sld [smem:$0x3FA6]  }
0x2f: {  	lr =	sadd.s32 s0, s3;
	s0 =	sld [smem:$0x3F9D]  }
0x30: {  	s3 =	sld [smem:$0x3FA0]  }
0x31: {  	[smem:$0x3FA9] =	sst s10  }
0x32: {  	s10 =	sld [smem:$0x3FA7];
	_ =	sdelay $0x3  }
0x33: {  	p0 =	seq.s32 s10, $0x1;
	s10 =	sld [smem:$0x3FA9];
	_ =	sdelay $0x3  }
0x34: {  	[smem:$0x3FA9] =	sst s10  }
0x35: {  	s10 =	sld [smem:$0x3FA8];
	_ =	sdelay $0x3  }
0x36: {  	p1 =	seq.s32 s10, $0x1;
	s10 =	sld [smem:$0x3FA9];
	_ =	sdelay $0x3  }
0x37: {  	[smem:$0x3FA9] =	sst s10  }
0x38: {  	s10 =	sld [smem:$0x3FAA]  }
0x39: {  	_ = 	snop;
	(pc) =	sbr.ind lr, $3  }
0x3a: {  	_ = 	snop  }
0x3b: {  	_ = 	snop  }
0x3c: {  	p2 =	seq.s32 s10, $0x1;
	s10 =	sld [smem:$0x3FA9]  }
0x3d: {  	_ =	shalt  }
0x3e: {  	_ =	shalt  }
0x3f: {  	_ =	shalt  }
0x40: {  	_ =	shalt  }
0x41: {  	_ =	shalt  }
0x42: {  	_ =	shalt  }
0x43: {  	_ =	shalt  }
0x44: {  	_ =	shalt  }
0x45: {  	_ =	shalt  }
0x46: {  	_ =	shalt  }
0x47: {  	_ =	shalt  }
0x48: {  	_ =	shalt  }
0x49: {  	_ =	shalt  }
0x4a: {  	_ =	shalt  }
0x4b: {  	_ =	shalt  }
0x4c: {  	_ =	shalt  }
0x4d: {  	_ =	shalt  }
0x4e: {  	_ =	shalt  }
0x4f: {  	_ =	shalt  }
0x50: {  	_ =	shalt  }
0x51: {  	_ =	shalt  }
0x52: {  	_ =	shalt  }
0x53: {  	_ =	shalt  }
0x54: {  	_ =	shalt  }
0x55: {  	_ =	shalt  }
0x56: {  	_ =	shalt  }
0x57: {  	_ =	shalt  }
0x58: {  	_ =	shalt  }
0x59: {  	_ =	shalt  }
0x5a: {  	_ =	shalt  }
0x5b: {  	_ =	shalt  }
0x5c: {  	_ =	shalt  }
0x5d: {  	_ =	shalt  }
0x5e: {  	_ =	shalt  }
0x5f: {  	_ =	shalt  }
0x60: {  	_ =	shalt  }
0x61: {  	_ =	shalt  }
0x62: {  	_ =	shalt  }
0x63: {  	_ =	shalt  }
0x64: {  	_ =	shalt  }
0x65: {  	_ =	shalt  }
0x66: {  	_ =	shalt  }
0x67: {  	_ =	shalt  }
0x68: {  	_ =	shalt  }
0x69: {  	_ =	shalt  }
0x6a: {  	_ =	shalt  }
0x6b: {  	_ =	shalt  }
0x6c: {  	_ =	shalt  }
0x6d: {  	_ =	shalt  }
0x6e: {  	_ =	shalt  }
0x6f: {  	_ =	shalt  }
0x70: {  	_ =	shalt  }
0x71: {  	_ =	shalt  }
0x72: {  	_ =	shalt  }
0x73: {  	_ =	shalt  }
0x74: {  	_ =	shalt  }
0x75: {  	_ =	shalt  }
0x76: {  	_ =	shalt  }
0x77: {  	_ =	shalt  }
0x78: {  	_ =	shalt  }
0x79: {  	_ =	shalt  }
0x7a: {  	_ =	shalt  }
0x7b: {  	_ =	shalt  }
0x7c: {  	_ =	shalt  }
0x7d: {  	_ =	shalt  }
0x7e: {  	_ =	shalt  }
0x7f: {  	_ =	shalt  }
0x80: {  	_ =	shalt  }
0x81: {  	_ =	shalt  }
0x82: {  	_ =	shalt  }
0x83: {  	_ =	shalt  }
0x84: {  	_ =	shalt  }
0x85: {  	_ =	shalt  }
0x86: {  	_ =	shalt  }
0x87: {  	_ =	shalt  }
.Lfunc_end0:
.L_simem_size_0:
called_computation_lowered:
.L_overlay_start_0:
0x88: {  	s2 =	sld [smem:$0x3FD9]  }
0x89: {  	s3 =	sld [smem:$0x3FFE];
	_ =	sdelay $0x1  }
0x8a: {  	s1 =	srdreg.scid  }
0x8b: {  	s0 =	sand.u32 $0x1, s1  }
0x8c: {  	s16 =	sshll.u32 s0, $0xA;
	s2 =	sadd.s32 s3, s2  }
0x8d: {  	s2 =	sadd.s32 s2, s16  }
0x8e: {  	[smem:$0x3FB5] =	sst s2  }
0x8f: {  	_ = 	snop  }
0x90: {  	(tm) =	ssettm $0x1  }
0x91: {  	s17 =	sld [smem:$0x3FFB];
	_ =	sdelay $0x3  }
0x92: {  	_ =	strace s17  }
0x93: {  	s2 =	sld [smem:$0x3FFC];
	_ =	sdelay $0x3  }
0x94: {  	_ =	strace s2  }
0x95: {  	s2 =	sld [smem:$0x3FFD];
	_ =	sdelay $0x3  }
0x96: {  	_ =	strace s2  }
0x97: {  	_ =	strace $0x8FFFFFFF  }
0x98: {  	s18 =	sld [smem:$0x3FDB];
	_ =	sdelay $0x1  }
0x99: {  	s19 =	simm.s32 $_scs_section_size  }
0x9a: {  	s4 =	simm.s32 $_size__tile_overlayer_lowered;
	s5 =	simm.s32 $_tile_overlayer_lowered  }
0x9b: {  	s22 =	simm.s32 $0x1BFF;
	s21 =	sshll.u32 s5, $0x1;
	s2 =	sadd.s32 s19, s18  }
0x9c: {  	s6 =	simm.s32 $0x0;
	s20 =	sshll.u32 s4, $0x1;
	s4 =	sadd.s32 s21, s2  }
0x9d: {  	[timem:s6], [sflag:s22] =	dma.local [hbm:s4], s20  }
0x9e: {  	_ =	swait.ge [sflag:s22], s20  }
0x9f: {  	s3 =	ssub.s32 $0x0, s20;
	[sflag:s22] =	ssyncset.done $0x0  }
0xa0: {  	[sflag:s22] =	ssyncadd.s32 s3;
	_ =	sdelay $0x1  }
0xa1: {  	s23 =	simm.s32 $0x1B8B  }
0xa2: {  	_ =	swait.ge [sflag:s23], $0x1  }
0xa3: {  	[sflag:s23] =	ssyncset.done $0x0  }
0xa4: {  	s25 =	simm.s32 $0x1B8E;
	s24 =	sld [smem:$0x3FFE];
	[sflag:s23] =	ssyncadd.s32 $0xFFFFFFFF  }
0xa5: {  	s26 =	simm.s32 $execute0_lowered;
	[smem:$0x3FD2] =	sst s25  }
0xa6: {  	s4 =	sshll.u32 s26, $0x1;
	_ =	strace $0x80000046;
	[dreg:$0x1] =	wrdreg $0xFFFFFFFF  }
0xa7: {  	s28 =	simm.s32 $_size_execute0_lowered;
	s2 =	sadd.s32 s2, s4;
	[dreg:$0x0] =	wrdreg $0x0  }
0xa8: {  	s4 =	sshll.u32 s28, $0x1;
	[dreg:$0x2] =	wrdreg s2  }
0xa9: {  	[dreg:$0x3] =	wrdreg s4  }
0xaa: {  	[dreg:$0x4] =	wrdreg $0xC0  }
0xab: {  	_ =	task [dreg:s6], $0x5FFFF  }
0xac: {  	[dreg:$0x1] =	wrdreg $0xFFFFFFFF  }
0xad: {  	[dreg:$0x0] =	wrdreg $0x60  }
0xae: {  	[dreg:$0x2] =	wrdreg s24  }
0xaf: {  	[dreg:$0x3] =	wrdreg $0xA8C00  }
0xb0: {  	[dreg:$0x4] =	wrdreg $0xD0C00  }
0xb1: {  	[dreg:$0x5] =	wrdreg $0x9  }
0xb2: {  	_ =	task.clear_ibuf [dreg:s6], $0x6FFFF;
	_ =	strace $0x90000046  }
0xb3: {  	s29 =	simm.s32 $0x9;
	_ =	strace $0x80000048  }
0xb4: {  	_ =	swait.ge [sflag:s29], $0x1  }
0xb5: {  	[sflag:s29] =	ssyncadd.s32 $0xFFFFFFFF  }
0xb6: {  	_ =	strace $0x90000048  }
0xb7: {  	_ =	sfence  }
0xb8: {  	s30 =	sld [smem:$0x0];
	_ =	sdelay $0x2  }
0xb9: {  	s31 =	sshll.u32 s1, $0xD;
	s1 =	sshrl.u32 s1, $0x2  }
0xba: {  	s3 =	sand.u32 $0x4000, s31;
	s1 =	sadd.s32 s1, s30  }
0xbb: {  	s0 =	sor.u32 s3, s0;
	s1 =	sshll.u32 s1, $0x11  }
0xbc: {  	s0 =	sor.u32 s1, s0  }
0xbd: {  	s0 =	sadd.s32 $0x8F2B, s0  }
0xbe: {  	[sflag:s0] =	ssyncadd.remote.s32 $0x1  }
0xbf: {  	_ =	sfence.sel $0xFFFF  }
0xc0: {  	[dreg:$0x0] =	wrdreg $0xFFFFFFFF;
	(pc) =	sbr.abs _section_cstart, $3  }
0xc1: {  	[dreg:$0x1] =	wrdreg $0xFFFFFFFF  }
0xc2: {  	_ =	task.clear_ibuf [dreg:s6], $0x2FFFF;
	_ =	strace $0x9FFFFFFF  }
0xc3: {  	(tm) =	ssettm $0x7FFFFFFF  }
tec
execute0_lowered:
.L_overlay_start_1:
0x0: {  	(tag) =	ssettag $0x1  }
0x1: {  	s6 =	rddreg [dreg:$0x0]  }
0x2: {  	s0 =	srdreg.scid;
	s2 =	rddreg [dreg:$0x1]  }
0x3: {  	s3 =	rddreg [dreg:$0x2];
	s7 =	sand.u32 $0x1, s0  }
0x4: {  	s0 =	stileid.u32;
	s5 =	smul.u32 $0x51400, s7  }
0x5: {  	s1 =	rddreg [dreg:$0x3];
	s8 =	smul.u32 $0x5140, s0  }
0x6: {  	s4 =	simm.s32 $0x0;
	s18 =	simm.s32 $0xA280;
	s29 =	smul.u32 $0x2800, s0  }
0x7: {  	s19 =	simm.s32 $0x64;
	[smem:$0x7FF] =	sst s4;
	s9 =	smul.u32 $0x1400, s0  }
0x8: {  	s20 =	simm.s32 $0x0;
	_ =	strace $0x80000047;
	s11 =	smul.u32 $0x28000, s7  }
0x9: {  	s13 =	smul.u32 $0x14000, s7;
	s7 =	ssub.s32 $0x2, s7;
	s31 =	sshll.u32 s0, $0x6  }
0xa: {  	s15 =	sshrl.u32 s7, $0x1;
	s5 =	sadd.s32 s8, s5;
	s30 =	sshrl.u32 s29, $0x3  }
0xb: {  	s12 =	sshrl.u32 s9, $0x3;
	s11 =	sadd.s32 s29, s11;
	s13 =	sadd.s32 s9, s13  }
0xc: {  	s15 =	ssub.s32 s7, s15;
	s16 =	sadd.s32 s29, s2;
	s7 =	sor.u32 $0x1C01, s31  }
0xd: {  	s17 =	sadd.s32 s9, s3;
	s5 =	sshrl.u32 s5, $0x3;
	s14 =	sadd.s32 s30, s6  }
0xe: {  	s12 =	sadd.s32 s12, s6;
	s11 =	sshrl.u32 s11, $0x3;
	s13 =	sshrl.u32 s13, $0x3  }
0xf: {  	s10 =	sadd.s32 s5, s6;
	s5 =	sadd.s32 $0x34600, s6;
	s11 =	sadd.s32 s11, s6  }
0x10: {  	s13 =	sadd.s32 s13, s6;
	s6 =	sadd.s32 $0x2CE00, s14;
	s8 =	sadd.s32 $0x31E00, s12  }
0x11: {  	s14 =	sshrl.u32 s16, $0x3;
	s16 =	sshrl.u32 s17, $0x3;
	s17 =	simm.s32 $0x5140  }
0x12: {  	s9 =	sadd.s32 $0x18800, s10;
	s10 =	sadd.s32 $0x4200, s10;
	s11 =	sadd.s32 $0x34800, s11  }
0x13: {  	s12 =	sadd.s32 $0x3E800, s13;
	s13 =	smax.u32 s15, $0x1;
	s15 =	simm.s32 $0x1  }
.LBB2_1:
0x14: {  	[spmem:s14], [sflag:s7] =	dma.local [hbm:s6], $0x500  }
0x15: {  	_ =	swait.ge [sflag:s15], $0x500  }
0x16: {  	[sflag:s15] =	ssyncset.done $0x0  }
0x17: {  	[sflag:s15] =	ssyncadd.s32 $0xFFFFFB00  }
0x18: {  	[spmem:s16], [sflag:s7] =	dma.local [hbm:s8], $0x280  }
0x19: {  	_ =	swait.ge [sflag:s15], $0x280  }
0x1a: {  	[sflag:s15] =	ssyncset.done $0x0  }
0x1b: {  	[sflag:s15] =	ssyncadd.s32 $0xFFFFFD80  }
0x1c: {  	[tilespmem:s4], [sflag:$0x1] =	stream.linear.gather [hbm4b:s9+s4], $0x5140, $0x38;
	[tilespmem:$0xE4C0] =	vst v63  }
0x1d: {  	_ =	swait.ge [sflag:s15], $0x5140  }
0x1e: {  	[sflag:s15] =	ssyncset.done $0x0  }
0x1f: {  	[sflag:s15] =	ssyncadd.s32 $0xFFFFAEC0  }
0x20: {  	[tilespmem:s17], [sflag:$0x1] =	stream.linear.gather [hbm4b:s10+s4], $0x5140, $0x38;
	[tilespmem:$0xE4C0] =	vst v63  }
0x21: {  	_ =	swait.ge [sflag:s15], $0x5140  }
0x22: {  	[sflag:s15] =	ssyncset.done $0x0  }
0x23: {  	[sflag:s15] =	ssyncadd.s32 $0xFFFFAEC0  }
0x24: {  	[tilespmem:s18], [sflag:$0x1] =	stream.linear.gather [hbm4b:s5+s4], $0x640, $0x38;
	[tilespmem:$0xE4C0] =	vst v63  }
0x25: {  	_ =	swait.ge [sflag:s15], $0x640  }
0x26: {  	[sflag:s15] =	ssyncset.done $0x0  }
0x27: {  	[sflag:s15] =	ssyncadd.s32 $0xFFFFF9C0  }
0x28: {  	s21 =	simm.s32 $0x0;
	[bflag:$0x0] =	sbarrier.arrive $0xFFFF  }
0x29: {  	[spmem:s2] =	stream.indirect.scatter.add.f32 [tilespmem:s18], [sflag:$0x1], $0x10, s21, s19, $0xb8;
	[tilespmem:$0xE4C0] =	vst v63  }
0x2a: {  	_ =	swait.ge [sflag:s15], $0x640  }
0x2b: {  	[sflag:s15] =	ssyncset.done $0x0  }
0x2c: {  	s31 =	simm.s32 $0x5140;
	[sflag:s15] =	ssyncadd.s32 $0xFFFFF9C0  }
0x2d: {  	[spmem:s3] =	stream.indirect.scatter.add.f32 [tilespmem:s18], [sflag:$0x1], $0x10, s31, s19, $0xb8;
	[tilespmem:$0xE4C0] =	vst v63  }
0x2e: {  	_ =	swait.ge [sflag:s15], $0x640  }
0x2f: {  	s22 =	simm.s32 $0x340;
	s21 =	simm.s32 $0x1A0;
	[sflag:s15] =	ssyncset.done $0x0  }
.LBB2_2:
0x30: {  	s23 =	sshra.s32 s21, $0x2  }
0x31: {  	[sflag:s15] =	ssyncadd.s32 $0xFFFFF9C0;
	s21 =	smov.u32 s22;
	s24 =	sadd.s32 $0x1A0, s22  }
0x32: {  	[spmem:s2] =	stream.indirect.scatter.add.f32 [tilespmem:s18], [sflag:$0x1], $0x10, s23, s19, $0xb8;
	[tilespmem:$0xE4C0] =	vst v63  }
0x33: {  	p0 =	sne.s32 s22, $0x14360;
	_ =	swait.ge [sflag:s15], $0x640  }
.Ltmp0:
0x34: {  	[sflag:s15] =	ssyncset.done $0x0;
	(pc) =	sbr.rel @p0 .LBB2_2-.Ltmp0, $4  }
0x35: {  	s22 =	sadd.s32 $0x5140, s23;
	[sflag:s15] =	ssyncadd.s32 $0xFFFFF9C0  }
0x36: {  	[spmem:s3] =	stream.indirect.scatter.add.f32 [tilespmem:s18], [sflag:$0x1], $0x10, s22, s19, $0xb8;
	[tilespmem:$0xE4C0] =	vst v63  }
0x37: {  	_ =	swait.ge [sflag:s15], $0x640  }
0x38: {  	s22 =	smov.u32 s24;
	[sflag:s15] =	ssyncset.done $0x0  }
0x39: {  	s21 =	sshra.s32 s21, $0x2;
	[sflag:s15] =	ssyncadd.s32 $0xFFFFF9C0  }
0x3a: {  	[spmem:s2] =	stream.indirect.scatter.add.f32 [tilespmem:s18], [sflag:$0x1], $0x10, s21, s19, $0xb8;
	[tilespmem:$0xE4C0] =	vst v63  }
0x3b: {  	_ =	swait.ge [sflag:s15], $0x640  }
0x3c: {  	[sflag:s15] =	ssyncset.done $0x0  }
0x3d: {  	s21 =	sadd.s32 $0x5140, s21;
	[sflag:s15] =	ssyncadd.s32 $0xFFFFF9C0  }
0x3e: {  	[spmem:s3] =	stream.indirect.scatter.add.f32 [tilespmem:s18], [sflag:$0x1], $0x10, s21, s19, $0xb8;
	[tilespmem:$0xE4C0] =	vst v63  }
0x3f: {  	_ =	swait.ge [sflag:s15], $0x640  }
0x40: {  	[sflag:s15] =	ssyncset.done $0x0  }
0x41: {  	[sflag:s15] =	ssyncadd.s32 $0xFFFFF9C0  }
0x42: {  	[bflag:$0x0] =	sbarrier.arrive $0xFFFF  }
0x43: {  	[hbm:s11], [sflag:s7] =	dma.local [spmem:s14], $0x500  }
0x44: {  	s20 =	sadd.s32 $0x1, s20;
	_ =	swait.ge [sflag:s15], $0x500  }
0x45: {  	p0 =	sne.s32 s20, s13;
	[sflag:s15] =	ssyncset.done $0x0  }
.Ltmp1:
0x46: {  	[sflag:s15] =	ssyncadd.s32 $0xFFFFFB00;
	(pc) =	sbr.rel @p0 .LBB2_1-.Ltmp1, $4  }
0x47: {  	[hbm:s12], [sflag:s7] =	dma.local [spmem:s16], $0x280  }
0x48: {  	_ =	swait.ge [sflag:s15], $0x280  }
0x49: {  	[sflag:s15] =	ssyncset.done $0x0  }
0x4a: {  	[sflag:s15] =	ssyncadd.s32 $0xFFFFFD80  }
0x4b: {  	_ =	sfence.sel $0x180000  }
0x4c: {  	[bflag:$0x0] =	sbarrier.arrive $0xFFFF  }
0x4d: {  	p0 =	sne.s32 s0, $0x0;
	_ =	strace $0x90000047  }
0x4e: {  	s0 =	sadd.s32 @!p0 $0x100000, s1;
	[bflag:$0x2] =	sbarrier.arrive $0xFFFF  }
0x4f: {  	[sflag:s0] =	ssyncadd.tile.s32 @!p0 $0x1;
	_ =	shalt  }
.Lfunc_end2:
_tile_overlayer_lowered:
.L_overlay_start_2:
0x50: {  	(tag) =	ssettag $0x2  }
0x51: {  	s0 =	rddreg [dreg:$0x0];
	s2 =	stileid.u32  }
0x52: {  	s1 =	rddreg [dreg:$0x1];
	p0 =	sne.s32 s2, $0x0  }
0x53: {  	s3 =	rddreg [dreg:$0x2];
	[bflag:$0x3] =	sbarrier.arrive $0xFFFF;
	s2 =	simm.s32 @!p0 $0x1C01  }
0x54: {  	[timem:s3], [sflag:s2] =	dma.local @!p0 [hbm:s0], s1  }
0x55: {  	s0 =	simm.s32 @!p0 $0x1  }
0x56: {  	_ =	swait.ge @!p0 [sflag:s0], s1  }
0x57: {  	s1 =	ssub.s32 @!p0 $0x0, s1;
	[sflag:s0] =	ssyncset.done @!p0 $0x0  }
0x58: {  	[sflag:s0] =	ssyncadd.s32 @!p0 s1  }
0x59: {  	[bflag:$0x3] =	sbarrier.arrive $0xFFFF  }
0x5a: {  	_ =	shalt  }

</sc_bundles>
